<compile_context>
chip_gen: v7x
topology: tpu7x:2x2x1
jax: 0.10.2.dev20260603
libtpu: 0.0.44.dev20260713+nightly
codegen_flags: <defaults>
</compile_context>

<pallas_src>
import functools

import jax
import jax.numpy as jnp
from jax import lax
from jax.experimental import pallas as pl
from jax.experimental.pallas import tpu as pltpu
from jax.experimental.pallas import tpu_sc as plsc

_B = 16384
_D = 32
_BLK = 2048
_LANES = 128
_GRP = 2
_DEPTH = 4
_FLUSH = 128



@functools.cache
def _make_sc_gather():
    info = plsc.get_sparse_core_info()
    nc, ns = info.num_cores, info.num_subcores
    nw = nc * ns
    bpw = _B // nw
    ngrp = bpw // _GRP
    fpw = bpw * _D
    mesh = plsc.VectorSubcoreMesh(core_axis_name="c", subcore_axis_name="s")
    f32 = jnp.float32
    i32 = jnp.int32

    slab = pltpu.VMEM((_D, _LANES), f32)
    @functools.partial(
        pl.kernel,
        mesh=mesh,
        out_type=[jax.ShapeDtypeStruct((_B * _D,), f32)] * 4,
        scratch_types=(
            [pltpu.VMEM((bpw,), i32)] * 4
            + [slab] * (_DEPTH * _GRP * 2)
            + [pltpu.VMEM((_FLUSH * _D,), f32)] * 2
            + [pltpu.SemaphoreType.DMA] * _DEPTH
        ),
        compiler_params=pltpu.CompilerParams(
            use_tc_tiling_on_sc=True,
            needs_layout_passes=False,
        ),
    )
    def sc_gather(tu, lu, ti, li, ugt, igt, umt, imt,
                  oug, oum, oig, oim, *scratch):
        tuv, luv, tiv, liv = scratch[:4]
        ring = scratch[4:4 + _DEPTH * _GRP * 2]
        outa, outb = scratch[4 + _DEPTH * _GRP * 2: 6 + _DEPTH * _GRP * 2]
        sems = scratch[6 + _DEPTH * _GRP * 2:]
        wid = lax.axis_index("s") * nc + lax.axis_index("c")
        base = wid * bpw
        iota = lax.iota(i32, 16)

        def scalar_at(vec_ref, k):
            v = vec_ref[pl.ds((k // 16) * 16, 16)]
            return jnp.sum(jnp.where(iota == (k % 16), v, 0))

        def do_side(tv_ref, lv_ref, taba, tabb, oha, ohb):
            def slot(d, p):
                return ring[(d * _GRP + p) * 2], ring[(d * _GRP + p) * 2 + 1]

            def issue(g, d):
                for p in range(_GRP):
                    k = g * _GRP + p
                    t = scalar_at(tv_ref, k)
                    c0 = pl.multiple_of(t * _LANES, _LANES)
                    ba, bb = slot(d, p)
                    pltpu.async_copy(taba.at[:, pl.ds(c0, _LANES)], ba, sems[d])
                    pltpu.async_copy(tabb.at[:, pl.ds(c0, _LANES)], bb, sems[d])

            def drain(d):
                for p in range(_GRP):
                    ba, bb = slot(d, p)
                    pltpu.make_async_copy(
                        taba.at[:, pl.ds(0, _LANES)], ba, sems[d]).wait()
                    pltpu.make_async_copy(
                        tabb.at[:, pl.ds(0, _LANES)], bb, sems[d]).wait()

            def extract(g, d):
                for p in range(_GRP):
                    k = g * _GRP + p
                    lane = scalar_at(lv_ref, k)
                    cols = jnp.full((16,), 0, i32) + lane
                    o0 = (k % _FLUSH) * _D
                    ba, bb = slot(d, p)
                    outa[pl.ds(o0, 16)] = plsc.load_gather(ba, [iota, cols])
                    outa[pl.ds(o0 + 16, 16)] = plsc.load_gather(
                        ba, [iota + 16, cols])
                    outb[pl.ds(o0, 16)] = plsc.load_gather(bb, [iota, cols])
                    outb[pl.ds(o0 + 16, 16)] = plsc.load_gather(
                        bb, [iota + 16, cols])

            fpb = _FLUSH * _D
            gpb = _FLUSH // _GRP

            def flush(g):
                blk = g // gpb
                pltpu.sync_copy(outa, oha.at[pl.ds(base * _D + blk * fpb, fpb)])
                pltpu.sync_copy(outb, ohb.at[pl.ds(base * _D + blk * fpb, fpb)])

            for g in range(_DEPTH - 1):
                issue(g, g)

            def body(sg, _):
                for d in range(_DEPTH):
                    g = sg * _DEPTH + d
                    @pl.when(g + _DEPTH - 1 < ngrp)
                    def _():
                        issue(g + _DEPTH - 1, (d + _DEPTH - 1) % _DEPTH)
                    drain(d)
                    extract(g, d)
                    @pl.when(g % gpb == gpb - 1)
                    def _():
                        flush(g)
                return ()

            lax.fori_loop(0, ngrp // _DEPTH, body, (), unroll=1)

        pltpu.sync_copy(tu.at[pl.ds(base, bpw)], tuv)
        pltpu.sync_copy(lu.at[pl.ds(base, bpw)], luv)
        pltpu.sync_copy(ti.at[pl.ds(base, bpw)], tiv)
        pltpu.sync_copy(li.at[pl.ds(base, bpw)], liv)
        do_side(tuv, luv, ugt, umt, oug, oum)
        do_side(tiv, liv, igt, imt, oig, oim)

    return sc_gather



def _tc_body(ug, ig, um, im, w1u, w1i, b1, w2, b2, w3, b3, wog, woh, bo, out):
    f32 = jnp.float32
    gmf = ug[...] * ig[...]
    h = jnp.dot(um[...], w1u[...], preferred_element_type=f32)
    h = h + jnp.dot(im[...], w1i[...], preferred_element_type=f32)
    h = jnp.maximum(h + b1[...], 0.0)
    h = jnp.maximum(jnp.dot(h, w2[...], preferred_element_type=f32) + b2[...], 0.0)
    h = jnp.maximum(jnp.dot(h, w3[...], preferred_element_type=f32) + b3[...], 0.0)
    logits = jnp.sum(gmf * wog[...][None, :], axis=1)
    logits = logits + jnp.sum(h * woh[...][None, :], axis=1)
    logits = logits + bo[...]
    out[...] = 1.0 / (1.0 + jnp.exp(-logits))


def _tc_tail(ug, ig, um, im, w1u, w1i, b1, w2, b2, w3, b3, wog, woh, bo):
    nblk = _B // _BLK
    full2d = lambda shape: pl.BlockSpec(shape, lambda i: (0, 0))
    full1d = lambda n: pl.BlockSpec((n,), lambda i: (0,))
    emb = pl.BlockSpec((_BLK, _D), lambda i: (i, 0))
    return pl.pallas_call(
        _tc_body,
        grid=(nblk,),
        in_specs=[
            emb, emb, emb, emb,
            full2d((_D, 32)), full2d((_D, 32)), full1d(32),
            full2d((32, 16)), full1d(16),
            full2d((16, 8)), full1d(8),
            full1d(_D), full1d(8), full1d(1),
        ],
        out_specs=pl.BlockSpec((_BLK,), lambda i: (i,)),
        out_shape=jax.ShapeDtypeStruct((_B,), jnp.float32),
    )(ug, ig, um, im, w1u, w1i, b1, w2, b2, w3, b3, wog, woh, bo)


def kernel(user_ids, item_ids, user_emb_gmf, item_emb_gmf, user_emb_mlp,
           item_emb_mlp, W1, b1, W2, b2, W3, b3, Wo, bo):
    uids = user_ids.astype(jnp.int32)
    iids = item_ids.astype(jnp.int32)
    sc_gather = _make_sc_gather()
    oug, oum, oig, oim = sc_gather(
        uids // _LANES, uids % _LANES, iids // _LANES, iids % _LANES,
        user_emb_gmf.T, item_emb_gmf.T, user_emb_mlp.T, item_emb_mlp.T)
    ug = oug.reshape(_B, _D)
    um = oum.reshape(_B, _D)
    ig = oig.reshape(_B, _D)
    im = oim.reshape(_B, _D)
    w1u, w1i = W1[:_D], W1[_D:]
    wog, woh = Wo[:_D, 0], Wo[_D:, 0]
    return _tc_tail(ug, ig, um, im, w1u, w1i, b1, W2, b2, W3, b3, wog, woh, bo)

# --- scband reference (transcript-rebuilt; emitter-appended) ---
"""Pipeline reference for scband-ncf-77249281786431 (READ-ONLY COPY).

The authoritative reference and input builder live on the scoring server;
editing this copy changes nothing except your own understanding.
"""

import jax, jax.numpy as jnp
import numpy as np

NUM_USERS = 1000000
NUM_ITEMS = 1000000
GMF_DIM = 32
MLP_LAYERS = [64, 32, 16, 8]
BATCH = 16384


def setup_inputs(seed: int = 0) -> dict:
    key = jax.random.key(seed)
    ks = jax.random.split(key, 14)
    mlp_emb = MLP_LAYERS[0] // 2
    inp = {}
    inp['user_ids'] = jax.random.randint(ks[0], (BATCH,), 0, NUM_USERS)
    inp['item_ids'] = jax.random.randint(ks[1], (BATCH,), 0, NUM_ITEMS)
    inp['user_emb_gmf'] = jax.random.normal(ks[2], (NUM_USERS, GMF_DIM), dtype=jnp.float32) * 0.01
    inp['item_emb_gmf'] = jax.random.normal(ks[3], (NUM_ITEMS, GMF_DIM), dtype=jnp.float32) * 0.01
    inp['user_emb_mlp'] = jax.random.normal(ks[4], (NUM_USERS, mlp_emb), dtype=jnp.float32) * 0.01
    inp['item_emb_mlp'] = jax.random.normal(ks[5], (NUM_ITEMS, mlp_emb), dtype=jnp.float32) * 0.01
    # MLP linears (stored [in, out] for jax matmul), xavier-uniform init
    def xavier(k, fan_in, fan_out):
        limit = float(np.sqrt(6.0 / (fan_in + fan_out)))
        return jax.random.uniform(k, (fan_in, fan_out), dtype=jnp.float32, minval=-limit, maxval=limit)
    inp['W1'] = xavier(ks[6], MLP_LAYERS[0], MLP_LAYERS[1])
    inp['b1'] = jnp.zeros((MLP_LAYERS[1],), dtype=jnp.float32)
    inp['W2'] = xavier(ks[7], MLP_LAYERS[1], MLP_LAYERS[2])
    inp['b2'] = jnp.zeros((MLP_LAYERS[2],), dtype=jnp.float32)
    inp['W3'] = xavier(ks[8], MLP_LAYERS[2], MLP_LAYERS[3])
    inp['b3'] = jnp.zeros((MLP_LAYERS[3],), dtype=jnp.float32)
    fusion = GMF_DIM + MLP_LAYERS[-1]
    inp['Wo'] = xavier(ks[9], fusion, 1)
    inp['bo'] = jnp.zeros((1,), dtype=jnp.float32)
    return inp


def reference(user_ids, item_ids, user_emb_gmf, item_emb_gmf, user_emb_mlp, item_emb_mlp,
              W1, b1, W2, b2, W3, b3, Wo, bo):
    # GMF branch: embedding gathers + elementwise product
    user_gmf = jnp.take(user_emb_gmf, user_ids, axis=0)
    item_gmf = jnp.take(item_emb_gmf, item_ids, axis=0)
    gmf_output = user_gmf * item_gmf
    # MLP branch
    user_mlp = jnp.take(user_emb_mlp, user_ids, axis=0)
    item_mlp = jnp.take(item_emb_mlp, item_ids, axis=0)
    h = jnp.concatenate([user_mlp, item_mlp], axis=1)
    h = jax.nn.relu(h @ W1 + b1)
    h = jax.nn.relu(h @ W2 + b2)
    h = jax.nn.relu(h @ W3 + b3)
    combined = jnp.concatenate([gmf_output, h], axis=1)
    logits = (combined @ Wo + bo)[:, 0]
    probs = jax.nn.sigmoid(logits)
    return probs

if __name__ == "__main__":
    import jax
    _d = setup_inputs()
    print(jax.jit(kernel)(*tuple(_d.values())))

</pallas_src>

<mosaic_0001>
#map = affine_map<(d0, d1) -> (0)>
#map1 = affine_map<(d0, d1) -> (0, 0)>
module attributes {stable_mosaic.version = 14 : i64} {
  func.func @sc_gather(%arg0: i32, %arg1: i32, %arg2: memref<16384xi32, #tpu.memory_space<hbm>>, %arg3: memref<16384xi32, #tpu.memory_space<hbm>>, %arg4: memref<16384xi32, #tpu.memory_space<hbm>>, %arg5: memref<16384xi32, #tpu.memory_space<hbm>>, %arg6: memref<32x1000000xf32, #tpu.memory_space<hbm>>, %arg7: memref<32x1000000xf32, #tpu.memory_space<hbm>>, %arg8: memref<32x1000000xf32, #tpu.memory_space<hbm>>, %arg9: memref<32x1000000xf32, #tpu.memory_space<hbm>>, %arg10: memref<524288xf32, #tpu.memory_space<hbm>>, %arg11: memref<524288xf32, #tpu.memory_space<hbm>>, %arg12: memref<524288xf32, #tpu.memory_space<hbm>>, %arg13: memref<524288xf32, #tpu.memory_space<hbm>>, %arg14: memref<512xi32, #tpu.memory_space<vmem>>, %arg15: memref<512xi32, #tpu.memory_space<vmem>>, %arg16: memref<512xi32, #tpu.memory_space<vmem>>, %arg17: memref<512xi32, #tpu.memory_space<vmem>>, %arg18: memref<32x128xf32, #tpu.memory_space<vmem>>, %arg19: memref<32x128xf32, #tpu.memory_space<vmem>>, %arg20: memref<32x128xf32, #tpu.memory_space<vmem>>, %arg21: memref<32x128xf32, #tpu.memory_space<vmem>>, %arg22: memref<32x128xf32, #tpu.memory_space<vmem>>, %arg23: memref<32x128xf32, #tpu.memory_space<vmem>>, %arg24: memref<32x128xf32, #tpu.memory_space<vmem>>, %arg25: memref<32x128xf32, #tpu.memory_space<vmem>>, %arg26: memref<32x128xf32, #tpu.memory_space<vmem>>, %arg27: memref<32x128xf32, #tpu.memory_space<vmem>>, %arg28: memref<32x128xf32, #tpu.memory_space<vmem>>, %arg29: memref<32x128xf32, #tpu.memory_space<vmem>>, %arg30: memref<32x128xf32, #tpu.memory_space<vmem>>, %arg31: memref<32x128xf32, #tpu.memory_space<vmem>>, %arg32: memref<32x128xf32, #tpu.memory_space<vmem>>, %arg33: memref<32x128xf32, #tpu.memory_space<vmem>>, %arg34: memref<4096xf32, #tpu.memory_space<vmem>>, %arg35: memref<4096xf32, #tpu.memory_space<vmem>>, %arg36: memref<!tpu.dma_semaphore, #tpu.memory_space<semaphore_mem>>, %arg37: memref<!tpu.dma_semaphore, #tpu.memory_space<semaphore_mem>>, %arg38: memref<!tpu.dma_semaphore, #tpu.memory_space<semaphore_mem>>, %arg39: memref<!tpu.dma_semaphore, #tpu.memory_space<semaphore_mem>>) attributes {dimension_semantics = [#tpu.dimension_semantics<core_parallel>, #tpu.dimension_semantics<subcore_parallel>], iteration_bounds = array<i64: 2, 16>, scalar_prefetch = 0 : i64, scratch_operands = 26 : i64, tpu.core_type = #tpu.core_type<sc_vector_subcore>, window_params = [{transform_indices = #map}, {transform_indices = #map}, {transform_indices = #map}, {transform_indices = #map}, {transform_indices = #map1}, {transform_indices = #map1}, {transform_indices = #map1}, {transform_indices = #map1}, {transform_indices = #map}, {transform_indices = #map}, {transform_indices = #map}, {transform_indices = #map}]} {
    %mul3A = arith.constant 2 : i32
    %mul3A_0 = arith.muli %arg1, %mul3A : i32
    %add3A = arith.addi %mul3A_0, %arg0 : i32
    %mul3A_1 = arith.constant 512 : i32
    %mul3A_2 = arith.muli %add3A, %mul3A_1 : i32
    %iota3A = tpu.iota {dimensions = array<i32: 0>} : vector<16xi32>
    "tpu.region"() ({
      %run_scoped3A = tpu.sem_alloc : memref<!tpu.dma_semaphore, #tpu.memory_space<semaphore_mem>>
      %dma_start3A_280 = tpu.memref_slice %arg2[%mul3A_2] : memref<16384xi32, #tpu.memory_space<hbm>> -> memref<512xi32, #tpu.memory_space<hbm>>
      %dma_start3A_281 = tpu.memref_slice %arg2[%mul3A_2] : memref<16384xi32, #tpu.memory_space<hbm>> -> memref<512xi32, #tpu.memory_space<hbm>>
      tpu.enqueue_dma source(%dma_start3A_281 : memref<512xi32, #tpu.memory_space<hbm>>) target(%arg14 : memref<512xi32, #tpu.memory_space<vmem>>) target_semaphore(%run_scoped3A : memref<!tpu.dma_semaphore, #tpu.memory_space<semaphore_mem>>)
      %dma_wait3A = tpu.memref_slice %arg2[%mul3A_2] : memref<16384xi32, #tpu.memory_space<hbm>> -> memref<512xi32, #tpu.memory_space<hbm>>
      %dma_wait3A_282 = tpu.memref_slice %arg2[%mul3A_2] : memref<16384xi32, #tpu.memory_space<hbm>> -> memref<512xi32, #tpu.memory_space<hbm>>
      tpu.wait_dma2 semaphore(%run_scoped3A : memref<!tpu.dma_semaphore, #tpu.memory_space<semaphore_mem>>) src(%dma_wait3A_282 : memref<512xi32, #tpu.memory_space<hbm>>) dst(%arg14 : memref<512xi32, #tpu.memory_space<vmem>>)
      tpu.yield
    }) : () -> ()
    "tpu.region"() ({
      %run_scoped3A = tpu.sem_alloc : memref<!tpu.dma_semaphore, #tpu.memory_space<semaphore_mem>>
      %dma_start3A_280 = tpu.memref_slice %arg3[%mul3A_2] : memref<16384xi32, #tpu.memory_space<hbm>> -> memref<512xi32, #tpu.memory_space<hbm>>
      %dma_start3A_281 = tpu.memref_slice %arg3[%mul3A_2] : memref<16384xi32, #tpu.memory_space<hbm>> -> memref<512xi32, #tpu.memory_space<hbm>>
      tpu.enqueue_dma source(%dma_start3A_281 : memref<512xi32, #tpu.memory_space<hbm>>) target(%arg15 : memref<512xi32, #tpu.memory_space<vmem>>) target_semaphore(%run_scoped3A : memref<!tpu.dma_semaphore, #tpu.memory_space<semaphore_mem>>)
      %dma_wait3A = tpu.memref_slice %arg3[%mul3A_2] : memref<16384xi32, #tpu.memory_space<hbm>> -> memref<512xi32, #tpu.memory_space<hbm>>
      %dma_wait3A_282 = tpu.memref_slice %arg3[%mul3A_2] : memref<16384xi32, #tpu.memory_space<hbm>> -> memref<512xi32, #tpu.memory_space<hbm>>
      tpu.wait_dma2 semaphore(%run_scoped3A : memref<!tpu.dma_semaphore, #tpu.memory_space<semaphore_mem>>) src(%dma_wait3A_282 : memref<512xi32, #tpu.memory_space<hbm>>) dst(%arg15 : memref<512xi32, #tpu.memory_space<vmem>>)
      tpu.yield
    }) : () -> ()
    "tpu.region"() ({
      %run_scoped3A = tpu.sem_alloc : memref<!tpu.dma_semaphore, #tpu.memory_space<semaphore_mem>>
      %dma_start3A_280 = tpu.memref_slice %arg4[%mul3A_2] : memref<16384xi32, #tpu.memory_space<hbm>> -> memref<512xi32, #tpu.memory_space<hbm>>
      %dma_start3A_281 = tpu.memref_slice %arg4[%mul3A_2] : memref<16384xi32, #tpu.memory_space<hbm>> -> memref<512xi32, #tpu.memory_space<hbm>>
      tpu.enqueue_dma source(%dma_start3A_281 : memref<512xi32, #tpu.memory_space<hbm>>) target(%arg16 : memref<512xi32, #tpu.memory_space<vmem>>) target_semaphore(%run_scoped3A : memref<!tpu.dma_semaphore, #tpu.memory_space<semaphore_mem>>)
      %dma_wait3A = tpu.memref_slice %arg4[%mul3A_2] : memref<16384xi32, #tpu.memory_space<hbm>> -> memref<512xi32, #tpu.memory_space<hbm>>
      %dma_wait3A_282 = tpu.memref_slice %arg4[%mul3A_2] : memref<16384xi32, #tpu.memory_space<hbm>> -> memref<512xi32, #tpu.memory_space<hbm>>
      tpu.wait_dma2 semaphore(%run_scoped3A : memref<!tpu.dma_semaphore, #tpu.memory_space<semaphore_mem>>) src(%dma_wait3A_282 : memref<512xi32, #tpu.memory_space<hbm>>) dst(%arg16 : memref<512xi32, #tpu.memory_space<vmem>>)
      tpu.yield
    }) : () -> ()
    "tpu.region"() ({
      %run_scoped3A = tpu.sem_alloc : memref<!tpu.dma_semaphore, #tpu.memory_space<semaphore_mem>>
      %dma_start3A_280 = tpu.memref_slice %arg5[%mul3A_2] : memref<16384xi32, #tpu.memory_space<hbm>> -> memref<512xi32, #tpu.memory_space<hbm>>
      %dma_start3A_281 = tpu.memref_slice %arg5[%mul3A_2] : memref<16384xi32, #tpu.memory_space<hbm>> -> memref<512xi32, #tpu.memory_space<hbm>>
      tpu.enqueue_dma source(%dma_start3A_281 : memref<512xi32, #tpu.memory_space<hbm>>) target(%arg17 : memref<512xi32, #tpu.memory_space<vmem>>) target_semaphore(%run_scoped3A : memref<!tpu.dma_semaphore, #tpu.memory_space<semaphore_mem>>)
      %dma_wait3A = tpu.memref_slice %arg5[%mul3A_2] : memref<16384xi32, #tpu.memory_space<hbm>> -> memref<512xi32, #tpu.memory_space<hbm>>
      %dma_wait3A_282 = tpu.memref_slice %arg5[%mul3A_2] : memref<16384xi32, #tpu.memory_space<hbm>> -> memref<512xi32, #tpu.memory_space<hbm>>
      tpu.wait_dma2 semaphore(%run_scoped3A : memref<!tpu.dma_semaphore, #tpu.memory_space<semaphore_mem>>) src(%dma_wait3A_282 : memref<512xi32, #tpu.memory_space<hbm>>) dst(%arg17 : memref<512xi32, #tpu.memory_space<vmem>>)
      tpu.yield
    }) : () -> ()
    %get3A = arith.constant 0 : index
    %get3A_3 = tpu.vector_load %arg14[%get3A] {strides = array<i32>} : memref<512xi32, #tpu.memory_space<vmem>>, vector<16xi32>,
    %eq3A = arith.constant 0 : i32
    %eq3A_4 = vector.broadcast %eq3A : i32 to vector<16xi32>
    %eq3A_5 = arith.cmpi eq, %iota3A, %eq3A_4 : vector<16xi32>
    %jit3A = arith.constant 0 : i32
    %broadcast_in_dim3A = vector.broadcast %jit3A : i32 to vector<16xi32>
    %select_n3A = arith.select %eq3A_5, %get3A_3, %broadcast_in_dim3A : vector<16xi1>, vector<16xi32>
    %reduce_sum3A = arith.constant true
    %reduce_sum3A_6 = vector.broadcast %reduce_sum3A : i1 to vector<16xi1>
    %reduce_sum3A_7 = tpu.scan <sum>, %select_n3A masked %reduce_sum3A_6 : vector<16xi32>, vector<16xi1> -> vector<16xi32>
    %reduce_sum3A_8 = vector.extract %reduce_sum3A_7[15] : i32 from vector<16xi32>
    %mul3A_9 = arith.constant 128 : i32
    %mul3A_10 = arith.muli %reduce_sum3A_8, %mul3A_9 : i32
    %multiple_of3A = tpu.assume_multiple %mul3A_10, 128 : i32
    %dma_start3A = arith.constant 0 : i32
    %dma_start3A_11 = tpu.memref_slice %arg6[%dma_start3A, %multiple_of3A] : memref<32x1000000xf32, #tpu.memory_space<hbm>> -> memref<32x128xf32, #tpu.memory_space<hbm>>
    %dma_start3A_12 = arith.constant 0 : i32
    %dma_start3A_13 = tpu.memref_slice %arg6[%dma_start3A_12, %multiple_of3A] : memref<32x1000000xf32, #tpu.memory_space<hbm>> -> memref<32x128xf32, #tpu.memory_space<hbm>>
    tpu.enqueue_dma source(%dma_start3A_13 : memref<32x128xf32, #tpu.memory_space<hbm>>) target(%arg18 : memref<32x128xf32, #tpu.memory_space<vmem>>) target_semaphore(%arg36 : memref<!tpu.dma_semaphore, #tpu.memory_space<semaphore_mem>>)
    %dma_start3A_14 = arith.constant 0 : i32
    %dma_start3A_15 = tpu.memref_slice %arg8[%dma_start3A_14, %multiple_of3A] : memref<32x1000000xf32, #tpu.memory_space<hbm>> -> memref<32x128xf32, #tpu.memory_space<hbm>>
    %dma_start3A_16 = arith.constant 0 : i32
    %dma_start3A_17 = tpu.memref_slice %arg8[%dma_start3A_16, %multiple_of3A] : memref<32x1000000xf32, #tpu.memory_space<hbm>> -> memref<32x128xf32, #tpu.memory_space<hbm>>
    tpu.enqueue_dma source(%dma_start3A_17 : memref<32x128xf32, #tpu.memory_space<hbm>>) target(%arg19 : memref<32x128xf32, #tpu.memory_space<vmem>>) target_semaphore(%arg36 : memref<!tpu.dma_semaphore, #tpu.memory_space<semaphore_mem>>)
    %get3A_18 = arith.constant 0 : index
    %get3A_19 = tpu.vector_load %arg14[%get3A_18] {strides = array<i32>} : memref<512xi32, #tpu.memory_space<vmem>>, vector<16xi32>,
    %eq3A_20 = arith.constant 1 : i32
    %eq3A_21 = vector.broadcast %eq3A_20 : i32 to vector<16xi32>
    %eq3A_22 = arith.cmpi eq, %iota3A, %eq3A_21 : vector<16xi32>
    %jit3A_23 = arith.constant 0 : i32
    %broadcast_in_dim3A_24 = vector.broadcast %jit3A_23 : i32 to vector<16xi32>
    %select_n3A_25 = arith.select %eq3A_22, %get3A_19, %broadcast_in_dim3A_24 : vector<16xi1>, vector<16xi32>
    %reduce_sum3A_26 = arith.constant true
    %reduce_sum3A_27 = vector.broadcast %reduce_sum3A_26 : i1 to vector<16xi1>
    %reduce_sum3A_28 = tpu.scan <sum>, %select_n3A_25 masked %reduce_sum3A_27 : vector<16xi32>, vector<16xi1> -> vector<16xi32>
    %reduce_sum3A_29 = vector.extract %reduce_sum3A_28[15] : i32 from vector<16xi32>
    %mul3A_30 = arith.constant 128 : i32
    %mul3A_31 = arith.muli %reduce_sum3A_29, %mul3A_30 : i32
    %multiple_of3A_32 = tpu.assume_multiple %mul3A_31, 128 : i32
    %dma_start3A_33 = arith.constant 0 : i32
    %dma_start3A_34 = tpu.memref_slice %arg6[%dma_start3A_33, %multiple_of3A_32] : memref<32x1000000xf32, #tpu.memory_space<hbm>> -> memref<32x128xf32, #tpu.memory_space<hbm>>
    %dma_start3A_35 = arith.constant 0 : i32
    %dma_start3A_36 = tpu.memref_slice %arg6[%dma_start3A_35, %multiple_of3A_32] : memref<32x1000000xf32, #tpu.memory_space<hbm>> -> memref<32x128xf32, #tpu.memory_space<hbm>>
    tpu.enqueue_dma source(%dma_start3A_36 : memref<32x128xf32, #tpu.memory_space<hbm>>) target(%arg20 : memref<32x128xf32, #tpu.memory_space<vmem>>) target_semaphore(%arg36 : memref<!tpu.dma_semaphore, #tpu.memory_space<semaphore_mem>>)
    %dma_start3A_37 = arith.constant 0 : i32
    %dma_start3A_38 = tpu.memref_slice %arg8[%dma_start3A_37, %multiple_of3A_32] : memref<32x1000000xf32, #tpu.memory_space<hbm>> -> memref<32x128xf32, #tpu.memory_space<hbm>>
    %dma_start3A_39 = arith.constant 0 : i32
    %dma_start3A_40 = tpu.memref_slice %arg8[%dma_start3A_39, %multiple_of3A_32] : memref<32x1000000xf32, #tpu.memory_space<hbm>> -> memref<32x128xf32, #tpu.memory_space<hbm>>
    tpu.enqueue_dma source(%dma_start3A_40 : memref<32x128xf32, #tpu.memory_space<hbm>>) target(%arg21 : memref<32x128xf32, #tpu.memory_space<vmem>>) target_semaphore(%arg36 : memref<!tpu.dma_semaphore, #tpu.memory_space<semaphore_mem>>)
    %get3A_41 = arith.constant 0 : index
    %get3A_42 = tpu.vector_load %arg14[%get3A_41] {strides = array<i32>} : memref<512xi32, #tpu.memory_space<vmem>>, vector<16xi32>,
    %eq3A_43 = arith.constant 2 : i32
    %eq3A_44 = vector.broadcast %eq3A_43 : i32 to vector<16xi32>
    %eq3A_45 = arith.cmpi eq, %iota3A, %eq3A_44 : vector<16xi32>
    %jit3A_46 = arith.constant 0 : i32
    %broadcast_in_dim3A_47 = vector.broadcast %jit3A_46 : i32 to vector<16xi32>
    %select_n3A_48 = arith.select %eq3A_45, %get3A_42, %broadcast_in_dim3A_47 : vector<16xi1>, vector<16xi32>
    %reduce_sum3A_49 = arith.constant true
    %reduce_sum3A_50 = vector.broadcast %reduce_sum3A_49 : i1 to vector<16xi1>
    %reduce_sum3A_51 = tpu.scan <sum>, %select_n3A_48 masked %reduce_sum3A_50 : vector<16xi32>, vector<16xi1> -> vector<16xi32>
    %reduce_sum3A_52 = vector.extract %reduce_sum3A_51[15] : i32 from vector<16xi32>
    %mul3A_53 = arith.constant 128 : i32
    %mul3A_54 = arith.muli %reduce_sum3A_52, %mul3A_53 : i32
    %multiple_of3A_55 = tpu.assume_multiple %mul3A_54, 128 : i32
    %dma_start3A_56 = arith.constant 0 : i32
    %dma_start3A_57 = tpu.memref_slice %arg6[%dma_start3A_56, %multiple_of3A_55] : memref<32x1000000xf32, #tpu.memory_space<hbm>> -> memref<32x128xf32, #tpu.memory_space<hbm>>
    %dma_start3A_58 = arith.constant 0 : i32
    %dma_start3A_59 = tpu.memref_slice %arg6[%dma_start3A_58, %multiple_of3A_55] : memref<32x1000000xf32, #tpu.memory_space<hbm>> -> memref<32x128xf32, #tpu.memory_space<hbm>>
    tpu.enqueue_dma source(%dma_start3A_59 : memref<32x128xf32, #tpu.memory_space<hbm>>) target(%arg22 : memref<32x128xf32, #tpu.memory_space<vmem>>) target_semaphore(%arg37 : memref<!tpu.dma_semaphore, #tpu.memory_space<semaphore_mem>>)
    %dma_start3A_60 = arith.constant 0 : i32
    %dma_start3A_61 = tpu.memref_slice %arg8[%dma_start3A_60, %multiple_of3A_55] : memref<32x1000000xf32, #tpu.memory_space<hbm>> -> memref<32x128xf32, #tpu.memory_space<hbm>>
    %dma_start3A_62 = arith.constant 0 : i32
    %dma_start3A_63 = tpu.memref_slice %arg8[%dma_start3A_62, %multiple_of3A_55] : memref<32x1000000xf32, #tpu.memory_space<hbm>> -> memref<32x128xf32, #tpu.memory_space<hbm>>
    tpu.enqueue_dma source(%dma_start3A_63 : memref<32x128xf32, #tpu.memory_space<hbm>>) target(%arg23 : memref<32x128xf32, #tpu.memory_space<vmem>>) target_semaphore(%arg37 : memref<!tpu.dma_semaphore, #tpu.memory_space<semaphore_mem>>)
    %get3A_64 = arith.constant 0 : index
    %get3A_65 = tpu.vector_load %arg14[%get3A_64] {strides = array<i32>} : memref<512xi32, #tpu.memory_space<vmem>>, vector<16xi32>,
    %eq3A_66 = arith.constant 3 : i32
    %eq3A_67 = vector.broadcast %eq3A_66 : i32 to vector<16xi32>
    %eq3A_68 = arith.cmpi eq, %iota3A, %eq3A_67 : vector<16xi32>
    %jit3A_69 = arith.constant 0 : i32
    %broadcast_in_dim3A_70 = vector.broadcast %jit3A_69 : i32 to vector<16xi32>
    %select_n3A_71 = arith.select %eq3A_68, %get3A_65, %broadcast_in_dim3A_70 : vector<16xi1>, vector<16xi32>
    %reduce_sum3A_72 = arith.constant true
    %reduce_sum3A_73 = vector.broadcast %reduce_sum3A_72 : i1 to vector<16xi1>
    %reduce_sum3A_74 = tpu.scan <sum>, %select_n3A_71 masked %reduce_sum3A_73 : vector<16xi32>, vector<16xi1> -> vector<16xi32>
    %reduce_sum3A_75 = vector.extract %reduce_sum3A_74[15] : i32 from vector<16xi32>
    %mul3A_76 = arith.constant 128 : i32
    %mul3A_77 = arith.muli %reduce_sum3A_75, %mul3A_76 : i32
    %multiple_of3A_78 = tpu.assume_multiple %mul3A_77, 128 : i32
    %dma_start3A_79 = arith.constant 0 : i32
    %dma_start3A_80 = tpu.memref_slice %arg6[%dma_start3A_79, %multiple_of3A_78] : memref<32x1000000xf32, #tpu.memory_space<hbm>> -> memref<32x128xf32, #tpu.memory_space<hbm>>
    %dma_start3A_81 = arith.constant 0 : i32
    %dma_start3A_82 = tpu.memref_slice %arg6[%dma_start3A_81, %multiple_of3A_78] : memref<32x1000000xf32, #tpu.memory_space<hbm>> -> memref<32x128xf32, #tpu.memory_space<hbm>>
    tpu.enqueue_dma source(%dma_start3A_82 : memref<32x128xf32, #tpu.memory_space<hbm>>) target(%arg24 : memref<32x128xf32, #tpu.memory_space<vmem>>) target_semaphore(%arg37 : memref<!tpu.dma_semaphore, #tpu.memory_space<semaphore_mem>>)
    %dma_start3A_83 = arith.constant 0 : i32
    %dma_start3A_84 = tpu.memref_slice %arg8[%dma_start3A_83, %multiple_of3A_78] : memref<32x1000000xf32, #tpu.memory_space<hbm>> -> memref<32x128xf32, #tpu.memory_space<hbm>>
    %dma_start3A_85 = arith.constant 0 : i32
    %dma_start3A_86 = tpu.memref_slice %arg8[%dma_start3A_85, %multiple_of3A_78] : memref<32x1000000xf32, #tpu.memory_space<hbm>> -> memref<32x128xf32, #tpu.memory_space<hbm>>
    tpu.enqueue_dma source(%dma_start3A_86 : memref<32x128xf32, #tpu.memory_space<hbm>>) target(%arg25 : memref<32x128xf32, #tpu.memory_space<vmem>>) target_semaphore(%arg37 : memref<!tpu.dma_semaphore, #tpu.memory_space<semaphore_mem>>)
    %get3A_87 = arith.constant 0 : index
    %get3A_88 = tpu.vector_load %arg14[%get3A_87] {strides = array<i32>} : memref<512xi32, #tpu.memory_space<vmem>>, vector<16xi32>,
    %eq3A_89 = arith.constant 4 : i32
    %eq3A_90 = vector.broadcast %eq3A_89 : i32 to vector<16xi32>
    %eq3A_91 = arith.cmpi eq, %iota3A, %eq3A_90 : vector<16xi32>
    %jit3A_92 = arith.constant 0 : i32
    %broadcast_in_dim3A_93 = vector.broadcast %jit3A_92 : i32 to vector<16xi32>
    %select_n3A_94 = arith.select %eq3A_91, %get3A_88, %broadcast_in_dim3A_93 : vector<16xi1>, vector<16xi32>
    %reduce_sum3A_95 = arith.constant true
    %reduce_sum3A_96 = vector.broadcast %reduce_sum3A_95 : i1 to vector<16xi1>
    %reduce_sum3A_97 = tpu.scan <sum>, %select_n3A_94 masked %reduce_sum3A_96 : vector<16xi32>, vector<16xi1> -> vector<16xi32>
    %reduce_sum3A_98 = vector.extract %reduce_sum3A_97[15] : i32 from vector<16xi32>
    %mul3A_99 = arith.constant 128 : i32
    %mul3A_100 = arith.muli %reduce_sum3A_98, %mul3A_99 : i32
    %multiple_of3A_101 = tpu.assume_multiple %mul3A_100, 128 : i32
    %dma_start3A_102 = arith.constant 0 : i32
    %dma_start3A_103 = tpu.memref_slice %arg6[%dma_start3A_102, %multiple_of3A_101] : memref<32x1000000xf32, #tpu.memory_space<hbm>> -> memref<32x128xf32, #tpu.memory_space<hbm>>
    %dma_start3A_104 = arith.constant 0 : i32
    %dma_start3A_105 = tpu.memref_slice %arg6[%dma_start3A_104, %multiple_of3A_101] : memref<32x1000000xf32, #tpu.memory_space<hbm>> -> memref<32x128xf32, #tpu.memory_space<hbm>>
    tpu.enqueue_dma source(%dma_start3A_105 : memref<32x128xf32, #tpu.memory_space<hbm>>) target(%arg26 : memref<32x128xf32, #tpu.memory_space<vmem>>) target_semaphore(%arg38 : memref<!tpu.dma_semaphore, #tpu.memory_space<semaphore_mem>>)
    %dma_start3A_106 = arith.constant 0 : i32
    %dma_start3A_107 = tpu.memref_slice %arg8[%dma_start3A_106, %multiple_of3A_101] : memref<32x1000000xf32, #tpu.memory_space<hbm>> -> memref<32x128xf32, #tpu.memory_space<hbm>>
    %dma_start3A_108 = arith.constant 0 : i32
    %dma_start3A_109 = tpu.memref_slice %arg8[%dma_start3A_108, %multiple_of3A_101] : memref<32x1000000xf32, #tpu.memory_space<hbm>> -> memref<32x128xf32, #tpu.memory_space<hbm>>
    tpu.enqueue_dma source(%dma_start3A_109 : memref<32x128xf32, #tpu.memory_space<hbm>>) target(%arg27 : memref<32x128xf32, #tpu.memory_space<vmem>>) target_semaphore(%arg38 : memref<!tpu.dma_semaphore, #tpu.memory_space<semaphore_mem>>)
    %get3A_110 = arith.constant 0 : index
    %get3A_111 = tpu.vector_load %arg14[%get3A_110] {strides = array<i32>} : memref<512xi32, #tpu.memory_space<vmem>>, vector<16xi32>,
    %eq3A_112 = arith.constant 5 : i32
    %eq3A_113 = vector.broadcast %eq3A_112 : i32 to vector<16xi32>
    %eq3A_114 = arith.cmpi eq, %iota3A, %eq3A_113 : vector<16xi32>
    %jit3A_115 = arith.constant 0 : i32
    %broadcast_in_dim3A_116 = vector.broadcast %jit3A_115 : i32 to vector<16xi32>
    %select_n3A_117 = arith.select %eq3A_114, %get3A_111, %broadcast_in_dim3A_116 : vector<16xi1>, vector<16xi32>
    %reduce_sum3A_118 = arith.constant true
    %reduce_sum3A_119 = vector.broadcast %reduce_sum3A_118 : i1 to vector<16xi1>
    %reduce_sum3A_120 = tpu.scan <sum>, %select_n3A_117 masked %reduce_sum3A_119 : vector<16xi32>, vector<16xi1> -> vector<16xi32>
    %reduce_sum3A_121 = vector.extract %reduce_sum3A_120[15] : i32 from vector<16xi32>
    %mul3A_122 = arith.constant 128 : i32
    %mul3A_123 = arith.muli %reduce_sum3A_121, %mul3A_122 : i32
    %multiple_of3A_124 = tpu.assume_multiple %mul3A_123, 128 : i32
    %dma_start3A_125 = arith.constant 0 : i32
    %dma_start3A_126 = tpu.memref_slice %arg6[%dma_start3A_125, %multiple_of3A_124] : memref<32x1000000xf32, #tpu.memory_space<hbm>> -> memref<32x128xf32, #tpu.memory_space<hbm>>
    %dma_start3A_127 = arith.constant 0 : i32
    %dma_start3A_128 = tpu.memref_slice %arg6[%dma_start3A_127, %multiple_of3A_124] : memref<32x1000000xf32, #tpu.memory_space<hbm>> -> memref<32x128xf32, #tpu.memory_space<hbm>>
    tpu.enqueue_dma source(%dma_start3A_128 : memref<32x128xf32, #tpu.memory_space<hbm>>) target(%arg28 : memref<32x128xf32, #tpu.memory_space<vmem>>) target_semaphore(%arg38 : memref<!tpu.dma_semaphore, #tpu.memory_space<semaphore_mem>>)
    %dma_start3A_129 = arith.constant 0 : i32
    %dma_start3A_130 = tpu.memref_slice %arg8[%dma_start3A_129, %multiple_of3A_124] : memref<32x1000000xf32, #tpu.memory_space<hbm>> -> memref<32x128xf32, #tpu.memory_space<hbm>>
    %dma_start3A_131 = arith.constant 0 : i32
    %dma_start3A_132 = tpu.memref_slice %arg8[%dma_start3A_131, %multiple_of3A_124] : memref<32x1000000xf32, #tpu.memory_space<hbm>> -> memref<32x128xf32, #tpu.memory_space<hbm>>
    tpu.enqueue_dma source(%dma_start3A_132 : memref<32x128xf32, #tpu.memory_space<hbm>>) target(%arg29 : memref<32x128xf32, #tpu.memory_space<vmem>>) target_semaphore(%arg38 : memref<!tpu.dma_semaphore, #tpu.memory_space<semaphore_mem>>)
    %scan3A = arith.constant 0 : i32
    %scan3A_133 = arith.constant 64 : i32
    %scan3A_134 = arith.addi %scan3A, %scan3A_133 : i32
    %scan3A_135 = arith.constant 1 : i32
    scf.for %scan3A_280 = %scan3A to %scan3A_134 step %scan3A_135  : i32 {
      %mul3A_281 = arith.constant 4 : i32
      %mul3A_282 = arith.muli %scan3A_280, %mul3A_281 : i32
      %add3A_283 = arith.constant 0 : i32
      %add3A_284 = arith.addi %mul3A_282, %add3A_283 : i32
      %add3A_285 = arith.constant 4 : i32
      %add3A_286 = arith.addi %add3A_284, %add3A_285 : i32
      %sub3A = arith.constant 1 : i32
      %sub3A_287 = arith.subi %add3A_286, %sub3A : i32
      %lt3A = arith.constant 256 : i32
      %lt3A_288 = arith.cmpi slt, %sub3A_287, %lt3A : i32
      %convert_element_type3A = arith.extui %lt3A_288 : i1 to i32
      %cond3A = arith.constant 0 : i32
      %cond3A_289 = arith.cmpi ne, %convert_element_type3A, %cond3A : i32
      scf.if %cond3A_289 {
        %add3A_1309 = arith.constant 4 : i32
        %add3A_1310 = arith.addi %add3A_284, %add3A_1309 : i32
        %sub3A_1311 = arith.constant 1 : i32
        %sub3A_1312 = arith.subi %add3A_1310, %sub3A_1311 : i32
        %mul3A_1313 = arith.constant 2 : i32
        %mul3A_1314 = arith.muli %sub3A_1312, %mul3A_1313 : i32
        %add3A_1315 = arith.constant 0 : i32
        %add3A_1316 = arith.addi %mul3A_1314, %add3A_1315 : i32
        %jit3A_1317 = arith.constant 16 : i32
        %div3A_1318 = arith.divsi %add3A_1316, %jit3A_1317 : i32
        %sign3A_1319 = arith.constant 0 : i32
        %sign3A_1320 = arith.cmpi sgt, %add3A_1316, %sign3A_1319 : i32
        %sign3A_1321 = arith.extui %sign3A_1320 : i1 to i32
        %sign3A_1322 = arith.constant 0 : i32
        %sign3A_1323 = arith.cmpi slt, %add3A_1316, %sign3A_1322 : i32
        %sign3A_1324 = arith.extui %sign3A_1323 : i1 to i32
        %sign3A_1325 = arith.subi %sign3A_1321, %sign3A_1324 : i32
        %sign3A_1326 = arith.constant 0 : i32
        %sign3A_1327 = arith.cmpi sgt, %jit3A_1317, %sign3A_1326 : i32
        %sign3A_1328 = arith.extui %sign3A_1327 : i1 to i32
        %sign3A_1329 = arith.constant 0 : i32
        %sign3A_1330 = arith.cmpi slt, %jit3A_1317, %sign3A_1329 : i32
        %sign3A_1331 = arith.extui %sign3A_1330 : i1 to i32
        %sign3A_1332 = arith.subi %sign3A_1328, %sign3A_1331 : i32
        %ne3A_1333 = arith.cmpi ne, %sign3A_1325, %sign3A_1332 : i32
        %rem3A_1334 = arith.remsi %add3A_1316, %jit3A_1317 : i32
        %ne3A_1335 = arith.constant 0 : i32
        %ne3A_1336 = arith.cmpi ne, %rem3A_1334, %ne3A_1335 : i32
        %and3A_1337 = arith.andi %ne3A_1333, %ne3A_1336 : i1
        %sub3A_1338 = arith.constant 1 : i32
        %sub3A_1339 = arith.subi %div3A_1318, %sub3A_1338 : i32
        %select_n3A_1340 = arith.select %and3A_1337, %sub3A_1339, %div3A_1318 : i32
        %mul3A_1341 = arith.constant 16 : i32
        %mul3A_1342 = arith.muli %select_n3A_1340, %mul3A_1341 : i32
        %get3A_1343 = arith.index_cast %mul3A_1342 : i32 to index
        %get3A_1344 = tpu.vector_load %arg14[%get3A_1343] {strides = array<i32>} : memref<512xi32, #tpu.memory_space<vmem>>, vector<16xi32>,
        %jit3A_1345 = arith.constant 16 : i32
        %eq3A_1346 = arith.constant 0 : i32
        %eq3A_1347 = arith.cmpi eq, %jit3A_1345, %eq3A_1346 : i32
        %jit3A_1348 = arith.constant 1 : i32
        %select_n3A_1349 = arith.select %eq3A_1347, %jit3A_1348, %jit3A_1345 : i32
        %rem3A_1350 = arith.remsi %add3A_1316, %select_n3A_1349 : i32
        %ne3A_1351 = arith.constant 0 : i32
        %ne3A_1352 = arith.cmpi ne, %rem3A_1350, %ne3A_1351 : i32
        %lt3A_1353 = arith.constant 0 : i32
        %lt3A_1354 = arith.cmpi slt, %rem3A_1350, %lt3A_1353 : i32
        %lt3A_1355 = arith.constant 0 : i32
        %lt3A_1356 = arith.cmpi slt, %select_n3A_1349, %lt3A_1355 : i32
        %ne3A_1357 = arith.xori %lt3A_1354, %lt3A_1356 : i1
        %and3A_1358 = arith.andi %ne3A_1357, %ne3A_1352 : i1
        %add3A_1359 = arith.addi %rem3A_1350, %select_n3A_1349 : i32
        %select_n3A_1360 = arith.select %and3A_1358, %add3A_1359, %rem3A_1350 : i32
        %eq3A_1361 = vector.broadcast %select_n3A_1360 : i32 to vector<16xi32>
        %eq3A_1362 = arith.cmpi eq, %iota3A, %eq3A_1361 : vector<16xi32>
        %jit3A_1363 = arith.constant 0 : i32
        %broadcast_in_dim3A_1364 = vector.broadcast %jit3A_1363 : i32 to vector<16xi32>
        %select_n3A_1365 = arith.select %eq3A_1362, %get3A_1344, %broadcast_in_dim3A_1364 : vector<16xi1>, vector<16xi32>
        %reduce_sum3A_1366 = arith.constant true
        %reduce_sum3A_1367 = vector.broadcast %reduce_sum3A_1366 : i1 to vector<16xi1>
        %reduce_sum3A_1368 = tpu.scan <sum>, %select_n3A_1365 masked %reduce_sum3A_1367 : vector<16xi32>, vector<16xi1> -> vector<16xi32>
        %reduce_sum3A_1369 = vector.extract %reduce_sum3A_1368[15] : i32 from vector<16xi32>
        %mul3A_1370 = arith.constant 128 : i32
        %mul3A_1371 = arith.muli %reduce_sum3A_1369, %mul3A_1370 : i32
        %multiple_of3A_1372 = tpu.assume_multiple %mul3A_1371, 128 : i32
        %dma_start3A_1373 = arith.constant 0 : i32
        %dma_start3A_1374 = tpu.memref_slice %arg6[%dma_start3A_1373, %multiple_of3A_1372] : memref<32x1000000xf32, #tpu.memory_space<hbm>> -> memref<32x128xf32, #tpu.memory_space<hbm>>
        %dma_start3A_1375 = arith.constant 0 : i32
        %dma_start3A_1376 = tpu.memref_slice %arg6[%dma_start3A_1375, %multiple_of3A_1372] : memref<32x1000000xf32, #tpu.memory_space<hbm>> -> memref<32x128xf32, #tpu.memory_space<hbm>>
        tpu.enqueue_dma source(%dma_start3A_1376 : memref<32x128xf32, #tpu.memory_space<hbm>>) target(%arg30 : memref<32x128xf32, #tpu.memory_space<vmem>>) target_semaphore(%arg39 : memref<!tpu.dma_semaphore, #tpu.memory_space<semaphore_mem>>)
        %dma_start3A_1377 = arith.constant 0 : i32
        %dma_start3A_1378 = tpu.memref_slice %arg8[%dma_start3A_1377, %multiple_of3A_1372] : memref<32x1000000xf32, #tpu.memory_space<hbm>> -> memref<32x128xf32, #tpu.memory_space<hbm>>
        %dma_start3A_1379 = arith.constant 0 : i32
        %dma_start3A_1380 = tpu.memref_slice %arg8[%dma_start3A_1379, %multiple_of3A_1372] : memref<32x1000000xf32, #tpu.memory_space<hbm>> -> memref<32x128xf32, #tpu.memory_space<hbm>>
        tpu.enqueue_dma source(%dma_start3A_1380 : memref<32x128xf32, #tpu.memory_space<hbm>>) target(%arg31 : memref<32x128xf32, #tpu.memory_space<vmem>>) target_semaphore(%arg39 : memref<!tpu.dma_semaphore, #tpu.memory_space<semaphore_mem>>)
        %mul3A_1381 = arith.constant 2 : i32
        %mul3A_1382 = arith.muli %sub3A_1312, %mul3A_1381 : i32
        %add3A_1383 = arith.constant 1 : i32
        %add3A_1384 = arith.addi %mul3A_1382, %add3A_1383 : i32
        %jit3A_1385 = arith.constant 16 : i32
        %div3A_1386 = arith.divsi %add3A_1384, %jit3A_1385 : i32
        %sign3A_1387 = arith.constant 0 : i32
        %sign3A_1388 = arith.cmpi sgt, %add3A_1384, %sign3A_1387 : i32
        %sign3A_1389 = arith.extui %sign3A_1388 : i1 to i32
        %sign3A_1390 = arith.constant 0 : i32
        %sign3A_1391 = arith.cmpi slt, %add3A_1384, %sign3A_1390 : i32
        %sign3A_1392 = arith.extui %sign3A_1391 : i1 to i32
        %sign3A_1393 = arith.subi %sign3A_1389, %sign3A_1392 : i32
        %sign3A_1394 = arith.constant 0 : i32
        %sign3A_1395 = arith.cmpi sgt, %jit3A_1385, %sign3A_1394 : i32
        %sign3A_1396 = arith.extui %sign3A_1395 : i1 to i32
        %sign3A_1397 = arith.constant 0 : i32
        %sign3A_1398 = arith.cmpi slt, %jit3A_1385, %sign3A_1397 : i32
        %sign3A_1399 = arith.extui %sign3A_1398 : i1 to i32
        %sign3A_1400 = arith.subi %sign3A_1396, %sign3A_1399 : i32
        %ne3A_1401 = arith.cmpi ne, %sign3A_1393, %sign3A_1400 : i32
        %rem3A_1402 = arith.remsi %add3A_1384, %jit3A_1385 : i32
        %ne3A_1403 = arith.constant 0 : i32
        %ne3A_1404 = arith.cmpi ne, %rem3A_1402, %ne3A_1403 : i32
        %and3A_1405 = arith.andi %ne3A_1401, %ne3A_1404 : i1
        %sub3A_1406 = arith.constant 1 : i32
        %sub3A_1407 = arith.subi %div3A_1386, %sub3A_1406 : i32
        %select_n3A_1408 = arith.select %and3A_1405, %sub3A_1407, %div3A_1386 : i32
        %mul3A_1409 = arith.constant 16 : i32
        %mul3A_1410 = arith.muli %select_n3A_1408, %mul3A_1409 : i32
        %get3A_1411 = arith.index_cast %mul3A_1410 : i32 to index
        %get3A_1412 = tpu.vector_load %arg14[%get3A_1411] {strides = array<i32>} : memref<512xi32, #tpu.memory_space<vmem>>, vector<16xi32>,
        %jit3A_1413 = arith.constant 16 : i32
        %eq3A_1414 = arith.constant 0 : i32
        %eq3A_1415 = arith.cmpi eq, %jit3A_1413, %eq3A_1414 : i32
        %jit3A_1416 = arith.constant 1 : i32
        %select_n3A_1417 = arith.select %eq3A_1415, %jit3A_1416, %jit3A_1413 : i32
        %rem3A_1418 = arith.remsi %add3A_1384, %select_n3A_1417 : i32
        %ne3A_1419 = arith.constant 0 : i32
        %ne3A_1420 = arith.cmpi ne, %rem3A_1418, %ne3A_1419 : i32
        %lt3A_1421 = arith.constant 0 : i32
        %lt3A_1422 = arith.cmpi slt, %rem3A_1418, %lt3A_1421 : i32
        %lt3A_1423 = arith.constant 0 : i32
        %lt3A_1424 = arith.cmpi slt, %select_n3A_1417, %lt3A_1423 : i32
        %ne3A_1425 = arith.xori %lt3A_1422, %lt3A_1424 : i1
        %and3A_1426 = arith.andi %ne3A_1425, %ne3A_1420 : i1
        %add3A_1427 = arith.addi %rem3A_1418, %select_n3A_1417 : i32
        %select_n3A_1428 = arith.select %and3A_1426, %add3A_1427, %rem3A_1418 : i32
        %eq3A_1429 = vector.broadcast %select_n3A_1428 : i32 to vector<16xi32>
        %eq3A_1430 = arith.cmpi eq, %iota3A, %eq3A_1429 : vector<16xi32>
        %jit3A_1431 = arith.constant 0 : i32
        %broadcast_in_dim3A_1432 = vector.broadcast %jit3A_1431 : i32 to vector<16xi32>
        %select_n3A_1433 = arith.select %eq3A_1430, %get3A_1412, %broadcast_in_dim3A_1432 : vector<16xi1>, vector<16xi32>
        %reduce_sum3A_1434 = arith.constant true
        %reduce_sum3A_1435 = vector.broadcast %reduce_sum3A_1434 : i1 to vector<16xi1>
        %reduce_sum3A_1436 = tpu.scan <sum>, %select_n3A_1433 masked %reduce_sum3A_1435 : vector<16xi32>, vector<16xi1> -> vector<16xi32>
        %reduce_sum3A_1437 = vector.extract %reduce_sum3A_1436[15] : i32 from vector<16xi32>
        %mul3A_1438 = arith.constant 128 : i32
        %mul3A_1439 = arith.muli %reduce_sum3A_1437, %mul3A_1438 : i32
        %multiple_of3A_1440 = tpu.assume_multiple %mul3A_1439, 128 : i32
        %dma_start3A_1441 = arith.constant 0 : i32
        %dma_start3A_1442 = tpu.memref_slice %arg6[%dma_start3A_1441, %multiple_of3A_1440] : memref<32x1000000xf32, #tpu.memory_space<hbm>> -> memref<32x128xf32, #tpu.memory_space<hbm>>
        %dma_start3A_1443 = arith.constant 0 : i32
        %dma_start3A_1444 = tpu.memref_slice %arg6[%dma_start3A_1443, %multiple_of3A_1440] : memref<32x1000000xf32, #tpu.memory_space<hbm>> -> memref<32x128xf32, #tpu.memory_space<hbm>>
        tpu.enqueue_dma source(%dma_start3A_1444 : memref<32x128xf32, #tpu.memory_space<hbm>>) target(%arg32 : memref<32x128xf32, #tpu.memory_space<vmem>>) target_semaphore(%arg39 : memref<!tpu.dma_semaphore, #tpu.memory_space<semaphore_mem>>)
        %dma_start3A_1445 = arith.constant 0 : i32
        %dma_start3A_1446 = tpu.memref_slice %arg8[%dma_start3A_1445, %multiple_of3A_1440] : memref<32x1000000xf32, #tpu.memory_space<hbm>> -> memref<32x128xf32, #tpu.memory_space<hbm>>
        %dma_start3A_1447 = arith.constant 0 : i32
        %dma_start3A_1448 = tpu.memref_slice %arg8[%dma_start3A_1447, %multiple_of3A_1440] : memref<32x1000000xf32, #tpu.memory_space<hbm>> -> memref<32x128xf32, #tpu.memory_space<hbm>>
        tpu.enqueue_dma source(%dma_start3A_1448 : memref<32x128xf32, #tpu.memory_space<hbm>>) target(%arg33 : memref<32x128xf32, #tpu.memory_space<vmem>>) target_semaphore(%arg39 : memref<!tpu.dma_semaphore, #tpu.memory_space<semaphore_mem>>)
      } else {
      }
      %dma_wait3A = arith.constant 0 : i32
      %dma_wait3A_290 = arith.constant 0 : i32
      %dma_wait3A_291 = tpu.memref_slice %arg6[%dma_wait3A, %dma_wait3A_290] : memref<32x1000000xf32, #tpu.memory_space<hbm>> -> memref<32x128xf32, #tpu.memory_space<hbm>>
      %dma_wait3A_292 = arith.constant 0 : i32
      %dma_wait3A_293 = arith.constant 0 : i32
      %dma_wait3A_294 = tpu.memref_slice %arg6[%dma_wait3A_292, %dma_wait3A_293] : memref<32x1000000xf32, #tpu.memory_space<hbm>> -> memref<32x128xf32, #tpu.memory_space<hbm>>
      tpu.wait_dma2 semaphore(%arg36 : memref<!tpu.dma_semaphore, #tpu.memory_space<semaphore_mem>>) src(%dma_wait3A_294 : memref<32x128xf32, #tpu.memory_space<hbm>>) dst(%arg18 : memref<32x128xf32, #tpu.memory_space<vmem>>)
      %dma_wait3A_295 = arith.constant 0 : i32
      %dma_wait3A_296 = arith.constant 0 : i32
      %dma_wait3A_297 = tpu.memref_slice %arg8[%dma_wait3A_295, %dma_wait3A_296] : memref<32x1000000xf32, #tpu.memory_space<hbm>> -> memref<32x128xf32, #tpu.memory_space<hbm>>
      %dma_wait3A_298 = arith.constant 0 : i32
      %dma_wait3A_299 = arith.constant 0 : i32
      %dma_wait3A_300 = tpu.memref_slice %arg8[%dma_wait3A_298, %dma_wait3A_299] : memref<32x1000000xf32, #tpu.memory_space<hbm>> -> memref<32x128xf32, #tpu.memory_space<hbm>>
      tpu.wait_dma2 semaphore(%arg36 : memref<!tpu.dma_semaphore, #tpu.memory_space<semaphore_mem>>) src(%dma_wait3A_300 : memref<32x128xf32, #tpu.memory_space<hbm>>) dst(%arg19 : memref<32x128xf32, #tpu.memory_space<vmem>>)
      %dma_wait3A_301 = arith.constant 0 : i32
      %dma_wait3A_302 = arith.constant 0 : i32
      %dma_wait3A_303 = tpu.memref_slice %arg6[%dma_wait3A_301, %dma_wait3A_302] : memref<32x1000000xf32, #tpu.memory_space<hbm>> -> memref<32x128xf32, #tpu.memory_space<hbm>>
      %dma_wait3A_304 = arith.constant 0 : i32
      %dma_wait3A_305 = arith.constant 0 : i32
      %dma_wait3A_306 = tpu.memref_slice %arg6[%dma_wait3A_304, %dma_wait3A_305] : memref<32x1000000xf32, #tpu.memory_space<hbm>> -> memref<32x128xf32, #tpu.memory_space<hbm>>
      tpu.wait_dma2 semaphore(%arg36 : memref<!tpu.dma_semaphore, #tpu.memory_space<semaphore_mem>>) src(%dma_wait3A_306 : memref<32x128xf32, #tpu.memory_space<hbm>>) dst(%arg20 : memref<32x128xf32, #tpu.memory_space<vmem>>)
      %dma_wait3A_307 = arith.constant 0 : i32
      %dma_wait3A_308 = arith.constant 0 : i32
      %dma_wait3A_309 = tpu.memref_slice %arg8[%dma_wait3A_307, %dma_wait3A_308] : memref<32x1000000xf32, #tpu.memory_space<hbm>> -> memref<32x128xf32, #tpu.memory_space<hbm>>
      %dma_wait3A_310 = arith.constant 0 : i32
      %dma_wait3A_311 = arith.constant 0 : i32
      %dma_wait3A_312 = tpu.memref_slice %arg8[%dma_wait3A_310, %dma_wait3A_311] : memref<32x1000000xf32, #tpu.memory_space<hbm>> -> memref<32x128xf32, #tpu.memory_space<hbm>>
      tpu.wait_dma2 semaphore(%arg36 : memref<!tpu.dma_semaphore, #tpu.memory_space<semaphore_mem>>) src(%dma_wait3A_312 : memref<32x128xf32, #tpu.memory_space<hbm>>) dst(%arg21 : memref<32x128xf32, #tpu.memory_space<vmem>>)
      %mul3A_313 = arith.constant 2 : i32
      %mul3A_314 = arith.muli %add3A_284, %mul3A_313 : i32
      %add3A_315 = arith.constant 0 : i32
      %add3A_316 = arith.addi %mul3A_314, %add3A_315 : i32
      %jit3A_317 = arith.constant 16 : i32
      %div3A = arith.divsi %add3A_316, %jit3A_317 : i32
      %sign3A = arith.constant 0 : i32
      %sign3A_318 = arith.cmpi sgt, %add3A_316, %sign3A : i32
      %sign3A_319 = arith.extui %sign3A_318 : i1 to i32
      %sign3A_320 = arith.constant 0 : i32
      %sign3A_321 = arith.cmpi slt, %add3A_316, %sign3A_320 : i32
      %sign3A_322 = arith.extui %sign3A_321 : i1 to i32
      %sign3A_323 = arith.subi %sign3A_319, %sign3A_322 : i32
      %sign3A_324 = arith.constant 0 : i32
      %sign3A_325 = arith.cmpi sgt, %jit3A_317, %sign3A_324 : i32
      %sign3A_326 = arith.extui %sign3A_325 : i1 to i32
      %sign3A_327 = arith.constant 0 : i32
      %sign3A_328 = arith.cmpi slt, %jit3A_317, %sign3A_327 : i32
      %sign3A_329 = arith.extui %sign3A_328 : i1 to i32
      %sign3A_330 = arith.subi %sign3A_326, %sign3A_329 : i32
      %ne3A = arith.cmpi ne, %sign3A_323, %sign3A_330 : i32
      %rem3A = arith.remsi %add3A_316, %jit3A_317 : i32
      %ne3A_331 = arith.constant 0 : i32
      %ne3A_332 = arith.cmpi ne, %rem3A, %ne3A_331 : i32
      %and3A = arith.andi %ne3A, %ne3A_332 : i1
      %sub3A_333 = arith.constant 1 : i32
      %sub3A_334 = arith.subi %div3A, %sub3A_333 : i32
      %select_n3A_335 = arith.select %and3A, %sub3A_334, %div3A : i32
      %mul3A_336 = arith.constant 16 : i32
      %mul3A_337 = arith.muli %select_n3A_335, %mul3A_336 : i32
      %get3A_338 = arith.index_cast %mul3A_337 : i32 to index
      %get3A_339 = tpu.vector_load %arg15[%get3A_338] {strides = array<i32>} : memref<512xi32, #tpu.memory_space<vmem>>, vector<16xi32>,
      %jit3A_340 = arith.constant 16 : i32
      %eq3A_341 = arith.constant 0 : i32
      %eq3A_342 = arith.cmpi eq, %jit3A_340, %eq3A_341 : i32
      %jit3A_343 = arith.constant 1 : i32
      %select_n3A_344 = arith.select %eq3A_342, %jit3A_343, %jit3A_340 : i32
      %rem3A_345 = arith.remsi %add3A_316, %select_n3A_344 : i32
      %ne3A_346 = arith.constant 0 : i32
      %ne3A_347 = arith.cmpi ne, %rem3A_345, %ne3A_346 : i32
      %lt3A_348 = arith.constant 0 : i32
      %lt3A_349 = arith.cmpi slt, %rem3A_345, %lt3A_348 : i32
      %lt3A_350 = arith.constant 0 : i32
      %lt3A_351 = arith.cmpi slt, %select_n3A_344, %lt3A_350 : i32
      %ne3A_352 = arith.xori %lt3A_349, %lt3A_351 : i1
      %and3A_353 = arith.andi %ne3A_352, %ne3A_347 : i1
      %add3A_354 = arith.addi %rem3A_345, %select_n3A_344 : i32
      %select_n3A_355 = arith.select %and3A_353, %add3A_354, %rem3A_345 : i32
      %eq3A_356 = vector.broadcast %select_n3A_355 : i32 to vector<16xi32>
      %eq3A_357 = arith.cmpi eq, %iota3A, %eq3A_356 : vector<16xi32>
      %jit3A_358 = arith.constant 0 : i32
      %broadcast_in_dim3A_359 = vector.broadcast %jit3A_358 : i32 to vector<16xi32>
      %select_n3A_360 = arith.select %eq3A_357, %get3A_339, %broadcast_in_dim3A_359 : vector<16xi1>, vector<16xi32>
      %reduce_sum3A_361 = arith.constant true
      %reduce_sum3A_362 = vector.broadcast %reduce_sum3A_361 : i1 to vector<16xi1>
      %reduce_sum3A_363 = tpu.scan <sum>, %select_n3A_360 masked %reduce_sum3A_362 : vector<16xi32>, vector<16xi1> -> vector<16xi32>
      %reduce_sum3A_364 = vector.extract %reduce_sum3A_363[15] : i32 from vector<16xi32>
      %broadcast_in_dim3A_365 = arith.constant 0 : i32
      %broadcast_in_dim3A_366 = vector.broadcast %broadcast_in_dim3A_365 : i32 to vector<16xi32>
      %add3A_367 = vector.broadcast %reduce_sum3A_364 : i32 to vector<16xi32>
      %add3A_368 = arith.addi %broadcast_in_dim3A_366, %add3A_367 : vector<16xi32>
      %jit3A_369 = arith.constant 128 : i32
      %eq3A_370 = arith.constant 0 : i32
      %eq3A_371 = arith.cmpi eq, %jit3A_369, %eq3A_370 : i32
      %jit3A_372 = arith.constant 1 : i32
      %select_n3A_373 = arith.select %eq3A_371, %jit3A_372, %jit3A_369 : i32
      %rem3A_374 = arith.remsi %add3A_316, %select_n3A_373 : i32
      %ne3A_375 = arith.constant 0 : i32
      %ne3A_376 = arith.cmpi ne, %rem3A_374, %ne3A_375 : i32
      %lt3A_377 = arith.constant 0 : i32
      %lt3A_378 = arith.cmpi slt, %rem3A_374, %lt3A_377 : i32
      %lt3A_379 = arith.constant 0 : i32
      %lt3A_380 = arith.cmpi slt, %select_n3A_373, %lt3A_379 : i32
      %ne3A_381 = arith.xori %lt3A_378, %lt3A_380 : i1
      %and3A_382 = arith.andi %ne3A_381, %ne3A_376 : i1
      %add3A_383 = arith.addi %rem3A_374, %select_n3A_373 : i32
      %select_n3A_384 = arith.select %and3A_382, %add3A_383, %rem3A_374 : i32
      %mul3A_385 = arith.constant 32 : i32
      %mul3A_386 = arith.muli %select_n3A_384, %mul3A_385 : i32
      %gather3A = tpu.vector_load_idx %arg18[%iota3A, %add3A_368] : memref<32x128xf32, #tpu.memory_space<vmem>>[vector<16xi32>, vector<16xi32>], vector<16xf32>,
      %swap3A = arith.index_cast %mul3A_386 : i32 to index
      %swap3A_387 = tpu.vector_load %arg34[%swap3A] {strides = array<i32>} : memref<4096xf32, #tpu.memory_space<vmem>>, vector<16xf32>,
      tpu.vector_store %arg34[%swap3A], %gather3A {strides = array<i32>} : memref<4096xf32, #tpu.memory_space<vmem>>, vector<16xf32>,
      %add3A_388 = arith.constant 16 : i32
      %add3A_389 = vector.broadcast %add3A_388 : i32 to vector<16xi32>
      %add3A_390 = arith.addi %iota3A, %add3A_389 : vector<16xi32>
      %gather3A_391 = tpu.vector_load_idx %arg18[%add3A_390, %add3A_368] : memref<32x128xf32, #tpu.memory_space<vmem>>[vector<16xi32>, vector<16xi32>], vector<16xf32>,
      %add3A_392 = arith.constant 16 : i32
      %add3A_393 = arith.addi %mul3A_386, %add3A_392 : i32
      %swap3A_394 = arith.index_cast %add3A_393 : i32 to index
      %swap3A_395 = tpu.vector_load %arg34[%swap3A_394] {strides = array<i32>} : memref<4096xf32, #tpu.memory_space<vmem>>, vector<16xf32>,
      tpu.vector_store %arg34[%swap3A_394], %gather3A_391 {strides = array<i32>} : memref<4096xf32, #tpu.memory_space<vmem>>, vector<16xf32>,
      %gather3A_396 = tpu.vector_load_idx %arg19[%iota3A, %add3A_368] : memref<32x128xf32, #tpu.memory_space<vmem>>[vector<16xi32>, vector<16xi32>], vector<16xf32>,
      %swap3A_397 = arith.index_cast %mul3A_386 : i32 to index
      %swap3A_398 = tpu.vector_load %arg35[%swap3A_397] {strides = array<i32>} : memref<4096xf32, #tpu.memory_space<vmem>>, vector<16xf32>,
      tpu.vector_store %arg35[%swap3A_397], %gather3A_396 {strides = array<i32>} : memref<4096xf32, #tpu.memory_space<vmem>>, vector<16xf32>,
      %add3A_399 = arith.constant 16 : i32
      %add3A_400 = vector.broadcast %add3A_399 : i32 to vector<16xi32>
      %add3A_401 = arith.addi %iota3A, %add3A_400 : vector<16xi32>
      %gather3A_402 = tpu.vector_load_idx %arg19[%add3A_401, %add3A_368] : memref<32x128xf32, #tpu.memory_space<vmem>>[vector<16xi32>, vector<16xi32>], vector<16xf32>,
      %add3A_403 = arith.constant 16 : i32
      %add3A_404 = arith.addi %mul3A_386, %add3A_403 : i32
      %swap3A_405 = arith.index_cast %add3A_404 : i32 to index
      %swap3A_406 = tpu.vector_load %arg35[%swap3A_405] {strides = array<i32>} : memref<4096xf32, #tpu.memory_space<vmem>>, vector<16xf32>,
      tpu.vector_store %arg35[%swap3A_405], %gather3A_402 {strides = array<i32>} : memref<4096xf32, #tpu.memory_space<vmem>>, vector<16xf32>,
      %mul3A_407 = arith.constant 2 : i32
      %mul3A_408 = arith.muli %add3A_284, %mul3A_407 : i32
      %add3A_409 = arith.constant 1 : i32
      %add3A_410 = arith.addi %mul3A_408, %add3A_409 : i32
      %jit3A_411 = arith.constant 16 : i32
      %div3A_412 = arith.divsi %add3A_410, %jit3A_411 : i32
      %sign3A_413 = arith.constant 0 : i32
      %sign3A_414 = arith.cmpi sgt, %add3A_410, %sign3A_413 : i32
      %sign3A_415 = arith.extui %sign3A_414 : i1 to i32
      %sign3A_416 = arith.constant 0 : i32
      %sign3A_417 = arith.cmpi slt, %add3A_410, %sign3A_416 : i32
      %sign3A_418 = arith.extui %sign3A_417 : i1 to i32
      %sign3A_419 = arith.subi %sign3A_415, %sign3A_418 : i32
      %sign3A_420 = arith.constant 0 : i32
      %sign3A_421 = arith.cmpi sgt, %jit3A_411, %sign3A_420 : i32
      %sign3A_422 = arith.extui %sign3A_421 : i1 to i32
      %sign3A_423 = arith.constant 0 : i32
      %sign3A_424 = arith.cmpi slt, %jit3A_411, %sign3A_423 : i32
      %sign3A_425 = arith.extui %sign3A_424 : i1 to i32
      %sign3A_426 = arith.subi %sign3A_422, %sign3A_425 : i32
      %ne3A_427 = arith.cmpi ne, %sign3A_419, %sign3A_426 : i32
      %rem3A_428 = arith.remsi %add3A_410, %jit3A_411 : i32
      %ne3A_429 = arith.constant 0 : i32
      %ne3A_430 = arith.cmpi ne, %rem3A_428, %ne3A_429 : i32
      %and3A_431 = arith.andi %ne3A_427, %ne3A_430 : i1
      %sub3A_432 = arith.constant 1 : i32
      %sub3A_433 = arith.subi %div3A_412, %sub3A_432 : i32
      %select_n3A_434 = arith.select %and3A_431, %sub3A_433, %div3A_412 : i32
      %mul3A_435 = arith.constant 16 : i32
      %mul3A_436 = arith.muli %select_n3A_434, %mul3A_435 : i32
      %get3A_437 = arith.index_cast %mul3A_436 : i32 to index
      %get3A_438 = tpu.vector_load %arg15[%get3A_437] {strides = array<i32>} : memref<512xi32, #tpu.memory_space<vmem>>, vector<16xi32>,
      %jit3A_439 = arith.constant 16 : i32
      %eq3A_440 = arith.constant 0 : i32
      %eq3A_441 = arith.cmpi eq, %jit3A_439, %eq3A_440 : i32
      %jit3A_442 = arith.constant 1 : i32
      %select_n3A_443 = arith.select %eq3A_441, %jit3A_442, %jit3A_439 : i32
      %rem3A_444 = arith.remsi %add3A_410, %select_n3A_443 : i32
      %ne3A_445 = arith.constant 0 : i32
      %ne3A_446 = arith.cmpi ne, %rem3A_444, %ne3A_445 : i32
      %lt3A_447 = arith.constant 0 : i32
      %lt3A_448 = arith.cmpi slt, %rem3A_444, %lt3A_447 : i32
      %lt3A_449 = arith.constant 0 : i32
      %lt3A_450 = arith.cmpi slt, %select_n3A_443, %lt3A_449 : i32
      %ne3A_451 = arith.xori %lt3A_448, %lt3A_450 : i1
      %and3A_452 = arith.andi %ne3A_451, %ne3A_446 : i1
      %add3A_453 = arith.addi %rem3A_444, %select_n3A_443 : i32
      %select_n3A_454 = arith.select %and3A_452, %add3A_453, %rem3A_444 : i32
      %eq3A_455 = vector.broadcast %select_n3A_454 : i32 to vector<16xi32>
      %eq3A_456 = arith.cmpi eq, %iota3A, %eq3A_455 : vector<16xi32>
      %jit3A_457 = arith.constant 0 : i32
      %broadcast_in_dim3A_458 = vector.broadcast %jit3A_457 : i32 to vector<16xi32>
      %select_n3A_459 = arith.select %eq3A_456, %get3A_438, %broadcast_in_dim3A_458 : vector<16xi1>, vector<16xi32>
      %reduce_sum3A_460 = arith.constant true
      %reduce_sum3A_461 = vector.broadcast %reduce_sum3A_460 : i1 to vector<16xi1>
      %reduce_sum3A_462 = tpu.scan <sum>, %select_n3A_459 masked %reduce_sum3A_461 : vector<16xi32>, vector<16xi1> -> vector<16xi32>
      %reduce_sum3A_463 = vector.extract %reduce_sum3A_462[15] : i32 from vector<16xi32>
      %broadcast_in_dim3A_464 = arith.constant 0 : i32
      %broadcast_in_dim3A_465 = vector.broadcast %broadcast_in_dim3A_464 : i32 to vector<16xi32>
      %add3A_466 = vector.broadcast %reduce_sum3A_463 : i32 to vector<16xi32>
      %add3A_467 = arith.addi %broadcast_in_dim3A_465, %add3A_466 : vector<16xi32>
      %jit3A_468 = arith.constant 128 : i32
      %eq3A_469 = arith.constant 0 : i32
      %eq3A_470 = arith.cmpi eq, %jit3A_468, %eq3A_469 : i32
      %jit3A_471 = arith.constant 1 : i32
      %select_n3A_472 = arith.select %eq3A_470, %jit3A_471, %jit3A_468 : i32
      %rem3A_473 = arith.remsi %add3A_410, %select_n3A_472 : i32
      %ne3A_474 = arith.constant 0 : i32
      %ne3A_475 = arith.cmpi ne, %rem3A_473, %ne3A_474 : i32
      %lt3A_476 = arith.constant 0 : i32
      %lt3A_477 = arith.cmpi slt, %rem3A_473, %lt3A_476 : i32
      %lt3A_478 = arith.constant 0 : i32
      %lt3A_479 = arith.cmpi slt, %select_n3A_472, %lt3A_478 : i32
      %ne3A_480 = arith.xori %lt3A_477, %lt3A_479 : i1
      %and3A_481 = arith.andi %ne3A_480, %ne3A_475 : i1
      %add3A_482 = arith.addi %rem3A_473, %select_n3A_472 : i32
      %select_n3A_483 = arith.select %and3A_481, %add3A_482, %rem3A_473 : i32
      %mul3A_484 = arith.constant 32 : i32
      %mul3A_485 = arith.muli %select_n3A_483, %mul3A_484 : i32
      %gather3A_486 = tpu.vector_load_idx %arg20[%iota3A, %add3A_467] : memref<32x128xf32, #tpu.memory_space<vmem>>[vector<16xi32>, vector<16xi32>], vector<16xf32>,
      %swap3A_487 = arith.index_cast %mul3A_485 : i32 to index
      %swap3A_488 = tpu.vector_load %arg34[%swap3A_487] {strides = array<i32>} : memref<4096xf32, #tpu.memory_space<vmem>>, vector<16xf32>,
      tpu.vector_store %arg34[%swap3A_487], %gather3A_486 {strides = array<i32>} : memref<4096xf32, #tpu.memory_space<vmem>>, vector<16xf32>,
      %add3A_489 = arith.constant 16 : i32
      %add3A_490 = vector.broadcast %add3A_489 : i32 to vector<16xi32>
      %add3A_491 = arith.addi %iota3A, %add3A_490 : vector<16xi32>
      %gather3A_492 = tpu.vector_load_idx %arg20[%add3A_491, %add3A_467] : memref<32x128xf32, #tpu.memory_space<vmem>>[vector<16xi32>, vector<16xi32>], vector<16xf32>,
      %add3A_493 = arith.constant 16 : i32
      %add3A_494 = arith.addi %mul3A_485, %add3A_493 : i32
      %swap3A_495 = arith.index_cast %add3A_494 : i32 to index
      %swap3A_496 = tpu.vector_load %arg34[%swap3A_495] {strides = array<i32>} : memref<4096xf32, #tpu.memory_space<vmem>>, vector<16xf32>,
      tpu.vector_store %arg34[%swap3A_495], %gather3A_492 {strides = array<i32>} : memref<4096xf32, #tpu.memory_space<vmem>>, vector<16xf32>,
      %gather3A_497 = tpu.vector_load_idx %arg21[%iota3A, %add3A_467] : memref<32x128xf32, #tpu.memory_space<vmem>>[vector<16xi32>, vector<16xi32>], vector<16xf32>,
      %swap3A_498 = arith.index_cast %mul3A_485 : i32 to index
      %swap3A_499 = tpu.vector_load %arg35[%swap3A_498] {strides = array<i32>} : memref<4096xf32, #tpu.memory_space<vmem>>, vector<16xf32>,
      tpu.vector_store %arg35[%swap3A_498], %gather3A_497 {strides = array<i32>} : memref<4096xf32, #tpu.memory_space<vmem>>, vector<16xf32>,
      %add3A_500 = arith.constant 16 : i32
      %add3A_501 = vector.broadcast %add3A_500 : i32 to vector<16xi32>
      %add3A_502 = arith.addi %iota3A, %add3A_501 : vector<16xi32>
      %gather3A_503 = tpu.vector_load_idx %arg21[%add3A_502, %add3A_467] : memref<32x128xf32, #tpu.memory_space<vmem>>[vector<16xi32>, vector<16xi32>], vector<16xf32>,
      %add3A_504 = arith.constant 16 : i32
      %add3A_505 = arith.addi %mul3A_485, %add3A_504 : i32
      %swap3A_506 = arith.index_cast %add3A_505 : i32 to index
      %swap3A_507 = tpu.vector_load %arg35[%swap3A_506] {strides = array<i32>} : memref<4096xf32, #tpu.memory_space<vmem>>, vector<16xf32>,
      tpu.vector_store %arg35[%swap3A_506], %gather3A_503 {strides = array<i32>} : memref<4096xf32, #tpu.memory_space<vmem>>, vector<16xf32>,
      %jit3A_508 = arith.constant 64 : i32
      %eq3A_509 = arith.constant 0 : i32
      %eq3A_510 = arith.cmpi eq, %jit3A_508, %eq3A_509 : i32
      %jit3A_511 = arith.constant 1 : i32
      %select_n3A_512 = arith.select %eq3A_510, %jit3A_511, %jit3A_508 : i32
      %rem3A_513 = arith.remsi %add3A_284, %select_n3A_512 : i32
      %ne3A_514 = arith.constant 0 : i32
      %ne3A_515 = arith.cmpi ne, %rem3A_513, %ne3A_514 : i32
      %lt3A_516 = arith.constant 0 : i32
      %lt3A_517 = arith.cmpi slt, %rem3A_513, %lt3A_516 : i32
      %lt3A_518 = arith.constant 0 : i32
      %lt3A_519 = arith.cmpi slt, %select_n3A_512, %lt3A_518 : i32
      %ne3A_520 = arith.xori %lt3A_517, %lt3A_519 : i1
      %and3A_521 = arith.andi %ne3A_520, %ne3A_515 : i1
      %add3A_522 = arith.addi %rem3A_513, %select_n3A_512 : i32
      %select_n3A_523 = arith.select %and3A_521, %add3A_522, %rem3A_513 : i32
      %eq3A_524 = arith.constant 63 : i32
      %eq3A_525 = arith.cmpi eq, %select_n3A_523, %eq3A_524 : i32
      %convert_element_type3A_526 = arith.extui %eq3A_525 : i1 to i32
      %cond3A_527 = arith.constant 0 : i32
      %cond3A_528 = arith.cmpi ne, %convert_element_type3A_526, %cond3A_527 : i32
      scf.if %cond3A_528 {
        %jit3A_1309 = arith.constant 64 : i32
        %div3A_1310 = arith.divsi %add3A_284, %jit3A_1309 : i32
        %sign3A_1311 = arith.constant 0 : i32
        %sign3A_1312 = arith.cmpi sgt, %add3A_284, %sign3A_1311 : i32
        %sign3A_1313 = arith.extui %sign3A_1312 : i1 to i32
        %sign3A_1314 = arith.constant 0 : i32
        %sign3A_1315 = arith.cmpi slt, %add3A_284, %sign3A_1314 : i32
        %sign3A_1316 = arith.extui %sign3A_1315 : i1 to i32
        %sign3A_1317 = arith.subi %sign3A_1313, %sign3A_1316 : i32
        %sign3A_1318 = arith.constant 0 : i32
        %sign3A_1319 = arith.cmpi sgt, %jit3A_1309, %sign3A_1318 : i32
        %sign3A_1320 = arith.extui %sign3A_1319 : i1 to i32
        %sign3A_1321 = arith.constant 0 : i32
        %sign3A_1322 = arith.cmpi slt, %jit3A_1309, %sign3A_1321 : i32
        %sign3A_1323 = arith.extui %sign3A_1322 : i1 to i32
        %sign3A_1324 = arith.subi %sign3A_1320, %sign3A_1323 : i32
        %ne3A_1325 = arith.cmpi ne, %sign3A_1317, %sign3A_1324 : i32
        %rem3A_1326 = arith.remsi %add3A_284, %jit3A_1309 : i32
        %ne3A_1327 = arith.constant 0 : i32
        %ne3A_1328 = arith.cmpi ne, %rem3A_1326, %ne3A_1327 : i32
        %and3A_1329 = arith.andi %ne3A_1325, %ne3A_1328 : i1
        %sub3A_1330 = arith.constant 1 : i32
        %sub3A_1331 = arith.subi %div3A_1310, %sub3A_1330 : i32
        %select_n3A_1332 = arith.select %and3A_1329, %sub3A_1331, %div3A_1310 : i32
        %mul3A_1333 = arith.constant 32 : i32
        %mul3A_1334 = arith.muli %mul3A_2, %mul3A_1333 : i32
        %mul3A_1335 = arith.constant 4096 : i32
        %mul3A_1336 = arith.muli %select_n3A_1332, %mul3A_1335 : i32
        %add3A_1337 = arith.addi %mul3A_1334, %mul3A_1336 : i32
        "tpu.region"() ({
          %run_scoped3A = tpu.sem_alloc : memref<!tpu.dma_semaphore, #tpu.memory_space<semaphore_mem>>
          %dma_start3A_1343 = tpu.memref_slice %arg10[%add3A_1337] : memref<524288xf32, #tpu.memory_space<hbm>> -> memref<4096xf32, #tpu.memory_space<hbm>>
          %dma_start3A_1344 = tpu.memref_slice %arg10[%add3A_1337] : memref<524288xf32, #tpu.memory_space<hbm>> -> memref<4096xf32, #tpu.memory_space<hbm>>
          tpu.enqueue_dma source(%arg34 : memref<4096xf32, #tpu.memory_space<vmem>>) target(%dma_start3A_1344 : memref<4096xf32, #tpu.memory_space<hbm>>) target_semaphore(%run_scoped3A : memref<!tpu.dma_semaphore, #tpu.memory_space<semaphore_mem>>)
          %dma_wait3A_1345 = tpu.memref_slice %arg10[%add3A_1337] : memref<524288xf32, #tpu.memory_space<hbm>> -> memref<4096xf32, #tpu.memory_space<hbm>>
          %dma_wait3A_1346 = tpu.memref_slice %arg10[%add3A_1337] : memref<524288xf32, #tpu.memory_space<hbm>> -> memref<4096xf32, #tpu.memory_space<hbm>>
          tpu.wait_dma2 semaphore(%run_scoped3A : memref<!tpu.dma_semaphore, #tpu.memory_space<semaphore_mem>>) src(%arg34 : memref<4096xf32, #tpu.memory_space<vmem>>) dst(%dma_wait3A_1346 : memref<4096xf32, #tpu.memory_space<hbm>>)
          tpu.yield
        }) : () -> ()
        %mul3A_1338 = arith.constant 32 : i32
        %mul3A_1339 = arith.muli %mul3A_2, %mul3A_1338 : i32
        %mul3A_1340 = arith.constant 4096 : i32
        %mul3A_1341 = arith.muli %select_n3A_1332, %mul3A_1340 : i32
        %add3A_1342 = arith.addi %mul3A_1339, %mul3A_1341 : i32
        "tpu.region"() ({
          %run_scoped3A = tpu.sem_alloc : memref<!tpu.dma_semaphore, #tpu.memory_space<semaphore_mem>>
          %dma_start3A_1343 = tpu.memref_slice %arg11[%add3A_1342] : memref<524288xf32, #tpu.memory_space<hbm>> -> memref<4096xf32, #tpu.memory_space<hbm>>
          %dma_start3A_1344 = tpu.memref_slice %arg11[%add3A_1342] : memref<524288xf32, #tpu.memory_space<hbm>> -> memref<4096xf32, #tpu.memory_space<hbm>>
          tpu.enqueue_dma source(%arg35 : memref<4096xf32, #tpu.memory_space<vmem>>) target(%dma_start3A_1344 : memref<4096xf32, #tpu.memory_space<hbm>>) target_semaphore(%run_scoped3A : memref<!tpu.dma_semaphore, #tpu.memory_space<semaphore_mem>>)
          %dma_wait3A_1345 = tpu.memref_slice %arg11[%add3A_1342] : memref<524288xf32, #tpu.memory_space<hbm>> -> memref<4096xf32, #tpu.memory_space<hbm>>
          %dma_wait3A_1346 = tpu.memref_slice %arg11[%add3A_1342] : memref<524288xf32, #tpu.memory_space<hbm>> -> memref<4096xf32, #tpu.memory_space<hbm>>
          tpu.wait_dma2 semaphore(%run_scoped3A : memref<!tpu.dma_semaphore, #tpu.memory_space<semaphore_mem>>) src(%arg35 : memref<4096xf32, #tpu.memory_space<vmem>>) dst(%dma_wait3A_1346 : memref<4096xf32, #tpu.memory_space<hbm>>)
          tpu.yield
        }) : () -> ()
      } else {
      }
      %mul3A_529 = arith.constant 4 : i32
      %mul3A_530 = arith.muli %scan3A_280, %mul3A_529 : i32
      %add3A_531 = arith.constant 1 : i32
      %add3A_532 = arith.addi %mul3A_530, %add3A_531 : i32
      %add3A_533 = arith.constant 4 : i32
      %add3A_534 = arith.addi %add3A_532, %add3A_533 : i32
      %sub3A_535 = arith.constant 1 : i32
      %sub3A_536 = arith.subi %add3A_534, %sub3A_535 : i32
      %lt3A_537 = arith.constant 256 : i32
      %lt3A_538 = arith.cmpi slt, %sub3A_536, %lt3A_537 : i32
      %convert_element_type3A_539 = arith.extui %lt3A_538 : i1 to i32
      %cond3A_540 = arith.constant 0 : i32
      %cond3A_541 = arith.cmpi ne, %convert_element_type3A_539, %cond3A_540 : i32
      scf.if %cond3A_541 {
        %add3A_1309 = arith.constant 4 : i32
        %add3A_1310 = arith.addi %add3A_532, %add3A_1309 : i32
        %sub3A_1311 = arith.constant 1 : i32
        %sub3A_1312 = arith.subi %add3A_1310, %sub3A_1311 : i32
        %mul3A_1313 = arith.constant 2 : i32
        %mul3A_1314 = arith.muli %sub3A_1312, %mul3A_1313 : i32
        %add3A_1315 = arith.constant 0 : i32
        %add3A_1316 = arith.addi %mul3A_1314, %add3A_1315 : i32
        %jit3A_1317 = arith.constant 16 : i32
        %div3A_1318 = arith.divsi %add3A_1316, %jit3A_1317 : i32
        %sign3A_1319 = arith.constant 0 : i32
        %sign3A_1320 = arith.cmpi sgt, %add3A_1316, %sign3A_1319 : i32
        %sign3A_1321 = arith.extui %sign3A_1320 : i1 to i32
        %sign3A_1322 = arith.constant 0 : i32
        %sign3A_1323 = arith.cmpi slt, %add3A_1316, %sign3A_1322 : i32
        %sign3A_1324 = arith.extui %sign3A_1323 : i1 to i32
        %sign3A_1325 = arith.subi %sign3A_1321, %sign3A_1324 : i32
        %sign3A_1326 = arith.constant 0 : i32
        %sign3A_1327 = arith.cmpi sgt, %jit3A_1317, %sign3A_1326 : i32
        %sign3A_1328 = arith.extui %sign3A_1327 : i1 to i32
        %sign3A_1329 = arith.constant 0 : i32
        %sign3A_1330 = arith.cmpi slt, %jit3A_1317, %sign3A_1329 : i32
        %sign3A_1331 = arith.extui %sign3A_1330 : i1 to i32
        %sign3A_1332 = arith.subi %sign3A_1328, %sign3A_1331 : i32
        %ne3A_1333 = arith.cmpi ne, %sign3A_1325, %sign3A_1332 : i32
        %rem3A_1334 = arith.remsi %add3A_1316, %jit3A_1317 : i32
        %ne3A_1335 = arith.constant 0 : i32
        %ne3A_1336 = arith.cmpi ne, %rem3A_1334, %ne3A_1335 : i32
        %and3A_1337 = arith.andi %ne3A_1333, %ne3A_1336 : i1
        %sub3A_1338 = arith.constant 1 : i32
        %sub3A_1339 = arith.subi %div3A_1318, %sub3A_1338 : i32
        %select_n3A_1340 = arith.select %and3A_1337, %sub3A_1339, %div3A_1318 : i32
        %mul3A_1341 = arith.constant 16 : i32
        %mul3A_1342 = arith.muli %select_n3A_1340, %mul3A_1341 : i32
        %get3A_1343 = arith.index_cast %mul3A_1342 : i32 to index
        %get3A_1344 = tpu.vector_load %arg14[%get3A_1343] {strides = array<i32>} : memref<512xi32, #tpu.memory_space<vmem>>, vector<16xi32>,
        %jit3A_1345 = arith.constant 16 : i32
        %eq3A_1346 = arith.constant 0 : i32
        %eq3A_1347 = arith.cmpi eq, %jit3A_1345, %eq3A_1346 : i32
        %jit3A_1348 = arith.constant 1 : i32
        %select_n3A_1349 = arith.select %eq3A_1347, %jit3A_1348, %jit3A_1345 : i32
        %rem3A_1350 = arith.remsi %add3A_1316, %select_n3A_1349 : i32
        %ne3A_1351 = arith.constant 0 : i32
        %ne3A_1352 = arith.cmpi ne, %rem3A_1350, %ne3A_1351 : i32
        %lt3A_1353 = arith.constant 0 : i32
        %lt3A_1354 = arith.cmpi slt, %rem3A_1350, %lt3A_1353 : i32
        %lt3A_1355 = arith.constant 0 : i32
        %lt3A_1356 = arith.cmpi slt, %select_n3A_1349, %lt3A_1355 : i32
        %ne3A_1357 = arith.xori %lt3A_1354, %lt3A_1356 : i1
        %and3A_1358 = arith.andi %ne3A_1357, %ne3A_1352 : i1
        %add3A_1359 = arith.addi %rem3A_1350, %select_n3A_1349 : i32
        %select_n3A_1360 = arith.select %and3A_1358, %add3A_1359, %rem3A_1350 : i32
        %eq3A_1361 = vector.broadcast %select_n3A_1360 : i32 to vector<16xi32>
        %eq3A_1362 = arith.cmpi eq, %iota3A, %eq3A_1361 : vector<16xi32>
        %jit3A_1363 = arith.constant 0 : i32
        %broadcast_in_dim3A_1364 = vector.broadcast %jit3A_1363 : i32 to vector<16xi32>
        %select_n3A_1365 = arith.select %eq3A_1362, %get3A_1344, %broadcast_in_dim3A_1364 : vector<16xi1>, vector<16xi32>
        %reduce_sum3A_1366 = arith.constant true
        %reduce_sum3A_1367 = vector.broadcast %reduce_sum3A_1366 : i1 to vector<16xi1>
        %reduce_sum3A_1368 = tpu.scan <sum>, %select_n3A_1365 masked %reduce_sum3A_1367 : vector<16xi32>, vector<16xi1> -> vector<16xi32>
        %reduce_sum3A_1369 = vector.extract %reduce_sum3A_1368[15] : i32 from vector<16xi32>
        %mul3A_1370 = arith.constant 128 : i32
        %mul3A_1371 = arith.muli %reduce_sum3A_1369, %mul3A_1370 : i32
        %multiple_of3A_1372 = tpu.assume_multiple %mul3A_1371, 128 : i32
        %dma_start3A_1373 = arith.constant 0 : i32
        %dma_start3A_1374 = tpu.memref_slice %arg6[%dma_start3A_1373, %multiple_of3A_1372] : memref<32x1000000xf32, #tpu.memory_space<hbm>> -> memref<32x128xf32, #tpu.memory_space<hbm>>
        %dma_start3A_1375 = arith.constant 0 : i32
        %dma_start3A_1376 = tpu.memref_slice %arg6[%dma_start3A_1375, %multiple_of3A_1372] : memref<32x1000000xf32, #tpu.memory_space<hbm>> -> memref<32x128xf32, #tpu.memory_space<hbm>>
        tpu.enqueue_dma source(%dma_start3A_1376 : memref<32x128xf32, #tpu.memory_space<hbm>>) target(%arg18 : memref<32x128xf32, #tpu.memory_space<vmem>>) target_semaphore(%arg36 : memref<!tpu.dma_semaphore, #tpu.memory_space<semaphore_mem>>)
        %dma_start3A_1377 = arith.constant 0 : i32
        %dma_start3A_1378 = tpu.memref_slice %arg8[%dma_start3A_1377, %multiple_of3A_1372] : memref<32x1000000xf32, #tpu.memory_space<hbm>> -> memref<32x128xf32, #tpu.memory_space<hbm>>
        %dma_start3A_1379 = arith.constant 0 : i32
        %dma_start3A_1380 = tpu.memref_slice %arg8[%dma_start3A_1379, %multiple_of3A_1372] : memref<32x1000000xf32, #tpu.memory_space<hbm>> -> memref<32x128xf32, #tpu.memory_space<hbm>>
        tpu.enqueue_dma source(%dma_start3A_1380 : memref<32x128xf32, #tpu.memory_space<hbm>>) target(%arg19 : memref<32x128xf32, #tpu.memory_space<vmem>>) target_semaphore(%arg36 : memref<!tpu.dma_semaphore, #tpu.memory_space<semaphore_mem>>)
        %mul3A_1381 = arith.constant 2 : i32
        %mul3A_1382 = arith.muli %sub3A_1312, %mul3A_1381 : i32
        %add3A_1383 = arith.constant 1 : i32
        %add3A_1384 = arith.addi %mul3A_1382, %add3A_1383 : i32
        %jit3A_1385 = arith.constant 16 : i32
        %div3A_1386 = arith.divsi %add3A_1384, %jit3A_1385 : i32
        %sign3A_1387 = arith.constant 0 : i32
        %sign3A_1388 = arith.cmpi sgt, %add3A_1384, %sign3A_1387 : i32
        %sign3A_1389 = arith.extui %sign3A_1388 : i1 to i32
        %sign3A_1390 = arith.constant 0 : i32
        %sign3A_1391 = arith.cmpi slt, %add3A_1384, %sign3A_1390 : i32
        %sign3A_1392 = arith.extui %sign3A_1391 : i1 to i32
        %sign3A_1393 = arith.subi %sign3A_1389, %sign3A_1392 : i32
        %sign3A_1394 = arith.constant 0 : i32
        %sign3A_1395 = arith.cmpi sgt, %jit3A_1385, %sign3A_1394 : i32
        %sign3A_1396 = arith.extui %sign3A_1395 : i1 to i32
        %sign3A_1397 = arith.constant 0 : i32
        %sign3A_1398 = arith.cmpi slt, %jit3A_1385, %sign3A_1397 : i32
        %sign3A_1399 = arith.extui %sign3A_1398 : i1 to i32
        %sign3A_1400 = arith.subi %sign3A_1396, %sign3A_1399 : i32
        %ne3A_1401 = arith.cmpi ne, %sign3A_1393, %sign3A_1400 : i32
        %rem3A_1402 = arith.remsi %add3A_1384, %jit3A_1385 : i32
        %ne3A_1403 = arith.constant 0 : i32
        %ne3A_1404 = arith.cmpi ne, %rem3A_1402, %ne3A_1403 : i32
        %and3A_1405 = arith.andi %ne3A_1401, %ne3A_1404 : i1
        %sub3A_1406 = arith.constant 1 : i32
        %sub3A_1407 = arith.subi %div3A_1386, %sub3A_1406 : i32
        %select_n3A_1408 = arith.select %and3A_1405, %sub3A_1407, %div3A_1386 : i32
        %mul3A_1409 = arith.constant 16 : i32
        %mul3A_1410 = arith.muli %select_n3A_1408, %mul3A_1409 : i32
        %get3A_1411 = arith.index_cast %mul3A_1410 : i32 to index
        %get3A_1412 = tpu.vector_load %arg14[%get3A_1411] {strides = array<i32>} : memref<512xi32, #tpu.memory_space<vmem>>, vector<16xi32>,
        %jit3A_1413 = arith.constant 16 : i32
        %eq3A_1414 = arith.constant 0 : i32
        %eq3A_1415 = arith.cmpi eq, %jit3A_1413, %eq3A_1414 : i32
        %jit3A_1416 = arith.constant 1 : i32
        %select_n3A_1417 = arith.select %eq3A_1415, %jit3A_1416, %jit3A_1413 : i32
        %rem3A_1418 = arith.remsi %add3A_1384, %select_n3A_1417 : i32
        %ne3A_1419 = arith.constant 0 : i32
        %ne3A_1420 = arith.cmpi ne, %rem3A_1418, %ne3A_1419 : i32
        %lt3A_1421 = arith.constant 0 : i32
        %lt3A_1422 = arith.cmpi slt, %rem3A_1418, %lt3A_1421 : i32
        %lt3A_1423 = arith.constant 0 : i32
        %lt3A_1424 = arith.cmpi slt, %select_n3A_1417, %lt3A_1423 : i32
        %ne3A_1425 = arith.xori %lt3A_1422, %lt3A_1424 : i1
        %and3A_1426 = arith.andi %ne3A_1425, %ne3A_1420 : i1
        %add3A_1427 = arith.addi %rem3A_1418, %select_n3A_1417 : i32
        %select_n3A_1428 = arith.select %and3A_1426, %add3A_1427, %rem3A_1418 : i32
        %eq3A_1429 = vector.broadcast %select_n3A_1428 : i32 to vector<16xi32>
        %eq3A_1430 = arith.cmpi eq, %iota3A, %eq3A_1429 : vector<16xi32>
        %jit3A_1431 = arith.constant 0 : i32
        %broadcast_in_dim3A_1432 = vector.broadcast %jit3A_1431 : i32 to vector<16xi32>
        %select_n3A_1433 = arith.select %eq3A_1430, %get3A_1412, %broadcast_in_dim3A_1432 : vector<16xi1>, vector<16xi32>
        %reduce_sum3A_1434 = arith.constant true
        %reduce_sum3A_1435 = vector.broadcast %reduce_sum3A_1434 : i1 to vector<16xi1>
        %reduce_sum3A_1436 = tpu.scan <sum>, %select_n3A_1433 masked %reduce_sum3A_1435 : vector<16xi32>, vector<16xi1> -> vector<16xi32>
        %reduce_sum3A_1437 = vector.extract %reduce_sum3A_1436[15] : i32 from vector<16xi32>
        %mul3A_1438 = arith.constant 128 : i32
        %mul3A_1439 = arith.muli %reduce_sum3A_1437, %mul3A_1438 : i32
        %multiple_of3A_1440 = tpu.assume_multiple %mul3A_1439, 128 : i32
        %dma_start3A_1441 = arith.constant 0 : i32
        %dma_start3A_1442 = tpu.memref_slice %arg6[%dma_start3A_1441, %multiple_of3A_1440] : memref<32x1000000xf32, #tpu.memory_space<hbm>> -> memref<32x128xf32, #tpu.memory_space<hbm>>
        %dma_start3A_1443 = arith.constant 0 : i32
        %dma_start3A_1444 = tpu.memref_slice %arg6[%dma_start3A_1443, %multiple_of3A_1440] : memref<32x1000000xf32, #tpu.memory_space<hbm>> -> memref<32x128xf32, #tpu.memory_space<hbm>>
        tpu.enqueue_dma source(%dma_start3A_1444 : memref<32x128xf32, #tpu.memory_space<hbm>>) target(%arg20 : memref<32x128xf32, #tpu.memory_space<vmem>>) target_semaphore(%arg36 : memref<!tpu.dma_semaphore, #tpu.memory_space<semaphore_mem>>)
        %dma_start3A_1445 = arith.constant 0 : i32
        %dma_start3A_1446 = tpu.memref_slice %arg8[%dma_start3A_1445, %multiple_of3A_1440] : memref<32x1000000xf32, #tpu.memory_space<hbm>> -> memref<32x128xf32, #tpu.memory_space<hbm>>
        %dma_start3A_1447 = arith.constant 0 : i32
        %dma_start3A_1448 = tpu.memref_slice %arg8[%dma_start3A_1447, %multiple_of3A_1440] : memref<32x1000000xf32, #tpu.memory_space<hbm>> -> memref<32x128xf32, #tpu.memory_space<hbm>>
        tpu.enqueue_dma source(%dma_start3A_1448 : memref<32x128xf32, #tpu.memory_space<hbm>>) target(%arg21 : memref<32x128xf32, #tpu.memory_space<vmem>>) target_semaphore(%arg36 : memref<!tpu.dma_semaphore, #tpu.memory_space<semaphore_mem>>)
      } else {
      }
      %dma_wait3A_542 = arith.constant 0 : i32
      %dma_wait3A_543 = arith.constant 0 : i32
      %dma_wait3A_544 = tpu.memref_slice %arg6[%dma_wait3A_542, %dma_wait3A_543] : memref<32x1000000xf32, #tpu.memory_space<hbm>> -> memref<32x128xf32, #tpu.memory_space<hbm>>
      %dma_wait3A_545 = arith.constant 0 : i32
      %dma_wait3A_546 = arith.constant 0 : i32
      %dma_wait3A_547 = tpu.memref_slice %arg6[%dma_wait3A_545, %dma_wait3A_546] : memref<32x1000000xf32, #tpu.memory_space<hbm>> -> memref<32x128xf32, #tpu.memory_space<hbm>>
      tpu.wait_dma2 semaphore(%arg37 : memref<!tpu.dma_semaphore, #tpu.memory_space<semaphore_mem>>) src(%dma_wait3A_547 : memref<32x128xf32, #tpu.memory_space<hbm>>) dst(%arg22 : memref<32x128xf32, #tpu.memory_space<vmem>>)
      %dma_wait3A_548 = arith.constant 0 : i32
      %dma_wait3A_549 = arith.constant 0 : i32
      %dma_wait3A_550 = tpu.memref_slice %arg8[%dma_wait3A_548, %dma_wait3A_549] : memref<32x1000000xf32, #tpu.memory_space<hbm>> -> memref<32x128xf32, #tpu.memory_space<hbm>>
      %dma_wait3A_551 = arith.constant 0 : i32
      %dma_wait3A_552 = arith.constant 0 : i32
      %dma_wait3A_553 = tpu.memref_slice %arg8[%dma_wait3A_551, %dma_wait3A_552] : memref<32x1000000xf32, #tpu.memory_space<hbm>> -> memref<32x128xf32, #tpu.memory_space<hbm>>
      tpu.wait_dma2 semaphore(%arg37 : memref<!tpu.dma_semaphore, #tpu.memory_space<semaphore_mem>>) src(%dma_wait3A_553 : memref<32x128xf32, #tpu.memory_space<hbm>>) dst(%arg23 : memref<32x128xf32, #tpu.memory_space<vmem>>)
      %dma_wait3A_554 = arith.constant 0 : i32
      %dma_wait3A_555 = arith.constant 0 : i32
      %dma_wait3A_556 = tpu.memref_slice %arg6[%dma_wait3A_554, %dma_wait3A_555] : memref<32x1000000xf32, #tpu.memory_space<hbm>> -> memref<32x128xf32, #tpu.memory_space<hbm>>
      %dma_wait3A_557 = arith.constant 0 : i32
      %dma_wait3A_558 = arith.constant 0 : i32
      %dma_wait3A_559 = tpu.memref_slice %arg6[%dma_wait3A_557, %dma_wait3A_558] : memref<32x1000000xf32, #tpu.memory_space<hbm>> -> memref<32x128xf32, #tpu.memory_space<hbm>>
      tpu.wait_dma2 semaphore(%arg37 : memref<!tpu.dma_semaphore, #tpu.memory_space<semaphore_mem>>) src(%dma_wait3A_559 : memref<32x128xf32, #tpu.memory_space<hbm>>) dst(%arg24 : memref<32x128xf32, #tpu.memory_space<vmem>>)
      %dma_wait3A_560 = arith.constant 0 : i32
      %dma_wait3A_561 = arith.constant 0 : i32
      %dma_wait3A_562 = tpu.memref_slice %arg8[%dma_wait3A_560, %dma_wait3A_561] : memref<32x1000000xf32, #tpu.memory_space<hbm>> -> memref<32x128xf32, #tpu.memory_space<hbm>>
      %dma_wait3A_563 = arith.constant 0 : i32
      %dma_wait3A_564 = arith.constant 0 : i32
      %dma_wait3A_565 = tpu.memref_slice %arg8[%dma_wait3A_563, %dma_wait3A_564] : memref<32x1000000xf32, #tpu.memory_space<hbm>> -> memref<32x128xf32, #tpu.memory_space<hbm>>
      tpu.wait_dma2 semaphore(%arg37 : memref<!tpu.dma_semaphore, #tpu.memory_space<semaphore_mem>>) src(%dma_wait3A_565 : memref<32x128xf32, #tpu.memory_space<hbm>>) dst(%arg25 : memref<32x128xf32, #tpu.memory_space<vmem>>)
      %mul3A_566 = arith.constant 2 : i32
      %mul3A_567 = arith.muli %add3A_532, %mul3A_566 : i32
      %add3A_568 = arith.constant 0 : i32
      %add3A_569 = arith.addi %mul3A_567, %add3A_568 : i32
      %jit3A_570 = arith.constant 16 : i32
      %div3A_571 = arith.divsi %add3A_569, %jit3A_570 : i32
      %sign3A_572 = arith.constant 0 : i32
      %sign3A_573 = arith.cmpi sgt, %add3A_569, %sign3A_572 : i32
      %sign3A_574 = arith.extui %sign3A_573 : i1 to i32
      %sign3A_575 = arith.constant 0 : i32
      %sign3A_576 = arith.cmpi slt, %add3A_569, %sign3A_575 : i32
      %sign3A_577 = arith.extui %sign3A_576 : i1 to i32
      %sign3A_578 = arith.subi %sign3A_574, %sign3A_577 : i32
      %sign3A_579 = arith.constant 0 : i32
      %sign3A_580 = arith.cmpi sgt, %jit3A_570, %sign3A_579 : i32
      %sign3A_581 = arith.extui %sign3A_580 : i1 to i32
      %sign3A_582 = arith.constant 0 : i32
      %sign3A_583 = arith.cmpi slt, %jit3A_570, %sign3A_582 : i32
      %sign3A_584 = arith.extui %sign3A_583 : i1 to i32
      %sign3A_585 = arith.subi %sign3A_581, %sign3A_584 : i32
      %ne3A_586 = arith.cmpi ne, %sign3A_578, %sign3A_585 : i32
      %rem3A_587 = arith.remsi %add3A_569, %jit3A_570 : i32
      %ne3A_588 = arith.constant 0 : i32
      %ne3A_589 = arith.cmpi ne, %rem3A_587, %ne3A_588 : i32
      %and3A_590 = arith.andi %ne3A_586, %ne3A_589 : i1
      %sub3A_591 = arith.constant 1 : i32
      %sub3A_592 = arith.subi %div3A_571, %sub3A_591 : i32
      %select_n3A_593 = arith.select %and3A_590, %sub3A_592, %div3A_571 : i32
      %mul3A_594 = arith.constant 16 : i32
      %mul3A_595 = arith.muli %select_n3A_593, %mul3A_594 : i32
      %get3A_596 = arith.index_cast %mul3A_595 : i32 to index
      %get3A_597 = tpu.vector_load %arg15[%get3A_596] {strides = array<i32>} : memref<512xi32, #tpu.memory_space<vmem>>, vector<16xi32>,
      %jit3A_598 = arith.constant 16 : i32
      %eq3A_599 = arith.constant 0 : i32
      %eq3A_600 = arith.cmpi eq, %jit3A_598, %eq3A_599 : i32
      %jit3A_601 = arith.constant 1 : i32
      %select_n3A_602 = arith.select %eq3A_600, %jit3A_601, %jit3A_598 : i32
      %rem3A_603 = arith.remsi %add3A_569, %select_n3A_602 : i32
      %ne3A_604 = arith.constant 0 : i32
      %ne3A_605 = arith.cmpi ne, %rem3A_603, %ne3A_604 : i32
      %lt3A_606 = arith.constant 0 : i32
      %lt3A_607 = arith.cmpi slt, %rem3A_603, %lt3A_606 : i32
      %lt3A_608 = arith.constant 0 : i32
      %lt3A_609 = arith.cmpi slt, %select_n3A_602, %lt3A_608 : i32
      %ne3A_610 = arith.xori %lt3A_607, %lt3A_609 : i1
      %and3A_611 = arith.andi %ne3A_610, %ne3A_605 : i1
      %add3A_612 = arith.addi %rem3A_603, %select_n3A_602 : i32
      %select_n3A_613 = arith.select %and3A_611, %add3A_612, %rem3A_603 : i32
      %eq3A_614 = vector.broadcast %select_n3A_613 : i32 to vector<16xi32>
      %eq3A_615 = arith.cmpi eq, %iota3A, %eq3A_614 : vector<16xi32>
      %jit3A_616 = arith.constant 0 : i32
      %broadcast_in_dim3A_617 = vector.broadcast %jit3A_616 : i32 to vector<16xi32>
      %select_n3A_618 = arith.select %eq3A_615, %get3A_597, %broadcast_in_dim3A_617 : vector<16xi1>, vector<16xi32>
      %reduce_sum3A_619 = arith.constant true
      %reduce_sum3A_620 = vector.broadcast %reduce_sum3A_619 : i1 to vector<16xi1>
      %reduce_sum3A_621 = tpu.scan <sum>, %select_n3A_618 masked %reduce_sum3A_620 : vector<16xi32>, vector<16xi1> -> vector<16xi32>
      %reduce_sum3A_622 = vector.extract %reduce_sum3A_621[15] : i32 from vector<16xi32>
      %broadcast_in_dim3A_623 = arith.constant 0 : i32
      %broadcast_in_dim3A_624 = vector.broadcast %broadcast_in_dim3A_623 : i32 to vector<16xi32>
      %add3A_625 = vector.broadcast %reduce_sum3A_622 : i32 to vector<16xi32>
      %add3A_626 = arith.addi %broadcast_in_dim3A_624, %add3A_625 : vector<16xi32>
      %jit3A_627 = arith.constant 128 : i32
      %eq3A_628 = arith.constant 0 : i32
      %eq3A_629 = arith.cmpi eq, %jit3A_627, %eq3A_628 : i32
      %jit3A_630 = arith.constant 1 : i32
      %select_n3A_631 = arith.select %eq3A_629, %jit3A_630, %jit3A_627 : i32
      %rem3A_632 = arith.remsi %add3A_569, %select_n3A_631 : i32
      %ne3A_633 = arith.constant 0 : i32
      %ne3A_634 = arith.cmpi ne, %rem3A_632, %ne3A_633 : i32
      %lt3A_635 = arith.constant 0 : i32
      %lt3A_636 = arith.cmpi slt, %rem3A_632, %lt3A_635 : i32
      %lt3A_637 = arith.constant 0 : i32
      %lt3A_638 = arith.cmpi slt, %select_n3A_631, %lt3A_637 : i32
      %ne3A_639 = arith.xori %lt3A_636, %lt3A_638 : i1
      %and3A_640 = arith.andi %ne3A_639, %ne3A_634 : i1
      %add3A_641 = arith.addi %rem3A_632, %select_n3A_631 : i32
      %select_n3A_642 = arith.select %and3A_640, %add3A_641, %rem3A_632 : i32
      %mul3A_643 = arith.constant 32 : i32
      %mul3A_644 = arith.muli %select_n3A_642, %mul3A_643 : i32
      %gather3A_645 = tpu.vector_load_idx %arg22[%iota3A, %add3A_626] : memref<32x128xf32, #tpu.memory_space<vmem>>[vector<16xi32>, vector<16xi32>], vector<16xf32>,
      %swap3A_646 = arith.index_cast %mul3A_644 : i32 to index
      %swap3A_647 = tpu.vector_load %arg34[%swap3A_646] {strides = array<i32>} : memref<4096xf32, #tpu.memory_space<vmem>>, vector<16xf32>,
      tpu.vector_store %arg34[%swap3A_646], %gather3A_645 {strides = array<i32>} : memref<4096xf32, #tpu.memory_space<vmem>>, vector<16xf32>,
      %add3A_648 = arith.constant 16 : i32
      %add3A_649 = vector.broadcast %add3A_648 : i32 to vector<16xi32>
      %add3A_650 = arith.addi %iota3A, %add3A_649 : vector<16xi32>
      %gather3A_651 = tpu.vector_load_idx %arg22[%add3A_650, %add3A_626] : memref<32x128xf32, #tpu.memory_space<vmem>>[vector<16xi32>, vector<16xi32>], vector<16xf32>,
      %add3A_652 = arith.constant 16 : i32
      %add3A_653 = arith.addi %mul3A_644, %add3A_652 : i32
      %swap3A_654 = arith.index_cast %add3A_653 : i32 to index
      %swap3A_655 = tpu.vector_load %arg34[%swap3A_654] {strides = array<i32>} : memref<4096xf32, #tpu.memory_space<vmem>>, vector<16xf32>,
      tpu.vector_store %arg34[%swap3A_654], %gather3A_651 {strides = array<i32>} : memref<4096xf32, #tpu.memory_space<vmem>>, vector<16xf32>,
      %gather3A_656 = tpu.vector_load_idx %arg23[%iota3A, %add3A_626] : memref<32x128xf32, #tpu.memory_space<vmem>>[vector<16xi32>, vector<16xi32>], vector<16xf32>,
      %swap3A_657 = arith.index_cast %mul3A_644 : i32 to index
      %swap3A_658 = tpu.vector_load %arg35[%swap3A_657] {strides = array<i32>} : memref<4096xf32, #tpu.memory_space<vmem>>, vector<16xf32>,
      tpu.vector_store %arg35[%swap3A_657], %gather3A_656 {strides = array<i32>} : memref<4096xf32, #tpu.memory_space<vmem>>, vector<16xf32>,
      %add3A_659 = arith.constant 16 : i32
      %add3A_660 = vector.broadcast %add3A_659 : i32 to vector<16xi32>
      %add3A_661 = arith.addi %iota3A, %add3A_660 : vector<16xi32>
      %gather3A_662 = tpu.vector_load_idx %arg23[%add3A_661, %add3A_626] : memref<32x128xf32, #tpu.memory_space<vmem>>[vector<16xi32>, vector<16xi32>], vector<16xf32>,
      %add3A_663 = arith.constant 16 : i32
      %add3A_664 = arith.addi %mul3A_644, %add3A_663 : i32
      %swap3A_665 = arith.index_cast %add3A_664 : i32 to index
      %swap3A_666 = tpu.vector_load %arg35[%swap3A_665] {strides = array<i32>} : memref<4096xf32, #tpu.memory_space<vmem>>, vector<16xf32>,
      tpu.vector_store %arg35[%swap3A_665], %gather3A_662 {strides = array<i32>} : memref<4096xf32, #tpu.memory_space<vmem>>, vector<16xf32>,
      %mul3A_667 = arith.constant 2 : i32
      %mul3A_668 = arith.muli %add3A_532, %mul3A_667 : i32
      %add3A_669 = arith.constant 1 : i32
      %add3A_670 = arith.addi %mul3A_668, %add3A_669 : i32
      %jit3A_671 = arith.constant 16 : i32
      %div3A_672 = arith.divsi %add3A_670, %jit3A_671 : i32
      %sign3A_673 = arith.constant 0 : i32
      %sign3A_674 = arith.cmpi sgt, %add3A_670, %sign3A_673 : i32
      %sign3A_675 = arith.extui %sign3A_674 : i1 to i32
      %sign3A_676 = arith.constant 0 : i32
      %sign3A_677 = arith.cmpi slt, %add3A_670, %sign3A_676 : i32
      %sign3A_678 = arith.extui %sign3A_677 : i1 to i32
      %sign3A_679 = arith.subi %sign3A_675, %sign3A_678 : i32
      %sign3A_680 = arith.constant 0 : i32
      %sign3A_681 = arith.cmpi sgt, %jit3A_671, %sign3A_680 : i32
      %sign3A_682 = arith.extui %sign3A_681 : i1 to i32
      %sign3A_683 = arith.constant 0 : i32
      %sign3A_684 = arith.cmpi slt, %jit3A_671, %sign3A_683 : i32
      %sign3A_685 = arith.extui %sign3A_684 : i1 to i32
      %sign3A_686 = arith.subi %sign3A_682, %sign3A_685 : i32
      %ne3A_687 = arith.cmpi ne, %sign3A_679, %sign3A_686 : i32
      %rem3A_688 = arith.remsi %add3A_670, %jit3A_671 : i32
      %ne3A_689 = arith.constant 0 : i32
      %ne3A_690 = arith.cmpi ne, %rem3A_688, %ne3A_689 : i32
      %and3A_691 = arith.andi %ne3A_687, %ne3A_690 : i1
      %sub3A_692 = arith.constant 1 : i32
      %sub3A_693 = arith.subi %div3A_672, %sub3A_692 : i32
      %select_n3A_694 = arith.select %and3A_691, %sub3A_693, %div3A_672 : i32
      %mul3A_695 = arith.constant 16 : i32
      %mul3A_696 = arith.muli %select_n3A_694, %mul3A_695 : i32
      %get3A_697 = arith.index_cast %mul3A_696 : i32 to index
      %get3A_698 = tpu.vector_load %arg15[%get3A_697] {strides = array<i32>} : memref<512xi32, #tpu.memory_space<vmem>>, vector<16xi32>,
      %jit3A_699 = arith.constant 16 : i32
      %eq3A_700 = arith.constant 0 : i32
      %eq3A_701 = arith.cmpi eq, %jit3A_699, %eq3A_700 : i32
      %jit3A_702 = arith.constant 1 : i32
      %select_n3A_703 = arith.select %eq3A_701, %jit3A_702, %jit3A_699 : i32
      %rem3A_704 = arith.remsi %add3A_670, %select_n3A_703 : i32
      %ne3A_705 = arith.constant 0 : i32
      %ne3A_706 = arith.cmpi ne, %rem3A_704, %ne3A_705 : i32
      %lt3A_707 = arith.constant 0 : i32
      %lt3A_708 = arith.cmpi slt, %rem3A_704, %lt3A_707 : i32
      %lt3A_709 = arith.constant 0 : i32
      %lt3A_710 = arith.cmpi slt, %select_n3A_703, %lt3A_709 : i32
      %ne3A_711 = arith.xori %lt3A_708, %lt3A_710 : i1
      %and3A_712 = arith.andi %ne3A_711, %ne3A_706 : i1
      %add3A_713 = arith.addi %rem3A_704, %select_n3A_703 : i32
      %select_n3A_714 = arith.select %and3A_712, %add3A_713, %rem3A_704 : i32
      %eq3A_715 = vector.broadcast %select_n3A_714 : i32 to vector<16xi32>
      %eq3A_716 = arith.cmpi eq, %iota3A, %eq3A_715 : vector<16xi32>
      %jit3A_717 = arith.constant 0 : i32
      %broadcast_in_dim3A_718 = vector.broadcast %jit3A_717 : i32 to vector<16xi32>
      %select_n3A_719 = arith.select %eq3A_716, %get3A_698, %broadcast_in_dim3A_718 : vector<16xi1>, vector<16xi32>
      %reduce_sum3A_720 = arith.constant true
      %reduce_sum3A_721 = vector.broadcast %reduce_sum3A_720 : i1 to vector<16xi1>
      %reduce_sum3A_722 = tpu.scan <sum>, %select_n3A_719 masked %reduce_sum3A_721 : vector<16xi32>, vector<16xi1> -> vector<16xi32>
      %reduce_sum3A_723 = vector.extract %reduce_sum3A_722[15] : i32 from vector<16xi32>
      %broadcast_in_dim3A_724 = arith.constant 0 : i32
      %broadcast_in_dim3A_725 = vector.broadcast %broadcast_in_dim3A_724 : i32 to vector<16xi32>
      %add3A_726 = vector.broadcast %reduce_sum3A_723 : i32 to vector<16xi32>
      %add3A_727 = arith.addi %broadcast_in_dim3A_725, %add3A_726 : vector<16xi32>
      %jit3A_728 = arith.constant 128 : i32
      %eq3A_729 = arith.constant 0 : i32
      %eq3A_730 = arith.cmpi eq, %jit3A_728, %eq3A_729 : i32
      %jit3A_731 = arith.constant 1 : i32
      %select_n3A_732 = arith.select %eq3A_730, %jit3A_731, %jit3A_728 : i32
      %rem3A_733 = arith.remsi %add3A_670, %select_n3A_732 : i32
      %ne3A_734 = arith.constant 0 : i32
      %ne3A_735 = arith.cmpi ne, %rem3A_733, %ne3A_734 : i32
      %lt3A_736 = arith.constant 0 : i32
      %lt3A_737 = arith.cmpi slt, %rem3A_733, %lt3A_736 : i32
      %lt3A_738 = arith.constant 0 : i32
      %lt3A_739 = arith.cmpi slt, %select_n3A_732, %lt3A_738 : i32
      %ne3A_740 = arith.xori %lt3A_737, %lt3A_739 : i1
      %and3A_741 = arith.andi %ne3A_740, %ne3A_735 : i1
      %add3A_742 = arith.addi %rem3A_733, %select_n3A_732 : i32
      %select_n3A_743 = arith.select %and3A_741, %add3A_742, %rem3A_733 : i32
      %mul3A_744 = arith.constant 32 : i32
      %mul3A_745 = arith.muli %select_n3A_743, %mul3A_744 : i32
      %gather3A_746 = tpu.vector_load_idx %arg24[%iota3A, %add3A_727] : memref<32x128xf32, #tpu.memory_space<vmem>>[vector<16xi32>, vector<16xi32>], vector<16xf32>,
      %swap3A_747 = arith.index_cast %mul3A_745 : i32 to index
      %swap3A_748 = tpu.vector_load %arg34[%swap3A_747] {strides = array<i32>} : memref<4096xf32, #tpu.memory_space<vmem>>, vector<16xf32>,
      tpu.vector_store %arg34[%swap3A_747], %gather3A_746 {strides = array<i32>} : memref<4096xf32, #tpu.memory_space<vmem>>, vector<16xf32>,
      %add3A_749 = arith.constant 16 : i32
      %add3A_750 = vector.broadcast %add3A_749 : i32 to vector<16xi32>
      %add3A_751 = arith.addi %iota3A, %add3A_750 : vector<16xi32>
      %gather3A_752 = tpu.vector_load_idx %arg24[%add3A_751, %add3A_727] : memref<32x128xf32, #tpu.memory_space<vmem>>[vector<16xi32>, vector<16xi32>], vector<16xf32>,
      %add3A_753 = arith.constant 16 : i32
      %add3A_754 = arith.addi %mul3A_745, %add3A_753 : i32
      %swap3A_755 = arith.index_cast %add3A_754 : i32 to index
      %swap3A_756 = tpu.vector_load %arg34[%swap3A_755] {strides = array<i32>} : memref<4096xf32, #tpu.memory_space<vmem>>, vector<16xf32>,
      tpu.vector_store %arg34[%swap3A_755], %gather3A_752 {strides = array<i32>} : memref<4096xf32, #tpu.memory_space<vmem>>, vector<16xf32>,
      %gather3A_757 = tpu.vector_load_idx %arg25[%iota3A, %add3A_727] : memref<32x128xf32, #tpu.memory_space<vmem>>[vector<16xi32>, vector<16xi32>], vector<16xf32>,
      %swap3A_758 = arith.index_cast %mul3A_745 : i32 to index
      %swap3A_759 = tpu.vector_load %arg35[%swap3A_758] {strides = array<i32>} : memref<4096xf32, #tpu.memory_space<vmem>>, vector<16xf32>,
      tpu.vector_store %arg35[%swap3A_758], %gather3A_757 {strides = array<i32>} : memref<4096xf32, #tpu.memory_space<vmem>>, vector<16xf32>,
      %add3A_760 = arith.constant 16 : i32
      %add3A_761 = vector.broadcast %add3A_760 : i32 to vector<16xi32>
      %add3A_762 = arith.addi %iota3A, %add3A_761 : vector<16xi32>
      %gather3A_763 = tpu.vector_load_idx %arg25[%add3A_762, %add3A_727] : memref<32x128xf32, #tpu.memory_space<vmem>>[vector<16xi32>, vector<16xi32>], vector<16xf32>,
      %add3A_764 = arith.constant 16 : i32
      %add3A_765 = arith.addi %mul3A_745, %add3A_764 : i32
      %swap3A_766 = arith.index_cast %add3A_765 : i32 to index
      %swap3A_767 = tpu.vector_load %arg35[%swap3A_766] {strides = array<i32>} : memref<4096xf32, #tpu.memory_space<vmem>>, vector<16xf32>,
      tpu.vector_store %arg35[%swap3A_766], %gather3A_763 {strides = array<i32>} : memref<4096xf32, #tpu.memory_space<vmem>>, vector<16xf32>,
      %jit3A_768 = arith.constant 64 : i32
      %eq3A_769 = arith.constant 0 : i32
      %eq3A_770 = arith.cmpi eq, %jit3A_768, %eq3A_769 : i32
      %jit3A_771 = arith.constant 1 : i32
      %select_n3A_772 = arith.select %eq3A_770, %jit3A_771, %jit3A_768 : i32
      %rem3A_773 = arith.remsi %add3A_532, %select_n3A_772 : i32
      %ne3A_774 = arith.constant 0 : i32
      %ne3A_775 = arith.cmpi ne, %rem3A_773, %ne3A_774 : i32
      %lt3A_776 = arith.constant 0 : i32
      %lt3A_777 = arith.cmpi slt, %rem3A_773, %lt3A_776 : i32
      %lt3A_778 = arith.constant 0 : i32
      %lt3A_779 = arith.cmpi slt, %select_n3A_772, %lt3A_778 : i32
      %ne3A_780 = arith.xori %lt3A_777, %lt3A_779 : i1
      %and3A_781 = arith.andi %ne3A_780, %ne3A_775 : i1
      %add3A_782 = arith.addi %rem3A_773, %select_n3A_772 : i32
      %select_n3A_783 = arith.select %and3A_781, %add3A_782, %rem3A_773 : i32
      %eq3A_784 = arith.constant 63 : i32
      %eq3A_785 = arith.cmpi eq, %select_n3A_783, %eq3A_784 : i32
      %convert_element_type3A_786 = arith.extui %eq3A_785 : i1 to i32
      %cond3A_787 = arith.constant 0 : i32
      %cond3A_788 = arith.cmpi ne, %convert_element_type3A_786, %cond3A_787 : i32
      scf.if %cond3A_788 {
        %jit3A_1309 = arith.constant 64 : i32
        %div3A_1310 = arith.divsi %add3A_532, %jit3A_1309 : i32
        %sign3A_1311 = arith.constant 0 : i32
        %sign3A_1312 = arith.cmpi sgt, %add3A_532, %sign3A_1311 : i32
        %sign3A_1313 = arith.extui %sign3A_1312 : i1 to i32
        %sign3A_1314 = arith.constant 0 : i32
        %sign3A_1315 = arith.cmpi slt, %add3A_532, %sign3A_1314 : i32
        %sign3A_1316 = arith.extui %sign3A_1315 : i1 to i32
        %sign3A_1317 = arith.subi %sign3A_1313, %sign3A_1316 : i32
        %sign3A_1318 = arith.constant 0 : i32
        %sign3A_1319 = arith.cmpi sgt, %jit3A_1309, %sign3A_1318 : i32
        %sign3A_1320 = arith.extui %sign3A_1319 : i1 to i32
        %sign3A_1321 = arith.constant 0 : i32
        %sign3A_1322 = arith.cmpi slt, %jit3A_1309, %sign3A_1321 : i32
        %sign3A_1323 = arith.extui %sign3A_1322 : i1 to i32
        %sign3A_1324 = arith.subi %sign3A_1320, %sign3A_1323 : i32
        %ne3A_1325 = arith.cmpi ne, %sign3A_1317, %sign3A_1324 : i32
        %rem3A_1326 = arith.remsi %add3A_532, %jit3A_1309 : i32
        %ne3A_1327 = arith.constant 0 : i32
        %ne3A_1328 = arith.cmpi ne, %rem3A_1326, %ne3A_1327 : i32
        %and3A_1329 = arith.andi %ne3A_1325, %ne3A_1328 : i1
        %sub3A_1330 = arith.constant 1 : i32
        %sub3A_1331 = arith.subi %div3A_1310, %sub3A_1330 : i32
        %select_n3A_1332 = arith.select %and3A_1329, %sub3A_1331, %div3A_1310 : i32
        %mul3A_1333 = arith.constant 32 : i32
        %mul3A_1334 = arith.muli %mul3A_2, %mul3A_1333 : i32
        %mul3A_1335 = arith.constant 4096 : i32
        %mul3A_1336 = arith.muli %select_n3A_1332, %mul3A_1335 : i32
        %add3A_1337 = arith.addi %mul3A_1334, %mul3A_1336 : i32
        "tpu.region"() ({
          %run_scoped3A = tpu.sem_alloc : memref<!tpu.dma_semaphore, #tpu.memory_space<semaphore_mem>>
          %dma_start3A_1343 = tpu.memref_slice %arg10[%add3A_1337] : memref<524288xf32, #tpu.memory_space<hbm>> -> memref<4096xf32, #tpu.memory_space<hbm>>
          %dma_start3A_1344 = tpu.memref_slice %arg10[%add3A_1337] : memref<524288xf32, #tpu.memory_space<hbm>> -> memref<4096xf32, #tpu.memory_space<hbm>>
          tpu.enqueue_dma source(%arg34 : memref<4096xf32, #tpu.memory_space<vmem>>) target(%dma_start3A_1344 : memref<4096xf32, #tpu.memory_space<hbm>>) target_semaphore(%run_scoped3A : memref<!tpu.dma_semaphore, #tpu.memory_space<semaphore_mem>>)
          %dma_wait3A_1345 = tpu.memref_slice %arg10[%add3A_1337] : memref<524288xf32, #tpu.memory_space<hbm>> -> memref<4096xf32, #tpu.memory_space<hbm>>
          %dma_wait3A_1346 = tpu.memref_slice %arg10[%add3A_1337] : memref<524288xf32, #tpu.memory_space<hbm>> -> memref<4096xf32, #tpu.memory_space<hbm>>
          tpu.wait_dma2 semaphore(%run_scoped3A : memref<!tpu.dma_semaphore, #tpu.memory_space<semaphore_mem>>) src(%arg34 : memref<4096xf32, #tpu.memory_space<vmem>>) dst(%dma_wait3A_1346 : memref<4096xf32, #tpu.memory_space<hbm>>)
          tpu.yield
        }) : () -> ()
        %mul3A_1338 = arith.constant 32 : i32
        %mul3A_1339 = arith.muli %mul3A_2, %mul3A_1338 : i32
        %mul3A_1340 = arith.constant 4096 : i32
        %mul3A_1341 = arith.muli %select_n3A_1332, %mul3A_1340 : i32
        %add3A_1342 = arith.addi %mul3A_1339, %mul3A_1341 : i32
        "tpu.region"() ({
          %run_scoped3A = tpu.sem_alloc : memref<!tpu.dma_semaphore, #tpu.memory_space<semaphore_mem>>
          %dma_start3A_1343 = tpu.memref_slice %arg11[%add3A_1342] : memref<524288xf32, #tpu.memory_space<hbm>> -> memref<4096xf32, #tpu.memory_space<hbm>>
          %dma_start3A_1344 = tpu.memref_slice %arg11[%add3A_1342] : memref<524288xf32, #tpu.memory_space<hbm>> -> memref<4096xf32, #tpu.memory_space<hbm>>
          tpu.enqueue_dma source(%arg35 : memref<4096xf32, #tpu.memory_space<vmem>>) target(%dma_start3A_1344 : memref<4096xf32, #tpu.memory_space<hbm>>) target_semaphore(%run_scoped3A : memref<!tpu.dma_semaphore, #tpu.memory_space<semaphore_mem>>)
          %dma_wait3A_1345 = tpu.memref_slice %arg11[%add3A_1342] : memref<524288xf32, #tpu.memory_space<hbm>> -> memref<4096xf32, #tpu.memory_space<hbm>>
          %dma_wait3A_1346 = tpu.memref_slice %arg11[%add3A_1342] : memref<524288xf32, #tpu.memory_space<hbm>> -> memref<4096xf32, #tpu.memory_space<hbm>>
          tpu.wait_dma2 semaphore(%run_scoped3A : memref<!tpu.dma_semaphore, #tpu.memory_space<semaphore_mem>>) src(%arg35 : memref<4096xf32, #tpu.memory_space<vmem>>) dst(%dma_wait3A_1346 : memref<4096xf32, #tpu.memory_space<hbm>>)
          tpu.yield
        }) : () -> ()
      } else {
      }
      %mul3A_789 = arith.constant 4 : i32
      %mul3A_790 = arith.muli %scan3A_280, %mul3A_789 : i32
      %add3A_791 = arith.constant 2 : i32
      %add3A_792 = arith.addi %mul3A_790, %add3A_791 : i32
      %add3A_793 = arith.constant 4 : i32
      %add3A_794 = arith.addi %add3A_792, %add3A_793 : i32
      %sub3A_795 = arith.constant 1 : i32
      %sub3A_796 = arith.subi %add3A_794, %sub3A_795 : i32
      %lt3A_797 = arith.constant 256 : i32
      %lt3A_798 = arith.cmpi slt, %sub3A_796, %lt3A_797 : i32
      %convert_element_type3A_799 = arith.extui %lt3A_798 : i1 to i32
      %cond3A_800 = arith.constant 0 : i32
      %cond3A_801 = arith.cmpi ne, %convert_element_type3A_799, %cond3A_800 : i32
      scf.if %cond3A_801 {
        %add3A_1309 = arith.constant 4 : i32
        %add3A_1310 = arith.addi %add3A_792, %add3A_1309 : i32
        %sub3A_1311 = arith.constant 1 : i32
        %sub3A_1312 = arith.subi %add3A_1310, %sub3A_1311 : i32
        %mul3A_1313 = arith.constant 2 : i32
        %mul3A_1314 = arith.muli %sub3A_1312, %mul3A_1313 : i32
        %add3A_1315 = arith.constant 0 : i32
        %add3A_1316 = arith.addi %mul3A_1314, %add3A_1315 : i32
        %jit3A_1317 = arith.constant 16 : i32
        %div3A_1318 = arith.divsi %add3A_1316, %jit3A_1317 : i32
        %sign3A_1319 = arith.constant 0 : i32
        %sign3A_1320 = arith.cmpi sgt, %add3A_1316, %sign3A_1319 : i32
        %sign3A_1321 = arith.extui %sign3A_1320 : i1 to i32
        %sign3A_1322 = arith.constant 0 : i32
        %sign3A_1323 = arith.cmpi slt, %add3A_1316, %sign3A_1322 : i32
        %sign3A_1324 = arith.extui %sign3A_1323 : i1 to i32
        %sign3A_1325 = arith.subi %sign3A_1321, %sign3A_1324 : i32
        %sign3A_1326 = arith.constant 0 : i32
        %sign3A_1327 = arith.cmpi sgt, %jit3A_1317, %sign3A_1326 : i32
        %sign3A_1328 = arith.extui %sign3A_1327 : i1 to i32
        %sign3A_1329 = arith.constant 0 : i32
        %sign3A_1330 = arith.cmpi slt, %jit3A_1317, %sign3A_1329 : i32
        %sign3A_1331 = arith.extui %sign3A_1330 : i1 to i32
        %sign3A_1332 = arith.subi %sign3A_1328, %sign3A_1331 : i32
        %ne3A_1333 = arith.cmpi ne, %sign3A_1325, %sign3A_1332 : i32
        %rem3A_1334 = arith.remsi %add3A_1316, %jit3A_1317 : i32
        %ne3A_1335 = arith.constant 0 : i32
        %ne3A_1336 = arith.cmpi ne, %rem3A_1334, %ne3A_1335 : i32
        %and3A_1337 = arith.andi %ne3A_1333, %ne3A_1336 : i1
        %sub3A_1338 = arith.constant 1 : i32
        %sub3A_1339 = arith.subi %div3A_1318, %sub3A_1338 : i32
        %select_n3A_1340 = arith.select %and3A_1337, %sub3A_1339, %div3A_1318 : i32
        %mul3A_1341 = arith.constant 16 : i32
        %mul3A_1342 = arith.muli %select_n3A_1340, %mul3A_1341 : i32
        %get3A_1343 = arith.index_cast %mul3A_1342 : i32 to index
        %get3A_1344 = tpu.vector_load %arg14[%get3A_1343] {strides = array<i32>} : memref<512xi32, #tpu.memory_space<vmem>>, vector<16xi32>,
        %jit3A_1345 = arith.constant 16 : i32
        %eq3A_1346 = arith.constant 0 : i32
        %eq3A_1347 = arith.cmpi eq, %jit3A_1345, %eq3A_1346 : i32
        %jit3A_1348 = arith.constant 1 : i32
        %select_n3A_1349 = arith.select %eq3A_1347, %jit3A_1348, %jit3A_1345 : i32
        %rem3A_1350 = arith.remsi %add3A_1316, %select_n3A_1349 : i32
        %ne3A_1351 = arith.constant 0 : i32
        %ne3A_1352 = arith.cmpi ne, %rem3A_1350, %ne3A_1351 : i32
        %lt3A_1353 = arith.constant 0 : i32
        %lt3A_1354 = arith.cmpi slt, %rem3A_1350, %lt3A_1353 : i32
        %lt3A_1355 = arith.constant 0 : i32
        %lt3A_1356 = arith.cmpi slt, %select_n3A_1349, %lt3A_1355 : i32
        %ne3A_1357 = arith.xori %lt3A_1354, %lt3A_1356 : i1
        %and3A_1358 = arith.andi %ne3A_1357, %ne3A_1352 : i1
        %add3A_1359 = arith.addi %rem3A_1350, %select_n3A_1349 : i32
        %select_n3A_1360 = arith.select %and3A_1358, %add3A_1359, %rem3A_1350 : i32
        %eq3A_1361 = vector.broadcast %select_n3A_1360 : i32 to vector<16xi32>
        %eq3A_1362 = arith.cmpi eq, %iota3A, %eq3A_1361 : vector<16xi32>
        %jit3A_1363 = arith.constant 0 : i32
        %broadcast_in_dim3A_1364 = vector.broadcast %jit3A_1363 : i32 to vector<16xi32>
        %select_n3A_1365 = arith.select %eq3A_1362, %get3A_1344, %broadcast_in_dim3A_1364 : vector<16xi1>, vector<16xi32>
        %reduce_sum3A_1366 = arith.constant true
        %reduce_sum3A_1367 = vector.broadcast %reduce_sum3A_1366 : i1 to vector<16xi1>
        %reduce_sum3A_1368 = tpu.scan <sum>, %select_n3A_1365 masked %reduce_sum3A_1367 : vector<16xi32>, vector<16xi1> -> vector<16xi32>
        %reduce_sum3A_1369 = vector.extract %reduce_sum3A_1368[15] : i32 from vector<16xi32>
        %mul3A_1370 = arith.constant 128 : i32
        %mul3A_1371 = arith.muli %reduce_sum3A_1369, %mul3A_1370 : i32
        %multiple_of3A_1372 = tpu.assume_multiple %mul3A_1371, 128 : i32
        %dma_start3A_1373 = arith.constant 0 : i32
        %dma_start3A_1374 = tpu.memref_slice %arg6[%dma_start3A_1373, %multiple_of3A_1372] : memref<32x1000000xf32, #tpu.memory_space<hbm>> -> memref<32x128xf32, #tpu.memory_space<hbm>>
        %dma_start3A_1375 = arith.constant 0 : i32
        %dma_start3A_1376 = tpu.memref_slice %arg6[%dma_start3A_1375, %multiple_of3A_1372] : memref<32x1000000xf32, #tpu.memory_space<hbm>> -> memref<32x128xf32, #tpu.memory_space<hbm>>
        tpu.enqueue_dma source(%dma_start3A_1376 : memref<32x128xf32, #tpu.memory_space<hbm>>) target(%arg22 : memref<32x128xf32, #tpu.memory_space<vmem>>) target_semaphore(%arg37 : memref<!tpu.dma_semaphore, #tpu.memory_space<semaphore_mem>>)
        %dma_start3A_1377 = arith.constant 0 : i32
        %dma_start3A_1378 = tpu.memref_slice %arg8[%dma_start3A_1377, %multiple_of3A_1372] : memref<32x1000000xf32, #tpu.memory_space<hbm>> -> memref<32x128xf32, #tpu.memory_space<hbm>>
        %dma_start3A_1379 = arith.constant 0 : i32
        %dma_start3A_1380 = tpu.memref_slice %arg8[%dma_start3A_1379, %multiple_of3A_1372] : memref<32x1000000xf32, #tpu.memory_space<hbm>> -> memref<32x128xf32, #tpu.memory_space<hbm>>
        tpu.enqueue_dma source(%dma_start3A_1380 : memref<32x128xf32, #tpu.memory_space<hbm>>) target(%arg23 : memref<32x128xf32, #tpu.memory_space<vmem>>) target_semaphore(%arg37 : memref<!tpu.dma_semaphore, #tpu.memory_space<semaphore_mem>>)
        %mul3A_1381 = arith.constant 2 : i32
        %mul3A_1382 = arith.muli %sub3A_1312, %mul3A_1381 : i32
        %add3A_1383 = arith.constant 1 : i32
        %add3A_1384 = arith.addi %mul3A_1382, %add3A_1383 : i32
        %jit3A_1385 = arith.constant 16 : i32
        %div3A_1386 = arith.divsi %add3A_1384, %jit3A_1385 : i32
        %sign3A_1387 = arith.constant 0 : i32
        %sign3A_1388 = arith.cmpi sgt, %add3A_1384, %sign3A_1387 : i32
        %sign3A_1389 = arith.extui %sign3A_1388 : i1 to i32
        %sign3A_1390 = arith.constant 0 : i32
        %sign3A_1391 = arith.cmpi slt, %add3A_1384, %sign3A_1390 : i32
        %sign3A_1392 = arith.extui %sign3A_1391 : i1 to i32
        %sign3A_1393 = arith.subi %sign3A_1389, %sign3A_1392 : i32
        %sign3A_1394 = arith.constant 0 : i32
        %sign3A_1395 = arith.cmpi sgt, %jit3A_1385, %sign3A_1394 : i32
        %sign3A_1396 = arith.extui %sign3A_1395 : i1 to i32
        %sign3A_1397 = arith.constant 0 : i32
        %sign3A_1398 = arith.cmpi slt, %jit3A_1385, %sign3A_1397 : i32
        %sign3A_1399 = arith.extui %sign3A_1398 : i1 to i32
        %sign3A_1400 = arith.subi %sign3A_1396, %sign3A_1399 : i32
        %ne3A_1401 = arith.cmpi ne, %sign3A_1393, %sign3A_1400 : i32
        %rem3A_1402 = arith.remsi %add3A_1384, %jit3A_1385 : i32
        %ne3A_1403 = arith.constant 0 : i32
        %ne3A_1404 = arith.cmpi ne, %rem3A_1402, %ne3A_1403 : i32
        %and3A_1405 = arith.andi %ne3A_1401, %ne3A_1404 : i1
        %sub3A_1406 = arith.constant 1 : i32
        %sub3A_1407 = arith.subi %div3A_1386, %sub3A_1406 : i32
        %select_n3A_1408 = arith.select %and3A_1405, %sub3A_1407, %div3A_1386 : i32
        %mul3A_1409 = arith.constant 16 : i32
        %mul3A_1410 = arith.muli %select_n3A_1408, %mul3A_1409 : i32
        %get3A_1411 = arith.index_cast %mul3A_1410 : i32 to index
        %get3A_1412 = tpu.vector_load %arg14[%get3A_1411] {strides = array<i32>} : memref<512xi32, #tpu.memory_space<vmem>>, vector<16xi32>,
        %jit3A_1413 = arith.constant 16 : i32
        %eq3A_1414 = arith.constant 0 : i32
        %eq3A_1415 = arith.cmpi eq, %jit3A_1413, %eq3A_1414 : i32
        %jit3A_1416 = arith.constant 1 : i32
        %select_n3A_1417 = arith.select %eq3A_1415, %jit3A_1416, %jit3A_1413 : i32
        %rem3A_1418 = arith.remsi %add3A_1384, %select_n3A_1417 : i32
        %ne3A_1419 = arith.constant 0 : i32
        %ne3A_1420 = arith.cmpi ne, %rem3A_1418, %ne3A_1419 : i32
        %lt3A_1421 = arith.constant 0 : i32
        %lt3A_1422 = arith.cmpi slt, %rem3A_1418, %lt3A_1421 : i32
        %lt3A_1423 = arith.constant 0 : i32
        %lt3A_1424 = arith.cmpi slt, %select_n3A_1417, %lt3A_1423 : i32
        %ne3A_1425 = arith.xori %lt3A_1422, %lt3A_1424 : i1
        %and3A_1426 = arith.andi %ne3A_1425, %ne3A_1420 : i1
        %add3A_1427 = arith.addi %rem3A_1418, %select_n3A_1417 : i32
        %select_n3A_1428 = arith.select %and3A_1426, %add3A_1427, %rem3A_1418 : i32
        %eq3A_1429 = vector.broadcast %select_n3A_1428 : i32 to vector<16xi32>
        %eq3A_1430 = arith.cmpi eq, %iota3A, %eq3A_1429 : vector<16xi32>
        %jit3A_1431 = arith.constant 0 : i32
        %broadcast_in_dim3A_1432 = vector.broadcast %jit3A_1431 : i32 to vector<16xi32>
        %select_n3A_1433 = arith.select %eq3A_1430, %get3A_1412, %broadcast_in_dim3A_1432 : vector<16xi1>, vector<16xi32>
        %reduce_sum3A_1434 = arith.constant true
        %reduce_sum3A_1435 = vector.broadcast %reduce_sum3A_1434 : i1 to vector<16xi1>
        %reduce_sum3A_1436 = tpu.scan <sum>, %select_n3A_1433 masked %reduce_sum3A_1435 : vector<16xi32>, vector<16xi1> -> vector<16xi32>
        %reduce_sum3A_1437 = vector.extract %reduce_sum3A_1436[15] : i32 from vector<16xi32>
        %mul3A_1438 = arith.constant 128 : i32
        %mul3A_1439 = arith.muli %reduce_sum3A_1437, %mul3A_1438 : i32
        %multiple_of3A_1440 = tpu.assume_multiple %mul3A_1439, 128 : i32
        %dma_start3A_1441 = arith.constant 0 : i32
        %dma_start3A_1442 = tpu.memref_slice %arg6[%dma_start3A_1441, %multiple_of3A_1440] : memref<32x1000000xf32, #tpu.memory_space<hbm>> -> memref<32x128xf32, #tpu.memory_space<hbm>>
        %dma_start3A_1443 = arith.constant 0 : i32
        %dma_start3A_1444 = tpu.memref_slice %arg6[%dma_start3A_1443, %multiple_of3A_1440] : memref<32x1000000xf32, #tpu.memory_space<hbm>> -> memref<32x128xf32, #tpu.memory_space<hbm>>
        tpu.enqueue_dma source(%dma_start3A_1444 : memref<32x128xf32, #tpu.memory_space<hbm>>) target(%arg24 : memref<32x128xf32, #tpu.memory_space<vmem>>) target_semaphore(%arg37 : memref<!tpu.dma_semaphore, #tpu.memory_space<semaphore_mem>>)
        %dma_start3A_1445 = arith.constant 0 : i32
        %dma_start3A_1446 = tpu.memref_slice %arg8[%dma_start3A_1445, %multiple_of3A_1440] : memref<32x1000000xf32, #tpu.memory_space<hbm>> -> memref<32x128xf32, #tpu.memory_space<hbm>>
        %dma_start3A_1447 = arith.constant 0 : i32
        %dma_start3A_1448 = tpu.memref_slice %arg8[%dma_start3A_1447, %multiple_of3A_1440] : memref<32x1000000xf32, #tpu.memory_space<hbm>> -> memref<32x128xf32, #tpu.memory_space<hbm>>
        tpu.enqueue_dma source(%dma_start3A_1448 : memref<32x128xf32, #tpu.memory_space<hbm>>) target(%arg25 : memref<32x128xf32, #tpu.memory_space<vmem>>) target_semaphore(%arg37 : memref<!tpu.dma_semaphore, #tpu.memory_space<semaphore_mem>>)
      } else {
      }
      %dma_wait3A_802 = arith.constant 0 : i32
      %dma_wait3A_803 = arith.constant 0 : i32
      %dma_wait3A_804 = tpu.memref_slice %arg6[%dma_wait3A_802, %dma_wait3A_803] : memref<32x1000000xf32, #tpu.memory_space<hbm>> -> memref<32x128xf32, #tpu.memory_space<hbm>>
      %dma_wait3A_805 = arith.constant 0 : i32
      %dma_wait3A_806 = arith.constant 0 : i32
      %dma_wait3A_807 = tpu.memref_slice %arg6[%dma_wait3A_805, %dma_wait3A_806] : memref<32x1000000xf32, #tpu.memory_space<hbm>> -> memref<32x128xf32, #tpu.memory_space<hbm>>
      tpu.wait_dma2 semaphore(%arg38 : memref<!tpu.dma_semaphore, #tpu.memory_space<semaphore_mem>>) src(%dma_wait3A_807 : memref<32x128xf32, #tpu.memory_space<hbm>>) dst(%arg26 : memref<32x128xf32, #tpu.memory_space<vmem>>)
      %dma_wait3A_808 = arith.constant 0 : i32
      %dma_wait3A_809 = arith.constant 0 : i32
      %dma_wait3A_810 = tpu.memref_slice %arg8[%dma_wait3A_808, %dma_wait3A_809] : memref<32x1000000xf32, #tpu.memory_space<hbm>> -> memref<32x128xf32, #tpu.memory_space<hbm>>
      %dma_wait3A_811 = arith.constant 0 : i32
      %dma_wait3A_812 = arith.constant 0 : i32
      %dma_wait3A_813 = tpu.memref_slice %arg8[%dma_wait3A_811, %dma_wait3A_812] : memref<32x1000000xf32, #tpu.memory_space<hbm>> -> memref<32x128xf32, #tpu.memory_space<hbm>>
      tpu.wait_dma2 semaphore(%arg38 : memref<!tpu.dma_semaphore, #tpu.memory_space<semaphore_mem>>) src(%dma_wait3A_813 : memref<32x128xf32, #tpu.memory_space<hbm>>) dst(%arg27 : memref<32x128xf32, #tpu.memory_space<vmem>>)
      %dma_wait3A_814 = arith.constant 0 : i32
      %dma_wait3A_815 = arith.constant 0 : i32
      %dma_wait3A_816 = tpu.memref_slice %arg6[%dma_wait3A_814, %dma_wait3A_815] : memref<32x1000000xf32, #tpu.memory_space<hbm>> -> memref<32x128xf32, #tpu.memory_space<hbm>>
      %dma_wait3A_817 = arith.constant 0 : i32
      %dma_wait3A_818 = arith.constant 0 : i32
      %dma_wait3A_819 = tpu.memref_slice %arg6[%dma_wait3A_817, %dma_wait3A_818] : memref<32x1000000xf32, #tpu.memory_space<hbm>> -> memref<32x128xf32, #tpu.memory_space<hbm>>
      tpu.wait_dma2 semaphore(%arg38 : memref<!tpu.dma_semaphore, #tpu.memory_space<semaphore_mem>>) src(%dma_wait3A_819 : memref<32x128xf32, #tpu.memory_space<hbm>>) dst(%arg28 : memref<32x128xf32, #tpu.memory_space<vmem>>)
      %dma_wait3A_820 = arith.constant 0 : i32
      %dma_wait3A_821 = arith.constant 0 : i32
      %dma_wait3A_822 = tpu.memref_slice %arg8[%dma_wait3A_820, %dma_wait3A_821] : memref<32x1000000xf32, #tpu.memory_space<hbm>> -> memref<32x128xf32, #tpu.memory_space<hbm>>
      %dma_wait3A_823 = arith.constant 0 : i32
      %dma_wait3A_824 = arith.constant 0 : i32
      %dma_wait3A_825 = tpu.memref_slice %arg8[%dma_wait3A_823, %dma_wait3A_824] : memref<32x1000000xf32, #tpu.memory_space<hbm>> -> memref<32x128xf32, #tpu.memory_space<hbm>>
      tpu.wait_dma2 semaphore(%arg38 : memref<!tpu.dma_semaphore, #tpu.memory_space<semaphore_mem>>) src(%dma_wait3A_825 : memref<32x128xf32, #tpu.memory_space<hbm>>) dst(%arg29 : memref<32x128xf32, #tpu.memory_space<vmem>>)
      %mul3A_826 = arith.constant 2 : i32
      %mul3A_827 = arith.muli %add3A_792, %mul3A_826 : i32
      %add3A_828 = arith.constant 0 : i32
      %add3A_829 = arith.addi %mul3A_827, %add3A_828 : i32
      %jit3A_830 = arith.constant 16 : i32
      %div3A_831 = arith.divsi %add3A_829, %jit3A_830 : i32
      %sign3A_832 = arith.constant 0 : i32
      %sign3A_833 = arith.cmpi sgt, %add3A_829, %sign3A_832 : i32
      %sign3A_834 = arith.extui %sign3A_833 : i1 to i32
      %sign3A_835 = arith.constant 0 : i32
      %sign3A_836 = arith.cmpi slt, %add3A_829, %sign3A_835 : i32
      %sign3A_837 = arith.extui %sign3A_836 : i1 to i32
      %sign3A_838 = arith.subi %sign3A_834, %sign3A_837 : i32
      %sign3A_839 = arith.constant 0 : i32
      %sign3A_840 = arith.cmpi sgt, %jit3A_830, %sign3A_839 : i32
      %sign3A_841 = arith.extui %sign3A_840 : i1 to i32
      %sign3A_842 = arith.constant 0 : i32
      %sign3A_843 = arith.cmpi slt, %jit3A_830, %sign3A_842 : i32
      %sign3A_844 = arith.extui %sign3A_843 : i1 to i32
      %sign3A_845 = arith.subi %sign3A_841, %sign3A_844 : i32
      %ne3A_846 = arith.cmpi ne, %sign3A_838, %sign3A_845 : i32
      %rem3A_847 = arith.remsi %add3A_829, %jit3A_830 : i32
      %ne3A_848 = arith.constant 0 : i32
      %ne3A_849 = arith.cmpi ne, %rem3A_847, %ne3A_848 : i32
      %and3A_850 = arith.andi %ne3A_846, %ne3A_849 : i1
      %sub3A_851 = arith.constant 1 : i32
      %sub3A_852 = arith.subi %div3A_831, %sub3A_851 : i32
      %select_n3A_853 = arith.select %and3A_850, %sub3A_852, %div3A_831 : i32
      %mul3A_854 = arith.constant 16 : i32
      %mul3A_855 = arith.muli %select_n3A_853, %mul3A_854 : i32
      %get3A_856 = arith.index_cast %mul3A_855 : i32 to index
      %get3A_857 = tpu.vector_load %arg15[%get3A_856] {strides = array<i32>} : memref<512xi32, #tpu.memory_space<vmem>>, vector<16xi32>,
      %jit3A_858 = arith.constant 16 : i32
      %eq3A_859 = arith.constant 0 : i32
      %eq3A_860 = arith.cmpi eq, %jit3A_858, %eq3A_859 : i32
      %jit3A_861 = arith.constant 1 : i32
      %select_n3A_862 = arith.select %eq3A_860, %jit3A_861, %jit3A_858 : i32
      %rem3A_863 = arith.remsi %add3A_829, %select_n3A_862 : i32
      %ne3A_864 = arith.constant 0 : i32
      %ne3A_865 = arith.cmpi ne, %rem3A_863, %ne3A_864 : i32
      %lt3A_866 = arith.constant 0 : i32
      %lt3A_867 = arith.cmpi slt, %rem3A_863, %lt3A_866 : i32
      %lt3A_868 = arith.constant 0 : i32
      %lt3A_869 = arith.cmpi slt, %select_n3A_862, %lt3A_868 : i32
      %ne3A_870 = arith.xori %lt3A_867, %lt3A_869 : i1
      %and3A_871 = arith.andi %ne3A_870, %ne3A_865 : i1
      %add3A_872 = arith.addi %rem3A_863, %select_n3A_862 : i32
      %select_n3A_873 = arith.select %and3A_871, %add3A_872, %rem3A_863 : i32
      %eq3A_874 = vector.broadcast %select_n3A_873 : i32 to vector<16xi32>
      %eq3A_875 = arith.cmpi eq, %iota3A, %eq3A_874 : vector<16xi32>
      %jit3A_876 = arith.constant 0 : i32
      %broadcast_in_dim3A_877 = vector.broadcast %jit3A_876 : i32 to vector<16xi32>
      %select_n3A_878 = arith.select %eq3A_875, %get3A_857, %broadcast_in_dim3A_877 : vector<16xi1>, vector<16xi32>
      %reduce_sum3A_879 = arith.constant true
      %reduce_sum3A_880 = vector.broadcast %reduce_sum3A_879 : i1 to vector<16xi1>
      %reduce_sum3A_881 = tpu.scan <sum>, %select_n3A_878 masked %reduce_sum3A_880 : vector<16xi32>, vector<16xi1> -> vector<16xi32>
      %reduce_sum3A_882 = vector.extract %reduce_sum3A_881[15] : i32 from vector<16xi32>
      %broadcast_in_dim3A_883 = arith.constant 0 : i32
      %broadcast_in_dim3A_884 = vector.broadcast %broadcast_in_dim3A_883 : i32 to vector<16xi32>
      %add3A_885 = vector.broadcast %reduce_sum3A_882 : i32 to vector<16xi32>
      %add3A_886 = arith.addi %broadcast_in_dim3A_884, %add3A_885 : vector<16xi32>
      %jit3A_887 = arith.constant 128 : i32
      %eq3A_888 = arith.constant 0 : i32
      %eq3A_889 = arith.cmpi eq, %jit3A_887, %eq3A_888 : i32
      %jit3A_890 = arith.constant 1 : i32
      %select_n3A_891 = arith.select %eq3A_889, %jit3A_890, %jit3A_887 : i32
      %rem3A_892 = arith.remsi %add3A_829, %select_n3A_891 : i32
      %ne3A_893 = arith.constant 0 : i32
      %ne3A_894 = arith.cmpi ne, %rem3A_892, %ne3A_893 : i32
      %lt3A_895 = arith.constant 0 : i32
      %lt3A_896 = arith.cmpi slt, %rem3A_892, %lt3A_895 : i32
      %lt3A_897 = arith.constant 0 : i32
      %lt3A_898 = arith.cmpi slt, %select_n3A_891, %lt3A_897 : i32
      %ne3A_899 = arith.xori %lt3A_896, %lt3A_898 : i1
      %and3A_900 = arith.andi %ne3A_899, %ne3A_894 : i1
      %add3A_901 = arith.addi %rem3A_892, %select_n3A_891 : i32
      %select_n3A_902 = arith.select %and3A_900, %add3A_901, %rem3A_892 : i32
      %mul3A_903 = arith.constant 32 : i32
      %mul3A_904 = arith.muli %select_n3A_902, %mul3A_903 : i32
      %gather3A_905 = tpu.vector_load_idx %arg26[%iota3A, %add3A_886] : memref<32x128xf32, #tpu.memory_space<vmem>>[vector<16xi32>, vector<16xi32>], vector<16xf32>,
      %swap3A_906 = arith.index_cast %mul3A_904 : i32 to index
      %swap3A_907 = tpu.vector_load %arg34[%swap3A_906] {strides = array<i32>} : memref<4096xf32, #tpu.memory_space<vmem>>, vector<16xf32>,
      tpu.vector_store %arg34[%swap3A_906], %gather3A_905 {strides = array<i32>} : memref<4096xf32, #tpu.memory_space<vmem>>, vector<16xf32>,
      %add3A_908 = arith.constant 16 : i32
      %add3A_909 = vector.broadcast %add3A_908 : i32 to vector<16xi32>
      %add3A_910 = arith.addi %iota3A, %add3A_909 : vector<16xi32>
      %gather3A_911 = tpu.vector_load_idx %arg26[%add3A_910, %add3A_886] : memref<32x128xf32, #tpu.memory_space<vmem>>[vector<16xi32>, vector<16xi32>], vector<16xf32>,
      %add3A_912 = arith.constant 16 : i32
      %add3A_913 = arith.addi %mul3A_904, %add3A_912 : i32
      %swap3A_914 = arith.index_cast %add3A_913 : i32 to index
      %swap3A_915 = tpu.vector_load %arg34[%swap3A_914] {strides = array<i32>} : memref<4096xf32, #tpu.memory_space<vmem>>, vector<16xf32>,
      tpu.vector_store %arg34[%swap3A_914], %gather3A_911 {strides = array<i32>} : memref<4096xf32, #tpu.memory_space<vmem>>, vector<16xf32>,
      %gather3A_916 = tpu.vector_load_idx %arg27[%iota3A, %add3A_886] : memref<32x128xf32, #tpu.memory_space<vmem>>[vector<16xi32>, vector<16xi32>], vector<16xf32>,
      %swap3A_917 = arith.index_cast %mul3A_904 : i32 to index
      %swap3A_918 = tpu.vector_load %arg35[%swap3A_917] {strides = array<i32>} : memref<4096xf32, #tpu.memory_space<vmem>>, vector<16xf32>,
      tpu.vector_store %arg35[%swap3A_917], %gather3A_916 {strides = array<i32>} : memref<4096xf32, #tpu.memory_space<vmem>>, vector<16xf32>,
      %add3A_919 = arith.constant 16 : i32
      %add3A_920 = vector.broadcast %add3A_919 : i32 to vector<16xi32>
      %add3A_921 = arith.addi %iota3A, %add3A_920 : vector<16xi32>
      %gather3A_922 = tpu.vector_load_idx %arg27[%add3A_921, %add3A_886] : memref<32x128xf32, #tpu.memory_space<vmem>>[vector<16xi32>, vector<16xi32>], vector<16xf32>,
      %add3A_923 = arith.constant 16 : i32
      %add3A_924 = arith.addi %mul3A_904, %add3A_923 : i32
      %swap3A_925 = arith.index_cast %add3A_924 : i32 to index
      %swap3A_926 = tpu.vector_load %arg35[%swap3A_925] {strides = array<i32>} : memref<4096xf32, #tpu.memory_space<vmem>>, vector<16xf32>,
      tpu.vector_store %arg35[%swap3A_925], %gather3A_922 {strides = array<i32>} : memref<4096xf32, #tpu.memory_space<vmem>>, vector<16xf32>,
      %mul3A_927 = arith.constant 2 : i32
      %mul3A_928 = arith.muli %add3A_792, %mul3A_927 : i32
      %add3A_929 = arith.constant 1 : i32
      %add3A_930 = arith.addi %mul3A_928, %add3A_929 : i32
      %jit3A_931 = arith.constant 16 : i32
      %div3A_932 = arith.divsi %add3A_930, %jit3A_931 : i32
      %sign3A_933 = arith.constant 0 : i32
      %sign3A_934 = arith.cmpi sgt, %add3A_930, %sign3A_933 : i32
      %sign3A_935 = arith.extui %sign3A_934 : i1 to i32
      %sign3A_936 = arith.constant 0 : i32
      %sign3A_937 = arith.cmpi slt, %add3A_930, %sign3A_936 : i32
      %sign3A_938 = arith.extui %sign3A_937 : i1 to i32
      %sign3A_939 = arith.subi %sign3A_935, %sign3A_938 : i32
      %sign3A_940 = arith.constant 0 : i32
      %sign3A_941 = arith.cmpi sgt, %jit3A_931, %sign3A_940 : i32
      %sign3A_942 = arith.extui %sign3A_941 : i1 to i32
      %sign3A_943 = arith.constant 0 : i32
      %sign3A_944 = arith.cmpi slt, %jit3A_931, %sign3A_943 : i32
      %sign3A_945 = arith.extui %sign3A_944 : i1 to i32
      %sign3A_946 = arith.subi %sign3A_942, %sign3A_945 : i32
      %ne3A_947 = arith.cmpi ne, %sign3A_939, %sign3A_946 : i32
      %rem3A_948 = arith.remsi %add3A_930, %jit3A_931 : i32
      %ne3A_949 = arith.constant 0 : i32
      %ne3A_950 = arith.cmpi ne, %rem3A_948, %ne3A_949 : i32
      %and3A_951 = arith.andi %ne3A_947, %ne3A_950 : i1
      %sub3A_952 = arith.constant 1 : i32
      %sub3A_953 = arith.subi %div3A_932, %sub3A_952 : i32
      %select_n3A_954 = arith.select %and3A_951, %sub3A_953, %div3A_932 : i32
      %mul3A_955 = arith.constant 16 : i32
      %mul3A_956 = arith.muli %select_n3A_954, %mul3A_955 : i32
      %get3A_957 = arith.index_cast %mul3A_956 : i32 to index
      %get3A_958 = tpu.vector_load %arg15[%get3A_957] {strides = array<i32>} : memref<512xi32, #tpu.memory_space<vmem>>, vector<16xi32>,
      %jit3A_959 = arith.constant 16 : i32
      %eq3A_960 = arith.constant 0 : i32
      %eq3A_961 = arith.cmpi eq, %jit3A_959, %eq3A_960 : i32
      %jit3A_962 = arith.constant 1 : i32
      %select_n3A_963 = arith.select %eq3A_961, %jit3A_962, %jit3A_959 : i32
      %rem3A_964 = arith.remsi %add3A_930, %select_n3A_963 : i32
      %ne3A_965 = arith.constant 0 : i32
      %ne3A_966 = arith.cmpi ne, %rem3A_964, %ne3A_965 : i32
      %lt3A_967 = arith.constant 0 : i32
      %lt3A_968 = arith.cmpi slt, %rem3A_964, %lt3A_967 : i32
      %lt3A_969 = arith.constant 0 : i32
      %lt3A_970 = arith.cmpi slt, %select_n3A_963, %lt3A_969 : i32
      %ne3A_971 = arith.xori %lt3A_968, %lt3A_970 : i1
      %and3A_972 = arith.andi %ne3A_971, %ne3A_966 : i1
      %add3A_973 = arith.addi %rem3A_964, %select_n3A_963 : i32
      %select_n3A_974 = arith.select %and3A_972, %add3A_973, %rem3A_964 : i32
      %eq3A_975 = vector.broadcast %select_n3A_974 : i32 to vector<16xi32>
      %eq3A_976 = arith.cmpi eq, %iota3A, %eq3A_975 : vector<16xi32>
      %jit3A_977 = arith.constant 0 : i32
      %broadcast_in_dim3A_978 = vector.broadcast %jit3A_977 : i32 to vector<16xi32>
      %select_n3A_979 = arith.select %eq3A_976, %get3A_958, %broadcast_in_dim3A_978 : vector<16xi1>, vector<16xi32>
      %reduce_sum3A_980 = arith.constant true
      %reduce_sum3A_981 = vector.broadcast %reduce_sum3A_980 : i1 to vector<16xi1>
      %reduce_sum3A_982 = tpu.scan <sum>, %select_n3A_979 masked %reduce_sum3A_981 : vector<16xi32>, vector<16xi1> -> vector<16xi32>
      %reduce_sum3A_983 = vector.extract %reduce_sum3A_982[15] : i32 from vector<16xi32>
      %broadcast_in_dim3A_984 = arith.constant 0 : i32
      %broadcast_in_dim3A_985 = vector.broadcast %broadcast_in_dim3A_984 : i32 to vector<16xi32>
      %add3A_986 = vector.broadcast %reduce_sum3A_983 : i32 to vector<16xi32>
      %add3A_987 = arith.addi %broadcast_in_dim3A_985, %add3A_986 : vector<16xi32>
      %jit3A_988 = arith.constant 128 : i32
      %eq3A_989 = arith.constant 0 : i32
      %eq3A_990 = arith.cmpi eq, %jit3A_988, %eq3A_989 : i32
      %jit3A_991 = arith.constant 1 : i32
      %select_n3A_992 = arith.select %eq3A_990, %jit3A_991, %jit3A_988 : i32
      %rem3A_993 = arith.remsi %add3A_930, %select_n3A_992 : i32
      %ne3A_994 = arith.constant 0 : i32
      %ne3A_995 = arith.cmpi ne, %rem3A_993, %ne3A_994 : i32
      %lt3A_996 = arith.constant 0 : i32
      %lt3A_997 = arith.cmpi slt, %rem3A_993, %lt3A_996 : i32
      %lt3A_998 = arith.constant 0 : i32
      %lt3A_999 = arith.cmpi slt, %select_n3A_992, %lt3A_998 : i32
      %ne3A_1000 = arith.xori %lt3A_997, %lt3A_999 : i1
      %and3A_1001 = arith.andi %ne3A_1000, %ne3A_995 : i1
      %add3A_1002 = arith.addi %rem3A_993, %select_n3A_992 : i32
      %select_n3A_1003 = arith.select %and3A_1001, %add3A_1002, %rem3A_993 : i32
      %mul3A_1004 = arith.constant 32 : i32
      %mul3A_1005 = arith.muli %select_n3A_1003, %mul3A_1004 : i32
      %gather3A_1006 = tpu.vector_load_idx %arg28[%iota3A, %add3A_987] : memref<32x128xf32, #tpu.memory_space<vmem>>[vector<16xi32>, vector<16xi32>], vector<16xf32>,
      %swap3A_1007 = arith.index_cast %mul3A_1005 : i32 to index
      %swap3A_1008 = tpu.vector_load %arg34[%swap3A_1007] {strides = array<i32>} : memref<4096xf32, #tpu.memory_space<vmem>>, vector<16xf32>,
      tpu.vector_store %arg34[%swap3A_1007], %gather3A_1006 {strides = array<i32>} : memref<4096xf32, #tpu.memory_space<vmem>>, vector<16xf32>,
      %add3A_1009 = arith.constant 16 : i32
      %add3A_1010 = vector.broadcast %add3A_1009 : i32 to vector<16xi32>
      %add3A_1011 = arith.addi %iota3A, %add3A_1010 : vector<16xi32>
      %gather3A_1012 = tpu.vector_load_idx %arg28[%add3A_1011, %add3A_987] : memref<32x128xf32, #tpu.memory_space<vmem>>[vector<16xi32>, vector<16xi32>], vector<16xf32>,
      %add3A_1013 = arith.constant 16 : i32
      %add3A_1014 = arith.addi %mul3A_1005, %add3A_1013 : i32
      %swap3A_1015 = arith.index_cast %add3A_1014 : i32 to index
      %swap3A_1016 = tpu.vector_load %arg34[%swap3A_1015] {strides = array<i32>} : memref<4096xf32, #tpu.memory_space<vmem>>, vector<16xf32>,
      tpu.vector_store %arg34[%swap3A_1015], %gather3A_1012 {strides = array<i32>} : memref<4096xf32, #tpu.memory_space<vmem>>, vector<16xf32>,
      %gather3A_1017 = tpu.vector_load_idx %arg29[%iota3A, %add3A_987] : memref<32x128xf32, #tpu.memory_space<vmem>>[vector<16xi32>, vector<16xi32>], vector<16xf32>,
      %swap3A_1018 = arith.index_cast %mul3A_1005 : i32 to index
      %swap3A_1019 = tpu.vector_load %arg35[%swap3A_1018] {strides = array<i32>} : memref<4096xf32, #tpu.memory_space<vmem>>, vector<16xf32>,
      tpu.vector_store %arg35[%swap3A_1018], %gather3A_1017 {strides = array<i32>} : memref<4096xf32, #tpu.memory_space<vmem>>, vector<16xf32>,
      %add3A_1020 = arith.constant 16 : i32
      %add3A_1021 = vector.broadcast %add3A_1020 : i32 to vector<16xi32>
      %add3A_1022 = arith.addi %iota3A, %add3A_1021 : vector<16xi32>
      %gather3A_1023 = tpu.vector_load_idx %arg29[%add3A_1022, %add3A_987] : memref<32x128xf32, #tpu.memory_space<vmem>>[vector<16xi32>, vector<16xi32>], vector<16xf32>,
      %add3A_1024 = arith.constant 16 : i32
      %add3A_1025 = arith.addi %mul3A_1005, %add3A_1024 : i32
      %swap3A_1026 = arith.index_cast %add3A_1025 : i32 to index
      %swap3A_1027 = tpu.vector_load %arg35[%swap3A_1026] {strides = array<i32>} : memref<4096xf32, #tpu.memory_space<vmem>>, vector<16xf32>,
      tpu.vector_store %arg35[%swap3A_1026], %gather3A_1023 {strides = array<i32>} : memref<4096xf32, #tpu.memory_space<vmem>>, vector<16xf32>,
      %jit3A_1028 = arith.constant 64 : i32
      %eq3A_1029 = arith.constant 0 : i32
      %eq3A_1030 = arith.cmpi eq, %jit3A_1028, %eq3A_1029 : i32
      %jit3A_1031 = arith.constant 1 : i32
      %select_n3A_1032 = arith.select %eq3A_1030, %jit3A_1031, %jit3A_1028 : i32
      %rem3A_1033 = arith.remsi %add3A_792, %select_n3A_1032 : i32
      %ne3A_1034 = arith.constant 0 : i32
      %ne3A_1035 = arith.cmpi ne, %rem3A_1033, %ne3A_1034 : i32
      %lt3A_1036 = arith.constant 0 : i32
      %lt3A_1037 = arith.cmpi slt, %rem3A_1033, %lt3A_1036 : i32
      %lt3A_1038 = arith.constant 0 : i32
      %lt3A_1039 = arith.cmpi slt, %select_n3A_1032, %lt3A_1038 : i32
      %ne3A_1040 = arith.xori %lt3A_1037, %lt3A_1039 : i1
      %and3A_1041 = arith.andi %ne3A_1040, %ne3A_1035 : i1
      %add3A_1042 = arith.addi %rem3A_1033, %select_n3A_1032 : i32
      %select_n3A_1043 = arith.select %and3A_1041, %add3A_1042, %rem3A_1033 : i32
      %eq3A_1044 = arith.constant 63 : i32
      %eq3A_1045 = arith.cmpi eq, %select_n3A_1043, %eq3A_1044 : i32
      %convert_element_type3A_1046 = arith.extui %eq3A_1045 : i1 to i32
      %cond3A_1047 = arith.constant 0 : i32
      %cond3A_1048 = arith.cmpi ne, %convert_element_type3A_1046, %cond3A_1047 : i32
      scf.if %cond3A_1048 {
        %jit3A_1309 = arith.constant 64 : i32
        %div3A_1310 = arith.divsi %add3A_792, %jit3A_1309 : i32
        %sign3A_1311 = arith.constant 0 : i32
        %sign3A_1312 = arith.cmpi sgt, %add3A_792, %sign3A_1311 : i32
        %sign3A_1313 = arith.extui %sign3A_1312 : i1 to i32
        %sign3A_1314 = arith.constant 0 : i32
        %sign3A_1315 = arith.cmpi slt, %add3A_792, %sign3A_1314 : i32
        %sign3A_1316 = arith.extui %sign3A_1315 : i1 to i32
        %sign3A_1317 = arith.subi %sign3A_1313, %sign3A_1316 : i32
        %sign3A_1318 = arith.constant 0 : i32
        %sign3A_1319 = arith.cmpi sgt, %jit3A_1309, %sign3A_1318 : i32
        %sign3A_1320 = arith.extui %sign3A_1319 : i1 to i32
        %sign3A_1321 = arith.constant 0 : i32
        %sign3A_1322 = arith.cmpi slt, %jit3A_1309, %sign3A_1321 : i32
        %sign3A_1323 = arith.extui %sign3A_1322 : i1 to i32
        %sign3A_1324 = arith.subi %sign3A_1320, %sign3A_1323 : i32
        %ne3A_1325 = arith.cmpi ne, %sign3A_1317, %sign3A_1324 : i32
        %rem3A_1326 = arith.remsi %add3A_792, %jit3A_1309 : i32
        %ne3A_1327 = arith.constant 0 : i32
        %ne3A_1328 = arith.cmpi ne, %rem3A_1326, %ne3A_1327 : i32
        %and3A_1329 = arith.andi %ne3A_1325, %ne3A_1328 : i1
        %sub3A_1330 = arith.constant 1 : i32
        %sub3A_1331 = arith.subi %div3A_1310, %sub3A_1330 : i32
        %select_n3A_1332 = arith.select %and3A_1329, %sub3A_1331, %div3A_1310 : i32
        %mul3A_1333 = arith.constant 32 : i32
        %mul3A_1334 = arith.muli %mul3A_2, %mul3A_1333 : i32
        %mul3A_1335 = arith.constant 4096 : i32
        %mul3A_1336 = arith.muli %select_n3A_1332, %mul3A_1335 : i32
        %add3A_1337 = arith.addi %mul3A_1334, %mul3A_1336 : i32
        "tpu.region"() ({
          %run_scoped3A = tpu.sem_alloc : memref<!tpu.dma_semaphore, #tpu.memory_space<semaphore_mem>>
          %dma_start3A_1343 = tpu.memref_slice %arg10[%add3A_1337] : memref<524288xf32, #tpu.memory_space<hbm>> -> memref<4096xf32, #tpu.memory_space<hbm>>
          %dma_start3A_1344 = tpu.memref_slice %arg10[%add3A_1337] : memref<524288xf32, #tpu.memory_space<hbm>> -> memref<4096xf32, #tpu.memory_space<hbm>>
          tpu.enqueue_dma source(%arg34 : memref<4096xf32, #tpu.memory_space<vmem>>) target(%dma_start3A_1344 : memref<4096xf32, #tpu.memory_space<hbm>>) target_semaphore(%run_scoped3A : memref<!tpu.dma_semaphore, #tpu.memory_space<semaphore_mem>>)
          %dma_wait3A_1345 = tpu.memref_slice %arg10[%add3A_1337] : memref<524288xf32, #tpu.memory_space<hbm>> -> memref<4096xf32, #tpu.memory_space<hbm>>
          %dma_wait3A_1346 = tpu.memref_slice %arg10[%add3A_1337] : memref<524288xf32, #tpu.memory_space<hbm>> -> memref<4096xf32, #tpu.memory_space<hbm>>
          tpu.wait_dma2 semaphore(%run_scoped3A : memref<!tpu.dma_semaphore, #tpu.memory_space<semaphore_mem>>) src(%arg34 : memref<4096xf32, #tpu.memory_space<vmem>>) dst(%dma_wait3A_1346 : memref<4096xf32, #tpu.memory_space<hbm>>)
          tpu.yield
        }) : () -> ()
        %mul3A_1338 = arith.constant 32 : i32
        %mul3A_1339 = arith.muli %mul3A_2, %mul3A_1338 : i32
        %mul3A_1340 = arith.constant 4096 : i32
        %mul3A_1341 = arith.muli %select_n3A_1332, %mul3A_1340 : i32
        %add3A_1342 = arith.addi %mul3A_1339, %mul3A_1341 : i32
        "tpu.region"() ({
          %run_scoped3A = tpu.sem_alloc : memref<!tpu.dma_semaphore, #tpu.memory_space<semaphore_mem>>
          %dma_start3A_1343 = tpu.memref_slice %arg11[%add3A_1342] : memref<524288xf32, #tpu.memory_space<hbm>> -> memref<4096xf32, #tpu.memory_space<hbm>>
          %dma_start3A_1344 = tpu.memref_slice %arg11[%add3A_1342] : memref<524288xf32, #tpu.memory_space<hbm>> -> memref<4096xf32, #tpu.memory_space<hbm>>
          tpu.enqueue_dma source(%arg35 : memref<4096xf32, #tpu.memory_space<vmem>>) target(%dma_start3A_1344 : memref<4096xf32, #tpu.memory_space<hbm>>) target_semaphore(%run_scoped3A : memref<!tpu.dma_semaphore, #tpu.memory_space<semaphore_mem>>)
          %dma_wait3A_1345 = tpu.memref_slice %arg11[%add3A_1342] : memref<524288xf32, #tpu.memory_space<hbm>> -> memref<4096xf32, #tpu.memory_space<hbm>>
          %dma_wait3A_1346 = tpu.memref_slice %arg11[%add3A_1342] : memref<524288xf32, #tpu.memory_space<hbm>> -> memref<4096xf32, #tpu.memory_space<hbm>>
          tpu.wait_dma2 semaphore(%run_scoped3A : memref<!tpu.dma_semaphore, #tpu.memory_space<semaphore_mem>>) src(%arg35 : memref<4096xf32, #tpu.memory_space<vmem>>) dst(%dma_wait3A_1346 : memref<4096xf32, #tpu.memory_space<hbm>>)
          tpu.yield
        }) : () -> ()
      } else {
      }
      %mul3A_1049 = arith.constant 4 : i32
      %mul3A_1050 = arith.muli %scan3A_280, %mul3A_1049 : i32
      %add3A_1051 = arith.constant 3 : i32
      %add3A_1052 = arith.addi %mul3A_1050, %add3A_1051 : i32
      %add3A_1053 = arith.constant 4 : i32
      %add3A_1054 = arith.addi %add3A_1052, %add3A_1053 : i32
      %sub3A_1055 = arith.constant 1 : i32
      %sub3A_1056 = arith.subi %add3A_1054, %sub3A_1055 : i32
      %lt3A_1057 = arith.constant 256 : i32
      %lt3A_1058 = arith.cmpi slt, %sub3A_1056, %lt3A_1057 : i32
      %convert_element_type3A_1059 = arith.extui %lt3A_1058 : i1 to i32
      %cond3A_1060 = arith.constant 0 : i32
      %cond3A_1061 = arith.cmpi ne, %convert_element_type3A_1059, %cond3A_1060 : i32
      scf.if %cond3A_1061 {
        %add3A_1309 = arith.constant 4 : i32
        %add3A_1310 = arith.addi %add3A_1052, %add3A_1309 : i32
        %sub3A_1311 = arith.constant 1 : i32
        %sub3A_1312 = arith.subi %add3A_1310, %sub3A_1311 : i32
        %mul3A_1313 = arith.constant 2 : i32
        %mul3A_1314 = arith.muli %sub3A_1312, %mul3A_1313 : i32
        %add3A_1315 = arith.constant 0 : i32
        %add3A_1316 = arith.addi %mul3A_1314, %add3A_1315 : i32
        %jit3A_1317 = arith.constant 16 : i32
        %div3A_1318 = arith.divsi %add3A_1316, %jit3A_1317 : i32
        %sign3A_1319 = arith.constant 0 : i32
        %sign3A_1320 = arith.cmpi sgt, %add3A_1316, %sign3A_1319 : i32
        %sign3A_1321 = arith.extui %sign3A_1320 : i1 to i32
        %sign3A_1322 = arith.constant 0 : i32
        %sign3A_1323 = arith.cmpi slt, %add3A_1316, %sign3A_1322 : i32
        %sign3A_1324 = arith.extui %sign3A_1323 : i1 to i32
        %sign3A_1325 = arith.subi %sign3A_1321, %sign3A_1324 : i32
        %sign3A_1326 = arith.constant 0 : i32
        %sign3A_1327 = arith.cmpi sgt, %jit3A_1317, %sign3A_1326 : i32
        %sign3A_1328 = arith.extui %sign3A_1327 : i1 to i32
        %sign3A_1329 = arith.constant 0 : i32
        %sign3A_1330 = arith.cmpi slt, %jit3A_1317, %sign3A_1329 : i32
        %sign3A_1331 = arith.extui %sign3A_1330 : i1 to i32
        %sign3A_1332 = arith.subi %sign3A_1328, %sign3A_1331 : i32
        %ne3A_1333 = arith.cmpi ne, %sign3A_1325, %sign3A_1332 : i32
        %rem3A_1334 = arith.remsi %add3A_1316, %jit3A_1317 : i32
        %ne3A_1335 = arith.constant 0 : i32
        %ne3A_1336 = arith.cmpi ne, %rem3A_1334, %ne3A_1335 : i32
        %and3A_1337 = arith.andi %ne3A_1333, %ne3A_1336 : i1
        %sub3A_1338 = arith.constant 1 : i32
        %sub3A_1339 = arith.subi %div3A_1318, %sub3A_1338 : i32
        %select_n3A_1340 = arith.select %and3A_1337, %sub3A_1339, %div3A_1318 : i32
        %mul3A_1341 = arith.constant 16 : i32
        %mul3A_1342 = arith.muli %select_n3A_1340, %mul3A_1341 : i32
        %get3A_1343 = arith.index_cast %mul3A_1342 : i32 to index
        %get3A_1344 = tpu.vector_load %arg14[%get3A_1343] {strides = array<i32>} : memref<512xi32, #tpu.memory_space<vmem>>, vector<16xi32>,
        %jit3A_1345 = arith.constant 16 : i32
        %eq3A_1346 = arith.constant 0 : i32
        %eq3A_1347 = arith.cmpi eq, %jit3A_1345, %eq3A_1346 : i32
        %jit3A_1348 = arith.constant 1 : i32
        %select_n3A_1349 = arith.select %eq3A_1347, %jit3A_1348, %jit3A_1345 : i32
        %rem3A_1350 = arith.remsi %add3A_1316, %select_n3A_1349 : i32
        %ne3A_1351 = arith.constant 0 : i32
        %ne3A_1352 = arith.cmpi ne, %rem3A_1350, %ne3A_1351 : i32
        %lt3A_1353 = arith.constant 0 : i32
        %lt3A_1354 = arith.cmpi slt, %rem3A_1350, %lt3A_1353 : i32
        %lt3A_1355 = arith.constant 0 : i32
        %lt3A_1356 = arith.cmpi slt, %select_n3A_1349, %lt3A_1355 : i32
        %ne3A_1357 = arith.xori %lt3A_1354, %lt3A_1356 : i1
        %and3A_1358 = arith.andi %ne3A_1357, %ne3A_1352 : i1
        %add3A_1359 = arith.addi %rem3A_1350, %select_n3A_1349 : i32
        %select_n3A_1360 = arith.select %and3A_1358, %add3A_1359, %rem3A_1350 : i32
        %eq3A_1361 = vector.broadcast %select_n3A_1360 : i32 to vector<16xi32>
        %eq3A_1362 = arith.cmpi eq, %iota3A, %eq3A_1361 : vector<16xi32>
        %jit3A_1363 = arith.constant 0 : i32
        %broadcast_in_dim3A_1364 = vector.broadcast %jit3A_1363 : i32 to vector<16xi32>
        %select_n3A_1365 = arith.select %eq3A_1362, %get3A_1344, %broadcast_in_dim3A_1364 : vector<16xi1>, vector<16xi32>
        %reduce_sum3A_1366 = arith.constant true
        %reduce_sum3A_1367 = vector.broadcast %reduce_sum3A_1366 : i1 to vector<16xi1>
        %reduce_sum3A_1368 = tpu.scan <sum>, %select_n3A_1365 masked %reduce_sum3A_1367 : vector<16xi32>, vector<16xi1> -> vector<16xi32>
        %reduce_sum3A_1369 = vector.extract %reduce_sum3A_1368[15] : i32 from vector<16xi32>
        %mul3A_1370 = arith.constant 128 : i32
        %mul3A_1371 = arith.muli %reduce_sum3A_1369, %mul3A_1370 : i32
        %multiple_of3A_1372 = tpu.assume_multiple %mul3A_1371, 128 : i32
        %dma_start3A_1373 = arith.constant 0 : i32
        %dma_start3A_1374 = tpu.memref_slice %arg6[%dma_start3A_1373, %multiple_of3A_1372] : memref<32x1000000xf32, #tpu.memory_space<hbm>> -> memref<32x128xf32, #tpu.memory_space<hbm>>
        %dma_start3A_1375 = arith.constant 0 : i32
        %dma_start3A_1376 = tpu.memref_slice %arg6[%dma_start3A_1375, %multiple_of3A_1372] : memref<32x1000000xf32, #tpu.memory_space<hbm>> -> memref<32x128xf32, #tpu.memory_space<hbm>>
        tpu.enqueue_dma source(%dma_start3A_1376 : memref<32x128xf32, #tpu.memory_space<hbm>>) target(%arg26 : memref<32x128xf32, #tpu.memory_space<vmem>>) target_semaphore(%arg38 : memref<!tpu.dma_semaphore, #tpu.memory_space<semaphore_mem>>)
        %dma_start3A_1377 = arith.constant 0 : i32
        %dma_start3A_1378 = tpu.memref_slice %arg8[%dma_start3A_1377, %multiple_of3A_1372] : memref<32x1000000xf32, #tpu.memory_space<hbm>> -> memref<32x128xf32, #tpu.memory_space<hbm>>
        %dma_start3A_1379 = arith.constant 0 : i32
        %dma_start3A_1380 = tpu.memref_slice %arg8[%dma_start3A_1379, %multiple_of3A_1372] : memref<32x1000000xf32, #tpu.memory_space<hbm>> -> memref<32x128xf32, #tpu.memory_space<hbm>>
        tpu.enqueue_dma source(%dma_start3A_1380 : memref<32x128xf32, #tpu.memory_space<hbm>>) target(%arg27 : memref<32x128xf32, #tpu.memory_space<vmem>>) target_semaphore(%arg38 : memref<!tpu.dma_semaphore, #tpu.memory_space<semaphore_mem>>)
        %mul3A_1381 = arith.constant 2 : i32
        %mul3A_1382 = arith.muli %sub3A_1312, %mul3A_1381 : i32
        %add3A_1383 = arith.constant 1 : i32
        %add3A_1384 = arith.addi %mul3A_1382, %add3A_1383 : i32
        %jit3A_1385 = arith.constant 16 : i32
        %div3A_1386 = arith.divsi %add3A_1384, %jit3A_1385 : i32
        %sign3A_1387 = arith.constant 0 : i32
        %sign3A_1388 = arith.cmpi sgt, %add3A_1384, %sign3A_1387 : i32
        %sign3A_1389 = arith.extui %sign3A_1388 : i1 to i32
        %sign3A_1390 = arith.constant 0 : i32
        %sign3A_1391 = arith.cmpi slt, %add3A_1384, %sign3A_1390 : i32
        %sign3A_1392 = arith.extui %sign3A_1391 : i1 to i32
        %sign3A_1393 = arith.subi %sign3A_1389, %sign3A_1392 : i32
        %sign3A_1394 = arith.constant 0 : i32
        %sign3A_1395 = arith.cmpi sgt, %jit3A_1385, %sign3A_1394 : i32
        %sign3A_1396 = arith.extui %sign3A_1395 : i1 to i32
        %sign3A_1397 = arith.constant 0 : i32
        %sign3A_1398 = arith.cmpi slt, %jit3A_1385, %sign3A_1397 : i32
        %sign3A_1399 = arith.extui %sign3A_1398 : i1 to i32
        %sign3A_1400 = arith.subi %sign3A_1396, %sign3A_1399 : i32
        %ne3A_1401 = arith.cmpi ne, %sign3A_1393, %sign3A_1400 : i32
        %rem3A_1402 = arith.remsi %add3A_1384, %jit3A_1385 : i32
        %ne3A_1403 = arith.constant 0 : i32
        %ne3A_1404 = arith.cmpi ne, %rem3A_1402, %ne3A_1403 : i32
        %and3A_1405 = arith.andi %ne3A_1401, %ne3A_1404 : i1
        %sub3A_1406 = arith.constant 1 : i32
        %sub3A_1407 = arith.subi %div3A_1386, %sub3A_1406 : i32
        %select_n3A_1408 = arith.select %and3A_1405, %sub3A_1407, %div3A_1386 : i32
        %mul3A_1409 = arith.constant 16 : i32
        %mul3A_1410 = arith.muli %select_n3A_1408, %mul3A_1409 : i32
        %get3A_1411 = arith.index_cast %mul3A_1410 : i32 to index
        %get3A_1412 = tpu.vector_load %arg14[%get3A_1411] {strides = array<i32>} : memref<512xi32, #tpu.memory_space<vmem>>, vector<16xi32>,
        %jit3A_1413 = arith.constant 16 : i32
        %eq3A_1414 = arith.constant 0 : i32
        %eq3A_1415 = arith.cmpi eq, %jit3A_1413, %eq3A_1414 : i32
        %jit3A_1416 = arith.constant 1 : i32
        %select_n3A_1417 = arith.select %eq3A_1415, %jit3A_1416, %jit3A_1413 : i32
        %rem3A_1418 = arith.remsi %add3A_1384, %select_n3A_1417 : i32
        %ne3A_1419 = arith.constant 0 : i32
        %ne3A_1420 = arith.cmpi ne, %rem3A_1418, %ne3A_1419 : i32
        %lt3A_1421 = arith.constant 0 : i32
        %lt3A_1422 = arith.cmpi slt, %rem3A_1418, %lt3A_1421 : i32
        %lt3A_1423 = arith.constant 0 : i32
        %lt3A_1424 = arith.cmpi slt, %select_n3A_1417, %lt3A_1423 : i32
        %ne3A_1425 = arith.xori %lt3A_1422, %lt3A_1424 : i1
        %and3A_1426 = arith.andi %ne3A_1425, %ne3A_1420 : i1
        %add3A_1427 = arith.addi %rem3A_1418, %select_n3A_1417 : i32
        %select_n3A_1428 = arith.select %and3A_1426, %add3A_1427, %rem3A_1418 : i32
        %eq3A_1429 = vector.broadcast %select_n3A_1428 : i32 to vector<16xi32>
        %eq3A_1430 = arith.cmpi eq, %iota3A, %eq3A_1429 : vector<16xi32>
        %jit3A_1431 = arith.constant 0 : i32
        %broadcast_in_dim3A_1432 = vector.broadcast %jit3A_1431 : i32 to vector<16xi32>
        %select_n3A_1433 = arith.select %eq3A_1430, %get3A_1412, %broadcast_in_dim3A_1432 : vector<16xi1>, vector<16xi32>
        %reduce_sum3A_1434 = arith.constant true
        %reduce_sum3A_1435 = vector.broadcast %reduce_sum3A_1434 : i1 to vector<16xi1>
        %reduce_sum3A_1436 = tpu.scan <sum>, %select_n3A_1433 masked %reduce_sum3A_1435 : vector<16xi32>, vector<16xi1> -> vector<16xi32>
        %reduce_sum3A_1437 = vector.extract %reduce_sum3A_1436[15] : i32 from vector<16xi32>
        %mul3A_1438 = arith.constant 128 : i32
        %mul3A_1439 = arith.muli %reduce_sum3A_1437, %mul3A_1438 : i32
        %multiple_of3A_1440 = tpu.assume_multiple %mul3A_1439, 128 : i32
        %dma_start3A_1441 = arith.constant 0 : i32
        %dma_start3A_1442 = tpu.memref_slice %arg6[%dma_start3A_1441, %multiple_of3A_1440] : memref<32x1000000xf32, #tpu.memory_space<hbm>> -> memref<32x128xf32, #tpu.memory_space<hbm>>
        %dma_start3A_1443 = arith.constant 0 : i32
        %dma_start3A_1444 = tpu.memref_slice %arg6[%dma_start3A_1443, %multiple_of3A_1440] : memref<32x1000000xf32, #tpu.memory_space<hbm>> -> memref<32x128xf32, #tpu.memory_space<hbm>>
        tpu.enqueue_dma source(%dma_start3A_1444 : memref<32x128xf32, #tpu.memory_space<hbm>>) target(%arg28 : memref<32x128xf32, #tpu.memory_space<vmem>>) target_semaphore(%arg38 : memref<!tpu.dma_semaphore, #tpu.memory_space<semaphore_mem>>)
        %dma_start3A_1445 = arith.constant 0 : i32
        %dma_start3A_1446 = tpu.memref_slice %arg8[%dma_start3A_1445, %multiple_of3A_1440] : memref<32x1000000xf32, #tpu.memory_space<hbm>> -> memref<32x128xf32, #tpu.memory_space<hbm>>
        %dma_start3A_1447 = arith.constant 0 : i32
        %dma_start3A_1448 = tpu.memref_slice %arg8[%dma_start3A_1447, %multiple_of3A_1440] : memref<32x1000000xf32, #tpu.memory_space<hbm>> -> memref<32x128xf32, #tpu.memory_space<hbm>>
        tpu.enqueue_dma source(%dma_start3A_1448 : memref<32x128xf32, #tpu.memory_space<hbm>>) target(%arg29 : memref<32x128xf32, #tpu.memory_space<vmem>>) target_semaphore(%arg38 : memref<!tpu.dma_semaphore, #tpu.memory_space<semaphore_mem>>)
      } else {
      }
      %dma_wait3A_1062 = arith.constant 0 : i32
      %dma_wait3A_1063 = arith.constant 0 : i32
      %dma_wait3A_1064 = tpu.memref_slice %arg6[%dma_wait3A_1062, %dma_wait3A_1063] : memref<32x1000000xf32, #tpu.memory_space<hbm>> -> memref<32x128xf32, #tpu.memory_space<hbm>>
      %dma_wait3A_1065 = arith.constant 0 : i32
      %dma_wait3A_1066 = arith.constant 0 : i32
      %dma_wait3A_1067 = tpu.memref_slice %arg6[%dma_wait3A_1065, %dma_wait3A_1066] : memref<32x1000000xf32, #tpu.memory_space<hbm>> -> memref<32x128xf32, #tpu.memory_space<hbm>>
      tpu.wait_dma2 semaphore(%arg39 : memref<!tpu.dma_semaphore, #tpu.memory_space<semaphore_mem>>) src(%dma_wait3A_1067 : memref<32x128xf32, #tpu.memory_space<hbm>>) dst(%arg30 : memref<32x128xf32, #tpu.memory_space<vmem>>)
      %dma_wait3A_1068 = arith.constant 0 : i32
      %dma_wait3A_1069 = arith.constant 0 : i32
      %dma_wait3A_1070 = tpu.memref_slice %arg8[%dma_wait3A_1068, %dma_wait3A_1069] : memref<32x1000000xf32, #tpu.memory_space<hbm>> -> memref<32x128xf32, #tpu.memory_space<hbm>>
      %dma_wait3A_1071 = arith.constant 0 : i32
      %dma_wait3A_1072 = arith.constant 0 : i32
      %dma_wait3A_1073 = tpu.memref_slice %arg8[%dma_wait3A_1071, %dma_wait3A_1072] : memref<32x1000000xf32, #tpu.memory_space<hbm>> -> memref<32x128xf32, #tpu.memory_space<hbm>>
      tpu.wait_dma2 semaphore(%arg39 : memref<!tpu.dma_semaphore, #tpu.memory_space<semaphore_mem>>) src(%dma_wait3A_1073 : memref<32x128xf32, #tpu.memory_space<hbm>>) dst(%arg31 : memref<32x128xf32, #tpu.memory_space<vmem>>)
      %dma_wait3A_1074 = arith.constant 0 : i32
      %dma_wait3A_1075 = arith.constant 0 : i32
      %dma_wait3A_1076 = tpu.memref_slice %arg6[%dma_wait3A_1074, %dma_wait3A_1075] : memref<32x1000000xf32, #tpu.memory_space<hbm>> -> memref<32x128xf32, #tpu.memory_space<hbm>>
      %dma_wait3A_1077 = arith.constant 0 : i32
      %dma_wait3A_1078 = arith.constant 0 : i32
      %dma_wait3A_1079 = tpu.memref_slice %arg6[%dma_wait3A_1077, %dma_wait3A_1078] : memref<32x1000000xf32, #tpu.memory_space<hbm>> -> memref<32x128xf32, #tpu.memory_space<hbm>>
      tpu.wait_dma2 semaphore(%arg39 : memref<!tpu.dma_semaphore, #tpu.memory_space<semaphore_mem>>) src(%dma_wait3A_1079 : memref<32x128xf32, #tpu.memory_space<hbm>>) dst(%arg32 : memref<32x128xf32, #tpu.memory_space<vmem>>)
      %dma_wait3A_1080 = arith.constant 0 : i32
      %dma_wait3A_1081 = arith.constant 0 : i32
      %dma_wait3A_1082 = tpu.memref_slice %arg8[%dma_wait3A_1080, %dma_wait3A_1081] : memref<32x1000000xf32, #tpu.memory_space<hbm>> -> memref<32x128xf32, #tpu.memory_space<hbm>>
      %dma_wait3A_1083 = arith.constant 0 : i32
      %dma_wait3A_1084 = arith.constant 0 : i32
      %dma_wait3A_1085 = tpu.memref_slice %arg8[%dma_wait3A_1083, %dma_wait3A_1084] : memref<32x1000000xf32, #tpu.memory_space<hbm>> -> memref<32x128xf32, #tpu.memory_space<hbm>>
      tpu.wait_dma2 semaphore(%arg39 : memref<!tpu.dma_semaphore, #tpu.memory_space<semaphore_mem>>) src(%dma_wait3A_1085 : memref<32x128xf32, #tpu.memory_space<hbm>>) dst(%arg33 : memref<32x128xf32, #tpu.memory_space<vmem>>)
      %mul3A_1086 = arith.constant 2 : i32
      %mul3A_1087 = arith.muli %add3A_1052, %mul3A_1086 : i32
      %add3A_1088 = arith.constant 0 : i32
      %add3A_1089 = arith.addi %mul3A_1087, %add3A_1088 : i32
      %jit3A_1090 = arith.constant 16 : i32
      %div3A_1091 = arith.divsi %add3A_1089, %jit3A_1090 : i32
      %sign3A_1092 = arith.constant 0 : i32
      %sign3A_1093 = arith.cmpi sgt, %add3A_1089, %sign3A_1092 : i32
      %sign3A_1094 = arith.extui %sign3A_1093 : i1 to i32
      %sign3A_1095 = arith.constant 0 : i32
      %sign3A_1096 = arith.cmpi slt, %add3A_1089, %sign3A_1095 : i32
      %sign3A_1097 = arith.extui %sign3A_1096 : i1 to i32
      %sign3A_1098 = arith.subi %sign3A_1094, %sign3A_1097 : i32
      %sign3A_1099 = arith.constant 0 : i32
      %sign3A_1100 = arith.cmpi sgt, %jit3A_1090, %sign3A_1099 : i32
      %sign3A_1101 = arith.extui %sign3A_1100 : i1 to i32
      %sign3A_1102 = arith.constant 0 : i32
      %sign3A_1103 = arith.cmpi slt, %jit3A_1090, %sign3A_1102 : i32
      %sign3A_1104 = arith.extui %sign3A_1103 : i1 to i32
      %sign3A_1105 = arith.subi %sign3A_1101, %sign3A_1104 : i32
      %ne3A_1106 = arith.cmpi ne, %sign3A_1098, %sign3A_1105 : i32
      %rem3A_1107 = arith.remsi %add3A_1089, %jit3A_1090 : i32
      %ne3A_1108 = arith.constant 0 : i32
      %ne3A_1109 = arith.cmpi ne, %rem3A_1107, %ne3A_1108 : i32
      %and3A_1110 = arith.andi %ne3A_1106, %ne3A_1109 : i1
      %sub3A_1111 = arith.constant 1 : i32
      %sub3A_1112 = arith.subi %div3A_1091, %sub3A_1111 : i32
      %select_n3A_1113 = arith.select %and3A_1110, %sub3A_1112, %div3A_1091 : i32
      %mul3A_1114 = arith.constant 16 : i32
      %mul3A_1115 = arith.muli %select_n3A_1113, %mul3A_1114 : i32
      %get3A_1116 = arith.index_cast %mul3A_1115 : i32 to index
      %get3A_1117 = tpu.vector_load %arg15[%get3A_1116] {strides = array<i32>} : memref<512xi32, #tpu.memory_space<vmem>>, vector<16xi32>,
      %jit3A_1118 = arith.constant 16 : i32
      %eq3A_1119 = arith.constant 0 : i32
      %eq3A_1120 = arith.cmpi eq, %jit3A_1118, %eq3A_1119 : i32
      %jit3A_1121 = arith.constant 1 : i32
      %select_n3A_1122 = arith.select %eq3A_1120, %jit3A_1121, %jit3A_1118 : i32
      %rem3A_1123 = arith.remsi %add3A_1089, %select_n3A_1122 : i32
      %ne3A_1124 = arith.constant 0 : i32
      %ne3A_1125 = arith.cmpi ne, %rem3A_1123, %ne3A_1124 : i32
      %lt3A_1126 = arith.constant 0 : i32
      %lt3A_1127 = arith.cmpi slt, %rem3A_1123, %lt3A_1126 : i32
      %lt3A_1128 = arith.constant 0 : i32
      %lt3A_1129 = arith.cmpi slt, %select_n3A_1122, %lt3A_1128 : i32
      %ne3A_1130 = arith.xori %lt3A_1127, %lt3A_1129 : i1
      %and3A_1131 = arith.andi %ne3A_1130, %ne3A_1125 : i1
      %add3A_1132 = arith.addi %rem3A_1123, %select_n3A_1122 : i32
      %select_n3A_1133 = arith.select %and3A_1131, %add3A_1132, %rem3A_1123 : i32
      %eq3A_1134 = vector.broadcast %select_n3A_1133 : i32 to vector<16xi32>
      %eq3A_1135 = arith.cmpi eq, %iota3A, %eq3A_1134 : vector<16xi32>
      %jit3A_1136 = arith.constant 0 : i32
      %broadcast_in_dim3A_1137 = vector.broadcast %jit3A_1136 : i32 to vector<16xi32>
      %select_n3A_1138 = arith.select %eq3A_1135, %get3A_1117, %broadcast_in_dim3A_1137 : vector<16xi1>, vector<16xi32>
      %reduce_sum3A_1139 = arith.constant true
      %reduce_sum3A_1140 = vector.broadcast %reduce_sum3A_1139 : i1 to vector<16xi1>
      %reduce_sum3A_1141 = tpu.scan <sum>, %select_n3A_1138 masked %reduce_sum3A_1140 : vector<16xi32>, vector<16xi1> -> vector<16xi32>
      %reduce_sum3A_1142 = vector.extract %reduce_sum3A_1141[15] : i32 from vector<16xi32>
      %broadcast_in_dim3A_1143 = arith.constant 0 : i32
      %broadcast_in_dim3A_1144 = vector.broadcast %broadcast_in_dim3A_1143 : i32 to vector<16xi32>
      %add3A_1145 = vector.broadcast %reduce_sum3A_1142 : i32 to vector<16xi32>
      %add3A_1146 = arith.addi %broadcast_in_dim3A_1144, %add3A_1145 : vector<16xi32>
      %jit3A_1147 = arith.constant 128 : i32
      %eq3A_1148 = arith.constant 0 : i32
      %eq3A_1149 = arith.cmpi eq, %jit3A_1147, %eq3A_1148 : i32
      %jit3A_1150 = arith.constant 1 : i32
      %select_n3A_1151 = arith.select %eq3A_1149, %jit3A_1150, %jit3A_1147 : i32
      %rem3A_1152 = arith.remsi %add3A_1089, %select_n3A_1151 : i32
      %ne3A_1153 = arith.constant 0 : i32
      %ne3A_1154 = arith.cmpi ne, %rem3A_1152, %ne3A_1153 : i32
      %lt3A_1155 = arith.constant 0 : i32
      %lt3A_1156 = arith.cmpi slt, %rem3A_1152, %lt3A_1155 : i32
      %lt3A_1157 = arith.constant 0 : i32
      %lt3A_1158 = arith.cmpi slt, %select_n3A_1151, %lt3A_1157 : i32
      %ne3A_1159 = arith.xori %lt3A_1156, %lt3A_1158 : i1
      %and3A_1160 = arith.andi %ne3A_1159, %ne3A_1154 : i1
      %add3A_1161 = arith.addi %rem3A_1152, %select_n3A_1151 : i32
      %select_n3A_1162 = arith.select %and3A_1160, %add3A_1161, %rem3A_1152 : i32
      %mul3A_1163 = arith.constant 32 : i32
      %mul3A_1164 = arith.muli %select_n3A_1162, %mul3A_1163 : i32
      %gather3A_1165 = tpu.vector_load_idx %arg30[%iota3A, %add3A_1146] : memref<32x128xf32, #tpu.memory_space<vmem>>[vector<16xi32>, vector<16xi32>], vector<16xf32>,
      %swap3A_1166 = arith.index_cast %mul3A_1164 : i32 to index
      %swap3A_1167 = tpu.vector_load %arg34[%swap3A_1166] {strides = array<i32>} : memref<4096xf32, #tpu.memory_space<vmem>>, vector<16xf32>,
      tpu.vector_store %arg34[%swap3A_1166], %gather3A_1165 {strides = array<i32>} : memref<4096xf32, #tpu.memory_space<vmem>>, vector<16xf32>,
      %add3A_1168 = arith.constant 16 : i32
      %add3A_1169 = vector.broadcast %add3A_1168 : i32 to vector<16xi32>
      %add3A_1170 = arith.addi %iota3A, %add3A_1169 : vector<16xi32>
      %gather3A_1171 = tpu.vector_load_idx %arg30[%add3A_1170, %add3A_1146] : memref<32x128xf32, #tpu.memory_space<vmem>>[vector<16xi32>, vector<16xi32>], vector<16xf32>,
      %add3A_1172 = arith.constant 16 : i32
      %add3A_1173 = arith.addi %mul3A_1164, %add3A_1172 : i32
      %swap3A_1174 = arith.index_cast %add3A_1173 : i32 to index
      %swap3A_1175 = tpu.vector_load %arg34[%swap3A_1174] {strides = array<i32>} : memref<4096xf32, #tpu.memory_space<vmem>>, vector<16xf32>,
      tpu.vector_store %arg34[%swap3A_1174], %gather3A_1171 {strides = array<i32>} : memref<4096xf32, #tpu.memory_space<vmem>>, vector<16xf32>,
      %gather3A_1176 = tpu.vector_load_idx %arg31[%iota3A, %add3A_1146] : memref<32x128xf32, #tpu.memory_space<vmem>>[vector<16xi32>, vector<16xi32>], vector<16xf32>,
      %swap3A_1177 = arith.index_cast %mul3A_1164 : i32 to index
      %swap3A_1178 = tpu.vector_load %arg35[%swap3A_1177] {strides = array<i32>} : memref<4096xf32, #tpu.memory_space<vmem>>, vector<16xf32>,
      tpu.vector_store %arg35[%swap3A_1177], %gather3A_1176 {strides = array<i32>} : memref<4096xf32, #tpu.memory_space<vmem>>, vector<16xf32>,
      %add3A_1179 = arith.constant 16 : i32
      %add3A_1180 = vector.broadcast %add3A_1179 : i32 to vector<16xi32>
      %add3A_1181 = arith.addi %iota3A, %add3A_1180 : vector<16xi32>
      %gather3A_1182 = tpu.vector_load_idx %arg31[%add3A_1181, %add3A_1146] : memref<32x128xf32, #tpu.memory_space<vmem>>[vector<16xi32>, vector<16xi32>], vector<16xf32>,
      %add3A_1183 = arith.constant 16 : i32
      %add3A_1184 = arith.addi %mul3A_1164, %add3A_1183 : i32
      %swap3A_1185 = arith.index_cast %add3A_1184 : i32 to index
      %swap3A_1186 = tpu.vector_load %arg35[%swap3A_1185] {strides = array<i32>} : memref<4096xf32, #tpu.memory_space<vmem>>, vector<16xf32>,
      tpu.vector_store %arg35[%swap3A_1185], %gather3A_1182 {strides = array<i32>} : memref<4096xf32, #tpu.memory_space<vmem>>, vector<16xf32>,
      %mul3A_1187 = arith.constant 2 : i32
      %mul3A_1188 = arith.muli %add3A_1052, %mul3A_1187 : i32
      %add3A_1189 = arith.constant 1 : i32
      %add3A_1190 = arith.addi %mul3A_1188, %add3A_1189 : i32
      %jit3A_1191 = arith.constant 16 : i32
      %div3A_1192 = arith.divsi %add3A_1190, %jit3A_1191 : i32
      %sign3A_1193 = arith.constant 0 : i32
      %sign3A_1194 = arith.cmpi sgt, %add3A_1190, %sign3A_1193 : i32
      %sign3A_1195 = arith.extui %sign3A_1194 : i1 to i32
      %sign3A_1196 = arith.constant 0 : i32
      %sign3A_1197 = arith.cmpi slt, %add3A_1190, %sign3A_1196 : i32
      %sign3A_1198 = arith.extui %sign3A_1197 : i1 to i32
      %sign3A_1199 = arith.subi %sign3A_1195, %sign3A_1198 : i32
      %sign3A_1200 = arith.constant 0 : i32
      %sign3A_1201 = arith.cmpi sgt, %jit3A_1191, %sign3A_1200 : i32
      %sign3A_1202 = arith.extui %sign3A_1201 : i1 to i32
      %sign3A_1203 = arith.constant 0 : i32
      %sign3A_1204 = arith.cmpi slt, %jit3A_1191, %sign3A_1203 : i32
      %sign3A_1205 = arith.extui %sign3A_1204 : i1 to i32
      %sign3A_1206 = arith.subi %sign3A_1202, %sign3A_1205 : i32
      %ne3A_1207 = arith.cmpi ne, %sign3A_1199, %sign3A_1206 : i32
      %rem3A_1208 = arith.remsi %add3A_1190, %jit3A_1191 : i32
      %ne3A_1209 = arith.constant 0 : i32
      %ne3A_1210 = arith.cmpi ne, %rem3A_1208, %ne3A_1209 : i32
      %and3A_1211 = arith.andi %ne3A_1207, %ne3A_1210 : i1
      %sub3A_1212 = arith.constant 1 : i32
      %sub3A_1213 = arith.subi %div3A_1192, %sub3A_1212 : i32
      %select_n3A_1214 = arith.select %and3A_1211, %sub3A_1213, %div3A_1192 : i32
      %mul3A_1215 = arith.constant 16 : i32
      %mul3A_1216 = arith.muli %select_n3A_1214, %mul3A_1215 : i32
      %get3A_1217 = arith.index_cast %mul3A_1216 : i32 to index
      %get3A_1218 = tpu.vector_load %arg15[%get3A_1217] {strides = array<i32>} : memref<512xi32, #tpu.memory_space<vmem>>, vector<16xi32>,
      %jit3A_1219 = arith.constant 16 : i32
      %eq3A_1220 = arith.constant 0 : i32
      %eq3A_1221 = arith.cmpi eq, %jit3A_1219, %eq3A_1220 : i32
      %jit3A_1222 = arith.constant 1 : i32
      %select_n3A_1223 = arith.select %eq3A_1221, %jit3A_1222, %jit3A_1219 : i32
      %rem3A_1224 = arith.remsi %add3A_1190, %select_n3A_1223 : i32
      %ne3A_1225 = arith.constant 0 : i32
      %ne3A_1226 = arith.cmpi ne, %rem3A_1224, %ne3A_1225 : i32
      %lt3A_1227 = arith.constant 0 : i32
      %lt3A_1228 = arith.cmpi slt, %rem3A_1224, %lt3A_1227 : i32
      %lt3A_1229 = arith.constant 0 : i32
      %lt3A_1230 = arith.cmpi slt, %select_n3A_1223, %lt3A_1229 : i32
      %ne3A_1231 = arith.xori %lt3A_1228, %lt3A_1230 : i1
      %and3A_1232 = arith.andi %ne3A_1231, %ne3A_1226 : i1
      %add3A_1233 = arith.addi %rem3A_1224, %select_n3A_1223 : i32
      %select_n3A_1234 = arith.select %and3A_1232, %add3A_1233, %rem3A_1224 : i32
      %eq3A_1235 = vector.broadcast %select_n3A_1234 : i32 to vector<16xi32>
      %eq3A_1236 = arith.cmpi eq, %iota3A, %eq3A_1235 : vector<16xi32>
      %jit3A_1237 = arith.constant 0 : i32
      %broadcast_in_dim3A_1238 = vector.broadcast %jit3A_1237 : i32 to vector<16xi32>
      %select_n3A_1239 = arith.select %eq3A_1236, %get3A_1218, %broadcast_in_dim3A_1238 : vector<16xi1>, vector<16xi32>
      %reduce_sum3A_1240 = arith.constant true
      %reduce_sum3A_1241 = vector.broadcast %reduce_sum3A_1240 : i1 to vector<16xi1>
      %reduce_sum3A_1242 = tpu.scan <sum>, %select_n3A_1239 masked %reduce_sum3A_1241 : vector<16xi32>, vector<16xi1> -> vector<16xi32>
      %reduce_sum3A_1243 = vector.extract %reduce_sum3A_1242[15] : i32 from vector<16xi32>
      %broadcast_in_dim3A_1244 = arith.constant 0 : i32
      %broadcast_in_dim3A_1245 = vector.broadcast %broadcast_in_dim3A_1244 : i32 to vector<16xi32>
      %add3A_1246 = vector.broadcast %reduce_sum3A_1243 : i32 to vector<16xi32>
      %add3A_1247 = arith.addi %broadcast_in_dim3A_1245, %add3A_1246 : vector<16xi32>
      %jit3A_1248 = arith.constant 128 : i32
      %eq3A_1249 = arith.constant 0 : i32
      %eq3A_1250 = arith.cmpi eq, %jit3A_1248, %eq3A_1249 : i32
      %jit3A_1251 = arith.constant 1 : i32
      %select_n3A_1252 = arith.select %eq3A_1250, %jit3A_1251, %jit3A_1248 : i32
      %rem3A_1253 = arith.remsi %add3A_1190, %select_n3A_1252 : i32
      %ne3A_1254 = arith.constant 0 : i32
      %ne3A_1255 = arith.cmpi ne, %rem3A_1253, %ne3A_1254 : i32
      %lt3A_1256 = arith.constant 0 : i32
      %lt3A_1257 = arith.cmpi slt, %rem3A_1253, %lt3A_1256 : i32
      %lt3A_1258 = arith.constant 0 : i32
      %lt3A_1259 = arith.cmpi slt, %select_n3A_1252, %lt3A_1258 : i32
      %ne3A_1260 = arith.xori %lt3A_1257, %lt3A_1259 : i1
      %and3A_1261 = arith.andi %ne3A_1260, %ne3A_1255 : i1
      %add3A_1262 = arith.addi %rem3A_1253, %select_n3A_1252 : i32
      %select_n3A_1263 = arith.select %and3A_1261, %add3A_1262, %rem3A_1253 : i32
      %mul3A_1264 = arith.constant 32 : i32
      %mul3A_1265 = arith.muli %select_n3A_1263, %mul3A_1264 : i32
      %gather3A_1266 = tpu.vector_load_idx %arg32[%iota3A, %add3A_1247] : memref<32x128xf32, #tpu.memory_space<vmem>>[vector<16xi32>, vector<16xi32>], vector<16xf32>,
      %swap3A_1267 = arith.index_cast %mul3A_1265 : i32 to index
      %swap3A_1268 = tpu.vector_load %arg34[%swap3A_1267] {strides = array<i32>} : memref<4096xf32, #tpu.memory_space<vmem>>, vector<16xf32>,
      tpu.vector_store %arg34[%swap3A_1267], %gather3A_1266 {strides = array<i32>} : memref<4096xf32, #tpu.memory_space<vmem>>, vector<16xf32>,
      %add3A_1269 = arith.constant 16 : i32
      %add3A_1270 = vector.broadcast %add3A_1269 : i32 to vector<16xi32>
      %add3A_1271 = arith.addi %iota3A, %add3A_1270 : vector<16xi32>
      %gather3A_1272 = tpu.vector_load_idx %arg32[%add3A_1271, %add3A_1247] : memref<32x128xf32, #tpu.memory_space<vmem>>[vector<16xi32>, vector<16xi32>], vector<16xf32>,
      %add3A_1273 = arith.constant 16 : i32
      %add3A_1274 = arith.addi %mul3A_1265, %add3A_1273 : i32
      %swap3A_1275 = arith.index_cast %add3A_1274 : i32 to index
      %swap3A_1276 = tpu.vector_load %arg34[%swap3A_1275] {strides = array<i32>} : memref<4096xf32, #tpu.memory_space<vmem>>, vector<16xf32>,
      tpu.vector_store %arg34[%swap3A_1275], %gather3A_1272 {strides = array<i32>} : memref<4096xf32, #tpu.memory_space<vmem>>, vector<16xf32>,
      %gather3A_1277 = tpu.vector_load_idx %arg33[%iota3A, %add3A_1247] : memref<32x128xf32, #tpu.memory_space<vmem>>[vector<16xi32>, vector<16xi32>], vector<16xf32>,
      %swap3A_1278 = arith.index_cast %mul3A_1265 : i32 to index
      %swap3A_1279 = tpu.vector_load %arg35[%swap3A_1278] {strides = array<i32>} : memref<4096xf32, #tpu.memory_space<vmem>>, vector<16xf32>,
      tpu.vector_store %arg35[%swap3A_1278], %gather3A_1277 {strides = array<i32>} : memref<4096xf32, #tpu.memory_space<vmem>>, vector<16xf32>,
      %add3A_1280 = arith.constant 16 : i32
      %add3A_1281 = vector.broadcast %add3A_1280 : i32 to vector<16xi32>
      %add3A_1282 = arith.addi %iota3A, %add3A_1281 : vector<16xi32>
      %gather3A_1283 = tpu.vector_load_idx %arg33[%add3A_1282, %add3A_1247] : memref<32x128xf32, #tpu.memory_space<vmem>>[vector<16xi32>, vector<16xi32>], vector<16xf32>,
      %add3A_1284 = arith.constant 16 : i32
      %add3A_1285 = arith.addi %mul3A_1265, %add3A_1284 : i32
      %swap3A_1286 = arith.index_cast %add3A_1285 : i32 to index
      %swap3A_1287 = tpu.vector_load %arg35[%swap3A_1286] {strides = array<i32>} : memref<4096xf32, #tpu.memory_space<vmem>>, vector<16xf32>,
      tpu.vector_store %arg35[%swap3A_1286], %gather3A_1283 {strides = array<i32>} : memref<4096xf32, #tpu.memory_space<vmem>>, vector<16xf32>,
      %jit3A_1288 = arith.constant 64 : i32
      %eq3A_1289 = arith.constant 0 : i32
      %eq3A_1290 = arith.cmpi eq, %jit3A_1288, %eq3A_1289 : i32
      %jit3A_1291 = arith.constant 1 : i32
      %select_n3A_1292 = arith.select %eq3A_1290, %jit3A_1291, %jit3A_1288 : i32
      %rem3A_1293 = arith.remsi %add3A_1052, %select_n3A_1292 : i32
      %ne3A_1294 = arith.constant 0 : i32
      %ne3A_1295 = arith.cmpi ne, %rem3A_1293, %ne3A_1294 : i32
      %lt3A_1296 = arith.constant 0 : i32
      %lt3A_1297 = arith.cmpi slt, %rem3A_1293, %lt3A_1296 : i32
      %lt3A_1298 = arith.constant 0 : i32
      %lt3A_1299 = arith.cmpi slt, %select_n3A_1292, %lt3A_1298 : i32
      %ne3A_1300 = arith.xori %lt3A_1297, %lt3A_1299 : i1
      %and3A_1301 = arith.andi %ne3A_1300, %ne3A_1295 : i1
      %add3A_1302 = arith.addi %rem3A_1293, %select_n3A_1292 : i32
      %select_n3A_1303 = arith.select %and3A_1301, %add3A_1302, %rem3A_1293 : i32
      %eq3A_1304 = arith.constant 63 : i32
      %eq3A_1305 = arith.cmpi eq, %select_n3A_1303, %eq3A_1304 : i32
      %convert_element_type3A_1306 = arith.extui %eq3A_1305 : i1 to i32
      %cond3A_1307 = arith.constant 0 : i32
      %cond3A_1308 = arith.cmpi ne, %convert_element_type3A_1306, %cond3A_1307 : i32
      scf.if %cond3A_1308 {
        %jit3A_1309 = arith.constant 64 : i32
        %div3A_1310 = arith.divsi %add3A_1052, %jit3A_1309 : i32
        %sign3A_1311 = arith.constant 0 : i32
        %sign3A_1312 = arith.cmpi sgt, %add3A_1052, %sign3A_1311 : i32
        %sign3A_1313 = arith.extui %sign3A_1312 : i1 to i32
        %sign3A_1314 = arith.constant 0 : i32
        %sign3A_1315 = arith.cmpi slt, %add3A_1052, %sign3A_1314 : i32
        %sign3A_1316 = arith.extui %sign3A_1315 : i1 to i32
        %sign3A_1317 = arith.subi %sign3A_1313, %sign3A_1316 : i32
        %sign3A_1318 = arith.constant 0 : i32
        %sign3A_1319 = arith.cmpi sgt, %jit3A_1309, %sign3A_1318 : i32
        %sign3A_1320 = arith.extui %sign3A_1319 : i1 to i32
        %sign3A_1321 = arith.constant 0 : i32
        %sign3A_1322 = arith.cmpi slt, %jit3A_1309, %sign3A_1321 : i32
        %sign3A_1323 = arith.extui %sign3A_1322 : i1 to i32
        %sign3A_1324 = arith.subi %sign3A_1320, %sign3A_1323 : i32
        %ne3A_1325 = arith.cmpi ne, %sign3A_1317, %sign3A_1324 : i32
        %rem3A_1326 = arith.remsi %add3A_1052, %jit3A_1309 : i32
        %ne3A_1327 = arith.constant 0 : i32
        %ne3A_1328 = arith.cmpi ne, %rem3A_1326, %ne3A_1327 : i32
        %and3A_1329 = arith.andi %ne3A_1325, %ne3A_1328 : i1
        %sub3A_1330 = arith.constant 1 : i32
        %sub3A_1331 = arith.subi %div3A_1310, %sub3A_1330 : i32
        %select_n3A_1332 = arith.select %and3A_1329, %sub3A_1331, %div3A_1310 : i32
        %mul3A_1333 = arith.constant 32 : i32
        %mul3A_1334 = arith.muli %mul3A_2, %mul3A_1333 : i32
        %mul3A_1335 = arith.constant 4096 : i32
        %mul3A_1336 = arith.muli %select_n3A_1332, %mul3A_1335 : i32
        %add3A_1337 = arith.addi %mul3A_1334, %mul3A_1336 : i32
        "tpu.region"() ({
          %run_scoped3A = tpu.sem_alloc : memref<!tpu.dma_semaphore, #tpu.memory_space<semaphore_mem>>
          %dma_start3A_1343 = tpu.memref_slice %arg10[%add3A_1337] : memref<524288xf32, #tpu.memory_space<hbm>> -> memref<4096xf32, #tpu.memory_space<hbm>>
          %dma_start3A_1344 = tpu.memref_slice %arg10[%add3A_1337] : memref<524288xf32, #tpu.memory_space<hbm>> -> memref<4096xf32, #tpu.memory_space<hbm>>
          tpu.enqueue_dma source(%arg34 : memref<4096xf32, #tpu.memory_space<vmem>>) target(%dma_start3A_1344 : memref<4096xf32, #tpu.memory_space<hbm>>) target_semaphore(%run_scoped3A : memref<!tpu.dma_semaphore, #tpu.memory_space<semaphore_mem>>)
          %dma_wait3A_1345 = tpu.memref_slice %arg10[%add3A_1337] : memref<524288xf32, #tpu.memory_space<hbm>> -> memref<4096xf32, #tpu.memory_space<hbm>>
          %dma_wait3A_1346 = tpu.memref_slice %arg10[%add3A_1337] : memref<524288xf32, #tpu.memory_space<hbm>> -> memref<4096xf32, #tpu.memory_space<hbm>>
          tpu.wait_dma2 semaphore(%run_scoped3A : memref<!tpu.dma_semaphore, #tpu.memory_space<semaphore_mem>>) src(%arg34 : memref<4096xf32, #tpu.memory_space<vmem>>) dst(%dma_wait3A_1346 : memref<4096xf32, #tpu.memory_space<hbm>>)
          tpu.yield
        }) : () -> ()
        %mul3A_1338 = arith.constant 32 : i32
        %mul3A_1339 = arith.muli %mul3A_2, %mul3A_1338 : i32
        %mul3A_1340 = arith.constant 4096 : i32
        %mul3A_1341 = arith.muli %select_n3A_1332, %mul3A_1340 : i32
        %add3A_1342 = arith.addi %mul3A_1339, %mul3A_1341 : i32
        "tpu.region"() ({
          %run_scoped3A = tpu.sem_alloc : memref<!tpu.dma_semaphore, #tpu.memory_space<semaphore_mem>>
          %dma_start3A_1343 = tpu.memref_slice %arg11[%add3A_1342] : memref<524288xf32, #tpu.memory_space<hbm>> -> memref<4096xf32, #tpu.memory_space<hbm>>
          %dma_start3A_1344 = tpu.memref_slice %arg11[%add3A_1342] : memref<524288xf32, #tpu.memory_space<hbm>> -> memref<4096xf32, #tpu.memory_space<hbm>>
          tpu.enqueue_dma source(%arg35 : memref<4096xf32, #tpu.memory_space<vmem>>) target(%dma_start3A_1344 : memref<4096xf32, #tpu.memory_space<hbm>>) target_semaphore(%run_scoped3A : memref<!tpu.dma_semaphore, #tpu.memory_space<semaphore_mem>>)
          %dma_wait3A_1345 = tpu.memref_slice %arg11[%add3A_1342] : memref<524288xf32, #tpu.memory_space<hbm>> -> memref<4096xf32, #tpu.memory_space<hbm>>
          %dma_wait3A_1346 = tpu.memref_slice %arg11[%add3A_1342] : memref<524288xf32, #tpu.memory_space<hbm>> -> memref<4096xf32, #tpu.memory_space<hbm>>
          tpu.wait_dma2 semaphore(%run_scoped3A : memref<!tpu.dma_semaphore, #tpu.memory_space<semaphore_mem>>) src(%arg35 : memref<4096xf32, #tpu.memory_space<vmem>>) dst(%dma_wait3A_1346 : memref<4096xf32, #tpu.memory_space<hbm>>)
          tpu.yield
        }) : () -> ()
      } else {
      }
    }
    %scan3A_136 = arith.constant 64 : i32
    %get3A_137 = arith.constant 0 : index
    %get3A_138 = tpu.vector_load %arg16[%get3A_137] {strides = array<i32>} : memref<512xi32, #tpu.memory_space<vmem>>, vector<16xi32>,
    %eq3A_139 = arith.constant 0 : i32
    %eq3A_140 = vector.broadcast %eq3A_139 : i32 to vector<16xi32>
    %eq3A_141 = arith.cmpi eq, %iota3A, %eq3A_140 : vector<16xi32>
    %jit3A_142 = arith.constant 0 : i32
    %broadcast_in_dim3A_143 = vector.broadcast %jit3A_142 : i32 to vector<16xi32>
    %select_n3A_144 = arith.select %eq3A_141, %get3A_138, %broadcast_in_dim3A_143 : vector<16xi1>, vector<16xi32>
    %reduce_sum3A_145 = arith.constant true
    %reduce_sum3A_146 = vector.broadcast %reduce_sum3A_145 : i1 to vector<16xi1>
    %reduce_sum3A_147 = tpu.scan <sum>, %select_n3A_144 masked %reduce_sum3A_146 : vector<16xi32>, vector<16xi1> -> vector<16xi32>
    %reduce_sum3A_148 = vector.extract %reduce_sum3A_147[15] : i32 from vector<16xi32>
    %mul3A_149 = arith.constant 128 : i32
    %mul3A_150 = arith.muli %reduce_sum3A_148, %mul3A_149 : i32
    %multiple_of3A_151 = tpu.assume_multiple %mul3A_150, 128 : i32
    %dma_start3A_152 = arith.constant 0 : i32
    %dma_start3A_153 = tpu.memref_slice %arg7[%dma_start3A_152, %multiple_of3A_151] : memref<32x1000000xf32, #tpu.memory_space<hbm>> -> memref<32x128xf32, #tpu.memory_space<hbm>>
    %dma_start3A_154 = arith.constant 0 : i32
    %dma_start3A_155 = tpu.memref_slice %arg7[%dma_start3A_154, %multiple_of3A_151] : memref<32x1000000xf32, #tpu.memory_space<hbm>> -> memref<32x128xf32, #tpu.memory_space<hbm>>
    tpu.enqueue_dma source(%dma_start3A_155 : memref<32x128xf32, #tpu.memory_space<hbm>>) target(%arg18 : memref<32x128xf32, #tpu.memory_space<vmem>>) target_semaphore(%arg36 : memref<!tpu.dma_semaphore, #tpu.memory_space<semaphore_mem>>)
    %dma_start3A_156 = arith.constant 0 : i32
    %dma_start3A_157 = tpu.memref_slice %arg9[%dma_start3A_156, %multiple_of3A_151] : memref<32x1000000xf32, #tpu.memory_space<hbm>> -> memref<32x128xf32, #tpu.memory_space<hbm>>
    %dma_start3A_158 = arith.constant 0 : i32
    %dma_start3A_159 = tpu.memref_slice %arg9[%dma_start3A_158, %multiple_of3A_151] : memref<32x1000000xf32, #tpu.memory_space<hbm>> -> memref<32x128xf32, #tpu.memory_space<hbm>>
    tpu.enqueue_dma source(%dma_start3A_159 : memref<32x128xf32, #tpu.memory_space<hbm>>) target(%arg19 : memref<32x128xf32, #tpu.memory_space<vmem>>) target_semaphore(%arg36 : memref<!tpu.dma_semaphore, #tpu.memory_space<semaphore_mem>>)
    %get3A_160 = arith.constant 0 : index
    %get3A_161 = tpu.vector_load %arg16[%get3A_160] {strides = array<i32>} : memref<512xi32, #tpu.memory_space<vmem>>, vector<16xi32>,
    %eq3A_162 = arith.constant 1 : i32
    %eq3A_163 = vector.broadcast %eq3A_162 : i32 to vector<16xi32>
    %eq3A_164 = arith.cmpi eq, %iota3A, %eq3A_163 : vector<16xi32>
    %jit3A_165 = arith.constant 0 : i32
    %broadcast_in_dim3A_166 = vector.broadcast %jit3A_165 : i32 to vector<16xi32>
    %select_n3A_167 = arith.select %eq3A_164, %get3A_161, %broadcast_in_dim3A_166 : vector<16xi1>, vector<16xi32>
    %reduce_sum3A_168 = arith.constant true
    %reduce_sum3A_169 = vector.broadcast %reduce_sum3A_168 : i1 to vector<16xi1>
    %reduce_sum3A_170 = tpu.scan <sum>, %select_n3A_167 masked %reduce_sum3A_169 : vector<16xi32>, vector<16xi1> -> vector<16xi32>
    %reduce_sum3A_171 = vector.extract %reduce_sum3A_170[15] : i32 from vector<16xi32>
    %mul3A_172 = arith.constant 128 : i32
    %mul3A_173 = arith.muli %reduce_sum3A_171, %mul3A_172 : i32
    %multiple_of3A_174 = tpu.assume_multiple %mul3A_173, 128 : i32
    %dma_start3A_175 = arith.constant 0 : i32
    %dma_start3A_176 = tpu.memref_slice %arg7[%dma_start3A_175, %multiple_of3A_174] : memref<32x1000000xf32, #tpu.memory_space<hbm>> -> memref<32x128xf32, #tpu.memory_space<hbm>>
    %dma_start3A_177 = arith.constant 0 : i32
    %dma_start3A_178 = tpu.memref_slice %arg7[%dma_start3A_177, %multiple_of3A_174] : memref<32x1000000xf32, #tpu.memory_space<hbm>> -> memref<32x128xf32, #tpu.memory_space<hbm>>
    tpu.enqueue_dma source(%dma_start3A_178 : memref<32x128xf32, #tpu.memory_space<hbm>>) target(%arg20 : memref<32x128xf32, #tpu.memory_space<vmem>>) target_semaphore(%arg36 : memref<!tpu.dma_semaphore, #tpu.memory_space<semaphore_mem>>)
    %dma_start3A_179 = arith.constant 0 : i32
    %dma_start3A_180 = tpu.memref_slice %arg9[%dma_start3A_179, %multiple_of3A_174] : memref<32x1000000xf32, #tpu.memory_space<hbm>> -> memref<32x128xf32, #tpu.memory_space<hbm>>
    %dma_start3A_181 = arith.constant 0 : i32
    %dma_start3A_182 = tpu.memref_slice %arg9[%dma_start3A_181, %multiple_of3A_174] : memref<32x1000000xf32, #tpu.memory_space<hbm>> -> memref<32x128xf32, #tpu.memory_space<hbm>>
    tpu.enqueue_dma source(%dma_start3A_182 : memref<32x128xf32, #tpu.memory_space<hbm>>) target(%arg21 : memref<32x128xf32, #tpu.memory_space<vmem>>) target_semaphore(%arg36 : memref<!tpu.dma_semaphore, #tpu.memory_space<semaphore_mem>>)
    %get3A_183 = arith.constant 0 : index
    %get3A_184 = tpu.vector_load %arg16[%get3A_183] {strides = array<i32>} : memref<512xi32, #tpu.memory_space<vmem>>, vector<16xi32>,
    %eq3A_185 = arith.constant 2 : i32
    %eq3A_186 = vector.broadcast %eq3A_185 : i32 to vector<16xi32>
    %eq3A_187 = arith.cmpi eq, %iota3A, %eq3A_186 : vector<16xi32>
    %jit3A_188 = arith.constant 0 : i32
    %broadcast_in_dim3A_189 = vector.broadcast %jit3A_188 : i32 to vector<16xi32>
    %select_n3A_190 = arith.select %eq3A_187, %get3A_184, %broadcast_in_dim3A_189 : vector<16xi1>, vector<16xi32>
    %reduce_sum3A_191 = arith.constant true
    %reduce_sum3A_192 = vector.broadcast %reduce_sum3A_191 : i1 to vector<16xi1>
    %reduce_sum3A_193 = tpu.scan <sum>, %select_n3A_190 masked %reduce_sum3A_192 : vector<16xi32>, vector<16xi1> -> vector<16xi32>
    %reduce_sum3A_194 = vector.extract %reduce_sum3A_193[15] : i32 from vector<16xi32>
    %mul3A_195 = arith.constant 128 : i32
    %mul3A_196 = arith.muli %reduce_sum3A_194, %mul3A_195 : i32
    %multiple_of3A_197 = tpu.assume_multiple %mul3A_196, 128 : i32
    %dma_start3A_198 = arith.constant 0 : i32
    %dma_start3A_199 = tpu.memref_slice %arg7[%dma_start3A_198, %multiple_of3A_197] : memref<32x1000000xf32, #tpu.memory_space<hbm>> -> memref<32x128xf32, #tpu.memory_space<hbm>>
    %dma_start3A_200 = arith.constant 0 : i32
    %dma_start3A_201 = tpu.memref_slice %arg7[%dma_start3A_200, %multiple_of3A_197] : memref<32x1000000xf32, #tpu.memory_space<hbm>> -> memref<32x128xf32, #tpu.memory_space<hbm>>
    tpu.enqueue_dma source(%dma_start3A_201 : memref<32x128xf32, #tpu.memory_space<hbm>>) target(%arg22 : memref<32x128xf32, #tpu.memory_space<vmem>>) target_semaphore(%arg37 : memref<!tpu.dma_semaphore, #tpu.memory_space<semaphore_mem>>)
    %dma_start3A_202 = arith.constant 0 : i32
    %dma_start3A_203 = tpu.memref_slice %arg9[%dma_start3A_202, %multiple_of3A_197] : memref<32x1000000xf32, #tpu.memory_space<hbm>> -> memref<32x128xf32, #tpu.memory_space<hbm>>
    %dma_start3A_204 = arith.constant 0 : i32
    %dma_start3A_205 = tpu.memref_slice %arg9[%dma_start3A_204, %multiple_of3A_197] : memref<32x1000000xf32, #tpu.memory_space<hbm>> -> memref<32x128xf32, #tpu.memory_space<hbm>>
    tpu.enqueue_dma source(%dma_start3A_205 : memref<32x128xf32, #tpu.memory_space<hbm>>) target(%arg23 : memref<32x128xf32, #tpu.memory_space<vmem>>) target_semaphore(%arg37 : memref<!tpu.dma_semaphore, #tpu.memory_space<semaphore_mem>>)
    %get3A_206 = arith.constant 0 : index
    %get3A_207 = tpu.vector_load %arg16[%get3A_206] {strides = array<i32>} : memref<512xi32, #tpu.memory_space<vmem>>, vector<16xi32>,
    %eq3A_208 = arith.constant 3 : i32
    %eq3A_209 = vector.broadcast %eq3A_208 : i32 to vector<16xi32>
    %eq3A_210 = arith.cmpi eq, %iota3A, %eq3A_209 : vector<16xi32>
    %jit3A_211 = arith.constant 0 : i32
    %broadcast_in_dim3A_212 = vector.broadcast %jit3A_211 : i32 to vector<16xi32>
    %select_n3A_213 = arith.select %eq3A_210, %get3A_207, %broadcast_in_dim3A_212 : vector<16xi1>, vector<16xi32>
    %reduce_sum3A_214 = arith.constant true
    %reduce_sum3A_215 = vector.broadcast %reduce_sum3A_214 : i1 to vector<16xi1>
    %reduce_sum3A_216 = tpu.scan <sum>, %select_n3A_213 masked %reduce_sum3A_215 : vector<16xi32>, vector<16xi1> -> vector<16xi32>
    %reduce_sum3A_217 = vector.extract %reduce_sum3A_216[15] : i32 from vector<16xi32>
    %mul3A_218 = arith.constant 128 : i32
    %mul3A_219 = arith.muli %reduce_sum3A_217, %mul3A_218 : i32
    %multiple_of3A_220 = tpu.assume_multiple %mul3A_219, 128 : i32
    %dma_start3A_221 = arith.constant 0 : i32
    %dma_start3A_222 = tpu.memref_slice %arg7[%dma_start3A_221, %multiple_of3A_220] : memref<32x1000000xf32, #tpu.memory_space<hbm>> -> memref<32x128xf32, #tpu.memory_space<hbm>>
    %dma_start3A_223 = arith.constant 0 : i32
    %dma_start3A_224 = tpu.memref_slice %arg7[%dma_start3A_223, %multiple_of3A_220] : memref<32x1000000xf32, #tpu.memory_space<hbm>> -> memref<32x128xf32, #tpu.memory_space<hbm>>
    tpu.enqueue_dma source(%dma_start3A_224 : memref<32x128xf32, #tpu.memory_space<hbm>>) target(%arg24 : memref<32x128xf32, #tpu.memory_space<vmem>>) target_semaphore(%arg37 : memref<!tpu.dma_semaphore, #tpu.memory_space<semaphore_mem>>)
    %dma_start3A_225 = arith.constant 0 : i32
    %dma_start3A_226 = tpu.memref_slice %arg9[%dma_start3A_225, %multiple_of3A_220] : memref<32x1000000xf32, #tpu.memory_space<hbm>> -> memref<32x128xf32, #tpu.memory_space<hbm>>
    %dma_start3A_227 = arith.constant 0 : i32
    %dma_start3A_228 = tpu.memref_slice %arg9[%dma_start3A_227, %multiple_of3A_220] : memref<32x1000000xf32, #tpu.memory_space<hbm>> -> memref<32x128xf32, #tpu.memory_space<hbm>>
    tpu.enqueue_dma source(%dma_start3A_228 : memref<32x128xf32, #tpu.memory_space<hbm>>) target(%arg25 : memref<32x128xf32, #tpu.memory_space<vmem>>) target_semaphore(%arg37 : memref<!tpu.dma_semaphore, #tpu.memory_space<semaphore_mem>>)
    %get3A_229 = arith.constant 0 : index
    %get3A_230 = tpu.vector_load %arg16[%get3A_229] {strides = array<i32>} : memref<512xi32, #tpu.memory_space<vmem>>, vector<16xi32>,
    %eq3A_231 = arith.constant 4 : i32
    %eq3A_232 = vector.broadcast %eq3A_231 : i32 to vector<16xi32>
    %eq3A_233 = arith.cmpi eq, %iota3A, %eq3A_232 : vector<16xi32>
    %jit3A_234 = arith.constant 0 : i32
    %broadcast_in_dim3A_235 = vector.broadcast %jit3A_234 : i32 to vector<16xi32>
    %select_n3A_236 = arith.select %eq3A_233, %get3A_230, %broadcast_in_dim3A_235 : vector<16xi1>, vector<16xi32>
    %reduce_sum3A_237 = arith.constant true
    %reduce_sum3A_238 = vector.broadcast %reduce_sum3A_237 : i1 to vector<16xi1>
    %reduce_sum3A_239 = tpu.scan <sum>, %select_n3A_236 masked %reduce_sum3A_238 : vector<16xi32>, vector<16xi1> -> vector<16xi32>
    %reduce_sum3A_240 = vector.extract %reduce_sum3A_239[15] : i32 from vector<16xi32>
    %mul3A_241 = arith.constant 128 : i32
    %mul3A_242 = arith.muli %reduce_sum3A_240, %mul3A_241 : i32
    %multiple_of3A_243 = tpu.assume_multiple %mul3A_242, 128 : i32
    %dma_start3A_244 = arith.constant 0 : i32
    %dma_start3A_245 = tpu.memref_slice %arg7[%dma_start3A_244, %multiple_of3A_243] : memref<32x1000000xf32, #tpu.memory_space<hbm>> -> memref<32x128xf32, #tpu.memory_space<hbm>>
    %dma_start3A_246 = arith.constant 0 : i32
    %dma_start3A_247 = tpu.memref_slice %arg7[%dma_start3A_246, %multiple_of3A_243] : memref<32x1000000xf32, #tpu.memory_space<hbm>> -> memref<32x128xf32, #tpu.memory_space<hbm>>
    tpu.enqueue_dma source(%dma_start3A_247 : memref<32x128xf32, #tpu.memory_space<hbm>>) target(%arg26 : memref<32x128xf32, #tpu.memory_space<vmem>>) target_semaphore(%arg38 : memref<!tpu.dma_semaphore, #tpu.memory_space<semaphore_mem>>)
    %dma_start3A_248 = arith.constant 0 : i32
    %dma_start3A_249 = tpu.memref_slice %arg9[%dma_start3A_248, %multiple_of3A_243] : memref<32x1000000xf32, #tpu.memory_space<hbm>> -> memref<32x128xf32, #tpu.memory_space<hbm>>
    %dma_start3A_250 = arith.constant 0 : i32
    %dma_start3A_251 = tpu.memref_slice %arg9[%dma_start3A_250, %multiple_of3A_243] : memref<32x1000000xf32, #tpu.memory_space<hbm>> -> memref<32x128xf32, #tpu.memory_space<hbm>>
    tpu.enqueue_dma source(%dma_start3A_251 : memref<32x128xf32, #tpu.memory_space<hbm>>) target(%arg27 : memref<32x128xf32, #tpu.memory_space<vmem>>) target_semaphore(%arg38 : memref<!tpu.dma_semaphore, #tpu.memory_space<semaphore_mem>>)
    %get3A_252 = arith.constant 0 : index
    %get3A_253 = tpu.vector_load %arg16[%get3A_252] {strides = array<i32>} : memref<512xi32, #tpu.memory_space<vmem>>, vector<16xi32>,
    %eq3A_254 = arith.constant 5 : i32
    %eq3A_255 = vector.broadcast %eq3A_254 : i32 to vector<16xi32>
    %eq3A_256 = arith.cmpi eq, %iota3A, %eq3A_255 : vector<16xi32>
    %jit3A_257 = arith.constant 0 : i32
    %broadcast_in_dim3A_258 = vector.broadcast %jit3A_257 : i32 to vector<16xi32>
    %select_n3A_259 = arith.select %eq3A_256, %get3A_253, %broadcast_in_dim3A_258 : vector<16xi1>, vector<16xi32>
    %reduce_sum3A_260 = arith.constant true
    %reduce_sum3A_261 = vector.broadcast %reduce_sum3A_260 : i1 to vector<16xi1>
    %reduce_sum3A_262 = tpu.scan <sum>, %select_n3A_259 masked %reduce_sum3A_261 : vector<16xi32>, vector<16xi1> -> vector<16xi32>
    %reduce_sum3A_263 = vector.extract %reduce_sum3A_262[15] : i32 from vector<16xi32>
    %mul3A_264 = arith.constant 128 : i32
    %mul3A_265 = arith.muli %reduce_sum3A_263, %mul3A_264 : i32
    %multiple_of3A_266 = tpu.assume_multiple %mul3A_265, 128 : i32
    %dma_start3A_267 = arith.constant 0 : i32
    %dma_start3A_268 = tpu.memref_slice %arg7[%dma_start3A_267, %multiple_of3A_266] : memref<32x1000000xf32, #tpu.memory_space<hbm>> -> memref<32x128xf32, #tpu.memory_space<hbm>>
    %dma_start3A_269 = arith.constant 0 : i32
    %dma_start3A_270 = tpu.memref_slice %arg7[%dma_start3A_269, %multiple_of3A_266] : memref<32x1000000xf32, #tpu.memory_space<hbm>> -> memref<32x128xf32, #tpu.memory_space<hbm>>
    tpu.enqueue_dma source(%dma_start3A_270 : memref<32x128xf32, #tpu.memory_space<hbm>>) target(%arg28 : memref<32x128xf32, #tpu.memory_space<vmem>>) target_semaphore(%arg38 : memref<!tpu.dma_semaphore, #tpu.memory_space<semaphore_mem>>)
    %dma_start3A_271 = arith.constant 0 : i32
    %dma_start3A_272 = tpu.memref_slice %arg9[%dma_start3A_271, %multiple_of3A_266] : memref<32x1000000xf32, #tpu.memory_space<hbm>> -> memref<32x128xf32, #tpu.memory_space<hbm>>
    %dma_start3A_273 = arith.constant 0 : i32
    %dma_start3A_274 = tpu.memref_slice %arg9[%dma_start3A_273, %multiple_of3A_266] : memref<32x1000000xf32, #tpu.memory_space<hbm>> -> memref<32x128xf32, #tpu.memory_space<hbm>>
    tpu.enqueue_dma source(%dma_start3A_274 : memref<32x128xf32, #tpu.memory_space<hbm>>) target(%arg29 : memref<32x128xf32, #tpu.memory_space<vmem>>) target_semaphore(%arg38 : memref<!tpu.dma_semaphore, #tpu.memory_space<semaphore_mem>>)
    %scan3A_275 = arith.constant 0 : i32
    %scan3A_276 = arith.constant 64 : i32
    %scan3A_277 = arith.addi %scan3A_275, %scan3A_276 : i32
    %scan3A_278 = arith.constant 1 : i32
    scf.for %scan3A_280 = %scan3A_275 to %scan3A_277 step %scan3A_278  : i32 {
      %mul3A_281 = arith.constant 4 : i32
      %mul3A_282 = arith.muli %scan3A_280, %mul3A_281 : i32
      %add3A_283 = arith.constant 0 : i32
      %add3A_284 = arith.addi %mul3A_282, %add3A_283 : i32
      %add3A_285 = arith.constant 4 : i32
      %add3A_286 = arith.addi %add3A_284, %add3A_285 : i32
      %sub3A = arith.constant 1 : i32
      %sub3A_287 = arith.subi %add3A_286, %sub3A : i32
      %lt3A = arith.constant 256 : i32
      %lt3A_288 = arith.cmpi slt, %sub3A_287, %lt3A : i32
      %convert_element_type3A = arith.extui %lt3A_288 : i1 to i32
      %cond3A = arith.constant 0 : i32
      %cond3A_289 = arith.cmpi ne, %convert_element_type3A, %cond3A : i32
      scf.if %cond3A_289 {
        %add3A_1309 = arith.constant 4 : i32
        %add3A_1310 = arith.addi %add3A_284, %add3A_1309 : i32
        %sub3A_1311 = arith.constant 1 : i32
        %sub3A_1312 = arith.subi %add3A_1310, %sub3A_1311 : i32
        %mul3A_1313 = arith.constant 2 : i32
        %mul3A_1314 = arith.muli %sub3A_1312, %mul3A_1313 : i32
        %add3A_1315 = arith.constant 0 : i32
        %add3A_1316 = arith.addi %mul3A_1314, %add3A_1315 : i32
        %jit3A_1317 = arith.constant 16 : i32
        %div3A_1318 = arith.divsi %add3A_1316, %jit3A_1317 : i32
        %sign3A_1319 = arith.constant 0 : i32
        %sign3A_1320 = arith.cmpi sgt, %add3A_1316, %sign3A_1319 : i32
        %sign3A_1321 = arith.extui %sign3A_1320 : i1 to i32
        %sign3A_1322 = arith.constant 0 : i32
        %sign3A_1323 = arith.cmpi slt, %add3A_1316, %sign3A_1322 : i32
        %sign3A_1324 = arith.extui %sign3A_1323 : i1 to i32
        %sign3A_1325 = arith.subi %sign3A_1321, %sign3A_1324 : i32
        %sign3A_1326 = arith.constant 0 : i32
        %sign3A_1327 = arith.cmpi sgt, %jit3A_1317, %sign3A_1326 : i32
        %sign3A_1328 = arith.extui %sign3A_1327 : i1 to i32
        %sign3A_1329 = arith.constant 0 : i32
        %sign3A_1330 = arith.cmpi slt, %jit3A_1317, %sign3A_1329 : i32
        %sign3A_1331 = arith.extui %sign3A_1330 : i1 to i32
        %sign3A_1332 = arith.subi %sign3A_1328, %sign3A_1331 : i32
        %ne3A_1333 = arith.cmpi ne, %sign3A_1325, %sign3A_1332 : i32
        %rem3A_1334 = arith.remsi %add3A_1316, %jit3A_1317 : i32
        %ne3A_1335 = arith.constant 0 : i32
        %ne3A_1336 = arith.cmpi ne, %rem3A_1334, %ne3A_1335 : i32
        %and3A_1337 = arith.andi %ne3A_1333, %ne3A_1336 : i1
        %sub3A_1338 = arith.constant 1 : i32
        %sub3A_1339 = arith.subi %div3A_1318, %sub3A_1338 : i32
        %select_n3A_1340 = arith.select %and3A_1337, %sub3A_1339, %div3A_1318 : i32
        %mul3A_1341 = arith.constant 16 : i32
        %mul3A_1342 = arith.muli %select_n3A_1340, %mul3A_1341 : i32
        %get3A_1343 = arith.index_cast %mul3A_1342 : i32 to index
        %get3A_1344 = tpu.vector_load %arg16[%get3A_1343] {strides = array<i32>} : memref<512xi32, #tpu.memory_space<vmem>>, vector<16xi32>,
        %jit3A_1345 = arith.constant 16 : i32
        %eq3A_1346 = arith.constant 0 : i32
        %eq3A_1347 = arith.cmpi eq, %jit3A_1345, %eq3A_1346 : i32
        %jit3A_1348 = arith.constant 1 : i32
        %select_n3A_1349 = arith.select %eq3A_1347, %jit3A_1348, %jit3A_1345 : i32
        %rem3A_1350 = arith.remsi %add3A_1316, %select_n3A_1349 : i32
        %ne3A_1351 = arith.constant 0 : i32
        %ne3A_1352 = arith.cmpi ne, %rem3A_1350, %ne3A_1351 : i32
        %lt3A_1353 = arith.constant 0 : i32
        %lt3A_1354 = arith.cmpi slt, %rem3A_1350, %lt3A_1353 : i32
        %lt3A_1355 = arith.constant 0 : i32
        %lt3A_1356 = arith.cmpi slt, %select_n3A_1349, %lt3A_1355 : i32
        %ne3A_1357 = arith.xori %lt3A_1354, %lt3A_1356 : i1
        %and3A_1358 = arith.andi %ne3A_1357, %ne3A_1352 : i1
        %add3A_1359 = arith.addi %rem3A_1350, %select_n3A_1349 : i32
        %select_n3A_1360 = arith.select %and3A_1358, %add3A_1359, %rem3A_1350 : i32
        %eq3A_1361 = vector.broadcast %select_n3A_1360 : i32 to vector<16xi32>
        %eq3A_1362 = arith.cmpi eq, %iota3A, %eq3A_1361 : vector<16xi32>
        %jit3A_1363 = arith.constant 0 : i32
        %broadcast_in_dim3A_1364 = vector.broadcast %jit3A_1363 : i32 to vector<16xi32>
        %select_n3A_1365 = arith.select %eq3A_1362, %get3A_1344, %broadcast_in_dim3A_1364 : vector<16xi1>, vector<16xi32>
        %reduce_sum3A_1366 = arith.constant true
        %reduce_sum3A_1367 = vector.broadcast %reduce_sum3A_1366 : i1 to vector<16xi1>
        %reduce_sum3A_1368 = tpu.scan <sum>, %select_n3A_1365 masked %reduce_sum3A_1367 : vector<16xi32>, vector<16xi1> -> vector<16xi32>
        %reduce_sum3A_1369 = vector.extract %reduce_sum3A_1368[15] : i32 from vector<16xi32>
        %mul3A_1370 = arith.constant 128 : i32
        %mul3A_1371 = arith.muli %reduce_sum3A_1369, %mul3A_1370 : i32
        %multiple_of3A_1372 = tpu.assume_multiple %mul3A_1371, 128 : i32
        %dma_start3A_1373 = arith.constant 0 : i32
        %dma_start3A_1374 = tpu.memref_slice %arg7[%dma_start3A_1373, %multiple_of3A_1372] : memref<32x1000000xf32, #tpu.memory_space<hbm>> -> memref<32x128xf32, #tpu.memory_space<hbm>>
        %dma_start3A_1375 = arith.constant 0 : i32
        %dma_start3A_1376 = tpu.memref_slice %arg7[%dma_start3A_1375, %multiple_of3A_1372] : memref<32x1000000xf32, #tpu.memory_space<hbm>> -> memref<32x128xf32, #tpu.memory_space<hbm>>
        tpu.enqueue_dma source(%dma_start3A_1376 : memref<32x128xf32, #tpu.memory_space<hbm>>) target(%arg30 : memref<32x128xf32, #tpu.memory_space<vmem>>) target_semaphore(%arg39 : memref<!tpu.dma_semaphore, #tpu.memory_space<semaphore_mem>>)
        %dma_start3A_1377 = arith.constant 0 : i32
        %dma_start3A_1378 = tpu.memref_slice %arg9[%dma_start3A_1377, %multiple_of3A_1372] : memref<32x1000000xf32, #tpu.memory_space<hbm>> -> memref<32x128xf32, #tpu.memory_space<hbm>>
        %dma_start3A_1379 = arith.constant 0 : i32
        %dma_start3A_1380 = tpu.memref_slice %arg9[%dma_start3A_1379, %multiple_of3A_1372] : memref<32x1000000xf32, #tpu.memory_space<hbm>> -> memref<32x128xf32, #tpu.memory_space<hbm>>
        tpu.enqueue_dma source(%dma_start3A_1380 : memref<32x128xf32, #tpu.memory_space<hbm>>) target(%arg31 : memref<32x128xf32, #tpu.memory_space<vmem>>) target_semaphore(%arg39 : memref<!tpu.dma_semaphore, #tpu.memory_space<semaphore_mem>>)
        %mul3A_1381 = arith.constant 2 : i32
        %mul3A_1382 = arith.muli %sub3A_1312, %mul3A_1381 : i32
        %add3A_1383 = arith.constant 1 : i32
        %add3A_1384 = arith.addi %mul3A_1382, %add3A_1383 : i32
        %jit3A_1385 = arith.constant 16 : i32
        %div3A_1386 = arith.divsi %add3A_1384, %jit3A_1385 : i32
        %sign3A_1387 = arith.constant 0 : i32
        %sign3A_1388 = arith.cmpi sgt, %add3A_1384, %sign3A_1387 : i32
        %sign3A_1389 = arith.extui %sign3A_1388 : i1 to i32
        %sign3A_1390 = arith.constant 0 : i32
        %sign3A_1391 = arith.cmpi slt, %add3A_1384, %sign3A_1390 : i32
        %sign3A_1392 = arith.extui %sign3A_1391 : i1 to i32
        %sign3A_1393 = arith.subi %sign3A_1389, %sign3A_1392 : i32
        %sign3A_1394 = arith.constant 0 : i32
        %sign3A_1395 = arith.cmpi sgt, %jit3A_1385, %sign3A_1394 : i32
        %sign3A_1396 = arith.extui %sign3A_1395 : i1 to i32
        %sign3A_1397 = arith.constant 0 : i32
        %sign3A_1398 = arith.cmpi slt, %jit3A_1385, %sign3A_1397 : i32
        %sign3A_1399 = arith.extui %sign3A_1398 : i1 to i32
        %sign3A_1400 = arith.subi %sign3A_1396, %sign3A_1399 : i32
        %ne3A_1401 = arith.cmpi ne, %sign3A_1393, %sign3A_1400 : i32
        %rem3A_1402 = arith.remsi %add3A_1384, %jit3A_1385 : i32
        %ne3A_1403 = arith.constant 0 : i32
        %ne3A_1404 = arith.cmpi ne, %rem3A_1402, %ne3A_1403 : i32
        %and3A_1405 = arith.andi %ne3A_1401, %ne3A_1404 : i1
        %sub3A_1406 = arith.constant 1 : i32
        %sub3A_1407 = arith.subi %div3A_1386, %sub3A_1406 : i32
        %select_n3A_1408 = arith.select %and3A_1405, %sub3A_1407, %div3A_1386 : i32
        %mul3A_1409 = arith.constant 16 : i32
        %mul3A_1410 = arith.muli %select_n3A_1408, %mul3A_1409 : i32
        %get3A_1411 = arith.index_cast %mul3A_1410 : i32 to index
        %get3A_1412 = tpu.vector_load %arg16[%get3A_1411] {strides = array<i32>} : memref<512xi32, #tpu.memory_space<vmem>>, vector<16xi32>,
        %jit3A_1413 = arith.constant 16 : i32
        %eq3A_1414 = arith.constant 0 : i32
        %eq3A_1415 = arith.cmpi eq, %jit3A_1413, %eq3A_1414 : i32
        %jit3A_1416 = arith.constant 1 : i32
        %select_n3A_1417 = arith.select %eq3A_1415, %jit3A_1416, %jit3A_1413 : i32
        %rem3A_1418 = arith.remsi %add3A_1384, %select_n3A_1417 : i32
        %ne3A_1419 = arith.constant 0 : i32
        %ne3A_1420 = arith.cmpi ne, %rem3A_1418, %ne3A_1419 : i32
        %lt3A_1421 = arith.constant 0 : i32
        %lt3A_1422 = arith.cmpi slt, %rem3A_1418, %lt3A_1421 : i32
        %lt3A_1423 = arith.constant 0 : i32
        %lt3A_1424 = arith.cmpi slt, %select_n3A_1417, %lt3A_1423 : i32
        %ne3A_1425 = arith.xori %lt3A_1422, %lt3A_1424 : i1
        %and3A_1426 = arith.andi %ne3A_1425, %ne3A_1420 : i1
        %add3A_1427 = arith.addi %rem3A_1418, %select_n3A_1417 : i32
        %select_n3A_1428 = arith.select %and3A_1426, %add3A_1427, %rem3A_1418 : i32
        %eq3A_1429 = vector.broadcast %select_n3A_1428 : i32 to vector<16xi32>
        %eq3A_1430 = arith.cmpi eq, %iota3A, %eq3A_1429 : vector<16xi32>
        %jit3A_1431 = arith.constant 0 : i32
        %broadcast_in_dim3A_1432 = vector.broadcast %jit3A_1431 : i32 to vector<16xi32>
        %select_n3A_1433 = arith.select %eq3A_1430, %get3A_1412, %broadcast_in_dim3A_1432 : vector<16xi1>, vector<16xi32>
        %reduce_sum3A_1434 = arith.constant true
        %reduce_sum3A_1435 = vector.broadcast %reduce_sum3A_1434 : i1 to vector<16xi1>
        %reduce_sum3A_1436 = tpu.scan <sum>, %select_n3A_1433 masked %reduce_sum3A_1435 : vector<16xi32>, vector<16xi1> -> vector<16xi32>
        %reduce_sum3A_1437 = vector.extract %reduce_sum3A_1436[15] : i32 from vector<16xi32>
        %mul3A_1438 = arith.constant 128 : i32
        %mul3A_1439 = arith.muli %reduce_sum3A_1437, %mul3A_1438 : i32
        %multiple_of3A_1440 = tpu.assume_multiple %mul3A_1439, 128 : i32
        %dma_start3A_1441 = arith.constant 0 : i32
        %dma_start3A_1442 = tpu.memref_slice %arg7[%dma_start3A_1441, %multiple_of3A_1440] : memref<32x1000000xf32, #tpu.memory_space<hbm>> -> memref<32x128xf32, #tpu.memory_space<hbm>>
        %dma_start3A_1443 = arith.constant 0 : i32
        %dma_start3A_1444 = tpu.memref_slice %arg7[%dma_start3A_1443, %multiple_of3A_1440] : memref<32x1000000xf32, #tpu.memory_space<hbm>> -> memref<32x128xf32, #tpu.memory_space<hbm>>
        tpu.enqueue_dma source(%dma_start3A_1444 : memref<32x128xf32, #tpu.memory_space<hbm>>) target(%arg32 : memref<32x128xf32, #tpu.memory_space<vmem>>) target_semaphore(%arg39 : memref<!tpu.dma_semaphore, #tpu.memory_space<semaphore_mem>>)
        %dma_start3A_1445 = arith.constant 0 : i32
        %dma_start3A_1446 = tpu.memref_slice %arg9[%dma_start3A_1445, %multiple_of3A_1440] : memref<32x1000000xf32, #tpu.memory_space<hbm>> -> memref<32x128xf32, #tpu.memory_space<hbm>>
        %dma_start3A_1447 = arith.constant 0 : i32
        %dma_start3A_1448 = tpu.memref_slice %arg9[%dma_start3A_1447, %multiple_of3A_1440] : memref<32x1000000xf32, #tpu.memory_space<hbm>> -> memref<32x128xf32, #tpu.memory_space<hbm>>
        tpu.enqueue_dma source(%dma_start3A_1448 : memref<32x128xf32, #tpu.memory_space<hbm>>) target(%arg33 : memref<32x128xf32, #tpu.memory_space<vmem>>) target_semaphore(%arg39 : memref<!tpu.dma_semaphore, #tpu.memory_space<semaphore_mem>>)
      } else {
      }
      %dma_wait3A = arith.constant 0 : i32
      %dma_wait3A_290 = arith.constant 0 : i32
      %dma_wait3A_291 = tpu.memref_slice %arg7[%dma_wait3A, %dma_wait3A_290] : memref<32x1000000xf32, #tpu.memory_space<hbm>> -> memref<32x128xf32, #tpu.memory_space<hbm>>
      %dma_wait3A_292 = arith.constant 0 : i32
      %dma_wait3A_293 = arith.constant 0 : i32
      %dma_wait3A_294 = tpu.memref_slice %arg7[%dma_wait3A_292, %dma_wait3A_293] : memref<32x1000000xf32, #tpu.memory_space<hbm>> -> memref<32x128xf32, #tpu.memory_space<hbm>>
      tpu.wait_dma2 semaphore(%arg36 : memref<!tpu.dma_semaphore, #tpu.memory_space<semaphore_mem>>) src(%dma_wait3A_294 : memref<32x128xf32, #tpu.memory_space<hbm>>) dst(%arg18 : memref<32x128xf32, #tpu.memory_space<vmem>>)
      %dma_wait3A_295 = arith.constant 0 : i32
      %dma_wait3A_296 = arith.constant 0 : i32
      %dma_wait3A_297 = tpu.memref_slice %arg9[%dma_wait3A_295, %dma_wait3A_296] : memref<32x1000000xf32, #tpu.memory_space<hbm>> -> memref<32x128xf32, #tpu.memory_space<hbm>>
      %dma_wait3A_298 = arith.constant 0 : i32
      %dma_wait3A_299 = arith.constant 0 : i32
      %dma_wait3A_300 = tpu.memref_slice %arg9[%dma_wait3A_298, %dma_wait3A_299] : memref<32x1000000xf32, #tpu.memory_space<hbm>> -> memref<32x128xf32, #tpu.memory_space<hbm>>
      tpu.wait_dma2 semaphore(%arg36 : memref<!tpu.dma_semaphore, #tpu.memory_space<semaphore_mem>>) src(%dma_wait3A_300 : memref<32x128xf32, #tpu.memory_space<hbm>>) dst(%arg19 : memref<32x128xf32, #tpu.memory_space<vmem>>)
      %dma_wait3A_301 = arith.constant 0 : i32
      %dma_wait3A_302 = arith.constant 0 : i32
      %dma_wait3A_303 = tpu.memref_slice %arg7[%dma_wait3A_301, %dma_wait3A_302] : memref<32x1000000xf32, #tpu.memory_space<hbm>> -> memref<32x128xf32, #tpu.memory_space<hbm>>
      %dma_wait3A_304 = arith.constant 0 : i32
      %dma_wait3A_305 = arith.constant 0 : i32
      %dma_wait3A_306 = tpu.memref_slice %arg7[%dma_wait3A_304, %dma_wait3A_305] : memref<32x1000000xf32, #tpu.memory_space<hbm>> -> memref<32x128xf32, #tpu.memory_space<hbm>>
      tpu.wait_dma2 semaphore(%arg36 : memref<!tpu.dma_semaphore, #tpu.memory_space<semaphore_mem>>) src(%dma_wait3A_306 : memref<32x128xf32, #tpu.memory_space<hbm>>) dst(%arg20 : memref<32x128xf32, #tpu.memory_space<vmem>>)
      %dma_wait3A_307 = arith.constant 0 : i32
      %dma_wait3A_308 = arith.constant 0 : i32
      %dma_wait3A_309 = tpu.memref_slice %arg9[%dma_wait3A_307, %dma_wait3A_308] : memref<32x1000000xf32, #tpu.memory_space<hbm>> -> memref<32x128xf32, #tpu.memory_space<hbm>>
      %dma_wait3A_310 = arith.constant 0 : i32
      %dma_wait3A_311 = arith.constant 0 : i32
      %dma_wait3A_312 = tpu.memref_slice %arg9[%dma_wait3A_310, %dma_wait3A_311] : memref<32x1000000xf32, #tpu.memory_space<hbm>> -> memref<32x128xf32, #tpu.memory_space<hbm>>
      tpu.wait_dma2 semaphore(%arg36 : memref<!tpu.dma_semaphore, #tpu.memory_space<semaphore_mem>>) src(%dma_wait3A_312 : memref<32x128xf32, #tpu.memory_space<hbm>>) dst(%arg21 : memref<32x128xf32, #tpu.memory_space<vmem>>)
      %mul3A_313 = arith.constant 2 : i32
      %mul3A_314 = arith.muli %add3A_284, %mul3A_313 : i32
      %add3A_315 = arith.constant 0 : i32
      %add3A_316 = arith.addi %mul3A_314, %add3A_315 : i32
      %jit3A_317 = arith.constant 16 : i32
      %div3A = arith.divsi %add3A_316, %jit3A_317 : i32
      %sign3A = arith.constant 0 : i32
      %sign3A_318 = arith.cmpi sgt, %add3A_316, %sign3A : i32
      %sign3A_319 = arith.extui %sign3A_318 : i1 to i32
      %sign3A_320 = arith.constant 0 : i32
      %sign3A_321 = arith.cmpi slt, %add3A_316, %sign3A_320 : i32
      %sign3A_322 = arith.extui %sign3A_321 : i1 to i32
      %sign3A_323 = arith.subi %sign3A_319, %sign3A_322 : i32
      %sign3A_324 = arith.constant 0 : i32
      %sign3A_325 = arith.cmpi sgt, %jit3A_317, %sign3A_324 : i32
      %sign3A_326 = arith.extui %sign3A_325 : i1 to i32
      %sign3A_327 = arith.constant 0 : i32
      %sign3A_328 = arith.cmpi slt, %jit3A_317, %sign3A_327 : i32
      %sign3A_329 = arith.extui %sign3A_328 : i1 to i32
      %sign3A_330 = arith.subi %sign3A_326, %sign3A_329 : i32
      %ne3A = arith.cmpi ne, %sign3A_323, %sign3A_330 : i32
      %rem3A = arith.remsi %add3A_316, %jit3A_317 : i32
      %ne3A_331 = arith.constant 0 : i32
      %ne3A_332 = arith.cmpi ne, %rem3A, %ne3A_331 : i32
      %and3A = arith.andi %ne3A, %ne3A_332 : i1
      %sub3A_333 = arith.constant 1 : i32
      %sub3A_334 = arith.subi %div3A, %sub3A_333 : i32
      %select_n3A_335 = arith.select %and3A, %sub3A_334, %div3A : i32
      %mul3A_336 = arith.constant 16 : i32
      %mul3A_337 = arith.muli %select_n3A_335, %mul3A_336 : i32
      %get3A_338 = arith.index_cast %mul3A_337 : i32 to index
      %get3A_339 = tpu.vector_load %arg17[%get3A_338] {strides = array<i32>} : memref<512xi32, #tpu.memory_space<vmem>>, vector<16xi32>,
      %jit3A_340 = arith.constant 16 : i32
      %eq3A_341 = arith.constant 0 : i32
      %eq3A_342 = arith.cmpi eq, %jit3A_340, %eq3A_341 : i32
      %jit3A_343 = arith.constant 1 : i32
      %select_n3A_344 = arith.select %eq3A_342, %jit3A_343, %jit3A_340 : i32
      %rem3A_345 = arith.remsi %add3A_316, %select_n3A_344 : i32
      %ne3A_346 = arith.constant 0 : i32
      %ne3A_347 = arith.cmpi ne, %rem3A_345, %ne3A_346 : i32
      %lt3A_348 = arith.constant 0 : i32
      %lt3A_349 = arith.cmpi slt, %rem3A_345, %lt3A_348 : i32
      %lt3A_350 = arith.constant 0 : i32
      %lt3A_351 = arith.cmpi slt, %select_n3A_344, %lt3A_350 : i32
      %ne3A_352 = arith.xori %lt3A_349, %lt3A_351 : i1
      %and3A_353 = arith.andi %ne3A_352, %ne3A_347 : i1
      %add3A_354 = arith.addi %rem3A_345, %select_n3A_344 : i32
      %select_n3A_355 = arith.select %and3A_353, %add3A_354, %rem3A_345 : i32
      %eq3A_356 = vector.broadcast %select_n3A_355 : i32 to vector<16xi32>
      %eq3A_357 = arith.cmpi eq, %iota3A, %eq3A_356 : vector<16xi32>
      %jit3A_358 = arith.constant 0 : i32
      %broadcast_in_dim3A_359 = vector.broadcast %jit3A_358 : i32 to vector<16xi32>
      %select_n3A_360 = arith.select %eq3A_357, %get3A_339, %broadcast_in_dim3A_359 : vector<16xi1>, vector<16xi32>
      %reduce_sum3A_361 = arith.constant true
      %reduce_sum3A_362 = vector.broadcast %reduce_sum3A_361 : i1 to vector<16xi1>
      %reduce_sum3A_363 = tpu.scan <sum>, %select_n3A_360 masked %reduce_sum3A_362 : vector<16xi32>, vector<16xi1> -> vector<16xi32>
      %reduce_sum3A_364 = vector.extract %reduce_sum3A_363[15] : i32 from vector<16xi32>
      %broadcast_in_dim3A_365 = arith.constant 0 : i32
      %broadcast_in_dim3A_366 = vector.broadcast %broadcast_in_dim3A_365 : i32 to vector<16xi32>
      %add3A_367 = vector.broadcast %reduce_sum3A_364 : i32 to vector<16xi32>
      %add3A_368 = arith.addi %broadcast_in_dim3A_366, %add3A_367 : vector<16xi32>
      %jit3A_369 = arith.constant 128 : i32
      %eq3A_370 = arith.constant 0 : i32
      %eq3A_371 = arith.cmpi eq, %jit3A_369, %eq3A_370 : i32
      %jit3A_372 = arith.constant 1 : i32
      %select_n3A_373 = arith.select %eq3A_371, %jit3A_372, %jit3A_369 : i32
      %rem3A_374 = arith.remsi %add3A_316, %select_n3A_373 : i32
      %ne3A_375 = arith.constant 0 : i32
      %ne3A_376 = arith.cmpi ne, %rem3A_374, %ne3A_375 : i32
      %lt3A_377 = arith.constant 0 : i32
      %lt3A_378 = arith.cmpi slt, %rem3A_374, %lt3A_377 : i32
      %lt3A_379 = arith.constant 0 : i32
      %lt3A_380 = arith.cmpi slt, %select_n3A_373, %lt3A_379 : i32
      %ne3A_381 = arith.xori %lt3A_378, %lt3A_380 : i1
      %and3A_382 = arith.andi %ne3A_381, %ne3A_376 : i1
      %add3A_383 = arith.addi %rem3A_374, %select_n3A_373 : i32
      %select_n3A_384 = arith.select %and3A_382, %add3A_383, %rem3A_374 : i32
      %mul3A_385 = arith.constant 32 : i32
      %mul3A_386 = arith.muli %select_n3A_384, %mul3A_385 : i32
      %gather3A = tpu.vector_load_idx %arg18[%iota3A, %add3A_368] : memref<32x128xf32, #tpu.memory_space<vmem>>[vector<16xi32>, vector<16xi32>], vector<16xf32>,
      %swap3A = arith.index_cast %mul3A_386 : i32 to index
      %swap3A_387 = tpu.vector_load %arg34[%swap3A] {strides = array<i32>} : memref<4096xf32, #tpu.memory_space<vmem>>, vector<16xf32>,
      tpu.vector_store %arg34[%swap3A], %gather3A {strides = array<i32>} : memref<4096xf32, #tpu.memory_space<vmem>>, vector<16xf32>,
      %add3A_388 = arith.constant 16 : i32
      %add3A_389 = vector.broadcast %add3A_388 : i32 to vector<16xi32>
      %add3A_390 = arith.addi %iota3A, %add3A_389 : vector<16xi32>
      %gather3A_391 = tpu.vector_load_idx %arg18[%add3A_390, %add3A_368] : memref<32x128xf32, #tpu.memory_space<vmem>>[vector<16xi32>, vector<16xi32>], vector<16xf32>,
      %add3A_392 = arith.constant 16 : i32
      %add3A_393 = arith.addi %mul3A_386, %add3A_392 : i32
      %swap3A_394 = arith.index_cast %add3A_393 : i32 to index
      %swap3A_395 = tpu.vector_load %arg34[%swap3A_394] {strides = array<i32>} : memref<4096xf32, #tpu.memory_space<vmem>>, vector<16xf32>,
      tpu.vector_store %arg34[%swap3A_394], %gather3A_391 {strides = array<i32>} : memref<4096xf32, #tpu.memory_space<vmem>>, vector<16xf32>,
      %gather3A_396 = tpu.vector_load_idx %arg19[%iota3A, %add3A_368] : memref<32x128xf32, #tpu.memory_space<vmem>>[vector<16xi32>, vector<16xi32>], vector<16xf32>,
      %swap3A_397 = arith.index_cast %mul3A_386 : i32 to index
      %swap3A_398 = tpu.vector_load %arg35[%swap3A_397] {strides = array<i32>} : memref<4096xf32, #tpu.memory_space<vmem>>, vector<16xf32>,
      tpu.vector_store %arg35[%swap3A_397], %gather3A_396 {strides = array<i32>} : memref<4096xf32, #tpu.memory_space<vmem>>, vector<16xf32>,
      %add3A_399 = arith.constant 16 : i32
      %add3A_400 = vector.broadcast %add3A_399 : i32 to vector<16xi32>
      %add3A_401 = arith.addi %iota3A, %add3A_400 : vector<16xi32>
      %gather3A_402 = tpu.vector_load_idx %arg19[%add3A_401, %add3A_368] : memref<32x128xf32, #tpu.memory_space<vmem>>[vector<16xi32>, vector<16xi32>], vector<16xf32>,
      %add3A_403 = arith.constant 16 : i32
      %add3A_404 = arith.addi %mul3A_386, %add3A_403 : i32
      %swap3A_405 = arith.index_cast %add3A_404 : i32 to index
      %swap3A_406 = tpu.vector_load %arg35[%swap3A_405] {strides = array<i32>} : memref<4096xf32, #tpu.memory_space<vmem>>, vector<16xf32>,
      tpu.vector_store %arg35[%swap3A_405], %gather3A_402 {strides = array<i32>} : memref<4096xf32, #tpu.memory_space<vmem>>, vector<16xf32>,
      %mul3A_407 = arith.constant 2 : i32
      %mul3A_408 = arith.muli %add3A_284, %mul3A_407 : i32
      %add3A_409 = arith.constant 1 : i32
      %add3A_410 = arith.addi %mul3A_408, %add3A_409 : i32
      %jit3A_411 = arith.constant 16 : i32
      %div3A_412 = arith.divsi %add3A_410, %jit3A_411 : i32
      %sign3A_413 = arith.constant 0 : i32
      %sign3A_414 = arith.cmpi sgt, %add3A_410, %sign3A_413 : i32
      %sign3A_415 = arith.extui %sign3A_414 : i1 to i32
      %sign3A_416 = arith.constant 0 : i32
      %sign3A_417 = arith.cmpi slt, %add3A_410, %sign3A_416 : i32
      %sign3A_418 = arith.extui %sign3A_417 : i1 to i32
      %sign3A_419 = arith.subi %sign3A_415, %sign3A_418 : i32
      %sign3A_420 = arith.constant 0 : i32
      %sign3A_421 = arith.cmpi sgt, %jit3A_411, %sign3A_420 : i32
      %sign3A_422 = arith.extui %sign3A_421 : i1 to i32
      %sign3A_423 = arith.constant 0 : i32
      %sign3A_424 = arith.cmpi slt, %jit3A_411, %sign3A_423 : i32
      %sign3A_425 = arith.extui %sign3A_424 : i1 to i32
      %sign3A_426 = arith.subi %sign3A_422, %sign3A_425 : i32
      %ne3A_427 = arith.cmpi ne, %sign3A_419, %sign3A_426 : i32
      %rem3A_428 = arith.remsi %add3A_410, %jit3A_411 : i32
      %ne3A_429 = arith.constant 0 : i32
      %ne3A_430 = arith.cmpi ne, %rem3A_428, %ne3A_429 : i32
      %and3A_431 = arith.andi %ne3A_427, %ne3A_430 : i1
      %sub3A_432 = arith.constant 1 : i32
      %sub3A_433 = arith.subi %div3A_412, %sub3A_432 : i32
      %select_n3A_434 = arith.select %and3A_431, %sub3A_433, %div3A_412 : i32
      %mul3A_435 = arith.constant 16 : i32
      %mul3A_436 = arith.muli %select_n3A_434, %mul3A_435 : i32
      %get3A_437 = arith.index_cast %mul3A_436 : i32 to index
      %get3A_438 = tpu.vector_load %arg17[%get3A_437] {strides = array<i32>} : memref<512xi32, #tpu.memory_space<vmem>>, vector<16xi32>,
      %jit3A_439 = arith.constant 16 : i32
      %eq3A_440 = arith.constant 0 : i32
      %eq3A_441 = arith.cmpi eq, %jit3A_439, %eq3A_440 : i32
      %jit3A_442 = arith.constant 1 : i32
      %select_n3A_443 = arith.select %eq3A_441, %jit3A_442, %jit3A_439 : i32
      %rem3A_444 = arith.remsi %add3A_410, %select_n3A_443 : i32
      %ne3A_445 = arith.constant 0 : i32
      %ne3A_446 = arith.cmpi ne, %rem3A_444, %ne3A_445 : i32
      %lt3A_447 = arith.constant 0 : i32
      %lt3A_448 = arith.cmpi slt, %rem3A_444, %lt3A_447 : i32
      %lt3A_449 = arith.constant 0 : i32
      %lt3A_450 = arith.cmpi slt, %select_n3A_443, %lt3A_449 : i32
      %ne3A_451 = arith.xori %lt3A_448, %lt3A_450 : i1
      %and3A_452 = arith.andi %ne3A_451, %ne3A_446 : i1
      %add3A_453 = arith.addi %rem3A_444, %select_n3A_443 : i32
      %select_n3A_454 = arith.select %and3A_452, %add3A_453, %rem3A_444 : i32
      %eq3A_455 = vector.broadcast %select_n3A_454 : i32 to vector<16xi32>
      %eq3A_456 = arith.cmpi eq, %iota3A, %eq3A_455 : vector<16xi32>
      %jit3A_457 = arith.constant 0 : i32
      %broadcast_in_dim3A_458 = vector.broadcast %jit3A_457 : i32 to vector<16xi32>
      %select_n3A_459 = arith.select %eq3A_456, %get3A_438, %broadcast_in_dim3A_458 : vector<16xi1>, vector<16xi32>
      %reduce_sum3A_460 = arith.constant true
      %reduce_sum3A_461 = vector.broadcast %reduce_sum3A_460 : i1 to vector<16xi1>
      %reduce_sum3A_462 = tpu.scan <sum>, %select_n3A_459 masked %reduce_sum3A_461 : vector<16xi32>, vector<16xi1> -> vector<16xi32>
      %reduce_sum3A_463 = vector.extract %reduce_sum3A_462[15] : i32 from vector<16xi32>
      %broadcast_in_dim3A_464 = arith.constant 0 : i32
      %broadcast_in_dim3A_465 = vector.broadcast %broadcast_in_dim3A_464 : i32 to vector<16xi32>
      %add3A_466 = vector.broadcast %reduce_sum3A_463 : i32 to vector<16xi32>
      %add3A_467 = arith.addi %broadcast_in_dim3A_465, %add3A_466 : vector<16xi32>
      %jit3A_468 = arith.constant 128 : i32
      %eq3A_469 = arith.constant 0 : i32
      %eq3A_470 = arith.cmpi eq, %jit3A_468, %eq3A_469 : i32
      %jit3A_471 = arith.constant 1 : i32
      %select_n3A_472 = arith.select %eq3A_470, %jit3A_471, %jit3A_468 : i32
      %rem3A_473 = arith.remsi %add3A_410, %select_n3A_472 : i32
      %ne3A_474 = arith.constant 0 : i32
      %ne3A_475 = arith.cmpi ne, %rem3A_473, %ne3A_474 : i32
      %lt3A_476 = arith.constant 0 : i32
      %lt3A_477 = arith.cmpi slt, %rem3A_473, %lt3A_476 : i32
      %lt3A_478 = arith.constant 0 : i32
      %lt3A_479 = arith.cmpi slt, %select_n3A_472, %lt3A_478 : i32
      %ne3A_480 = arith.xori %lt3A_477, %lt3A_479 : i1
      %and3A_481 = arith.andi %ne3A_480, %ne3A_475 : i1
      %add3A_482 = arith.addi %rem3A_473, %select_n3A_472 : i32
      %select_n3A_483 = arith.select %and3A_481, %add3A_482, %rem3A_473 : i32
      %mul3A_484 = arith.constant 32 : i32
      %mul3A_485 = arith.muli %select_n3A_483, %mul3A_484 : i32
      %gather3A_486 = tpu.vector_load_idx %arg20[%iota3A, %add3A_467] : memref<32x128xf32, #tpu.memory_space<vmem>>[vector<16xi32>, vector<16xi32>], vector<16xf32>,
      %swap3A_487 = arith.index_cast %mul3A_485 : i32 to index
      %swap3A_488 = tpu.vector_load %arg34[%swap3A_487] {strides = array<i32>} : memref<4096xf32, #tpu.memory_space<vmem>>, vector<16xf32>,
      tpu.vector_store %arg34[%swap3A_487], %gather3A_486 {strides = array<i32>} : memref<4096xf32, #tpu.memory_space<vmem>>, vector<16xf32>,
      %add3A_489 = arith.constant 16 : i32
      %add3A_490 = vector.broadcast %add3A_489 : i32 to vector<16xi32>
      %add3A_491 = arith.addi %iota3A, %add3A_490 : vector<16xi32>
      %gather3A_492 = tpu.vector_load_idx %arg20[%add3A_491, %add3A_467] : memref<32x128xf32, #tpu.memory_space<vmem>>[vector<16xi32>, vector<16xi32>], vector<16xf32>,
      %add3A_493 = arith.constant 16 : i32
      %add3A_494 = arith.addi %mul3A_485, %add3A_493 : i32
      %swap3A_495 = arith.index_cast %add3A_494 : i32 to index
      %swap3A_496 = tpu.vector_load %arg34[%swap3A_495] {strides = array<i32>} : memref<4096xf32, #tpu.memory_space<vmem>>, vector<16xf32>,
      tpu.vector_store %arg34[%swap3A_495], %gather3A_492 {strides = array<i32>} : memref<4096xf32, #tpu.memory_space<vmem>>, vector<16xf32>,
      %gather3A_497 = tpu.vector_load_idx %arg21[%iota3A, %add3A_467] : memref<32x128xf32, #tpu.memory_space<vmem>>[vector<16xi32>, vector<16xi32>], vector<16xf32>,
      %swap3A_498 = arith.index_cast %mul3A_485 : i32 to index
      %swap3A_499 = tpu.vector_load %arg35[%swap3A_498] {strides = array<i32>} : memref<4096xf32, #tpu.memory_space<vmem>>, vector<16xf32>,
      tpu.vector_store %arg35[%swap3A_498], %gather3A_497 {strides = array<i32>} : memref<4096xf32, #tpu.memory_space<vmem>>, vector<16xf32>,
      %add3A_500 = arith.constant 16 : i32
      %add3A_501 = vector.broadcast %add3A_500 : i32 to vector<16xi32>
      %add3A_502 = arith.addi %iota3A, %add3A_501 : vector<16xi32>
      %gather3A_503 = tpu.vector_load_idx %arg21[%add3A_502, %add3A_467] : memref<32x128xf32, #tpu.memory_space<vmem>>[vector<16xi32>, vector<16xi32>], vector<16xf32>,
      %add3A_504 = arith.constant 16 : i32
      %add3A_505 = arith.addi %mul3A_485, %add3A_504 : i32
      %swap3A_506 = arith.index_cast %add3A_505 : i32 to index
      %swap3A_507 = tpu.vector_load %arg35[%swap3A_506] {strides = array<i32>} : memref<4096xf32, #tpu.memory_space<vmem>>, vector<16xf32>,
      tpu.vector_store %arg35[%swap3A_506], %gather3A_503 {strides = array<i32>} : memref<4096xf32, #tpu.memory_space<vmem>>, vector<16xf32>,
      %jit3A_508 = arith.constant 64 : i32
      %eq3A_509 = arith.constant 0 : i32
      %eq3A_510 = arith.cmpi eq, %jit3A_508, %eq3A_509 : i32
      %jit3A_511 = arith.constant 1 : i32
      %select_n3A_512 = arith.select %eq3A_510, %jit3A_511, %jit3A_508 : i32
      %rem3A_513 = arith.remsi %add3A_284, %select_n3A_512 : i32
      %ne3A_514 = arith.constant 0 : i32
      %ne3A_515 = arith.cmpi ne, %rem3A_513, %ne3A_514 : i32
      %lt3A_516 = arith.constant 0 : i32
      %lt3A_517 = arith.cmpi slt, %rem3A_513, %lt3A_516 : i32
      %lt3A_518 = arith.constant 0 : i32
      %lt3A_519 = arith.cmpi slt, %select_n3A_512, %lt3A_518 : i32
      %ne3A_520 = arith.xori %lt3A_517, %lt3A_519 : i1
      %and3A_521 = arith.andi %ne3A_520, %ne3A_515 : i1
      %add3A_522 = arith.addi %rem3A_513, %select_n3A_512 : i32
      %select_n3A_523 = arith.select %and3A_521, %add3A_522, %rem3A_513 : i32
      %eq3A_524 = arith.constant 63 : i32
      %eq3A_525 = arith.cmpi eq, %select_n3A_523, %eq3A_524 : i32
      %convert_element_type3A_526 = arith.extui %eq3A_525 : i1 to i32
      %cond3A_527 = arith.constant 0 : i32
      %cond3A_528 = arith.cmpi ne, %convert_element_type3A_526, %cond3A_527 : i32
      scf.if %cond3A_528 {
        %jit3A_1309 = arith.constant 64 : i32
        %div3A_1310 = arith.divsi %add3A_284, %jit3A_1309 : i32
        %sign3A_1311 = arith.constant 0 : i32
        %sign3A_1312 = arith.cmpi sgt, %add3A_284, %sign3A_1311 : i32
        %sign3A_1313 = arith.extui %sign3A_1312 : i1 to i32
        %sign3A_1314 = arith.constant 0 : i32
        %sign3A_1315 = arith.cmpi slt, %add3A_284, %sign3A_1314 : i32
        %sign3A_1316 = arith.extui %sign3A_1315 : i1 to i32
        %sign3A_1317 = arith.subi %sign3A_1313, %sign3A_1316 : i32
        %sign3A_1318 = arith.constant 0 : i32
        %sign3A_1319 = arith.cmpi sgt, %jit3A_1309, %sign3A_1318 : i32
        %sign3A_1320 = arith.extui %sign3A_1319 : i1 to i32
        %sign3A_1321 = arith.constant 0 : i32
        %sign3A_1322 = arith.cmpi slt, %jit3A_1309, %sign3A_1321 : i32
        %sign3A_1323 = arith.extui %sign3A_1322 : i1 to i32
        %sign3A_1324 = arith.subi %sign3A_1320, %sign3A_1323 : i32
        %ne3A_1325 = arith.cmpi ne, %sign3A_1317, %sign3A_1324 : i32
        %rem3A_1326 = arith.remsi %add3A_284, %jit3A_1309 : i32
        %ne3A_1327 = arith.constant 0 : i32
        %ne3A_1328 = arith.cmpi ne, %rem3A_1326, %ne3A_1327 : i32
        %and3A_1329 = arith.andi %ne3A_1325, %ne3A_1328 : i1
        %sub3A_1330 = arith.constant 1 : i32
        %sub3A_1331 = arith.subi %div3A_1310, %sub3A_1330 : i32
        %select_n3A_1332 = arith.select %and3A_1329, %sub3A_1331, %div3A_1310 : i32
        %mul3A_1333 = arith.constant 32 : i32
        %mul3A_1334 = arith.muli %mul3A_2, %mul3A_1333 : i32
        %mul3A_1335 = arith.constant 4096 : i32
        %mul3A_1336 = arith.muli %select_n3A_1332, %mul3A_1335 : i32
        %add3A_1337 = arith.addi %mul3A_1334, %mul3A_1336 : i32
        "tpu.region"() ({
          %run_scoped3A = tpu.sem_alloc : memref<!tpu.dma_semaphore, #tpu.memory_space<semaphore_mem>>
          %dma_start3A_1343 = tpu.memref_slice %arg12[%add3A_1337] : memref<524288xf32, #tpu.memory_space<hbm>> -> memref<4096xf32, #tpu.memory_space<hbm>>
          %dma_start3A_1344 = tpu.memref_slice %arg12[%add3A_1337] : memref<524288xf32, #tpu.memory_space<hbm>> -> memref<4096xf32, #tpu.memory_space<hbm>>
          tpu.enqueue_dma source(%arg34 : memref<4096xf32, #tpu.memory_space<vmem>>) target(%dma_start3A_1344 : memref<4096xf32, #tpu.memory_space<hbm>>) target_semaphore(%run_scoped3A : memref<!tpu.dma_semaphore, #tpu.memory_space<semaphore_mem>>)
          %dma_wait3A_1345 = tpu.memref_slice %arg12[%add3A_1337] : memref<524288xf32, #tpu.memory_space<hbm>> -> memref<4096xf32, #tpu.memory_space<hbm>>
          %dma_wait3A_1346 = tpu.memref_slice %arg12[%add3A_1337] : memref<524288xf32, #tpu.memory_space<hbm>> -> memref<4096xf32, #tpu.memory_space<hbm>>
          tpu.wait_dma2 semaphore(%run_scoped3A : memref<!tpu.dma_semaphore, #tpu.memory_space<semaphore_mem>>) src(%arg34 : memref<4096xf32, #tpu.memory_space<vmem>>) dst(%dma_wait3A_1346 : memref<4096xf32, #tpu.memory_space<hbm>>)
          tpu.yield
        }) : () -> ()
        %mul3A_1338 = arith.constant 32 : i32
        %mul3A_1339 = arith.muli %mul3A_2, %mul3A_1338 : i32
        %mul3A_1340 = arith.constant 4096 : i32
        %mul3A_1341 = arith.muli %select_n3A_1332, %mul3A_1340 : i32
        %add3A_1342 = arith.addi %mul3A_1339, %mul3A_1341 : i32
        "tpu.region"() ({
          %run_scoped3A = tpu.sem_alloc : memref<!tpu.dma_semaphore, #tpu.memory_space<semaphore_mem>>
          %dma_start3A_1343 = tpu.memref_slice %arg13[%add3A_1342] : memref<524288xf32, #tpu.memory_space<hbm>> -> memref<4096xf32, #tpu.memory_space<hbm>>
          %dma_start3A_1344 = tpu.memref_slice %arg13[%add3A_1342] : memref<524288xf32, #tpu.memory_space<hbm>> -> memref<4096xf32, #tpu.memory_space<hbm>>
          tpu.enqueue_dma source(%arg35 : memref<4096xf32, #tpu.memory_space<vmem>>) target(%dma_start3A_1344 : memref<4096xf32, #tpu.memory_space<hbm>>) target_semaphore(%run_scoped3A : memref<!tpu.dma_semaphore, #tpu.memory_space<semaphore_mem>>)
          %dma_wait3A_1345 = tpu.memref_slice %arg13[%add3A_1342] : memref<524288xf32, #tpu.memory_space<hbm>> -> memref<4096xf32, #tpu.memory_space<hbm>>
          %dma_wait3A_1346 = tpu.memref_slice %arg13[%add3A_1342] : memref<524288xf32, #tpu.memory_space<hbm>> -> memref<4096xf32, #tpu.memory_space<hbm>>
          tpu.wait_dma2 semaphore(%run_scoped3A : memref<!tpu.dma_semaphore, #tpu.memory_space<semaphore_mem>>) src(%arg35 : memref<4096xf32, #tpu.memory_space<vmem>>) dst(%dma_wait3A_1346 : memref<4096xf32, #tpu.memory_space<hbm>>)
          tpu.yield
        }) : () -> ()
      } else {
      }
      %mul3A_529 = arith.constant 4 : i32
      %mul3A_530 = arith.muli %scan3A_280, %mul3A_529 : i32
      %add3A_531 = arith.constant 1 : i32
      %add3A_532 = arith.addi %mul3A_530, %add3A_531 : i32
      %add3A_533 = arith.constant 4 : i32
      %add3A_534 = arith.addi %add3A_532, %add3A_533 : i32
      %sub3A_535 = arith.constant 1 : i32
      %sub3A_536 = arith.subi %add3A_534, %sub3A_535 : i32
      %lt3A_537 = arith.constant 256 : i32
      %lt3A_538 = arith.cmpi slt, %sub3A_536, %lt3A_537 : i32
      %convert_element_type3A_539 = arith.extui %lt3A_538 : i1 to i32
      %cond3A_540 = arith.constant 0 : i32
      %cond3A_541 = arith.cmpi ne, %convert_element_type3A_539, %cond3A_540 : i32
      scf.if %cond3A_541 {
        %add3A_1309 = arith.constant 4 : i32
        %add3A_1310 = arith.addi %add3A_532, %add3A_1309 : i32
        %sub3A_1311 = arith.constant 1 : i32
        %sub3A_1312 = arith.subi %add3A_1310, %sub3A_1311 : i32
        %mul3A_1313 = arith.constant 2 : i32
        %mul3A_1314 = arith.muli %sub3A_1312, %mul3A_1313 : i32
        %add3A_1315 = arith.constant 0 : i32
        %add3A_1316 = arith.addi %mul3A_1314, %add3A_1315 : i32
        %jit3A_1317 = arith.constant 16 : i32
        %div3A_1318 = arith.divsi %add3A_1316, %jit3A_1317 : i32
        %sign3A_1319 = arith.constant 0 : i32
        %sign3A_1320 = arith.cmpi sgt, %add3A_1316, %sign3A_1319 : i32
        %sign3A_1321 = arith.extui %sign3A_1320 : i1 to i32
        %sign3A_1322 = arith.constant 0 : i32
        %sign3A_1323 = arith.cmpi slt, %add3A_1316, %sign3A_1322 : i32
        %sign3A_1324 = arith.extui %sign3A_1323 : i1 to i32
        %sign3A_1325 = arith.subi %sign3A_1321, %sign3A_1324 : i32
        %sign3A_1326 = arith.constant 0 : i32
        %sign3A_1327 = arith.cmpi sgt, %jit3A_1317, %sign3A_1326 : i32
        %sign3A_1328 = arith.extui %sign3A_1327 : i1 to i32
        %sign3A_1329 = arith.constant 0 : i32
        %sign3A_1330 = arith.cmpi slt, %jit3A_1317, %sign3A_1329 : i32
        %sign3A_1331 = arith.extui %sign3A_1330 : i1 to i32
        %sign3A_1332 = arith.subi %sign3A_1328, %sign3A_1331 : i32
        %ne3A_1333 = arith.cmpi ne, %sign3A_1325, %sign3A_1332 : i32
        %rem3A_1334 = arith.remsi %add3A_1316, %jit3A_1317 : i32
        %ne3A_1335 = arith.constant 0 : i32
        %ne3A_1336 = arith.cmpi ne, %rem3A_1334, %ne3A_1335 : i32
        %and3A_1337 = arith.andi %ne3A_1333, %ne3A_1336 : i1
        %sub3A_1338 = arith.constant 1 : i32
        %sub3A_1339 = arith.subi %div3A_1318, %sub3A_1338 : i32
        %select_n3A_1340 = arith.select %and3A_1337, %sub3A_1339, %div3A_1318 : i32
        %mul3A_1341 = arith.constant 16 : i32
        %mul3A_1342 = arith.muli %select_n3A_1340, %mul3A_1341 : i32
        %get3A_1343 = arith.index_cast %mul3A_1342 : i32 to index
        %get3A_1344 = tpu.vector_load %arg16[%get3A_1343] {strides = array<i32>} : memref<512xi32, #tpu.memory_space<vmem>>, vector<16xi32>,
        %jit3A_1345 = arith.constant 16 : i32
        %eq3A_1346 = arith.constant 0 : i32
        %eq3A_1347 = arith.cmpi eq, %jit3A_1345, %eq3A_1346 : i32
        %jit3A_1348 = arith.constant 1 : i32
        %select_n3A_1349 = arith.select %eq3A_1347, %jit3A_1348, %jit3A_1345 : i32
        %rem3A_1350 = arith.remsi %add3A_1316, %select_n3A_1349 : i32
        %ne3A_1351 = arith.constant 0 : i32
        %ne3A_1352 = arith.cmpi ne, %rem3A_1350, %ne3A_1351 : i32
        %lt3A_1353 = arith.constant 0 : i32
        %lt3A_1354 = arith.cmpi slt, %rem3A_1350, %lt3A_1353 : i32
        %lt3A_1355 = arith.constant 0 : i32
        %lt3A_1356 = arith.cmpi slt, %select_n3A_1349, %lt3A_1355 : i32
        %ne3A_1357 = arith.xori %lt3A_1354, %lt3A_1356 : i1
        %and3A_1358 = arith.andi %ne3A_1357, %ne3A_1352 : i1
        %add3A_1359 = arith.addi %rem3A_1350, %select_n3A_1349 : i32
        %select_n3A_1360 = arith.select %and3A_1358, %add3A_1359, %rem3A_1350 : i32
        %eq3A_1361 = vector.broadcast %select_n3A_1360 : i32 to vector<16xi32>
        %eq3A_1362 = arith.cmpi eq, %iota3A, %eq3A_1361 : vector<16xi32>
        %jit3A_1363 = arith.constant 0 : i32
        %broadcast_in_dim3A_1364 = vector.broadcast %jit3A_1363 : i32 to vector<16xi32>
        %select_n3A_1365 = arith.select %eq3A_1362, %get3A_1344, %broadcast_in_dim3A_1364 : vector<16xi1>, vector<16xi32>
        %reduce_sum3A_1366 = arith.constant true
        %reduce_sum3A_1367 = vector.broadcast %reduce_sum3A_1366 : i1 to vector<16xi1>
        %reduce_sum3A_1368 = tpu.scan <sum>, %select_n3A_1365 masked %reduce_sum3A_1367 : vector<16xi32>, vector<16xi1> -> vector<16xi32>
        %reduce_sum3A_1369 = vector.extract %reduce_sum3A_1368[15] : i32 from vector<16xi32>
        %mul3A_1370 = arith.constant 128 : i32
        %mul3A_1371 = arith.muli %reduce_sum3A_1369, %mul3A_1370 : i32
        %multiple_of3A_1372 = tpu.assume_multiple %mul3A_1371, 128 : i32
        %dma_start3A_1373 = arith.constant 0 : i32
        %dma_start3A_1374 = tpu.memref_slice %arg7[%dma_start3A_1373, %multiple_of3A_1372] : memref<32x1000000xf32, #tpu.memory_space<hbm>> -> memref<32x128xf32, #tpu.memory_space<hbm>>
        %dma_start3A_1375 = arith.constant 0 : i32
        %dma_start3A_1376 = tpu.memref_slice %arg7[%dma_start3A_1375, %multiple_of3A_1372] : memref<32x1000000xf32, #tpu.memory_space<hbm>> -> memref<32x128xf32, #tpu.memory_space<hbm>>
        tpu.enqueue_dma source(%dma_start3A_1376 : memref<32x128xf32, #tpu.memory_space<hbm>>) target(%arg18 : memref<32x128xf32, #tpu.memory_space<vmem>>) target_semaphore(%arg36 : memref<!tpu.dma_semaphore, #tpu.memory_space<semaphore_mem>>)
        %dma_start3A_1377 = arith.constant 0 : i32
        %dma_start3A_1378 = tpu.memref_slice %arg9[%dma_start3A_1377, %multiple_of3A_1372] : memref<32x1000000xf32, #tpu.memory_space<hbm>> -> memref<32x128xf32, #tpu.memory_space<hbm>>
        %dma_start3A_1379 = arith.constant 0 : i32
        %dma_start3A_1380 = tpu.memref_slice %arg9[%dma_start3A_1379, %multiple_of3A_1372] : memref<32x1000000xf32, #tpu.memory_space<hbm>> -> memref<32x128xf32, #tpu.memory_space<hbm>>
        tpu.enqueue_dma source(%dma_start3A_1380 : memref<32x128xf32, #tpu.memory_space<hbm>>) target(%arg19 : memref<32x128xf32, #tpu.memory_space<vmem>>) target_semaphore(%arg36 : memref<!tpu.dma_semaphore, #tpu.memory_space<semaphore_mem>>)
        %mul3A_1381 = arith.constant 2 : i32
        %mul3A_1382 = arith.muli %sub3A_1312, %mul3A_1381 : i32
        %add3A_1383 = arith.constant 1 : i32
        %add3A_1384 = arith.addi %mul3A_1382, %add3A_1383 : i32
        %jit3A_1385 = arith.constant 16 : i32
        %div3A_1386 = arith.divsi %add3A_1384, %jit3A_1385 : i32
        %sign3A_1387 = arith.constant 0 : i32
        %sign3A_1388 = arith.cmpi sgt, %add3A_1384, %sign3A_1387 : i32
        %sign3A_1389 = arith.extui %sign3A_1388 : i1 to i32
        %sign3A_1390 = arith.constant 0 : i32
        %sign3A_1391 = arith.cmpi slt, %add3A_1384, %sign3A_1390 : i32
        %sign3A_1392 = arith.extui %sign3A_1391 : i1 to i32
        %sign3A_1393 = arith.subi %sign3A_1389, %sign3A_1392 : i32
        %sign3A_1394 = arith.constant 0 : i32
        %sign3A_1395 = arith.cmpi sgt, %jit3A_1385, %sign3A_1394 : i32
        %sign3A_1396 = arith.extui %sign3A_1395 : i1 to i32
        %sign3A_1397 = arith.constant 0 : i32
        %sign3A_1398 = arith.cmpi slt, %jit3A_1385, %sign3A_1397 : i32
        %sign3A_1399 = arith.extui %sign3A_1398 : i1 to i32
        %sign3A_1400 = arith.subi %sign3A_1396, %sign3A_1399 : i32
        %ne3A_1401 = arith.cmpi ne, %sign3A_1393, %sign3A_1400 : i32
        %rem3A_1402 = arith.remsi %add3A_1384, %jit3A_1385 : i32
        %ne3A_1403 = arith.constant 0 : i32
        %ne3A_1404 = arith.cmpi ne, %rem3A_1402, %ne3A_1403 : i32
        %and3A_1405 = arith.andi %ne3A_1401, %ne3A_1404 : i1
        %sub3A_1406 = arith.constant 1 : i32
        %sub3A_1407 = arith.subi %div3A_1386, %sub3A_1406 : i32
        %select_n3A_1408 = arith.select %and3A_1405, %sub3A_1407, %div3A_1386 : i32
        %mul3A_1409 = arith.constant 16 : i32
        %mul3A_1410 = arith.muli %select_n3A_1408, %mul3A_1409 : i32
        %get3A_1411 = arith.index_cast %mul3A_1410 : i32 to index
        %get3A_1412 = tpu.vector_load %arg16[%get3A_1411] {strides = array<i32>} : memref<512xi32, #tpu.memory_space<vmem>>, vector<16xi32>,
        %jit3A_1413 = arith.constant 16 : i32
        %eq3A_1414 = arith.constant 0 : i32
        %eq3A_1415 = arith.cmpi eq, %jit3A_1413, %eq3A_1414 : i32
        %jit3A_1416 = arith.constant 1 : i32
        %select_n3A_1417 = arith.select %eq3A_1415, %jit3A_1416, %jit3A_1413 : i32
        %rem3A_1418 = arith.remsi %add3A_1384, %select_n3A_1417 : i32
        %ne3A_1419 = arith.constant 0 : i32
        %ne3A_1420 = arith.cmpi ne, %rem3A_1418, %ne3A_1419 : i32
        %lt3A_1421 = arith.constant 0 : i32
        %lt3A_1422 = arith.cmpi slt, %rem3A_1418, %lt3A_1421 : i32
        %lt3A_1423 = arith.constant 0 : i32
        %lt3A_1424 = arith.cmpi slt, %select_n3A_1417, %lt3A_1423 : i32
        %ne3A_1425 = arith.xori %lt3A_1422, %lt3A_1424 : i1
        %and3A_1426 = arith.andi %ne3A_1425, %ne3A_1420 : i1
        %add3A_1427 = arith.addi %rem3A_1418, %select_n3A_1417 : i32
        %select_n3A_1428 = arith.select %and3A_1426, %add3A_1427, %rem3A_1418 : i32
        %eq3A_1429 = vector.broadcast %select_n3A_1428 : i32 to vector<16xi32>
        %eq3A_1430 = arith.cmpi eq, %iota3A, %eq3A_1429 : vector<16xi32>
        %jit3A_1431 = arith.constant 0 : i32
        %broadcast_in_dim3A_1432 = vector.broadcast %jit3A_1431 : i32 to vector<16xi32>
        %select_n3A_1433 = arith.select %eq3A_1430, %get3A_1412, %broadcast_in_dim3A_1432 : vector<16xi1>, vector<16xi32>
        %reduce_sum3A_1434 = arith.constant true
        %reduce_sum3A_1435 = vector.broadcast %reduce_sum3A_1434 : i1 to vector<16xi1>
        %reduce_sum3A_1436 = tpu.scan <sum>, %select_n3A_1433 masked %reduce_sum3A_1435 : vector<16xi32>, vector<16xi1> -> vector<16xi32>
        %reduce_sum3A_1437 = vector.extract %reduce_sum3A_1436[15] : i32 from vector<16xi32>
        %mul3A_1438 = arith.constant 128 : i32
        %mul3A_1439 = arith.muli %reduce_sum3A_1437, %mul3A_1438 : i32
        %multiple_of3A_1440 = tpu.assume_multiple %mul3A_1439, 128 : i32
        %dma_start3A_1441 = arith.constant 0 : i32
        %dma_start3A_1442 = tpu.memref_slice %arg7[%dma_start3A_1441, %multiple_of3A_1440] : memref<32x1000000xf32, #tpu.memory_space<hbm>> -> memref<32x128xf32, #tpu.memory_space<hbm>>
        %dma_start3A_1443 = arith.constant 0 : i32
        %dma_start3A_1444 = tpu.memref_slice %arg7[%dma_start3A_1443, %multiple_of3A_1440] : memref<32x1000000xf32, #tpu.memory_space<hbm>> -> memref<32x128xf32, #tpu.memory_space<hbm>>
        tpu.enqueue_dma source(%dma_start3A_1444 : memref<32x128xf32, #tpu.memory_space<hbm>>) target(%arg20 : memref<32x128xf32, #tpu.memory_space<vmem>>) target_semaphore(%arg36 : memref<!tpu.dma_semaphore, #tpu.memory_space<semaphore_mem>>)
        %dma_start3A_1445 = arith.constant 0 : i32
        %dma_start3A_1446 = tpu.memref_slice %arg9[%dma_start3A_1445, %multiple_of3A_1440] : memref<32x1000000xf32, #tpu.memory_space<hbm>> -> memref<32x128xf32, #tpu.memory_space<hbm>>
        %dma_start3A_1447 = arith.constant 0 : i32
        %dma_start3A_1448 = tpu.memref_slice %arg9[%dma_start3A_1447, %multiple_of3A_1440] : memref<32x1000000xf32, #tpu.memory_space<hbm>> -> memref<32x128xf32, #tpu.memory_space<hbm>>
        tpu.enqueue_dma source(%dma_start3A_1448 : memref<32x128xf32, #tpu.memory_space<hbm>>) target(%arg21 : memref<32x128xf32, #tpu.memory_space<vmem>>) target_semaphore(%arg36 : memref<!tpu.dma_semaphore, #tpu.memory_space<semaphore_mem>>)
      } else {
      }
      %dma_wait3A_542 = arith.constant 0 : i32
      %dma_wait3A_543 = arith.constant 0 : i32
      %dma_wait3A_544 = tpu.memref_slice %arg7[%dma_wait3A_542, %dma_wait3A_543] : memref<32x1000000xf32, #tpu.memory_space<hbm>> -> memref<32x128xf32, #tpu.memory_space<hbm>>
      %dma_wait3A_545 = arith.constant 0 : i32
      %dma_wait3A_546 = arith.constant 0 : i32
      %dma_wait3A_547 = tpu.memref_slice %arg7[%dma_wait3A_545, %dma_wait3A_546] : memref<32x1000000xf32, #tpu.memory_space<hbm>> -> memref<32x128xf32, #tpu.memory_space<hbm>>
      tpu.wait_dma2 semaphore(%arg37 : memref<!tpu.dma_semaphore, #tpu.memory_space<semaphore_mem>>) src(%dma_wait3A_547 : memref<32x128xf32, #tpu.memory_space<hbm>>) dst(%arg22 : memref<32x128xf32, #tpu.memory_space<vmem>>)
      %dma_wait3A_548 = arith.constant 0 : i32
      %dma_wait3A_549 = arith.constant 0 : i32
      %dma_wait3A_550 = tpu.memref_slice %arg9[%dma_wait3A_548, %dma_wait3A_549] : memref<32x1000000xf32, #tpu.memory_space<hbm>> -> memref<32x128xf32, #tpu.memory_space<hbm>>
      %dma_wait3A_551 = arith.constant 0 : i32
      %dma_wait3A_552 = arith.constant 0 : i32
      %dma_wait3A_553 = tpu.memref_slice %arg9[%dma_wait3A_551, %dma_wait3A_552] : memref<32x1000000xf32, #tpu.memory_space<hbm>> -> memref<32x128xf32, #tpu.memory_space<hbm>>
      tpu.wait_dma2 semaphore(%arg37 : memref<!tpu.dma_semaphore, #tpu.memory_space<semaphore_mem>>) src(%dma_wait3A_553 : memref<32x128xf32, #tpu.memory_space<hbm>>) dst(%arg23 : memref<32x128xf32, #tpu.memory_space<vmem>>)
      %dma_wait3A_554 = arith.constant 0 : i32
      %dma_wait3A_555 = arith.constant 0 : i32
      %dma_wait3A_556 = tpu.memref_slice %arg7[%dma_wait3A_554, %dma_wait3A_555] : memref<32x1000000xf32, #tpu.memory_space<hbm>> -> memref<32x128xf32, #tpu.memory_space<hbm>>
      %dma_wait3A_557 = arith.constant 0 : i32
      %dma_wait3A_558 = arith.constant 0 : i32
      %dma_wait3A_559 = tpu.memref_slice %arg7[%dma_wait3A_557, %dma_wait3A_558] : memref<32x1000000xf32, #tpu.memory_space<hbm>> -> memref<32x128xf32, #tpu.memory_space<hbm>>
      tpu.wait_dma2 semaphore(%arg37 : memref<!tpu.dma_semaphore, #tpu.memory_space<semaphore_mem>>) src(%dma_wait3A_559 : memref<32x128xf32, #tpu.memory_space<hbm>>) dst(%arg24 : memref<32x128xf32, #tpu.memory_space<vmem>>)
      %dma_wait3A_560 = arith.constant 0 : i32
      %dma_wait3A_561 = arith.constant 0 : i32
      %dma_wait3A_562 = tpu.memref_slice %arg9[%dma_wait3A_560, %dma_wait3A_561] : memref<32x1000000xf32, #tpu.memory_space<hbm>> -> memref<32x128xf32, #tpu.memory_space<hbm>>
      %dma_wait3A_563 = arith.constant 0 : i32
      %dma_wait3A_564 = arith.constant 0 : i32
      %dma_wait3A_565 = tpu.memref_slice %arg9[%dma_wait3A_563, %dma_wait3A_564] : memref<32x1000000xf32, #tpu.memory_space<hbm>> -> memref<32x128xf32, #tpu.memory_space<hbm>>
      tpu.wait_dma2 semaphore(%arg37 : memref<!tpu.dma_semaphore, #tpu.memory_space<semaphore_mem>>) src(%dma_wait3A_565 : memref<32x128xf32, #tpu.memory_space<hbm>>) dst(%arg25 : memref<32x128xf32, #tpu.memory_space<vmem>>)
      %mul3A_566 = arith.constant 2 : i32
      %mul3A_567 = arith.muli %add3A_532, %mul3A_566 : i32
      %add3A_568 = arith.constant 0 : i32
      %add3A_569 = arith.addi %mul3A_567, %add3A_568 : i32
      %jit3A_570 = arith.constant 16 : i32
      %div3A_571 = arith.divsi %add3A_569, %jit3A_570 : i32
      %sign3A_572 = arith.constant 0 : i32
      %sign3A_573 = arith.cmpi sgt, %add3A_569, %sign3A_572 : i32
      %sign3A_574 = arith.extui %sign3A_573 : i1 to i32
      %sign3A_575 = arith.constant 0 : i32
      %sign3A_576 = arith.cmpi slt, %add3A_569, %sign3A_575 : i32
      %sign3A_577 = arith.extui %sign3A_576 : i1 to i32
      %sign3A_578 = arith.subi %sign3A_574, %sign3A_577 : i32
      %sign3A_579 = arith.constant 0 : i32
      %sign3A_580 = arith.cmpi sgt, %jit3A_570, %sign3A_579 : i32
      %sign3A_581 = arith.extui %sign3A_580 : i1 to i32
      %sign3A_582 = arith.constant 0 : i32
      %sign3A_583 = arith.cmpi slt, %jit3A_570, %sign3A_582 : i32
      %sign3A_584 = arith.extui %sign3A_583 : i1 to i32
      %sign3A_585 = arith.subi %sign3A_581, %sign3A_584 : i32
      %ne3A_586 = arith.cmpi ne, %sign3A_578, %sign3A_585 : i32
      %rem3A_587 = arith.remsi %add3A_569, %jit3A_570 : i32
      %ne3A_588 = arith.constant 0 : i32
      %ne3A_589 = arith.cmpi ne, %rem3A_587, %ne3A_588 : i32
      %and3A_590 = arith.andi %ne3A_586, %ne3A_589 : i1
      %sub3A_591 = arith.constant 1 : i32
      %sub3A_592 = arith.subi %div3A_571, %sub3A_591 : i32
      %select_n3A_593 = arith.select %and3A_590, %sub3A_592, %div3A_571 : i32
      %mul3A_594 = arith.constant 16 : i32
      %mul3A_595 = arith.muli %select_n3A_593, %mul3A_594 : i32
      %get3A_596 = arith.index_cast %mul3A_595 : i32 to index
      %get3A_597 = tpu.vector_load %arg17[%get3A_596] {strides = array<i32>} : memref<512xi32, #tpu.memory_space<vmem>>, vector<16xi32>,
      %jit3A_598 = arith.constant 16 : i32
      %eq3A_599 = arith.constant 0 : i32
      %eq3A_600 = arith.cmpi eq, %jit3A_598, %eq3A_599 : i32
      %jit3A_601 = arith.constant 1 : i32
      %select_n3A_602 = arith.select %eq3A_600, %jit3A_601, %jit3A_598 : i32
      %rem3A_603 = arith.remsi %add3A_569, %select_n3A_602 : i32
      %ne3A_604 = arith.constant 0 : i32
      %ne3A_605 = arith.cmpi ne, %rem3A_603, %ne3A_604 : i32
      %lt3A_606 = arith.constant 0 : i32
      %lt3A_607 = arith.cmpi slt, %rem3A_603, %lt3A_606 : i32
      %lt3A_608 = arith.constant 0 : i32
      %lt3A_609 = arith.cmpi slt, %select_n3A_602, %lt3A_608 : i32
      %ne3A_610 = arith.xori %lt3A_607, %lt3A_609 : i1
      %and3A_611 = arith.andi %ne3A_610, %ne3A_605 : i1
      %add3A_612 = arith.addi %rem3A_603, %select_n3A_602 : i32
      %select_n3A_613 = arith.select %and3A_611, %add3A_612, %rem3A_603 : i32
      %eq3A_614 = vector.broadcast %select_n3A_613 : i32 to vector<16xi32>
      %eq3A_615 = arith.cmpi eq, %iota3A, %eq3A_614 : vector<16xi32>
      %jit3A_616 = arith.constant 0 : i32
      %broadcast_in_dim3A_617 = vector.broadcast %jit3A_616 : i32 to vector<16xi32>
      %select_n3A_618 = arith.select %eq3A_615, %get3A_597, %broadcast_in_dim3A_617 : vector<16xi1>, vector<16xi32>
      %reduce_sum3A_619 = arith.constant true
      %reduce_sum3A_620 = vector.broadcast %reduce_sum3A_619 : i1 to vector<16xi1>
      %reduce_sum3A_621 = tpu.scan <sum>, %select_n3A_618 masked %reduce_sum3A_620 : vector<16xi32>, vector<16xi1> -> vector<16xi32>
      %reduce_sum3A_622 = vector.extract %reduce_sum3A_621[15] : i32 from vector<16xi32>
      %broadcast_in_dim3A_623 = arith.constant 0 : i32
      %broadcast_in_dim3A_624 = vector.broadcast %broadcast_in_dim3A_623 : i32 to vector<16xi32>
      %add3A_625 = vector.broadcast %reduce_sum3A_622 : i32 to vector<16xi32>
      %add3A_626 = arith.addi %broadcast_in_dim3A_624, %add3A_625 : vector<16xi32>
      %jit3A_627 = arith.constant 128 : i32
      %eq3A_628 = arith.constant 0 : i32
      %eq3A_629 = arith.cmpi eq, %jit3A_627, %eq3A_628 : i32
      %jit3A_630 = arith.constant 1 : i32
      %select_n3A_631 = arith.select %eq3A_629, %jit3A_630, %jit3A_627 : i32
      %rem3A_632 = arith.remsi %add3A_569, %select_n3A_631 : i32
      %ne3A_633 = arith.constant 0 : i32
      %ne3A_634 = arith.cmpi ne, %rem3A_632, %ne3A_633 : i32
      %lt3A_635 = arith.constant 0 : i32
      %lt3A_636 = arith.cmpi slt, %rem3A_632, %lt3A_635 : i32
      %lt3A_637 = arith.constant 0 : i32
      %lt3A_638 = arith.cmpi slt, %select_n3A_631, %lt3A_637 : i32
      %ne3A_639 = arith.xori %lt3A_636, %lt3A_638 : i1
      %and3A_640 = arith.andi %ne3A_639, %ne3A_634 : i1
      %add3A_641 = arith.addi %rem3A_632, %select_n3A_631 : i32
      %select_n3A_642 = arith.select %and3A_640, %add3A_641, %rem3A_632 : i32
      %mul3A_643 = arith.constant 32 : i32
      %mul3A_644 = arith.muli %select_n3A_642, %mul3A_643 : i32
      %gather3A_645 = tpu.vector_load_idx %arg22[%iota3A, %add3A_626] : memref<32x128xf32, #tpu.memory_space<vmem>>[vector<16xi32>, vector<16xi32>], vector<16xf32>,
      %swap3A_646 = arith.index_cast %mul3A_644 : i32 to index
      %swap3A_647 = tpu.vector_load %arg34[%swap3A_646] {strides = array<i32>} : memref<4096xf32, #tpu.memory_space<vmem>>, vector<16xf32>,
      tpu.vector_store %arg34[%swap3A_646], %gather3A_645 {strides = array<i32>} : memref<4096xf32, #tpu.memory_space<vmem>>, vector<16xf32>,
      %add3A_648 = arith.constant 16 : i32
      %add3A_649 = vector.broadcast %add3A_648 : i32 to vector<16xi32>
      %add3A_650 = arith.addi %iota3A, %add3A_649 : vector<16xi32>
      %gather3A_651 = tpu.vector_load_idx %arg22[%add3A_650, %add3A_626] : memref<32x128xf32, #tpu.memory_space<vmem>>[vector<16xi32>, vector<16xi32>], vector<16xf32>,
      %add3A_652 = arith.constant 16 : i32
      %add3A_653 = arith.addi %mul3A_644, %add3A_652 : i32
      %swap3A_654 = arith.index_cast %add3A_653 : i32 to index
      %swap3A_655 = tpu.vector_load %arg34[%swap3A_654] {strides = array<i32>} : memref<4096xf32, #tpu.memory_space<vmem>>, vector<16xf32>,
      tpu.vector_store %arg34[%swap3A_654], %gather3A_651 {strides = array<i32>} : memref<4096xf32, #tpu.memory_space<vmem>>, vector<16xf32>,
      %gather3A_656 = tpu.vector_load_idx %arg23[%iota3A, %add3A_626] : memref<32x128xf32, #tpu.memory_space<vmem>>[vector<16xi32>, vector<16xi32>], vector<16xf32>,
      %swap3A_657 = arith.index_cast %mul3A_644 : i32 to index
      %swap3A_658 = tpu.vector_load %arg35[%swap3A_657] {strides = array<i32>} : memref<4096xf32, #tpu.memory_space<vmem>>, vector<16xf32>,
      tpu.vector_store %arg35[%swap3A_657], %gather3A_656 {strides = array<i32>} : memref<4096xf32, #tpu.memory_space<vmem>>, vector<16xf32>,
      %add3A_659 = arith.constant 16 : i32
      %add3A_660 = vector.broadcast %add3A_659 : i32 to vector<16xi32>
      %add3A_661 = arith.addi %iota3A, %add3A_660 : vector<16xi32>
      %gather3A_662 = tpu.vector_load_idx %arg23[%add3A_661, %add3A_626] : memref<32x128xf32, #tpu.memory_space<vmem>>[vector<16xi32>, vector<16xi32>], vector<16xf32>,
      %add3A_663 = arith.constant 16 : i32
      %add3A_664 = arith.addi %mul3A_644, %add3A_663 : i32
      %swap3A_665 = arith.index_cast %add3A_664 : i32 to index
      %swap3A_666 = tpu.vector_load %arg35[%swap3A_665] {strides = array<i32>} : memref<4096xf32, #tpu.memory_space<vmem>>, vector<16xf32>,
      tpu.vector_store %arg35[%swap3A_665], %gather3A_662 {strides = array<i32>} : memref<4096xf32, #tpu.memory_space<vmem>>, vector<16xf32>,
      %mul3A_667 = arith.constant 2 : i32
      %mul3A_668 = arith.muli %add3A_532, %mul3A_667 : i32
      %add3A_669 = arith.constant 1 : i32
      %add3A_670 = arith.addi %mul3A_668, %add3A_669 : i32
      %jit3A_671 = arith.constant 16 : i32
      %div3A_672 = arith.divsi %add3A_670, %jit3A_671 : i32
      %sign3A_673 = arith.constant 0 : i32
      %sign3A_674 = arith.cmpi sgt, %add3A_670, %sign3A_673 : i32
      %sign3A_675 = arith.extui %sign3A_674 : i1 to i32
      %sign3A_676 = arith.constant 0 : i32
      %sign3A_677 = arith.cmpi slt, %add3A_670, %sign3A_676 : i32
      %sign3A_678 = arith.extui %sign3A_677 : i1 to i32
      %sign3A_679 = arith.subi %sign3A_675, %sign3A_678 : i32
      %sign3A_680 = arith.constant 0 : i32
      %sign3A_681 = arith.cmpi sgt, %jit3A_671, %sign3A_680 : i32
      %sign3A_682 = arith.extui %sign3A_681 : i1 to i32
      %sign3A_683 = arith.constant 0 : i32
      %sign3A_684 = arith.cmpi slt, %jit3A_671, %sign3A_683 : i32
      %sign3A_685 = arith.extui %sign3A_684 : i1 to i32
      %sign3A_686 = arith.subi %sign3A_682, %sign3A_685 : i32
      %ne3A_687 = arith.cmpi ne, %sign3A_679, %sign3A_686 : i32
      %rem3A_688 = arith.remsi %add3A_670, %jit3A_671 : i32
      %ne3A_689 = arith.constant 0 : i32
      %ne3A_690 = arith.cmpi ne, %rem3A_688, %ne3A_689 : i32
      %and3A_691 = arith.andi %ne3A_687, %ne3A_690 : i1
      %sub3A_692 = arith.constant 1 : i32
      %sub3A_693 = arith.subi %div3A_672, %sub3A_692 : i32
      %select_n3A_694 = arith.select %and3A_691, %sub3A_693, %div3A_672 : i32
      %mul3A_695 = arith.constant 16 : i32
      %mul3A_696 = arith.muli %select_n3A_694, %mul3A_695 : i32
      %get3A_697 = arith.index_cast %mul3A_696 : i32 to index
      %get3A_698 = tpu.vector_load %arg17[%get3A_697] {strides = array<i32>} : memref<512xi32, #tpu.memory_space<vmem>>, vector<16xi32>,
      %jit3A_699 = arith.constant 16 : i32
      %eq3A_700 = arith.constant 0 : i32
      %eq3A_701 = arith.cmpi eq, %jit3A_699, %eq3A_700 : i32
      %jit3A_702 = arith.constant 1 : i32
      %select_n3A_703 = arith.select %eq3A_701, %jit3A_702, %jit3A_699 : i32
      %rem3A_704 = arith.remsi %add3A_670, %select_n3A_703 : i32
      %ne3A_705 = arith.constant 0 : i32
      %ne3A_706 = arith.cmpi ne, %rem3A_704, %ne3A_705 : i32
      %lt3A_707 = arith.constant 0 : i32
      %lt3A_708 = arith.cmpi slt, %rem3A_704, %lt3A_707 : i32
      %lt3A_709 = arith.constant 0 : i32
      %lt3A_710 = arith.cmpi slt, %select_n3A_703, %lt3A_709 : i32
      %ne3A_711 = arith.xori %lt3A_708, %lt3A_710 : i1
      %and3A_712 = arith.andi %ne3A_711, %ne3A_706 : i1
      %add3A_713 = arith.addi %rem3A_704, %select_n3A_703 : i32
      %select_n3A_714 = arith.select %and3A_712, %add3A_713, %rem3A_704 : i32
      %eq3A_715 = vector.broadcast %select_n3A_714 : i32 to vector<16xi32>
      %eq3A_716 = arith.cmpi eq, %iota3A, %eq3A_715 : vector<16xi32>
      %jit3A_717 = arith.constant 0 : i32
      %broadcast_in_dim3A_718 = vector.broadcast %jit3A_717 : i32 to vector<16xi32>
      %select_n3A_719 = arith.select %eq3A_716, %get3A_698, %broadcast_in_dim3A_718 : vector<16xi1>, vector<16xi32>
      %reduce_sum3A_720 = arith.constant true
      %reduce_sum3A_721 = vector.broadcast %reduce_sum3A_720 : i1 to vector<16xi1>
      %reduce_sum3A_722 = tpu.scan <sum>, %select_n3A_719 masked %reduce_sum3A_721 : vector<16xi32>, vector<16xi1> -> vector<16xi32>
      %reduce_sum3A_723 = vector.extract %reduce_sum3A_722[15] : i32 from vector<16xi32>
      %broadcast_in_dim3A_724 = arith.constant 0 : i32
      %broadcast_in_dim3A_725 = vector.broadcast %broadcast_in_dim3A_724 : i32 to vector<16xi32>
      %add3A_726 = vector.broadcast %reduce_sum3A_723 : i32 to vector<16xi32>
      %add3A_727 = arith.addi %broadcast_in_dim3A_725, %add3A_726 : vector<16xi32>
      %jit3A_728 = arith.constant 128 : i32
      %eq3A_729 = arith.constant 0 : i32
      %eq3A_730 = arith.cmpi eq, %jit3A_728, %eq3A_729 : i32
      %jit3A_731 = arith.constant 1 : i32
      %select_n3A_732 = arith.select %eq3A_730, %jit3A_731, %jit3A_728 : i32
      %rem3A_733 = arith.remsi %add3A_670, %select_n3A_732 : i32
      %ne3A_734 = arith.constant 0 : i32
      %ne3A_735 = arith.cmpi ne, %rem3A_733, %ne3A_734 : i32
      %lt3A_736 = arith.constant 0 : i32
      %lt3A_737 = arith.cmpi slt, %rem3A_733, %lt3A_736 : i32
      %lt3A_738 = arith.constant 0 : i32
      %lt3A_739 = arith.cmpi slt, %select_n3A_732, %lt3A_738 : i32
      %ne3A_740 = arith.xori %lt3A_737, %lt3A_739 : i1
      %and3A_741 = arith.andi %ne3A_740, %ne3A_735 : i1
      %add3A_742 = arith.addi %rem3A_733, %select_n3A_732 : i32
      %select_n3A_743 = arith.select %and3A_741, %add3A_742, %rem3A_733 : i32
      %mul3A_744 = arith.constant 32 : i32
      %mul3A_745 = arith.muli %select_n3A_743, %mul3A_744 : i32
      %gather3A_746 = tpu.vector_load_idx %arg24[%iota3A, %add3A_727] : memref<32x128xf32, #tpu.memory_space<vmem>>[vector<16xi32>, vector<16xi32>], vector<16xf32>,
      %swap3A_747 = arith.index_cast %mul3A_745 : i32 to index
      %swap3A_748 = tpu.vector_load %arg34[%swap3A_747] {strides = array<i32>} : memref<4096xf32, #tpu.memory_space<vmem>>, vector<16xf32>,
      tpu.vector_store %arg34[%swap3A_747], %gather3A_746 {strides = array<i32>} : memref<4096xf32, #tpu.memory_space<vmem>>, vector<16xf32>,
      %add3A_749 = arith.constant 16 : i32
      %add3A_750 = vector.broadcast %add3A_749 : i32 to vector<16xi32>
      %add3A_751 = arith.addi %iota3A, %add3A_750 : vector<16xi32>
      %gather3A_752 = tpu.vector_load_idx %arg24[%add3A_751, %add3A_727] : memref<32x128xf32, #tpu.memory_space<vmem>>[vector<16xi32>, vector<16xi32>], vector<16xf32>,
      %add3A_753 = arith.constant 16 : i32
      %add3A_754 = arith.addi %mul3A_745, %add3A_753 : i32
      %swap3A_755 = arith.index_cast %add3A_754 : i32 to index
      %swap3A_756 = tpu.vector_load %arg34[%swap3A_755] {strides = array<i32>} : memref<4096xf32, #tpu.memory_space<vmem>>, vector<16xf32>,
      tpu.vector_store %arg34[%swap3A_755], %gather3A_752 {strides = array<i32>} : memref<4096xf32, #tpu.memory_space<vmem>>, vector<16xf32>,
      %gather3A_757 = tpu.vector_load_idx %arg25[%iota3A, %add3A_727] : memref<32x128xf32, #tpu.memory_space<vmem>>[vector<16xi32>, vector<16xi32>], vector<16xf32>,
      %swap3A_758 = arith.index_cast %mul3A_745 : i32 to index
      %swap3A_759 = tpu.vector_load %arg35[%swap3A_758] {strides = array<i32>} : memref<4096xf32, #tpu.memory_space<vmem>>, vector<16xf32>,
      tpu.vector_store %arg35[%swap3A_758], %gather3A_757 {strides = array<i32>} : memref<4096xf32, #tpu.memory_space<vmem>>, vector<16xf32>,
      %add3A_760 = arith.constant 16 : i32
      %add3A_761 = vector.broadcast %add3A_760 : i32 to vector<16xi32>
      %add3A_762 = arith.addi %iota3A, %add3A_761 : vector<16xi32>
      %gather3A_763 = tpu.vector_load_idx %arg25[%add3A_762, %add3A_727] : memref<32x128xf32, #tpu.memory_space<vmem>>[vector<16xi32>, vector<16xi32>], vector<16xf32>,
      %add3A_764 = arith.constant 16 : i32
      %add3A_765 = arith.addi %mul3A_745, %add3A_764 : i32
      %swap3A_766 = arith.index_cast %add3A_765 : i32 to index
      %swap3A_767 = tpu.vector_load %arg35[%swap3A_766] {strides = array<i32>} : memref<4096xf32, #tpu.memory_space<vmem>>, vector<16xf32>,
      tpu.vector_store %arg35[%swap3A_766], %gather3A_763 {strides = array<i32>} : memref<4096xf32, #tpu.memory_space<vmem>>, vector<16xf32>,
      %jit3A_768 = arith.constant 64 : i32
      %eq3A_769 = arith.constant 0 : i32
      %eq3A_770 = arith.cmpi eq, %jit3A_768, %eq3A_769 : i32
      %jit3A_771 = arith.constant 1 : i32
      %select_n3A_772 = arith.select %eq3A_770, %jit3A_771, %jit3A_768 : i32
      %rem3A_773 = arith.remsi %add3A_532, %select_n3A_772 : i32
      %ne3A_774 = arith.constant 0 : i32
      %ne3A_775 = arith.cmpi ne, %rem3A_773, %ne3A_774 : i32
      %lt3A_776 = arith.constant 0 : i32
      %lt3A_777 = arith.cmpi slt, %rem3A_773, %lt3A_776 : i32
      %lt3A_778 = arith.constant 0 : i32
      %lt3A_779 = arith.cmpi slt, %select_n3A_772, %lt3A_778 : i32
      %ne3A_780 = arith.xori %lt3A_777, %lt3A_779 : i1
      %and3A_781 = arith.andi %ne3A_780, %ne3A_775 : i1
      %add3A_782 = arith.addi %rem3A_773, %select_n3A_772 : i32
      %select_n3A_783 = arith.select %and3A_781, %add3A_782, %rem3A_773 : i32
      %eq3A_784 = arith.constant 63 : i32
      %eq3A_785 = arith.cmpi eq, %select_n3A_783, %eq3A_784 : i32
      %convert_element_type3A_786 = arith.extui %eq3A_785 : i1 to i32
      %cond3A_787 = arith.constant 0 : i32
      %cond3A_788 = arith.cmpi ne, %convert_element_type3A_786, %cond3A_787 : i32
      scf.if %cond3A_788 {
        %jit3A_1309 = arith.constant 64 : i32
        %div3A_1310 = arith.divsi %add3A_532, %jit3A_1309 : i32
        %sign3A_1311 = arith.constant 0 : i32
        %sign3A_1312 = arith.cmpi sgt, %add3A_532, %sign3A_1311 : i32
        %sign3A_1313 = arith.extui %sign3A_1312 : i1 to i32
        %sign3A_1314 = arith.constant 0 : i32
        %sign3A_1315 = arith.cmpi slt, %add3A_532, %sign3A_1314 : i32
        %sign3A_1316 = arith.extui %sign3A_1315 : i1 to i32
        %sign3A_1317 = arith.subi %sign3A_1313, %sign3A_1316 : i32
        %sign3A_1318 = arith.constant 0 : i32
        %sign3A_1319 = arith.cmpi sgt, %jit3A_1309, %sign3A_1318 : i32
        %sign3A_1320 = arith.extui %sign3A_1319 : i1 to i32
        %sign3A_1321 = arith.constant 0 : i32
        %sign3A_1322 = arith.cmpi slt, %jit3A_1309, %sign3A_1321 : i32
        %sign3A_1323 = arith.extui %sign3A_1322 : i1 to i32
        %sign3A_1324 = arith.subi %sign3A_1320, %sign3A_1323 : i32
        %ne3A_1325 = arith.cmpi ne, %sign3A_1317, %sign3A_1324 : i32
        %rem3A_1326 = arith.remsi %add3A_532, %jit3A_1309 : i32
        %ne3A_1327 = arith.constant 0 : i32
        %ne3A_1328 = arith.cmpi ne, %rem3A_1326, %ne3A_1327 : i32
        %and3A_1329 = arith.andi %ne3A_1325, %ne3A_1328 : i1
        %sub3A_1330 = arith.constant 1 : i32
        %sub3A_1331 = arith.subi %div3A_1310, %sub3A_1330 : i32
        %select_n3A_1332 = arith.select %and3A_1329, %sub3A_1331, %div3A_1310 : i32
        %mul3A_1333 = arith.constant 32 : i32
        %mul3A_1334 = arith.muli %mul3A_2, %mul3A_1333 : i32
        %mul3A_1335 = arith.constant 4096 : i32
        %mul3A_1336 = arith.muli %select_n3A_1332, %mul3A_1335 : i32
        %add3A_1337 = arith.addi %mul3A_1334, %mul3A_1336 : i32
        "tpu.region"() ({
          %run_scoped3A = tpu.sem_alloc : memref<!tpu.dma_semaphore, #tpu.memory_space<semaphore_mem>>
          %dma_start3A_1343 = tpu.memref_slice %arg12[%add3A_1337] : memref<524288xf32, #tpu.memory_space<hbm>> -> memref<4096xf32, #tpu.memory_space<hbm>>
          %dma_start3A_1344 = tpu.memref_slice %arg12[%add3A_1337] : memref<524288xf32, #tpu.memory_space<hbm>> -> memref<4096xf32, #tpu.memory_space<hbm>>
          tpu.enqueue_dma source(%arg34 : memref<4096xf32, #tpu.memory_space<vmem>>) target(%dma_start3A_1344 : memref<4096xf32, #tpu.memory_space<hbm>>) target_semaphore(%run_scoped3A : memref<!tpu.dma_semaphore, #tpu.memory_space<semaphore_mem>>)
          %dma_wait3A_1345 = tpu.memref_slice %arg12[%add3A_1337] : memref<524288xf32, #tpu.memory_space<hbm>> -> memref<4096xf32, #tpu.memory_space<hbm>>
          %dma_wait3A_1346 = tpu.memref_slice %arg12[%add3A_1337] : memref<524288xf32, #tpu.memory_space<hbm>> -> memref<4096xf32, #tpu.memory_space<hbm>>
          tpu.wait_dma2 semaphore(%run_scoped3A : memref<!tpu.dma_semaphore, #tpu.memory_space<semaphore_mem>>) src(%arg34 : memref<4096xf32, #tpu.memory_space<vmem>>) dst(%dma_wait3A_1346 : memref<4096xf32, #tpu.memory_space<hbm>>)
          tpu.yield
        }) : () -> ()
        %mul3A_1338 = arith.constant 32 : i32
        %mul3A_1339 = arith.muli %mul3A_2, %mul3A_1338 : i32
        %mul3A_1340 = arith.constant 4096 : i32
        %mul3A_1341 = arith.muli %select_n3A_1332, %mul3A_1340 : i32
        %add3A_1342 = arith.addi %mul3A_1339, %mul3A_1341 : i32
        "tpu.region"() ({
          %run_scoped3A = tpu.sem_alloc : memref<!tpu.dma_semaphore, #tpu.memory_space<semaphore_mem>>
          %dma_start3A_1343 = tpu.memref_slice %arg13[%add3A_1342] : memref<524288xf32, #tpu.memory_space<hbm>> -> memref<4096xf32, #tpu.memory_space<hbm>>
          %dma_start3A_1344 = tpu.memref_slice %arg13[%add3A_1342] : memref<524288xf32, #tpu.memory_space<hbm>> -> memref<4096xf32, #tpu.memory_space<hbm>>
          tpu.enqueue_dma source(%arg35 : memref<4096xf32, #tpu.memory_space<vmem>>) target(%dma_start3A_1344 : memref<4096xf32, #tpu.memory_space<hbm>>) target_semaphore(%run_scoped3A : memref<!tpu.dma_semaphore, #tpu.memory_space<semaphore_mem>>)
          %dma_wait3A_1345 = tpu.memref_slice %arg13[%add3A_1342] : memref<524288xf32, #tpu.memory_space<hbm>> -> memref<4096xf32, #tpu.memory_space<hbm>>
          %dma_wait3A_1346 = tpu.memref_slice %arg13[%add3A_1342] : memref<524288xf32, #tpu.memory_space<hbm>> -> memref<4096xf32, #tpu.memory_space<hbm>>
          tpu.wait_dma2 semaphore(%run_scoped3A : memref<!tpu.dma_semaphore, #tpu.memory_space<semaphore_mem>>) src(%arg35 : memref<4096xf32, #tpu.memory_space<vmem>>) dst(%dma_wait3A_1346 : memref<4096xf32, #tpu.memory_space<hbm>>)
          tpu.yield
        }) : () -> ()
      } else {
      }
      %mul3A_789 = arith.constant 4 : i32
      %mul3A_790 = arith.muli %scan3A_280, %mul3A_789 : i32
      %add3A_791 = arith.constant 2 : i32
      %add3A_792 = arith.addi %mul3A_790, %add3A_791 : i32
      %add3A_793 = arith.constant 4 : i32
      %add3A_794 = arith.addi %add3A_792, %add3A_793 : i32
      %sub3A_795 = arith.constant 1 : i32
      %sub3A_796 = arith.subi %add3A_794, %sub3A_795 : i32
      %lt3A_797 = arith.constant 256 : i32
      %lt3A_798 = arith.cmpi slt, %sub3A_796, %lt3A_797 : i32
      %convert_element_type3A_799 = arith.extui %lt3A_798 : i1 to i32
      %cond3A_800 = arith.constant 0 : i32
      %cond3A_801 = arith.cmpi ne, %convert_element_type3A_799, %cond3A_800 : i32
      scf.if %cond3A_801 {
        %add3A_1309 = arith.constant 4 : i32
        %add3A_1310 = arith.addi %add3A_792, %add3A_1309 : i32
        %sub3A_1311 = arith.constant 1 : i32
        %sub3A_1312 = arith.subi %add3A_1310, %sub3A_1311 : i32
        %mul3A_1313 = arith.constant 2 : i32
        %mul3A_1314 = arith.muli %sub3A_1312, %mul3A_1313 : i32
        %add3A_1315 = arith.constant 0 : i32
        %add3A_1316 = arith.addi %mul3A_1314, %add3A_1315 : i32
        %jit3A_1317 = arith.constant 16 : i32
        %div3A_1318 = arith.divsi %add3A_1316, %jit3A_1317 : i32
        %sign3A_1319 = arith.constant 0 : i32
        %sign3A_1320 = arith.cmpi sgt, %add3A_1316, %sign3A_1319 : i32
        %sign3A_1321 = arith.extui %sign3A_1320 : i1 to i32
        %sign3A_1322 = arith.constant 0 : i32
        %sign3A_1323 = arith.cmpi slt, %add3A_1316, %sign3A_1322 : i32
        %sign3A_1324 = arith.extui %sign3A_1323 : i1 to i32
        %sign3A_1325 = arith.subi %sign3A_1321, %sign3A_1324 : i32
        %sign3A_1326 = arith.constant 0 : i32
        %sign3A_1327 = arith.cmpi sgt, %jit3A_1317, %sign3A_1326 : i32
        %sign3A_1328 = arith.extui %sign3A_1327 : i1 to i32
        %sign3A_1329 = arith.constant 0 : i32
        %sign3A_1330 = arith.cmpi slt, %jit3A_1317, %sign3A_1329 : i32
        %sign3A_1331 = arith.extui %sign3A_1330 : i1 to i32
        %sign3A_1332 = arith.subi %sign3A_1328, %sign3A_1331 : i32
        %ne3A_1333 = arith.cmpi ne, %sign3A_1325, %sign3A_1332 : i32
        %rem3A_1334 = arith.remsi %add3A_1316, %jit3A_1317 : i32
        %ne3A_1335 = arith.constant 0 : i32
        %ne3A_1336 = arith.cmpi ne, %rem3A_1334, %ne3A_1335 : i32
        %and3A_1337 = arith.andi %ne3A_1333, %ne3A_1336 : i1
        %sub3A_1338 = arith.constant 1 : i32
        %sub3A_1339 = arith.subi %div3A_1318, %sub3A_1338 : i32
        %select_n3A_1340 = arith.select %and3A_1337, %sub3A_1339, %div3A_1318 : i32
        %mul3A_1341 = arith.constant 16 : i32
        %mul3A_1342 = arith.muli %select_n3A_1340, %mul3A_1341 : i32
        %get3A_1343 = arith.index_cast %mul3A_1342 : i32 to index
        %get3A_1344 = tpu.vector_load %arg16[%get3A_1343] {strides = array<i32>} : memref<512xi32, #tpu.memory_space<vmem>>, vector<16xi32>,
        %jit3A_1345 = arith.constant 16 : i32
        %eq3A_1346 = arith.constant 0 : i32
        %eq3A_1347 = arith.cmpi eq, %jit3A_1345, %eq3A_1346 : i32
        %jit3A_1348 = arith.constant 1 : i32
        %select_n3A_1349 = arith.select %eq3A_1347, %jit3A_1348, %jit3A_1345 : i32
        %rem3A_1350 = arith.remsi %add3A_1316, %select_n3A_1349 : i32
        %ne3A_1351 = arith.constant 0 : i32
        %ne3A_1352 = arith.cmpi ne, %rem3A_1350, %ne3A_1351 : i32
        %lt3A_1353 = arith.constant 0 : i32
        %lt3A_1354 = arith.cmpi slt, %rem3A_1350, %lt3A_1353 : i32
        %lt3A_1355 = arith.constant 0 : i32
        %lt3A_1356 = arith.cmpi slt, %select_n3A_1349, %lt3A_1355 : i32
        %ne3A_1357 = arith.xori %lt3A_1354, %lt3A_1356 : i1
        %and3A_1358 = arith.andi %ne3A_1357, %ne3A_1352 : i1
        %add3A_1359 = arith.addi %rem3A_1350, %select_n3A_1349 : i32
        %select_n3A_1360 = arith.select %and3A_1358, %add3A_1359, %rem3A_1350 : i32
        %eq3A_1361 = vector.broadcast %select_n3A_1360 : i32 to vector<16xi32>
        %eq3A_1362 = arith.cmpi eq, %iota3A, %eq3A_1361 : vector<16xi32>
        %jit3A_1363 = arith.constant 0 : i32
        %broadcast_in_dim3A_1364 = vector.broadcast %jit3A_1363 : i32 to vector<16xi32>
        %select_n3A_1365 = arith.select %eq3A_1362, %get3A_1344, %broadcast_in_dim3A_1364 : vector<16xi1>, vector<16xi32>
        %reduce_sum3A_1366 = arith.constant true
        %reduce_sum3A_1367 = vector.broadcast %reduce_sum3A_1366 : i1 to vector<16xi1>
        %reduce_sum3A_1368 = tpu.scan <sum>, %select_n3A_1365 masked %reduce_sum3A_1367 : vector<16xi32>, vector<16xi1> -> vector<16xi32>
        %reduce_sum3A_1369 = vector.extract %reduce_sum3A_1368[15] : i32 from vector<16xi32>
        %mul3A_1370 = arith.constant 128 : i32
        %mul3A_1371 = arith.muli %reduce_sum3A_1369, %mul3A_1370 : i32
        %multiple_of3A_1372 = tpu.assume_multiple %mul3A_1371, 128 : i32
        %dma_start3A_1373 = arith.constant 0 : i32
        %dma_start3A_1374 = tpu.memref_slice %arg7[%dma_start3A_1373, %multiple_of3A_1372] : memref<32x1000000xf32, #tpu.memory_space<hbm>> -> memref<32x128xf32, #tpu.memory_space<hbm>>
        %dma_start3A_1375 = arith.constant 0 : i32
        %dma_start3A_1376 = tpu.memref_slice %arg7[%dma_start3A_1375, %multiple_of3A_1372] : memref<32x1000000xf32, #tpu.memory_space<hbm>> -> memref<32x128xf32, #tpu.memory_space<hbm>>
        tpu.enqueue_dma source(%dma_start3A_1376 : memref<32x128xf32, #tpu.memory_space<hbm>>) target(%arg22 : memref<32x128xf32, #tpu.memory_space<vmem>>) target_semaphore(%arg37 : memref<!tpu.dma_semaphore, #tpu.memory_space<semaphore_mem>>)
        %dma_start3A_1377 = arith.constant 0 : i32
        %dma_start3A_1378 = tpu.memref_slice %arg9[%dma_start3A_1377, %multiple_of3A_1372] : memref<32x1000000xf32, #tpu.memory_space<hbm>> -> memref<32x128xf32, #tpu.memory_space<hbm>>
        %dma_start3A_1379 = arith.constant 0 : i32
        %dma_start3A_1380 = tpu.memref_slice %arg9[%dma_start3A_1379, %multiple_of3A_1372] : memref<32x1000000xf32, #tpu.memory_space<hbm>> -> memref<32x128xf32, #tpu.memory_space<hbm>>
        tpu.enqueue_dma source(%dma_start3A_1380 : memref<32x128xf32, #tpu.memory_space<hbm>>) target(%arg23 : memref<32x128xf32, #tpu.memory_space<vmem>>) target_semaphore(%arg37 : memref<!tpu.dma_semaphore, #tpu.memory_space<semaphore_mem>>)
        %mul3A_1381 = arith.constant 2 : i32
        %mul3A_1382 = arith.muli %sub3A_1312, %mul3A_1381 : i32
        %add3A_1383 = arith.constant 1 : i32
        %add3A_1384 = arith.addi %mul3A_1382, %add3A_1383 : i32
        %jit3A_1385 = arith.constant 16 : i32
        %div3A_1386 = arith.divsi %add3A_1384, %jit3A_1385 : i32
        %sign3A_1387 = arith.constant 0 : i32
        %sign3A_1388 = arith.cmpi sgt, %add3A_1384, %sign3A_1387 : i32
        %sign3A_1389 = arith.extui %sign3A_1388 : i1 to i32
        %sign3A_1390 = arith.constant 0 : i32
        %sign3A_1391 = arith.cmpi slt, %add3A_1384, %sign3A_1390 : i32
        %sign3A_1392 = arith.extui %sign3A_1391 : i1 to i32
        %sign3A_1393 = arith.subi %sign3A_1389, %sign3A_1392 : i32
        %sign3A_1394 = arith.constant 0 : i32
        %sign3A_1395 = arith.cmpi sgt, %jit3A_1385, %sign3A_1394 : i32
        %sign3A_1396 = arith.extui %sign3A_1395 : i1 to i32
        %sign3A_1397 = arith.constant 0 : i32
        %sign3A_1398 = arith.cmpi slt, %jit3A_1385, %sign3A_1397 : i32
        %sign3A_1399 = arith.extui %sign3A_1398 : i1 to i32
        %sign3A_1400 = arith.subi %sign3A_1396, %sign3A_1399 : i32
        %ne3A_1401 = arith.cmpi ne, %sign3A_1393, %sign3A_1400 : i32
        %rem3A_1402 = arith.remsi %add3A_1384, %jit3A_1385 : i32
        %ne3A_1403 = arith.constant 0 : i32
        %ne3A_1404 = arith.cmpi ne, %rem3A_1402, %ne3A_1403 : i32
        %and3A_1405 = arith.andi %ne3A_1401, %ne3A_1404 : i1
        %sub3A_1406 = arith.constant 1 : i32
        %sub3A_1407 = arith.subi %div3A_1386, %sub3A_1406 : i32
        %select_n3A_1408 = arith.select %and3A_1405, %sub3A_1407, %div3A_1386 : i32
        %mul3A_1409 = arith.constant 16 : i32
        %mul3A_1410 = arith.muli %select_n3A_1408, %mul3A_1409 : i32
        %get3A_1411 = arith.index_cast %mul3A_1410 : i32 to index
        %get3A_1412 = tpu.vector_load %arg16[%get3A_1411] {strides = array<i32>} : memref<512xi32, #tpu.memory_space<vmem>>, vector<16xi32>,
        %jit3A_1413 = arith.constant 16 : i32
        %eq3A_1414 = arith.constant 0 : i32
        %eq3A_1415 = arith.cmpi eq, %jit3A_1413, %eq3A_1414 : i32
        %jit3A_1416 = arith.constant 1 : i32
        %select_n3A_1417 = arith.select %eq3A_1415, %jit3A_1416, %jit3A_1413 : i32
        %rem3A_1418 = arith.remsi %add3A_1384, %select_n3A_1417 : i32
        %ne3A_1419 = arith.constant 0 : i32
        %ne3A_1420 = arith.cmpi ne, %rem3A_1418, %ne3A_1419 : i32
        %lt3A_1421 = arith.constant 0 : i32
        %lt3A_1422 = arith.cmpi slt, %rem3A_1418, %lt3A_1421 : i32
        %lt3A_1423 = arith.constant 0 : i32
        %lt3A_1424 = arith.cmpi slt, %select_n3A_1417, %lt3A_1423 : i32
        %ne3A_1425 = arith.xori %lt3A_1422, %lt3A_1424 : i1
        %and3A_1426 = arith.andi %ne3A_1425, %ne3A_1420 : i1
        %add3A_1427 = arith.addi %rem3A_1418, %select_n3A_1417 : i32
        %select_n3A_1428 = arith.select %and3A_1426, %add3A_1427, %rem3A_1418 : i32
        %eq3A_1429 = vector.broadcast %select_n3A_1428 : i32 to vector<16xi32>
        %eq3A_1430 = arith.cmpi eq, %iota3A, %eq3A_1429 : vector<16xi32>
        %jit3A_1431 = arith.constant 0 : i32
        %broadcast_in_dim3A_1432 = vector.broadcast %jit3A_1431 : i32 to vector<16xi32>
        %select_n3A_1433 = arith.select %eq3A_1430, %get3A_1412, %broadcast_in_dim3A_1432 : vector<16xi1>, vector<16xi32>
        %reduce_sum3A_1434 = arith.constant true
        %reduce_sum3A_1435 = vector.broadcast %reduce_sum3A_1434 : i1 to vector<16xi1>
        %reduce_sum3A_1436 = tpu.scan <sum>, %select_n3A_1433 masked %reduce_sum3A_1435 : vector<16xi32>, vector<16xi1> -> vector<16xi32>
        %reduce_sum3A_1437 = vector.extract %reduce_sum3A_1436[15] : i32 from vector<16xi32>
        %mul3A_1438 = arith.constant 128 : i32
        %mul3A_1439 = arith.muli %reduce_sum3A_1437, %mul3A_1438 : i32
        %multiple_of3A_1440 = tpu.assume_multiple %mul3A_1439, 128 : i32
        %dma_start3A_1441 = arith.constant 0 : i32
        %dma_start3A_1442 = tpu.memref_slice %arg7[%dma_start3A_1441, %multiple_of3A_1440] : memref<32x1000000xf32, #tpu.memory_space<hbm>> -> memref<32x128xf32, #tpu.memory_space<hbm>>
        %dma_start3A_1443 = arith.constant 0 : i32
        %dma_start3A_1444 = tpu.memref_slice %arg7[%dma_start3A_1443, %multiple_of3A_1440] : memref<32x1000000xf32, #tpu.memory_space<hbm>> -> memref<32x128xf32, #tpu.memory_space<hbm>>
        tpu.enqueue_dma source(%dma_start3A_1444 : memref<32x128xf32, #tpu.memory_space<hbm>>) target(%arg24 : memref<32x128xf32, #tpu.memory_space<vmem>>) target_semaphore(%arg37 : memref<!tpu.dma_semaphore, #tpu.memory_space<semaphore_mem>>)
        %dma_start3A_1445 = arith.constant 0 : i32
        %dma_start3A_1446 = tpu.memref_slice %arg9[%dma_start3A_1445, %multiple_of3A_1440] : memref<32x1000000xf32, #tpu.memory_space<hbm>> -> memref<32x128xf32, #tpu.memory_space<hbm>>
        %dma_start3A_1447 = arith.constant 0 : i32
        %dma_start3A_1448 = tpu.memref_slice %arg9[%dma_start3A_1447, %multiple_of3A_1440] : memref<32x1000000xf32, #tpu.memory_space<hbm>> -> memref<32x128xf32, #tpu.memory_space<hbm>>
        tpu.enqueue_dma source(%dma_start3A_1448 : memref<32x128xf32, #tpu.memory_space<hbm>>) target(%arg25 : memref<32x128xf32, #tpu.memory_space<vmem>>) target_semaphore(%arg37 : memref<!tpu.dma_semaphore, #tpu.memory_space<semaphore_mem>>)
      } else {
      }
      %dma_wait3A_802 = arith.constant 0 : i32
      %dma_wait3A_803 = arith.constant 0 : i32
      %dma_wait3A_804 = tpu.memref_slice %arg7[%dma_wait3A_802, %dma_wait3A_803] : memref<32x1000000xf32, #tpu.memory_space<hbm>> -> memref<32x128xf32, #tpu.memory_space<hbm>>
      %dma_wait3A_805 = arith.constant 0 : i32
      %dma_wait3A_806 = arith.constant 0 : i32
      %dma_wait3A_807 = tpu.memref_slice %arg7[%dma_wait3A_805, %dma_wait3A_806] : memref<32x1000000xf32, #tpu.memory_space<hbm>> -> memref<32x128xf32, #tpu.memory_space<hbm>>
      tpu.wait_dma2 semaphore(%arg38 : memref<!tpu.dma_semaphore, #tpu.memory_space<semaphore_mem>>) src(%dma_wait3A_807 : memref<32x128xf32, #tpu.memory_space<hbm>>) dst(%arg26 : memref<32x128xf32, #tpu.memory_space<vmem>>)
      %dma_wait3A_808 = arith.constant 0 : i32
      %dma_wait3A_809 = arith.constant 0 : i32
      %dma_wait3A_810 = tpu.memref_slice %arg9[%dma_wait3A_808, %dma_wait3A_809] : memref<32x1000000xf32, #tpu.memory_space<hbm>> -> memref<32x128xf32, #tpu.memory_space<hbm>>
      %dma_wait3A_811 = arith.constant 0 : i32
      %dma_wait3A_812 = arith.constant 0 : i32
      %dma_wait3A_813 = tpu.memref_slice %arg9[%dma_wait3A_811, %dma_wait3A_812] : memref<32x1000000xf32, #tpu.memory_space<hbm>> -> memref<32x128xf32, #tpu.memory_space<hbm>>
      tpu.wait_dma2 semaphore(%arg38 : memref<!tpu.dma_semaphore, #tpu.memory_space<semaphore_mem>>) src(%dma_wait3A_813 : memref<32x128xf32, #tpu.memory_space<hbm>>) dst(%arg27 : memref<32x128xf32, #tpu.memory_space<vmem>>)
      %dma_wait3A_814 = arith.constant 0 : i32
      %dma_wait3A_815 = arith.constant 0 : i32
      %dma_wait3A_816 = tpu.memref_slice %arg7[%dma_wait3A_814, %dma_wait3A_815] : memref<32x1000000xf32, #tpu.memory_space<hbm>> -> memref<32x128xf32, #tpu.memory_space<hbm>>
      %dma_wait3A_817 = arith.constant 0 : i32
      %dma_wait3A_818 = arith.constant 0 : i32
      %dma_wait3A_819 = tpu.memref_slice %arg7[%dma_wait3A_817, %dma_wait3A_818] : memref<32x1000000xf32, #tpu.memory_space<hbm>> -> memref<32x128xf32, #tpu.memory_space<hbm>>
      tpu.wait_dma2 semaphore(%arg38 : memref<!tpu.dma_semaphore, #tpu.memory_space<semaphore_mem>>) src(%dma_wait3A_819 : memref<32x128xf32, #tpu.memory_space<hbm>>) dst(%arg28 : memref<32x128xf32, #tpu.memory_space<vmem>>)
      %dma_wait3A_820 = arith.constant 0 : i32
      %dma_wait3A_821 = arith.constant 0 : i32
      %dma_wait3A_822 = tpu.memref_slice %arg9[%dma_wait3A_820, %dma_wait3A_821] : memref<32x1000000xf32, #tpu.memory_space<hbm>> -> memref<32x128xf32, #tpu.memory_space<hbm>>
      %dma_wait3A_823 = arith.constant 0 : i32
      %dma_wait3A_824 = arith.constant 0 : i32
      %dma_wait3A_825 = tpu.memref_slice %arg9[%dma_wait3A_823, %dma_wait3A_824] : memref<32x1000000xf32, #tpu.memory_space<hbm>> -> memref<32x128xf32, #tpu.memory_space<hbm>>
      tpu.wait_dma2 semaphore(%arg38 : memref<!tpu.dma_semaphore, #tpu.memory_space<semaphore_mem>>) src(%dma_wait3A_825 : memref<32x128xf32, #tpu.memory_space<hbm>>) dst(%arg29 : memref<32x128xf32, #tpu.memory_space<vmem>>)
      %mul3A_826 = arith.constant 2 : i32
      %mul3A_827 = arith.muli %add3A_792, %mul3A_826 : i32
      %add3A_828 = arith.constant 0 : i32
      %add3A_829 = arith.addi %mul3A_827, %add3A_828 : i32
      %jit3A_830 = arith.constant 16 : i32
      %div3A_831 = arith.divsi %add3A_829, %jit3A_830 : i32
      %sign3A_832 = arith.constant 0 : i32
      %sign3A_833 = arith.cmpi sgt, %add3A_829, %sign3A_832 : i32
      %sign3A_834 = arith.extui %sign3A_833 : i1 to i32
      %sign3A_835 = arith.constant 0 : i32
      %sign3A_836 = arith.cmpi slt, %add3A_829, %sign3A_835 : i32
      %sign3A_837 = arith.extui %sign3A_836 : i1 to i32
      %sign3A_838 = arith.subi %sign3A_834, %sign3A_837 : i32
      %sign3A_839 = arith.constant 0 : i32
      %sign3A_840 = arith.cmpi sgt, %jit3A_830, %sign3A_839 : i32
      %sign3A_841 = arith.extui %sign3A_840 : i1 to i32
      %sign3A_842 = arith.constant 0 : i32
      %sign3A_843 = arith.cmpi slt, %jit3A_830, %sign3A_842 : i32
      %sign3A_844 = arith.extui %sign3A_843 : i1 to i32
      %sign3A_845 = arith.subi %sign3A_841, %sign3A_844 : i32
      %ne3A_846 = arith.cmpi ne, %sign3A_838, %sign3A_845 : i32
      %rem3A_847 = arith.remsi %add3A_829, %jit3A_830 : i32
      %ne3A_848 = arith.constant 0 : i32
      %ne3A_849 = arith.cmpi ne, %rem3A_847, %ne3A_848 : i32
      %and3A_850 = arith.andi %ne3A_846, %ne3A_849 : i1
      %sub3A_851 = arith.constant 1 : i32
      %sub3A_852 = arith.subi %div3A_831, %sub3A_851 : i32
      %select_n3A_853 = arith.select %and3A_850, %sub3A_852, %div3A_831 : i32
      %mul3A_854 = arith.constant 16 : i32
      %mul3A_855 = arith.muli %select_n3A_853, %mul3A_854 : i32
      %get3A_856 = arith.index_cast %mul3A_855 : i32 to index
      %get3A_857 = tpu.vector_load %arg17[%get3A_856] {strides = array<i32>} : memref<512xi32, #tpu.memory_space<vmem>>, vector<16xi32>,
      %jit3A_858 = arith.constant 16 : i32
      %eq3A_859 = arith.constant 0 : i32
      %eq3A_860 = arith.cmpi eq, %jit3A_858, %eq3A_859 : i32
      %jit3A_861 = arith.constant 1 : i32
      %select_n3A_862 = arith.select %eq3A_860, %jit3A_861, %jit3A_858 : i32
      %rem3A_863 = arith.remsi %add3A_829, %select_n3A_862 : i32
      %ne3A_864 = arith.constant 0 : i32
      %ne3A_865 = arith.cmpi ne, %rem3A_863, %ne3A_864 : i32
      %lt3A_866 = arith.constant 0 : i32
      %lt3A_867 = arith.cmpi slt, %rem3A_863, %lt3A_866 : i32
      %lt3A_868 = arith.constant 0 : i32
      %lt3A_869 = arith.cmpi slt, %select_n3A_862, %lt3A_868 : i32
      %ne3A_870 = arith.xori %lt3A_867, %lt3A_869 : i1
      %and3A_871 = arith.andi %ne3A_870, %ne3A_865 : i1
      %add3A_872 = arith.addi %rem3A_863, %select_n3A_862 : i32
      %select_n3A_873 = arith.select %and3A_871, %add3A_872, %rem3A_863 : i32
      %eq3A_874 = vector.broadcast %select_n3A_873 : i32 to vector<16xi32>
      %eq3A_875 = arith.cmpi eq, %iota3A, %eq3A_874 : vector<16xi32>
      %jit3A_876 = arith.constant 0 : i32
      %broadcast_in_dim3A_877 = vector.broadcast %jit3A_876 : i32 to vector<16xi32>
      %select_n3A_878 = arith.select %eq3A_875, %get3A_857, %broadcast_in_dim3A_877 : vector<16xi1>, vector<16xi32>
      %reduce_sum3A_879 = arith.constant true
      %reduce_sum3A_880 = vector.broadcast %reduce_sum3A_879 : i1 to vector<16xi1>
      %reduce_sum3A_881 = tpu.scan <sum>, %select_n3A_878 masked %reduce_sum3A_880 : vector<16xi32>, vector<16xi1> -> vector<16xi32>
      %reduce_sum3A_882 = vector.extract %reduce_sum3A_881[15] : i32 from vector<16xi32>
      %broadcast_in_dim3A_883 = arith.constant 0 : i32
      %broadcast_in_dim3A_884 = vector.broadcast %broadcast_in_dim3A_883 : i32 to vector<16xi32>
      %add3A_885 = vector.broadcast %reduce_sum3A_882 : i32 to vector<16xi32>
      %add3A_886 = arith.addi %broadcast_in_dim3A_884, %add3A_885 : vector<16xi32>
      %jit3A_887 = arith.constant 128 : i32
      %eq3A_888 = arith.constant 0 : i32
      %eq3A_889 = arith.cmpi eq, %jit3A_887, %eq3A_888 : i32
      %jit3A_890 = arith.constant 1 : i32
      %select_n3A_891 = arith.select %eq3A_889, %jit3A_890, %jit3A_887 : i32
      %rem3A_892 = arith.remsi %add3A_829, %select_n3A_891 : i32
      %ne3A_893 = arith.constant 0 : i32
      %ne3A_894 = arith.cmpi ne, %rem3A_892, %ne3A_893 : i32
      %lt3A_895 = arith.constant 0 : i32
      %lt3A_896 = arith.cmpi slt, %rem3A_892, %lt3A_895 : i32
      %lt3A_897 = arith.constant 0 : i32
      %lt3A_898 = arith.cmpi slt, %select_n3A_891, %lt3A_897 : i32
      %ne3A_899 = arith.xori %lt3A_896, %lt3A_898 : i1
      %and3A_900 = arith.andi %ne3A_899, %ne3A_894 : i1
      %add3A_901 = arith.addi %rem3A_892, %select_n3A_891 : i32
      %select_n3A_902 = arith.select %and3A_900, %add3A_901, %rem3A_892 : i32
      %mul3A_903 = arith.constant 32 : i32
      %mul3A_904 = arith.muli %select_n3A_902, %mul3A_903 : i32
      %gather3A_905 = tpu.vector_load_idx %arg26[%iota3A, %add3A_886] : memref<32x128xf32, #tpu.memory_space<vmem>>[vector<16xi32>, vector<16xi32>], vector<16xf32>,
      %swap3A_906 = arith.index_cast %mul3A_904 : i32 to index
      %swap3A_907 = tpu.vector_load %arg34[%swap3A_906] {strides = array<i32>} : memref<4096xf32, #tpu.memory_space<vmem>>, vector<16xf32>,
      tpu.vector_store %arg34[%swap3A_906], %gather3A_905 {strides = array<i32>} : memref<4096xf32, #tpu.memory_space<vmem>>, vector<16xf32>,
      %add3A_908 = arith.constant 16 : i32
      %add3A_909 = vector.broadcast %add3A_908 : i32 to vector<16xi32>
      %add3A_910 = arith.addi %iota3A, %add3A_909 : vector<16xi32>
      %gather3A_911 = tpu.vector_load_idx %arg26[%add3A_910, %add3A_886] : memref<32x128xf32, #tpu.memory_space<vmem>>[vector<16xi32>, vector<16xi32>], vector<16xf32>,
      %add3A_912 = arith.constant 16 : i32
      %add3A_913 = arith.addi %mul3A_904, %add3A_912 : i32
      %swap3A_914 = arith.index_cast %add3A_913 : i32 to index
      %swap3A_915 = tpu.vector_load %arg34[%swap3A_914] {strides = array<i32>} : memref<4096xf32, #tpu.memory_space<vmem>>, vector<16xf32>,
      tpu.vector_store %arg34[%swap3A_914], %gather3A_911 {strides = array<i32>} : memref<4096xf32, #tpu.memory_space<vmem>>, vector<16xf32>,
      %gather3A_916 = tpu.vector_load_idx %arg27[%iota3A, %add3A_886] : memref<32x128xf32, #tpu.memory_space<vmem>>[vector<16xi32>, vector<16xi32>], vector<16xf32>,
      %swap3A_917 = arith.index_cast %mul3A_904 : i32 to index
      %swap3A_918 = tpu.vector_load %arg35[%swap3A_917] {strides = array<i32>} : memref<4096xf32, #tpu.memory_space<vmem>>, vector<16xf32>,
      tpu.vector_store %arg35[%swap3A_917], %gather3A_916 {strides = array<i32>} : memref<4096xf32, #tpu.memory_space<vmem>>, vector<16xf32>,
      %add3A_919 = arith.constant 16 : i32
      %add3A_920 = vector.broadcast %add3A_919 : i32 to vector<16xi32>
      %add3A_921 = arith.addi %iota3A, %add3A_920 : vector<16xi32>
      %gather3A_922 = tpu.vector_load_idx %arg27[%add3A_921, %add3A_886] : memref<32x128xf32, #tpu.memory_space<vmem>>[vector<16xi32>, vector<16xi32>], vector<16xf32>,
      %add3A_923 = arith.constant 16 : i32
      %add3A_924 = arith.addi %mul3A_904, %add3A_923 : i32
      %swap3A_925 = arith.index_cast %add3A_924 : i32 to index
      %swap3A_926 = tpu.vector_load %arg35[%swap3A_925] {strides = array<i32>} : memref<4096xf32, #tpu.memory_space<vmem>>, vector<16xf32>,
      tpu.vector_store %arg35[%swap3A_925], %gather3A_922 {strides = array<i32>} : memref<4096xf32, #tpu.memory_space<vmem>>, vector<16xf32>,
      %mul3A_927 = arith.constant 2 : i32
      %mul3A_928 = arith.muli %add3A_792, %mul3A_927 : i32
      %add3A_929 = arith.constant 1 : i32
      %add3A_930 = arith.addi %mul3A_928, %add3A_929 : i32
      %jit3A_931 = arith.constant 16 : i32
      %div3A_932 = arith.divsi %add3A_930, %jit3A_931 : i32
      %sign3A_933 = arith.constant 0 : i32
      %sign3A_934 = arith.cmpi sgt, %add3A_930, %sign3A_933 : i32
      %sign3A_935 = arith.extui %sign3A_934 : i1 to i32
      %sign3A_936 = arith.constant 0 : i32
      %sign3A_937 = arith.cmpi slt, %add3A_930, %sign3A_936 : i32
      %sign3A_938 = arith.extui %sign3A_937 : i1 to i32
      %sign3A_939 = arith.subi %sign3A_935, %sign3A_938 : i32
      %sign3A_940 = arith.constant 0 : i32
      %sign3A_941 = arith.cmpi sgt, %jit3A_931, %sign3A_940 : i32
      %sign3A_942 = arith.extui %sign3A_941 : i1 to i32
      %sign3A_943 = arith.constant 0 : i32
      %sign3A_944 = arith.cmpi slt, %jit3A_931, %sign3A_943 : i32
      %sign3A_945 = arith.extui %sign3A_944 : i1 to i32
      %sign3A_946 = arith.subi %sign3A_942, %sign3A_945 : i32
      %ne3A_947 = arith.cmpi ne, %sign3A_939, %sign3A_946 : i32
      %rem3A_948 = arith.remsi %add3A_930, %jit3A_931 : i32
      %ne3A_949 = arith.constant 0 : i32
      %ne3A_950 = arith.cmpi ne, %rem3A_948, %ne3A_949 : i32
      %and3A_951 = arith.andi %ne3A_947, %ne3A_950 : i1
      %sub3A_952 = arith.constant 1 : i32
      %sub3A_953 = arith.subi %div3A_932, %sub3A_952 : i32
      %select_n3A_954 = arith.select %and3A_951, %sub3A_953, %div3A_932 : i32
      %mul3A_955 = arith.constant 16 : i32
      %mul3A_956 = arith.muli %select_n3A_954, %mul3A_955 : i32
      %get3A_957 = arith.index_cast %mul3A_956 : i32 to index
      %get3A_958 = tpu.vector_load %arg17[%get3A_957] {strides = array<i32>} : memref<512xi32, #tpu.memory_space<vmem>>, vector<16xi32>,
      %jit3A_959 = arith.constant 16 : i32
      %eq3A_960 = arith.constant 0 : i32
      %eq3A_961 = arith.cmpi eq, %jit3A_959, %eq3A_960 : i32
      %jit3A_962 = arith.constant 1 : i32
      %select_n3A_963 = arith.select %eq3A_961, %jit3A_962, %jit3A_959 : i32
      %rem3A_964 = arith.remsi %add3A_930, %select_n3A_963 : i32
      %ne3A_965 = arith.constant 0 : i32
      %ne3A_966 = arith.cmpi ne, %rem3A_964, %ne3A_965 : i32
      %lt3A_967 = arith.constant 0 : i32
      %lt3A_968 = arith.cmpi slt, %rem3A_964, %lt3A_967 : i32
      %lt3A_969 = arith.constant 0 : i32
      %lt3A_970 = arith.cmpi slt, %select_n3A_963, %lt3A_969 : i32
      %ne3A_971 = arith.xori %lt3A_968, %lt3A_970 : i1
      %and3A_972 = arith.andi %ne3A_971, %ne3A_966 : i1
      %add3A_973 = arith.addi %rem3A_964, %select_n3A_963 : i32
      %select_n3A_974 = arith.select %and3A_972, %add3A_973, %rem3A_964 : i32
      %eq3A_975 = vector.broadcast %select_n3A_974 : i32 to vector<16xi32>
      %eq3A_976 = arith.cmpi eq, %iota3A, %eq3A_975 : vector<16xi32>
      %jit3A_977 = arith.constant 0 : i32
      %broadcast_in_dim3A_978 = vector.broadcast %jit3A_977 : i32 to vector<16xi32>
      %select_n3A_979 = arith.select %eq3A_976, %get3A_958, %broadcast_in_dim3A_978 : vector<16xi1>, vector<16xi32>
      %reduce_sum3A_980 = arith.constant true
      %reduce_sum3A_981 = vector.broadcast %reduce_sum3A_980 : i1 to vector<16xi1>
      %reduce_sum3A_982 = tpu.scan <sum>, %select_n3A_979 masked %reduce_sum3A_981 : vector<16xi32>, vector<16xi1> -> vector<16xi32>
      %reduce_sum3A_983 = vector.extract %reduce_sum3A_982[15] : i32 from vector<16xi32>
      %broadcast_in_dim3A_984 = arith.constant 0 : i32
      %broadcast_in_dim3A_985 = vector.broadcast %broadcast_in_dim3A_984 : i32 to vector<16xi32>
      %add3A_986 = vector.broadcast %reduce_sum3A_983 : i32 to vector<16xi32>
      %add3A_987 = arith.addi %broadcast_in_dim3A_985, %add3A_986 : vector<16xi32>
      %jit3A_988 = arith.constant 128 : i32
      %eq3A_989 = arith.constant 0 : i32
      %eq3A_990 = arith.cmpi eq, %jit3A_988, %eq3A_989 : i32
      %jit3A_991 = arith.constant 1 : i32
      %select_n3A_992 = arith.select %eq3A_990, %jit3A_991, %jit3A_988 : i32
      %rem3A_993 = arith.remsi %add3A_930, %select_n3A_992 : i32
      %ne3A_994 = arith.constant 0 : i32
      %ne3A_995 = arith.cmpi ne, %rem3A_993, %ne3A_994 : i32
      %lt3A_996 = arith.constant 0 : i32
      %lt3A_997 = arith.cmpi slt, %rem3A_993, %lt3A_996 : i32
      %lt3A_998 = arith.constant 0 : i32
      %lt3A_999 = arith.cmpi slt, %select_n3A_992, %lt3A_998 : i32
      %ne3A_1000 = arith.xori %lt3A_997, %lt3A_999 : i1
      %and3A_1001 = arith.andi %ne3A_1000, %ne3A_995 : i1
      %add3A_1002 = arith.addi %rem3A_993, %select_n3A_992 : i32
      %select_n3A_1003 = arith.select %and3A_1001, %add3A_1002, %rem3A_993 : i32
      %mul3A_1004 = arith.constant 32 : i32
      %mul3A_1005 = arith.muli %select_n3A_1003, %mul3A_1004 : i32
      %gather3A_1006 = tpu.vector_load_idx %arg28[%iota3A, %add3A_987] : memref<32x128xf32, #tpu.memory_space<vmem>>[vector<16xi32>, vector<16xi32>], vector<16xf32>,
      %swap3A_1007 = arith.index_cast %mul3A_1005 : i32 to index
      %swap3A_1008 = tpu.vector_load %arg34[%swap3A_1007] {strides = array<i32>} : memref<4096xf32, #tpu.memory_space<vmem>>, vector<16xf32>,
      tpu.vector_store %arg34[%swap3A_1007], %gather3A_1006 {strides = array<i32>} : memref<4096xf32, #tpu.memory_space<vmem>>, vector<16xf32>,
      %add3A_1009 = arith.constant 16 : i32
      %add3A_1010 = vector.broadcast %add3A_1009 : i32 to vector<16xi32>
      %add3A_1011 = arith.addi %iota3A, %add3A_1010 : vector<16xi32>
      %gather3A_1012 = tpu.vector_load_idx %arg28[%add3A_1011, %add3A_987] : memref<32x128xf32, #tpu.memory_space<vmem>>[vector<16xi32>, vector<16xi32>], vector<16xf32>,
      %add3A_1013 = arith.constant 16 : i32
      %add3A_1014 = arith.addi %mul3A_1005, %add3A_1013 : i32
      %swap3A_1015 = arith.index_cast %add3A_1014 : i32 to index
      %swap3A_1016 = tpu.vector_load %arg34[%swap3A_1015] {strides = array<i32>} : memref<4096xf32, #tpu.memory_space<vmem>>, vector<16xf32>,
      tpu.vector_store %arg34[%swap3A_1015], %gather3A_1012 {strides = array<i32>} : memref<4096xf32, #tpu.memory_space<vmem>>, vector<16xf32>,
      %gather3A_1017 = tpu.vector_load_idx %arg29[%iota3A, %add3A_987] : memref<32x128xf32, #tpu.memory_space<vmem>>[vector<16xi32>, vector<16xi32>], vector<16xf32>,
      %swap3A_1018 = arith.index_cast %mul3A_1005 : i32 to index
      %swap3A_1019 = tpu.vector_load %arg35[%swap3A_1018] {strides = array<i32>} : memref<4096xf32, #tpu.memory_space<vmem>>, vector<16xf32>,
      tpu.vector_store %arg35[%swap3A_1018], %gather3A_1017 {strides = array<i32>} : memref<4096xf32, #tpu.memory_space<vmem>>, vector<16xf32>,
      %add3A_1020 = arith.constant 16 : i32
      %add3A_1021 = vector.broadcast %add3A_1020 : i32 to vector<16xi32>
      %add3A_1022 = arith.addi %iota3A, %add3A_1021 : vector<16xi32>
      %gather3A_1023 = tpu.vector_load_idx %arg29[%add3A_1022, %add3A_987] : memref<32x128xf32, #tpu.memory_space<vmem>>[vector<16xi32>, vector<16xi32>], vector<16xf32>,
      %add3A_1024 = arith.constant 16 : i32
      %add3A_1025 = arith.addi %mul3A_1005, %add3A_1024 : i32
      %swap3A_1026 = arith.index_cast %add3A_1025 : i32 to index
      %swap3A_1027 = tpu.vector_load %arg35[%swap3A_1026] {strides = array<i32>} : memref<4096xf32, #tpu.memory_space<vmem>>, vector<16xf32>,
      tpu.vector_store %arg35[%swap3A_1026], %gather3A_1023 {strides = array<i32>} : memref<4096xf32, #tpu.memory_space<vmem>>, vector<16xf32>,
      %jit3A_1028 = arith.constant 64 : i32
      %eq3A_1029 = arith.constant 0 : i32
      %eq3A_1030 = arith.cmpi eq, %jit3A_1028, %eq3A_1029 : i32
      %jit3A_1031 = arith.constant 1 : i32
      %select_n3A_1032 = arith.select %eq3A_1030, %jit3A_1031, %jit3A_1028 : i32
      %rem3A_1033 = arith.remsi %add3A_792, %select_n3A_1032 : i32
      %ne3A_1034 = arith.constant 0 : i32
      %ne3A_1035 = arith.cmpi ne, %rem3A_1033, %ne3A_1034 : i32
      %lt3A_1036 = arith.constant 0 : i32
      %lt3A_1037 = arith.cmpi slt, %rem3A_1033, %lt3A_1036 : i32
      %lt3A_1038 = arith.constant 0 : i32
      %lt3A_1039 = arith.cmpi slt, %select_n3A_1032, %lt3A_1038 : i32
      %ne3A_1040 = arith.xori %lt3A_1037, %lt3A_1039 : i1
      %and3A_1041 = arith.andi %ne3A_1040, %ne3A_1035 : i1
      %add3A_1042 = arith.addi %rem3A_1033, %select_n3A_1032 : i32
      %select_n3A_1043 = arith.select %and3A_1041, %add3A_1042, %rem3A_1033 : i32
      %eq3A_1044 = arith.constant 63 : i32
      %eq3A_1045 = arith.cmpi eq, %select_n3A_1043, %eq3A_1044 : i32
      %convert_element_type3A_1046 = arith.extui %eq3A_1045 : i1 to i32
      %cond3A_1047 = arith.constant 0 : i32
      %cond3A_1048 = arith.cmpi ne, %convert_element_type3A_1046, %cond3A_1047 : i32
      scf.if %cond3A_1048 {
        %jit3A_1309 = arith.constant 64 : i32
        %div3A_1310 = arith.divsi %add3A_792, %jit3A_1309 : i32
        %sign3A_1311 = arith.constant 0 : i32
        %sign3A_1312 = arith.cmpi sgt, %add3A_792, %sign3A_1311 : i32
        %sign3A_1313 = arith.extui %sign3A_1312 : i1 to i32
        %sign3A_1314 = arith.constant 0 : i32
        %sign3A_1315 = arith.cmpi slt, %add3A_792, %sign3A_1314 : i32
        %sign3A_1316 = arith.extui %sign3A_1315 : i1 to i32
        %sign3A_1317 = arith.subi %sign3A_1313, %sign3A_1316 : i32
        %sign3A_1318 = arith.constant 0 : i32
        %sign3A_1319 = arith.cmpi sgt, %jit3A_1309, %sign3A_1318 : i32
        %sign3A_1320 = arith.extui %sign3A_1319 : i1 to i32
        %sign3A_1321 = arith.constant 0 : i32
        %sign3A_1322 = arith.cmpi slt, %jit3A_1309, %sign3A_1321 : i32
        %sign3A_1323 = arith.extui %sign3A_1322 : i1 to i32
        %sign3A_1324 = arith.subi %sign3A_1320, %sign3A_1323 : i32
        %ne3A_1325 = arith.cmpi ne, %sign3A_1317, %sign3A_1324 : i32
        %rem3A_1326 = arith.remsi %add3A_792, %jit3A_1309 : i32
        %ne3A_1327 = arith.constant 0 : i32
        %ne3A_1328 = arith.cmpi ne, %rem3A_1326, %ne3A_1327 : i32
        %and3A_1329 = arith.andi %ne3A_1325, %ne3A_1328 : i1
        %sub3A_1330 = arith.constant 1 : i32
        %sub3A_1331 = arith.subi %div3A_1310, %sub3A_1330 : i32
        %select_n3A_1332 = arith.select %and3A_1329, %sub3A_1331, %div3A_1310 : i32
        %mul3A_1333 = arith.constant 32 : i32
        %mul3A_1334 = arith.muli %mul3A_2, %mul3A_1333 : i32
        %mul3A_1335 = arith.constant 4096 : i32
        %mul3A_1336 = arith.muli %select_n3A_1332, %mul3A_1335 : i32
        %add3A_1337 = arith.addi %mul3A_1334, %mul3A_1336 : i32
        "tpu.region"() ({
          %run_scoped3A = tpu.sem_alloc : memref<!tpu.dma_semaphore, #tpu.memory_space<semaphore_mem>>
          %dma_start3A_1343 = tpu.memref_slice %arg12[%add3A_1337] : memref<524288xf32, #tpu.memory_space<hbm>> -> memref<4096xf32, #tpu.memory_space<hbm>>
          %dma_start3A_1344 = tpu.memref_slice %arg12[%add3A_1337] : memref<524288xf32, #tpu.memory_space<hbm>> -> memref<4096xf32, #tpu.memory_space<hbm>>
          tpu.enqueue_dma source(%arg34 : memref<4096xf32, #tpu.memory_space<vmem>>) target(%dma_start3A_1344 : memref<4096xf32, #tpu.memory_space<hbm>>) target_semaphore(%run_scoped3A : memref<!tpu.dma_semaphore, #tpu.memory_space<semaphore_mem>>)
          %dma_wait3A_1345 = tpu.memref_slice %arg12[%add3A_1337] : memref<524288xf32, #tpu.memory_space<hbm>> -> memref<4096xf32, #tpu.memory_space<hbm>>
          %dma_wait3A_1346 = tpu.memref_slice %arg12[%add3A_1337] : memref<524288xf32, #tpu.memory_space<hbm>> -> memref<4096xf32, #tpu.memory_space<hbm>>
          tpu.wait_dma2 semaphore(%run_scoped3A : memref<!tpu.dma_semaphore, #tpu.memory_space<semaphore_mem>>) src(%arg34 : memref<4096xf32, #tpu.memory_space<vmem>>) dst(%dma_wait3A_1346 : memref<4096xf32, #tpu.memory_space<hbm>>)
          tpu.yield
        }) : () -> ()
        %mul3A_1338 = arith.constant 32 : i32
        %mul3A_1339 = arith.muli %mul3A_2, %mul3A_1338 : i32
        %mul3A_1340 = arith.constant 4096 : i32
        %mul3A_1341 = arith.muli %select_n3A_1332, %mul3A_1340 : i32
        %add3A_1342 = arith.addi %mul3A_1339, %mul3A_1341 : i32
        "tpu.region"() ({
          %run_scoped3A = tpu.sem_alloc : memref<!tpu.dma_semaphore, #tpu.memory_space<semaphore_mem>>
          %dma_start3A_1343 = tpu.memref_slice %arg13[%add3A_1342] : memref<524288xf32, #tpu.memory_space<hbm>> -> memref<4096xf32, #tpu.memory_space<hbm>>
          %dma_start3A_1344 = tpu.memref_slice %arg13[%add3A_1342] : memref<524288xf32, #tpu.memory_space<hbm>> -> memref<4096xf32, #tpu.memory_space<hbm>>
          tpu.enqueue_dma source(%arg35 : memref<4096xf32, #tpu.memory_space<vmem>>) target(%dma_start3A_1344 : memref<4096xf32, #tpu.memory_space<hbm>>) target_semaphore(%run_scoped3A : memref<!tpu.dma_semaphore, #tpu.memory_space<semaphore_mem>>)
          %dma_wait3A_1345 = tpu.memref_slice %arg13[%add3A_1342] : memref<524288xf32, #tpu.memory_space<hbm>> -> memref<4096xf32, #tpu.memory_space<hbm>>
          %dma_wait3A_1346 = tpu.memref_slice %arg13[%add3A_1342] : memref<524288xf32, #tpu.memory_space<hbm>> -> memref<4096xf32, #tpu.memory_space<hbm>>
          tpu.wait_dma2 semaphore(%run_scoped3A : memref<!tpu.dma_semaphore, #tpu.memory_space<semaphore_mem>>) src(%arg35 : memref<4096xf32, #tpu.memory_space<vmem>>) dst(%dma_wait3A_1346 : memref<4096xf32, #tpu.memory_space<hbm>>)
          tpu.yield
        }) : () -> ()
      } else {
      }
      %mul3A_1049 = arith.constant 4 : i32
      %mul3A_1050 = arith.muli %scan3A_280, %mul3A_1049 : i32
      %add3A_1051 = arith.constant 3 : i32
      %add3A_1052 = arith.addi %mul3A_1050, %add3A_1051 : i32
      %add3A_1053 = arith.constant 4 : i32
      %add3A_1054 = arith.addi %add3A_1052, %add3A_1053 : i32
      %sub3A_1055 = arith.constant 1 : i32
      %sub3A_1056 = arith.subi %add3A_1054, %sub3A_1055 : i32
      %lt3A_1057 = arith.constant 256 : i32
      %lt3A_1058 = arith.cmpi slt, %sub3A_1056, %lt3A_1057 : i32
      %convert_element_type3A_1059 = arith.extui %lt3A_1058 : i1 to i32
      %cond3A_1060 = arith.constant 0 : i32
      %cond3A_1061 = arith.cmpi ne, %convert_element_type3A_1059, %cond3A_1060 : i32
      scf.if %cond3A_1061 {
        %add3A_1309 = arith.constant 4 : i32
        %add3A_1310 = arith.addi %add3A_1052, %add3A_1309 : i32
        %sub3A_1311 = arith.constant 1 : i32
        %sub3A_1312 = arith.subi %add3A_1310, %sub3A_1311 : i32
        %mul3A_1313 = arith.constant 2 : i32
        %mul3A_1314 = arith.muli %sub3A_1312, %mul3A_1313 : i32
        %add3A_1315 = arith.constant 0 : i32
        %add3A_1316 = arith.addi %mul3A_1314, %add3A_1315 : i32
        %jit3A_1317 = arith.constant 16 : i32
        %div3A_1318 = arith.divsi %add3A_1316, %jit3A_1317 : i32
        %sign3A_1319 = arith.constant 0 : i32
        %sign3A_1320 = arith.cmpi sgt, %add3A_1316, %sign3A_1319 : i32
        %sign3A_1321 = arith.extui %sign3A_1320 : i1 to i32
        %sign3A_1322 = arith.constant 0 : i32
        %sign3A_1323 = arith.cmpi slt, %add3A_1316, %sign3A_1322 : i32
        %sign3A_1324 = arith.extui %sign3A_1323 : i1 to i32
        %sign3A_1325 = arith.subi %sign3A_1321, %sign3A_1324 : i32
        %sign3A_1326 = arith.constant 0 : i32
        %sign3A_1327 = arith.cmpi sgt, %jit3A_1317, %sign3A_1326 : i32
        %sign3A_1328 = arith.extui %sign3A_1327 : i1 to i32
        %sign3A_1329 = arith.constant 0 : i32
        %sign3A_1330 = arith.cmpi slt, %jit3A_1317, %sign3A_1329 : i32
        %sign3A_1331 = arith.extui %sign3A_1330 : i1 to i32
        %sign3A_1332 = arith.subi %sign3A_1328, %sign3A_1331 : i32
        %ne3A_1333 = arith.cmpi ne, %sign3A_1325, %sign3A_1332 : i32
        %rem3A_1334 = arith.remsi %add3A_1316, %jit3A_1317 : i32
        %ne3A_1335 = arith.constant 0 : i32
        %ne3A_1336 = arith.cmpi ne, %rem3A_1334, %ne3A_1335 : i32
        %and3A_1337 = arith.andi %ne3A_1333, %ne3A_1336 : i1
        %sub3A_1338 = arith.constant 1 : i32
        %sub3A_1339 = arith.subi %div3A_1318, %sub3A_1338 : i32
        %select_n3A_1340 = arith.select %and3A_1337, %sub3A_1339, %div3A_1318 : i32
        %mul3A_1341 = arith.constant 16 : i32
        %mul3A_1342 = arith.muli %select_n3A_1340, %mul3A_1341 : i32
        %get3A_1343 = arith.index_cast %mul3A_1342 : i32 to index
        %get3A_1344 = tpu.vector_load %arg16[%get3A_1343] {strides = array<i32>} : memref<512xi32, #tpu.memory_space<vmem>>, vector<16xi32>,
        %jit3A_1345 = arith.constant 16 : i32
        %eq3A_1346 = arith.constant 0 : i32
        %eq3A_1347 = arith.cmpi eq, %jit3A_1345, %eq3A_1346 : i32
        %jit3A_1348 = arith.constant 1 : i32
        %select_n3A_1349 = arith.select %eq3A_1347, %jit3A_1348, %jit3A_1345 : i32
        %rem3A_1350 = arith.remsi %add3A_1316, %select_n3A_1349 : i32
        %ne3A_1351 = arith.constant 0 : i32
        %ne3A_1352 = arith.cmpi ne, %rem3A_1350, %ne3A_1351 : i32
        %lt3A_1353 = arith.constant 0 : i32
        %lt3A_1354 = arith.cmpi slt, %rem3A_1350, %lt3A_1353 : i32
        %lt3A_1355 = arith.constant 0 : i32
        %lt3A_1356 = arith.cmpi slt, %select_n3A_1349, %lt3A_1355 : i32
        %ne3A_1357 = arith.xori %lt3A_1354, %lt3A_1356 : i1
        %and3A_1358 = arith.andi %ne3A_1357, %ne3A_1352 : i1
        %add3A_1359 = arith.addi %rem3A_1350, %select_n3A_1349 : i32
        %select_n3A_1360 = arith.select %and3A_1358, %add3A_1359, %rem3A_1350 : i32
        %eq3A_1361 = vector.broadcast %select_n3A_1360 : i32 to vector<16xi32>
        %eq3A_1362 = arith.cmpi eq, %iota3A, %eq3A_1361 : vector<16xi32>
        %jit3A_1363 = arith.constant 0 : i32
        %broadcast_in_dim3A_1364 = vector.broadcast %jit3A_1363 : i32 to vector<16xi32>
        %select_n3A_1365 = arith.select %eq3A_1362, %get3A_1344, %broadcast_in_dim3A_1364 : vector<16xi1>, vector<16xi32>
        %reduce_sum3A_1366 = arith.constant true
        %reduce_sum3A_1367 = vector.broadcast %reduce_sum3A_1366 : i1 to vector<16xi1>
        %reduce_sum3A_1368 = tpu.scan <sum>, %select_n3A_1365 masked %reduce_sum3A_1367 : vector<16xi32>, vector<16xi1> -> vector<16xi32>
        %reduce_sum3A_1369 = vector.extract %reduce_sum3A_1368[15] : i32 from vector<16xi32>
        %mul3A_1370 = arith.constant 128 : i32
        %mul3A_1371 = arith.muli %reduce_sum3A_1369, %mul3A_1370 : i32
        %multiple_of3A_1372 = tpu.assume_multiple %mul3A_1371, 128 : i32
        %dma_start3A_1373 = arith.constant 0 : i32
        %dma_start3A_1374 = tpu.memref_slice %arg7[%dma_start3A_1373, %multiple_of3A_1372] : memref<32x1000000xf32, #tpu.memory_space<hbm>> -> memref<32x128xf32, #tpu.memory_space<hbm>>
        %dma_start3A_1375 = arith.constant 0 : i32
        %dma_start3A_1376 = tpu.memref_slice %arg7[%dma_start3A_1375, %multiple_of3A_1372] : memref<32x1000000xf32, #tpu.memory_space<hbm>> -> memref<32x128xf32, #tpu.memory_space<hbm>>
        tpu.enqueue_dma source(%dma_start3A_1376 : memref<32x128xf32, #tpu.memory_space<hbm>>) target(%arg26 : memref<32x128xf32, #tpu.memory_space<vmem>>) target_semaphore(%arg38 : memref<!tpu.dma_semaphore, #tpu.memory_space<semaphore_mem>>)
        %dma_start3A_1377 = arith.constant 0 : i32
        %dma_start3A_1378 = tpu.memref_slice %arg9[%dma_start3A_1377, %multiple_of3A_1372] : memref<32x1000000xf32, #tpu.memory_space<hbm>> -> memref<32x128xf32, #tpu.memory_space<hbm>>
        %dma_start3A_1379 = arith.constant 0 : i32
        %dma_start3A_1380 = tpu.memref_slice %arg9[%dma_start3A_1379, %multiple_of3A_1372] : memref<32x1000000xf32, #tpu.memory_space<hbm>> -> memref<32x128xf32, #tpu.memory_space<hbm>>
        tpu.enqueue_dma source(%dma_start3A_1380 : memref<32x128xf32, #tpu.memory_space<hbm>>) target(%arg27 : memref<32x128xf32, #tpu.memory_space<vmem>>) target_semaphore(%arg38 : memref<!tpu.dma_semaphore, #tpu.memory_space<semaphore_mem>>)
        %mul3A_1381 = arith.constant 2 : i32
        %mul3A_1382 = arith.muli %sub3A_1312, %mul3A_1381 : i32
        %add3A_1383 = arith.constant 1 : i32
        %add3A_1384 = arith.addi %mul3A_1382, %add3A_1383 : i32
        %jit3A_1385 = arith.constant 16 : i32
        %div3A_1386 = arith.divsi %add3A_1384, %jit3A_1385 : i32
        %sign3A_1387 = arith.constant 0 : i32
        %sign3A_1388 = arith.cmpi sgt, %add3A_1384, %sign3A_1387 : i32
        %sign3A_1389 = arith.extui %sign3A_1388 : i1 to i32
        %sign3A_1390 = arith.constant 0 : i32
        %sign3A_1391 = arith.cmpi slt, %add3A_1384, %sign3A_1390 : i32
        %sign3A_1392 = arith.extui %sign3A_1391 : i1 to i32
        %sign3A_1393 = arith.subi %sign3A_1389, %sign3A_1392 : i32
        %sign3A_1394 = arith.constant 0 : i32
        %sign3A_1395 = arith.cmpi sgt, %jit3A_1385, %sign3A_1394 : i32
        %sign3A_1396 = arith.extui %sign3A_1395 : i1 to i32
        %sign3A_1397 = arith.constant 0 : i32
        %sign3A_1398 = arith.cmpi slt, %jit3A_1385, %sign3A_1397 : i32
        %sign3A_1399 = arith.extui %sign3A_1398 : i1 to i32
        %sign3A_1400 = arith.subi %sign3A_1396, %sign3A_1399 : i32
        %ne3A_1401 = arith.cmpi ne, %sign3A_1393, %sign3A_1400 : i32
        %rem3A_1402 = arith.remsi %add3A_1384, %jit3A_1385 : i32
        %ne3A_1403 = arith.constant 0 : i32
        %ne3A_1404 = arith.cmpi ne, %rem3A_1402, %ne3A_1403 : i32
        %and3A_1405 = arith.andi %ne3A_1401, %ne3A_1404 : i1
        %sub3A_1406 = arith.constant 1 : i32
        %sub3A_1407 = arith.subi %div3A_1386, %sub3A_1406 : i32
        %select_n3A_1408 = arith.select %and3A_1405, %sub3A_1407, %div3A_1386 : i32
        %mul3A_1409 = arith.constant 16 : i32
        %mul3A_1410 = arith.muli %select_n3A_1408, %mul3A_1409 : i32
        %get3A_1411 = arith.index_cast %mul3A_1410 : i32 to index
        %get3A_1412 = tpu.vector_load %arg16[%get3A_1411] {strides = array<i32>} : memref<512xi32, #tpu.memory_space<vmem>>, vector<16xi32>,
        %jit3A_1413 = arith.constant 16 : i32
        %eq3A_1414 = arith.constant 0 : i32
        %eq3A_1415 = arith.cmpi eq, %jit3A_1413, %eq3A_1414 : i32
        %jit3A_1416 = arith.constant 1 : i32
        %select_n3A_1417 = arith.select %eq3A_1415, %jit3A_1416, %jit3A_1413 : i32
        %rem3A_1418 = arith.remsi %add3A_1384, %select_n3A_1417 : i32
        %ne3A_1419 = arith.constant 0 : i32
        %ne3A_1420 = arith.cmpi ne, %rem3A_1418, %ne3A_1419 : i32
        %lt3A_1421 = arith.constant 0 : i32
        %lt3A_1422 = arith.cmpi slt, %rem3A_1418, %lt3A_1421 : i32
        %lt3A_1423 = arith.constant 0 : i32
        %lt3A_1424 = arith.cmpi slt, %select_n3A_1417, %lt3A_1423 : i32
        %ne3A_1425 = arith.xori %lt3A_1422, %lt3A_1424 : i1
        %and3A_1426 = arith.andi %ne3A_1425, %ne3A_1420 : i1
        %add3A_1427 = arith.addi %rem3A_1418, %select_n3A_1417 : i32
        %select_n3A_1428 = arith.select %and3A_1426, %add3A_1427, %rem3A_1418 : i32
        %eq3A_1429 = vector.broadcast %select_n3A_1428 : i32 to vector<16xi32>
        %eq3A_1430 = arith.cmpi eq, %iota3A, %eq3A_1429 : vector<16xi32>
        %jit3A_1431 = arith.constant 0 : i32
        %broadcast_in_dim3A_1432 = vector.broadcast %jit3A_1431 : i32 to vector<16xi32>
        %select_n3A_1433 = arith.select %eq3A_1430, %get3A_1412, %broadcast_in_dim3A_1432 : vector<16xi1>, vector<16xi32>
        %reduce_sum3A_1434 = arith.constant true
        %reduce_sum3A_1435 = vector.broadcast %reduce_sum3A_1434 : i1 to vector<16xi1>
        %reduce_sum3A_1436 = tpu.scan <sum>, %select_n3A_1433 masked %reduce_sum3A_1435 : vector<16xi32>, vector<16xi1> -> vector<16xi32>
        %reduce_sum3A_1437 = vector.extract %reduce_sum3A_1436[15] : i32 from vector<16xi32>
        %mul3A_1438 = arith.constant 128 : i32
        %mul3A_1439 = arith.muli %reduce_sum3A_1437, %mul3A_1438 : i32
        %multiple_of3A_1440 = tpu.assume_multiple %mul3A_1439, 128 : i32
        %dma_start3A_1441 = arith.constant 0 : i32
        %dma_start3A_1442 = tpu.memref_slice %arg7[%dma_start3A_1441, %multiple_of3A_1440] : memref<32x1000000xf32, #tpu.memory_space<hbm>> -> memref<32x128xf32, #tpu.memory_space<hbm>>
        %dma_start3A_1443 = arith.constant 0 : i32
        %dma_start3A_1444 = tpu.memref_slice %arg7[%dma_start3A_1443, %multiple_of3A_1440] : memref<32x1000000xf32, #tpu.memory_space<hbm>> -> memref<32x128xf32, #tpu.memory_space<hbm>>
        tpu.enqueue_dma source(%dma_start3A_1444 : memref<32x128xf32, #tpu.memory_space<hbm>>) target(%arg28 : memref<32x128xf32, #tpu.memory_space<vmem>>) target_semaphore(%arg38 : memref<!tpu.dma_semaphore, #tpu.memory_space<semaphore_mem>>)
        %dma_start3A_1445 = arith.constant 0 : i32
        %dma_start3A_1446 = tpu.memref_slice %arg9[%dma_start3A_1445, %multiple_of3A_1440] : memref<32x1000000xf32, #tpu.memory_space<hbm>> -> memref<32x128xf32, #tpu.memory_space<hbm>>
        %dma_start3A_1447 = arith.constant 0 : i32
        %dma_start3A_1448 = tpu.memref_slice %arg9[%dma_start3A_1447, %multiple_of3A_1440] : memref<32x1000000xf32, #tpu.memory_space<hbm>> -> memref<32x128xf32, #tpu.memory_space<hbm>>
        tpu.enqueue_dma source(%dma_start3A_1448 : memref<32x128xf32, #tpu.memory_space<hbm>>) target(%arg29 : memref<32x128xf32, #tpu.memory_space<vmem>>) target_semaphore(%arg38 : memref<!tpu.dma_semaphore, #tpu.memory_space<semaphore_mem>>)
      } else {
      }
      %dma_wait3A_1062 = arith.constant 0 : i32
      %dma_wait3A_1063 = arith.constant 0 : i32
      %dma_wait3A_1064 = tpu.memref_slice %arg7[%dma_wait3A_1062, %dma_wait3A_1063] : memref<32x1000000xf32, #tpu.memory_space<hbm>> -> memref<32x128xf32, #tpu.memory_space<hbm>>
      %dma_wait3A_1065 = arith.constant 0 : i32
      %dma_wait3A_1066 = arith.constant 0 : i32
      %dma_wait3A_1067 = tpu.memref_slice %arg7[%dma_wait3A_1065, %dma_wait3A_1066] : memref<32x1000000xf32, #tpu.memory_space<hbm>> -> memref<32x128xf32, #tpu.memory_space<hbm>>
      tpu.wait_dma2 semaphore(%arg39 : memref<!tpu.dma_semaphore, #tpu.memory_space<semaphore_mem>>) src(%dma_wait3A_1067 : memref<32x128xf32, #tpu.memory_space<hbm>>) dst(%arg30 : memref<32x128xf32, #tpu.memory_space<vmem>>)
      %dma_wait3A_1068 = arith.constant 0 : i32
      %dma_wait3A_1069 = arith.constant 0 : i32
      %dma_wait3A_1070 = tpu.memref_slice %arg9[%dma_wait3A_1068, %dma_wait3A_1069] : memref<32x1000000xf32, #tpu.memory_space<hbm>> -> memref<32x128xf32, #tpu.memory_space<hbm>>
      %dma_wait3A_1071 = arith.constant 0 : i32
      %dma_wait3A_1072 = arith.constant 0 : i32
      %dma_wait3A_1073 = tpu.memref_slice %arg9[%dma_wait3A_1071, %dma_wait3A_1072] : memref<32x1000000xf32, #tpu.memory_space<hbm>> -> memref<32x128xf32, #tpu.memory_space<hbm>>
      tpu.wait_dma2 semaphore(%arg39 : memref<!tpu.dma_semaphore, #tpu.memory_space<semaphore_mem>>) src(%dma_wait3A_1073 : memref<32x128xf32, #tpu.memory_space<hbm>>) dst(%arg31 : memref<32x128xf32, #tpu.memory_space<vmem>>)
      %dma_wait3A_1074 = arith.constant 0 : i32
      %dma_wait3A_1075 = arith.constant 0 : i32
      %dma_wait3A_1076 = tpu.memref_slice %arg7[%dma_wait3A_1074, %dma_wait3A_1075] : memref<32x1000000xf32, #tpu.memory_space<hbm>> -> memref<32x128xf32, #tpu.memory_space<hbm>>
      %dma_wait3A_1077 = arith.constant 0 : i32
      %dma_wait3A_1078 = arith.constant 0 : i32
      %dma_wait3A_1079 = tpu.memref_slice %arg7[%dma_wait3A_1077, %dma_wait3A_1078] : memref<32x1000000xf32, #tpu.memory_space<hbm>> -> memref<32x128xf32, #tpu.memory_space<hbm>>
      tpu.wait_dma2 semaphore(%arg39 : memref<!tpu.dma_semaphore, #tpu.memory_space<semaphore_mem>>) src(%dma_wait3A_1079 : memref<32x128xf32, #tpu.memory_space<hbm>>) dst(%arg32 : memref<32x128xf32, #tpu.memory_space<vmem>>)
      %dma_wait3A_1080 = arith.constant 0 : i32
      %dma_wait3A_1081 = arith.constant 0 : i32
      %dma_wait3A_1082 = tpu.memref_slice %arg9[%dma_wait3A_1080, %dma_wait3A_1081] : memref<32x1000000xf32, #tpu.memory_space<hbm>> -> memref<32x128xf32, #tpu.memory_space<hbm>>
      %dma_wait3A_1083 = arith.constant 0 : i32
      %dma_wait3A_1084 = arith.constant 0 : i32
      %dma_wait3A_1085 = tpu.memref_slice %arg9[%dma_wait3A_1083, %dma_wait3A_1084] : memref<32x1000000xf32, #tpu.memory_space<hbm>> -> memref<32x128xf32, #tpu.memory_space<hbm>>
      tpu.wait_dma2 semaphore(%arg39 : memref<!tpu.dma_semaphore, #tpu.memory_space<semaphore_mem>>) src(%dma_wait3A_1085 : memref<32x128xf32, #tpu.memory_space<hbm>>) dst(%arg33 : memref<32x128xf32, #tpu.memory_space<vmem>>)
      %mul3A_1086 = arith.constant 2 : i32
      %mul3A_1087 = arith.muli %add3A_1052, %mul3A_1086 : i32
      %add3A_1088 = arith.constant 0 : i32
      %add3A_1089 = arith.addi %mul3A_1087, %add3A_1088 : i32
      %jit3A_1090 = arith.constant 16 : i32
      %div3A_1091 = arith.divsi %add3A_1089, %jit3A_1090 : i32
      %sign3A_1092 = arith.constant 0 : i32
      %sign3A_1093 = arith.cmpi sgt, %add3A_1089, %sign3A_1092 : i32
      %sign3A_1094 = arith.extui %sign3A_1093 : i1 to i32
      %sign3A_1095 = arith.constant 0 : i32
      %sign3A_1096 = arith.cmpi slt, %add3A_1089, %sign3A_1095 : i32
      %sign3A_1097 = arith.extui %sign3A_1096 : i1 to i32
      %sign3A_1098 = arith.subi %sign3A_1094, %sign3A_1097 : i32
      %sign3A_1099 = arith.constant 0 : i32
      %sign3A_1100 = arith.cmpi sgt, %jit3A_1090, %sign3A_1099 : i32
      %sign3A_1101 = arith.extui %sign3A_1100 : i1 to i32
      %sign3A_1102 = arith.constant 0 : i32
      %sign3A_1103 = arith.cmpi slt, %jit3A_1090, %sign3A_1102 : i32
      %sign3A_1104 = arith.extui %sign3A_1103 : i1 to i32
      %sign3A_1105 = arith.subi %sign3A_1101, %sign3A_1104 : i32
      %ne3A_1106 = arith.cmpi ne, %sign3A_1098, %sign3A_1105 : i32
      %rem3A_1107 = arith.remsi %add3A_1089, %jit3A_1090 : i32
      %ne3A_1108 = arith.constant 0 : i32
      %ne3A_1109 = arith.cmpi ne, %rem3A_1107, %ne3A_1108 : i32
      %and3A_1110 = arith.andi %ne3A_1106, %ne3A_1109 : i1
      %sub3A_1111 = arith.constant 1 : i32
      %sub3A_1112 = arith.subi %div3A_1091, %sub3A_1111 : i32
      %select_n3A_1113 = arith.select %and3A_1110, %sub3A_1112, %div3A_1091 : i32
      %mul3A_1114 = arith.constant 16 : i32
      %mul3A_1115 = arith.muli %select_n3A_1113, %mul3A_1114 : i32
      %get3A_1116 = arith.index_cast %mul3A_1115 : i32 to index
      %get3A_1117 = tpu.vector_load %arg17[%get3A_1116] {strides = array<i32>} : memref<512xi32, #tpu.memory_space<vmem>>, vector<16xi32>,
      %jit3A_1118 = arith.constant 16 : i32
      %eq3A_1119 = arith.constant 0 : i32
      %eq3A_1120 = arith.cmpi eq, %jit3A_1118, %eq3A_1119 : i32
      %jit3A_1121 = arith.constant 1 : i32
      %select_n3A_1122 = arith.select %eq3A_1120, %jit3A_1121, %jit3A_1118 : i32
      %rem3A_1123 = arith.remsi %add3A_1089, %select_n3A_1122 : i32
      %ne3A_1124 = arith.constant 0 : i32
      %ne3A_1125 = arith.cmpi ne, %rem3A_1123, %ne3A_1124 : i32
      %lt3A_1126 = arith.constant 0 : i32
      %lt3A_1127 = arith.cmpi slt, %rem3A_1123, %lt3A_1126 : i32
      %lt3A_1128 = arith.constant 0 : i32
      %lt3A_1129 = arith.cmpi slt, %select_n3A_1122, %lt3A_1128 : i32
      %ne3A_1130 = arith.xori %lt3A_1127, %lt3A_1129 : i1
      %and3A_1131 = arith.andi %ne3A_1130, %ne3A_1125 : i1
      %add3A_1132 = arith.addi %rem3A_1123, %select_n3A_1122 : i32
      %select_n3A_1133 = arith.select %and3A_1131, %add3A_1132, %rem3A_1123 : i32
      %eq3A_1134 = vector.broadcast %select_n3A_1133 : i32 to vector<16xi32>
      %eq3A_1135 = arith.cmpi eq, %iota3A, %eq3A_1134 : vector<16xi32>
      %jit3A_1136 = arith.constant 0 : i32
      %broadcast_in_dim3A_1137 = vector.broadcast %jit3A_1136 : i32 to vector<16xi32>
      %select_n3A_1138 = arith.select %eq3A_1135, %get3A_1117, %broadcast_in_dim3A_1137 : vector<16xi1>, vector<16xi32>
      %reduce_sum3A_1139 = arith.constant true
      %reduce_sum3A_1140 = vector.broadcast %reduce_sum3A_1139 : i1 to vector<16xi1>
      %reduce_sum3A_1141 = tpu.scan <sum>, %select_n3A_1138 masked %reduce_sum3A_1140 : vector<16xi32>, vector<16xi1> -> vector<16xi32>
      %reduce_sum3A_1142 = vector.extract %reduce_sum3A_1141[15] : i32 from vector<16xi32>
      %broadcast_in_dim3A_1143 = arith.constant 0 : i32
      %broadcast_in_dim3A_1144 = vector.broadcast %broadcast_in_dim3A_1143 : i32 to vector<16xi32>
      %add3A_1145 = vector.broadcast %reduce_sum3A_1142 : i32 to vector<16xi32>
      %add3A_1146 = arith.addi %broadcast_in_dim3A_1144, %add3A_1145 : vector<16xi32>
      %jit3A_1147 = arith.constant 128 : i32
      %eq3A_1148 = arith.constant 0 : i32
      %eq3A_1149 = arith.cmpi eq, %jit3A_1147, %eq3A_1148 : i32
      %jit3A_1150 = arith.constant 1 : i32
      %select_n3A_1151 = arith.select %eq3A_1149, %jit3A_1150, %jit3A_1147 : i32
      %rem3A_1152 = arith.remsi %add3A_1089, %select_n3A_1151 : i32
      %ne3A_1153 = arith.constant 0 : i32
      %ne3A_1154 = arith.cmpi ne, %rem3A_1152, %ne3A_1153 : i32
      %lt3A_1155 = arith.constant 0 : i32
      %lt3A_1156 = arith.cmpi slt, %rem3A_1152, %lt3A_1155 : i32
      %lt3A_1157 = arith.constant 0 : i32
      %lt3A_1158 = arith.cmpi slt, %select_n3A_1151, %lt3A_1157 : i32
      %ne3A_1159 = arith.xori %lt3A_1156, %lt3A_1158 : i1
      %and3A_1160 = arith.andi %ne3A_1159, %ne3A_1154 : i1
      %add3A_1161 = arith.addi %rem3A_1152, %select_n3A_1151 : i32
      %select_n3A_1162 = arith.select %and3A_1160, %add3A_1161, %rem3A_1152 : i32
      %mul3A_1163 = arith.constant 32 : i32
      %mul3A_1164 = arith.muli %select_n3A_1162, %mul3A_1163 : i32
      %gather3A_1165 = tpu.vector_load_idx %arg30[%iota3A, %add3A_1146] : memref<32x128xf32, #tpu.memory_space<vmem>>[vector<16xi32>, vector<16xi32>], vector<16xf32>,
      %swap3A_1166 = arith.index_cast %mul3A_1164 : i32 to index
      %swap3A_1167 = tpu.vector_load %arg34[%swap3A_1166] {strides = array<i32>} : memref<4096xf32, #tpu.memory_space<vmem>>, vector<16xf32>,
      tpu.vector_store %arg34[%swap3A_1166], %gather3A_1165 {strides = array<i32>} : memref<4096xf32, #tpu.memory_space<vmem>>, vector<16xf32>,
      %add3A_1168 = arith.constant 16 : i32
      %add3A_1169 = vector.broadcast %add3A_1168 : i32 to vector<16xi32>
      %add3A_1170 = arith.addi %iota3A, %add3A_1169 : vector<16xi32>
      %gather3A_1171 = tpu.vector_load_idx %arg30[%add3A_1170, %add3A_1146] : memref<32x128xf32, #tpu.memory_space<vmem>>[vector<16xi32>, vector<16xi32>], vector<16xf32>,
      %add3A_1172 = arith.constant 16 : i32
      %add3A_1173 = arith.addi %mul3A_1164, %add3A_1172 : i32
      %swap3A_1174 = arith.index_cast %add3A_1173 : i32 to index
      %swap3A_1175 = tpu.vector_load %arg34[%swap3A_1174] {strides = array<i32>} : memref<4096xf32, #tpu.memory_space<vmem>>, vector<16xf32>,
      tpu.vector_store %arg34[%swap3A_1174], %gather3A_1171 {strides = array<i32>} : memref<4096xf32, #tpu.memory_space<vmem>>, vector<16xf32>,
      %gather3A_1176 = tpu.vector_load_idx %arg31[%iota3A, %add3A_1146] : memref<32x128xf32, #tpu.memory_space<vmem>>[vector<16xi32>, vector<16xi32>], vector<16xf32>,
      %swap3A_1177 = arith.index_cast %mul3A_1164 : i32 to index
      %swap3A_1178 = tpu.vector_load %arg35[%swap3A_1177] {strides = array<i32>} : memref<4096xf32, #tpu.memory_space<vmem>>, vector<16xf32>,
      tpu.vector_store %arg35[%swap3A_1177], %gather3A_1176 {strides = array<i32>} : memref<4096xf32, #tpu.memory_space<vmem>>, vector<16xf32>,
      %add3A_1179 = arith.constant 16 : i32
      %add3A_1180 = vector.broadcast %add3A_1179 : i32 to vector<16xi32>
      %add3A_1181 = arith.addi %iota3A, %add3A_1180 : vector<16xi32>
      %gather3A_1182 = tpu.vector_load_idx %arg31[%add3A_1181, %add3A_1146] : memref<32x128xf32, #tpu.memory_space<vmem>>[vector<16xi32>, vector<16xi32>], vector<16xf32>,
      %add3A_1183 = arith.constant 16 : i32
      %add3A_1184 = arith.addi %mul3A_1164, %add3A_1183 : i32
      %swap3A_1185 = arith.index_cast %add3A_1184 : i32 to index
      %swap3A_1186 = tpu.vector_load %arg35[%swap3A_1185] {strides = array<i32>} : memref<4096xf32, #tpu.memory_space<vmem>>, vector<16xf32>,
      tpu.vector_store %arg35[%swap3A_1185], %gather3A_1182 {strides = array<i32>} : memref<4096xf32, #tpu.memory_space<vmem>>, vector<16xf32>,
      %mul3A_1187 = arith.constant 2 : i32
      %mul3A_1188 = arith.muli %add3A_1052, %mul3A_1187 : i32
      %add3A_1189 = arith.constant 1 : i32
      %add3A_1190 = arith.addi %mul3A_1188, %add3A_1189 : i32
      %jit3A_1191 = arith.constant 16 : i32
      %div3A_1192 = arith.divsi %add3A_1190, %jit3A_1191 : i32
      %sign3A_1193 = arith.constant 0 : i32
      %sign3A_1194 = arith.cmpi sgt, %add3A_1190, %sign3A_1193 : i32
      %sign3A_1195 = arith.extui %sign3A_1194 : i1 to i32
      %sign3A_1196 = arith.constant 0 : i32
      %sign3A_1197 = arith.cmpi slt, %add3A_1190, %sign3A_1196 : i32
      %sign3A_1198 = arith.extui %sign3A_1197 : i1 to i32
      %sign3A_1199 = arith.subi %sign3A_1195, %sign3A_1198 : i32
      %sign3A_1200 = arith.constant 0 : i32
      %sign3A_1201 = arith.cmpi sgt, %jit3A_1191, %sign3A_1200 : i32
      %sign3A_1202 = arith.extui %sign3A_1201 : i1 to i32
      %sign3A_1203 = arith.constant 0 : i32
      %sign3A_1204 = arith.cmpi slt, %jit3A_1191, %sign3A_1203 : i32
      %sign3A_1205 = arith.extui %sign3A_1204 : i1 to i32
      %sign3A_1206 = arith.subi %sign3A_1202, %sign3A_1205 : i32
      %ne3A_1207 = arith.cmpi ne, %sign3A_1199, %sign3A_1206 : i32
      %rem3A_1208 = arith.remsi %add3A_1190, %jit3A_1191 : i32
      %ne3A_1209 = arith.constant 0 : i32
      %ne3A_1210 = arith.cmpi ne, %rem3A_1208, %ne3A_1209 : i32
      %and3A_1211 = arith.andi %ne3A_1207, %ne3A_1210 : i1
      %sub3A_1212 = arith.constant 1 : i32
      %sub3A_1213 = arith.subi %div3A_1192, %sub3A_1212 : i32
      %select_n3A_1214 = arith.select %and3A_1211, %sub3A_1213, %div3A_1192 : i32
      %mul3A_1215 = arith.constant 16 : i32
      %mul3A_1216 = arith.muli %select_n3A_1214, %mul3A_1215 : i32
      %get3A_1217 = arith.index_cast %mul3A_1216 : i32 to index
      %get3A_1218 = tpu.vector_load %arg17[%get3A_1217] {strides = array<i32>} : memref<512xi32, #tpu.memory_space<vmem>>, vector<16xi32>,
      %jit3A_1219 = arith.constant 16 : i32
      %eq3A_1220 = arith.constant 0 : i32
      %eq3A_1221 = arith.cmpi eq, %jit3A_1219, %eq3A_1220 : i32
      %jit3A_1222 = arith.constant 1 : i32
      %select_n3A_1223 = arith.select %eq3A_1221, %jit3A_1222, %jit3A_1219 : i32
      %rem3A_1224 = arith.remsi %add3A_1190, %select_n3A_1223 : i32
      %ne3A_1225 = arith.constant 0 : i32
      %ne3A_1226 = arith.cmpi ne, %rem3A_1224, %ne3A_1225 : i32
      %lt3A_1227 = arith.constant 0 : i32
      %lt3A_1228 = arith.cmpi slt, %rem3A_1224, %lt3A_1227 : i32
      %lt3A_1229 = arith.constant 0 : i32
      %lt3A_1230 = arith.cmpi slt, %select_n3A_1223, %lt3A_1229 : i32
      %ne3A_1231 = arith.xori %lt3A_1228, %lt3A_1230 : i1
      %and3A_1232 = arith.andi %ne3A_1231, %ne3A_1226 : i1
      %add3A_1233 = arith.addi %rem3A_1224, %select_n3A_1223 : i32
      %select_n3A_1234 = arith.select %and3A_1232, %add3A_1233, %rem3A_1224 : i32
      %eq3A_1235 = vector.broadcast %select_n3A_1234 : i32 to vector<16xi32>
      %eq3A_1236 = arith.cmpi eq, %iota3A, %eq3A_1235 : vector<16xi32>
      %jit3A_1237 = arith.constant 0 : i32
      %broadcast_in_dim3A_1238 = vector.broadcast %jit3A_1237 : i32 to vector<16xi32>
      %select_n3A_1239 = arith.select %eq3A_1236, %get3A_1218, %broadcast_in_dim3A_1238 : vector<16xi1>, vector<16xi32>
      %reduce_sum3A_1240 = arith.constant true
      %reduce_sum3A_1241 = vector.broadcast %reduce_sum3A_1240 : i1 to vector<16xi1>
      %reduce_sum3A_1242 = tpu.scan <sum>, %select_n3A_1239 masked %reduce_sum3A_1241 : vector<16xi32>, vector<16xi1> -> vector<16xi32>
      %reduce_sum3A_1243 = vector.extract %reduce_sum3A_1242[15] : i32 from vector<16xi32>
      %broadcast_in_dim3A_1244 = arith.constant 0 : i32
      %broadcast_in_dim3A_1245 = vector.broadcast %broadcast_in_dim3A_1244 : i32 to vector<16xi32>
      %add3A_1246 = vector.broadcast %reduce_sum3A_1243 : i32 to vector<16xi32>
      %add3A_1247 = arith.addi %broadcast_in_dim3A_1245, %add3A_1246 : vector<16xi32>
      %jit3A_1248 = arith.constant 128 : i32
      %eq3A_1249 = arith.constant 0 : i32
      %eq3A_1250 = arith.cmpi eq, %jit3A_1248, %eq3A_1249 : i32
      %jit3A_1251 = arith.constant 1 : i32
      %select_n3A_1252 = arith.select %eq3A_1250, %jit3A_1251, %jit3A_1248 : i32
      %rem3A_1253 = arith.remsi %add3A_1190, %select_n3A_1252 : i32
      %ne3A_1254 = arith.constant 0 : i32
      %ne3A_1255 = arith.cmpi ne, %rem3A_1253, %ne3A_1254 : i32
      %lt3A_1256 = arith.constant 0 : i32
      %lt3A_1257 = arith.cmpi slt, %rem3A_1253, %lt3A_1256 : i32
      %lt3A_1258 = arith.constant 0 : i32
      %lt3A_1259 = arith.cmpi slt, %select_n3A_1252, %lt3A_1258 : i32
      %ne3A_1260 = arith.xori %lt3A_1257, %lt3A_1259 : i1
      %and3A_1261 = arith.andi %ne3A_1260, %ne3A_1255 : i1
      %add3A_1262 = arith.addi %rem3A_1253, %select_n3A_1252 : i32
      %select_n3A_1263 = arith.select %and3A_1261, %add3A_1262, %rem3A_1253 : i32
      %mul3A_1264 = arith.constant 32 : i32
      %mul3A_1265 = arith.muli %select_n3A_1263, %mul3A_1264 : i32
      %gather3A_1266 = tpu.vector_load_idx %arg32[%iota3A, %add3A_1247] : memref<32x128xf32, #tpu.memory_space<vmem>>[vector<16xi32>, vector<16xi32>], vector<16xf32>,
      %swap3A_1267 = arith.index_cast %mul3A_1265 : i32 to index
      %swap3A_1268 = tpu.vector_load %arg34[%swap3A_1267] {strides = array<i32>} : memref<4096xf32, #tpu.memory_space<vmem>>, vector<16xf32>,
      tpu.vector_store %arg34[%swap3A_1267], %gather3A_1266 {strides = array<i32>} : memref<4096xf32, #tpu.memory_space<vmem>>, vector<16xf32>,
      %add3A_1269 = arith.constant 16 : i32
      %add3A_1270 = vector.broadcast %add3A_1269 : i32 to vector<16xi32>
      %add3A_1271 = arith.addi %iota3A, %add3A_1270 : vector<16xi32>
      %gather3A_1272 = tpu.vector_load_idx %arg32[%add3A_1271, %add3A_1247] : memref<32x128xf32, #tpu.memory_space<vmem>>[vector<16xi32>, vector<16xi32>], vector<16xf32>,
      %add3A_1273 = arith.constant 16 : i32
      %add3A_1274 = arith.addi %mul3A_1265, %add3A_1273 : i32
      %swap3A_1275 = arith.index_cast %add3A_1274 : i32 to index
      %swap3A_1276 = tpu.vector_load %arg34[%swap3A_1275] {strides = array<i32>} : memref<4096xf32, #tpu.memory_space<vmem>>, vector<16xf32>,
      tpu.vector_store %arg34[%swap3A_1275], %gather3A_1272 {strides = array<i32>} : memref<4096xf32, #tpu.memory_space<vmem>>, vector<16xf32>,
      %gather3A_1277 = tpu.vector_load_idx %arg33[%iota3A, %add3A_1247] : memref<32x128xf32, #tpu.memory_space<vmem>>[vector<16xi32>, vector<16xi32>], vector<16xf32>,
      %swap3A_1278 = arith.index_cast %mul3A_1265 : i32 to index
      %swap3A_1279 = tpu.vector_load %arg35[%swap3A_1278] {strides = array<i32>} : memref<4096xf32, #tpu.memory_space<vmem>>, vector<16xf32>,
      tpu.vector_store %arg35[%swap3A_1278], %gather3A_1277 {strides = array<i32>} : memref<4096xf32, #tpu.memory_space<vmem>>, vector<16xf32>,
      %add3A_1280 = arith.constant 16 : i32
      %add3A_1281 = vector.broadcast %add3A_1280 : i32 to vector<16xi32>
      %add3A_1282 = arith.addi %iota3A, %add3A_1281 : vector<16xi32>
      %gather3A_1283 = tpu.vector_load_idx %arg33[%add3A_1282, %add3A_1247] : memref<32x128xf32, #tpu.memory_space<vmem>>[vector<16xi32>, vector<16xi32>], vector<16xf32>,
      %add3A_1284 = arith.constant 16 : i32
      %add3A_1285 = arith.addi %mul3A_1265, %add3A_1284 : i32
      %swap3A_1286 = arith.index_cast %add3A_1285 : i32 to index
      %swap3A_1287 = tpu.vector_load %arg35[%swap3A_1286] {strides = array<i32>} : memref<4096xf32, #tpu.memory_space<vmem>>, vector<16xf32>,
      tpu.vector_store %arg35[%swap3A_1286], %gather3A_1283 {strides = array<i32>} : memref<4096xf32, #tpu.memory_space<vmem>>, vector<16xf32>,
      %jit3A_1288 = arith.constant 64 : i32
      %eq3A_1289 = arith.constant 0 : i32
      %eq3A_1290 = arith.cmpi eq, %jit3A_1288, %eq3A_1289 : i32
      %jit3A_1291 = arith.constant 1 : i32
      %select_n3A_1292 = arith.select %eq3A_1290, %jit3A_1291, %jit3A_1288 : i32
      %rem3A_1293 = arith.remsi %add3A_1052, %select_n3A_1292 : i32
      %ne3A_1294 = arith.constant 0 : i32
      %ne3A_1295 = arith.cmpi ne, %rem3A_1293, %ne3A_1294 : i32
      %lt3A_1296 = arith.constant 0 : i32
      %lt3A_1297 = arith.cmpi slt, %rem3A_1293, %lt3A_1296 : i32
      %lt3A_1298 = arith.constant 0 : i32
      %lt3A_1299 = arith.cmpi slt, %select_n3A_1292, %lt3A_1298 : i32
      %ne3A_1300 = arith.xori %lt3A_1297, %lt3A_1299 : i1
      %and3A_1301 = arith.andi %ne3A_1300, %ne3A_1295 : i1
      %add3A_1302 = arith.addi %rem3A_1293, %select_n3A_1292 : i32
      %select_n3A_1303 = arith.select %and3A_1301, %add3A_1302, %rem3A_1293 : i32
      %eq3A_1304 = arith.constant 63 : i32
      %eq3A_1305 = arith.cmpi eq, %select_n3A_1303, %eq3A_1304 : i32
      %convert_element_type3A_1306 = arith.extui %eq3A_1305 : i1 to i32
      %cond3A_1307 = arith.constant 0 : i32
      %cond3A_1308 = arith.cmpi ne, %convert_element_type3A_1306, %cond3A_1307 : i32
      scf.if %cond3A_1308 {
        %jit3A_1309 = arith.constant 64 : i32
        %div3A_1310 = arith.divsi %add3A_1052, %jit3A_1309 : i32
        %sign3A_1311 = arith.constant 0 : i32
        %sign3A_1312 = arith.cmpi sgt, %add3A_1052, %sign3A_1311 : i32
        %sign3A_1313 = arith.extui %sign3A_1312 : i1 to i32
        %sign3A_1314 = arith.constant 0 : i32
        %sign3A_1315 = arith.cmpi slt, %add3A_1052, %sign3A_1314 : i32
        %sign3A_1316 = arith.extui %sign3A_1315 : i1 to i32
        %sign3A_1317 = arith.subi %sign3A_1313, %sign3A_1316 : i32
        %sign3A_1318 = arith.constant 0 : i32
        %sign3A_1319 = arith.cmpi sgt, %jit3A_1309, %sign3A_1318 : i32
        %sign3A_1320 = arith.extui %sign3A_1319 : i1 to i32
        %sign3A_1321 = arith.constant 0 : i32
        %sign3A_1322 = arith.cmpi slt, %jit3A_1309, %sign3A_1321 : i32
        %sign3A_1323 = arith.extui %sign3A_1322 : i1 to i32
        %sign3A_1324 = arith.subi %sign3A_1320, %sign3A_1323 : i32
        %ne3A_1325 = arith.cmpi ne, %sign3A_1317, %sign3A_1324 : i32
        %rem3A_1326 = arith.remsi %add3A_1052, %jit3A_1309 : i32
        %ne3A_1327 = arith.constant 0 : i32
        %ne3A_1328 = arith.cmpi ne, %rem3A_1326, %ne3A_1327 : i32
        %and3A_1329 = arith.andi %ne3A_1325, %ne3A_1328 : i1
        %sub3A_1330 = arith.constant 1 : i32
        %sub3A_1331 = arith.subi %div3A_1310, %sub3A_1330 : i32
        %select_n3A_1332 = arith.select %and3A_1329, %sub3A_1331, %div3A_1310 : i32
        %mul3A_1333 = arith.constant 32 : i32
        %mul3A_1334 = arith.muli %mul3A_2, %mul3A_1333 : i32
        %mul3A_1335 = arith.constant 4096 : i32
        %mul3A_1336 = arith.muli %select_n3A_1332, %mul3A_1335 : i32
        %add3A_1337 = arith.addi %mul3A_1334, %mul3A_1336 : i32
        "tpu.region"() ({
          %run_scoped3A = tpu.sem_alloc : memref<!tpu.dma_semaphore, #tpu.memory_space<semaphore_mem>>
          %dma_start3A_1343 = tpu.memref_slice %arg12[%add3A_1337] : memref<524288xf32, #tpu.memory_space<hbm>> -> memref<4096xf32, #tpu.memory_space<hbm>>
          %dma_start3A_1344 = tpu.memref_slice %arg12[%add3A_1337] : memref<524288xf32, #tpu.memory_space<hbm>> -> memref<4096xf32, #tpu.memory_space<hbm>>
          tpu.enqueue_dma source(%arg34 : memref<4096xf32, #tpu.memory_space<vmem>>) target(%dma_start3A_1344 : memref<4096xf32, #tpu.memory_space<hbm>>) target_semaphore(%run_scoped3A : memref<!tpu.dma_semaphore, #tpu.memory_space<semaphore_mem>>)
          %dma_wait3A_1345 = tpu.memref_slice %arg12[%add3A_1337] : memref<524288xf32, #tpu.memory_space<hbm>> -> memref<4096xf32, #tpu.memory_space<hbm>>
          %dma_wait3A_1346 = tpu.memref_slice %arg12[%add3A_1337] : memref<524288xf32, #tpu.memory_space<hbm>> -> memref<4096xf32, #tpu.memory_space<hbm>>
          tpu.wait_dma2 semaphore(%run_scoped3A : memref<!tpu.dma_semaphore, #tpu.memory_space<semaphore_mem>>) src(%arg34 : memref<4096xf32, #tpu.memory_space<vmem>>) dst(%dma_wait3A_1346 : memref<4096xf32, #tpu.memory_space<hbm>>)
          tpu.yield
        }) : () -> ()
        %mul3A_1338 = arith.constant 32 : i32
        %mul3A_1339 = arith.muli %mul3A_2, %mul3A_1338 : i32
        %mul3A_1340 = arith.constant 4096 : i32
        %mul3A_1341 = arith.muli %select_n3A_1332, %mul3A_1340 : i32
        %add3A_1342 = arith.addi %mul3A_1339, %mul3A_1341 : i32
        "tpu.region"() ({
          %run_scoped3A = tpu.sem_alloc : memref<!tpu.dma_semaphore, #tpu.memory_space<semaphore_mem>>
          %dma_start3A_1343 = tpu.memref_slice %arg13[%add3A_1342] : memref<524288xf32, #tpu.memory_space<hbm>> -> memref<4096xf32, #tpu.memory_space<hbm>>
          %dma_start3A_1344 = tpu.memref_slice %arg13[%add3A_1342] : memref<524288xf32, #tpu.memory_space<hbm>> -> memref<4096xf32, #tpu.memory_space<hbm>>
          tpu.enqueue_dma source(%arg35 : memref<4096xf32, #tpu.memory_space<vmem>>) target(%dma_start3A_1344 : memref<4096xf32, #tpu.memory_space<hbm>>) target_semaphore(%run_scoped3A : memref<!tpu.dma_semaphore, #tpu.memory_space<semaphore_mem>>)
          %dma_wait3A_1345 = tpu.memref_slice %arg13[%add3A_1342] : memref<524288xf32, #tpu.memory_space<hbm>> -> memref<4096xf32, #tpu.memory_space<hbm>>
          %dma_wait3A_1346 = tpu.memref_slice %arg13[%add3A_1342] : memref<524288xf32, #tpu.memory_space<hbm>> -> memref<4096xf32, #tpu.memory_space<hbm>>
          tpu.wait_dma2 semaphore(%run_scoped3A : memref<!tpu.dma_semaphore, #tpu.memory_space<semaphore_mem>>) src(%arg35 : memref<4096xf32, #tpu.memory_space<vmem>>) dst(%dma_wait3A_1346 : memref<4096xf32, #tpu.memory_space<hbm>>)
          tpu.yield
        }) : () -> ()
      } else {
      }
    }
    %scan3A_279 = arith.constant 64 : i32
    return
  }
}

module attributes {stable_mosaic.version = 14 : i64} {
  func.func @_tc_body(%arg0: i32, %arg1: memref<2048x32xf32, #tpu.memory_space<vmem>>, %arg2: memref<2048x32xf32, #tpu.memory_space<vmem>>, %arg3: memref<2048x32xf32, #tpu.memory_space<vmem>>, %arg4: memref<2048x32xf32, #tpu.memory_space<vmem>>, %arg5: memref<32x32xf32, #tpu.memory_space<vmem>>, %arg6: memref<32x32xf32, #tpu.memory_space<vmem>>, %arg7: memref<32xf32, #tpu.memory_space<vmem>>, %arg8: memref<32x16xf32, #tpu.memory_space<vmem>>, %arg9: memref<16xf32, #tpu.memory_space<vmem>>, %arg10: memref<16x8xf32, #tpu.memory_space<vmem>>, %arg11: memref<8xf32, #tpu.memory_space<vmem>>, %arg12: memref<32xf32, #tpu.memory_space<vmem>>, %arg13: memref<8xf32, #tpu.memory_space<vmem>>, %arg14: memref<1xf32, #tpu.memory_space<vmem>>, %arg15: memref<2048xf32, #tpu.memory_space<vmem>>) attributes {dimension_semantics = [#tpu.dimension_semantics<arbitrary>], iteration_bounds = array<i64: 8>, scalar_prefetch = 0 : i64, scratch_operands = 0 : i64, tpu.core_type = #tpu.core_type<tc>, window_params = [{transform_indices = @transform_0, window_bounds = array<i64: 2048, 32>}, {transform_indices = @transform_1, window_bounds = array<i64: 2048, 32>}, {transform_indices = @transform_2, window_bounds = array<i64: 2048, 32>}, {transform_indices = @transform_3, window_bounds = array<i64: 2048, 32>}, {pipeline_mode = #tpu.pipeline_mode<synchronous>, transform_indices = @transform_4, window_bounds = array<i64: 32, 32>}, {pipeline_mode = #tpu.pipeline_mode<synchronous>, transform_indices = @transform_5, window_bounds = array<i64: 32, 32>}, {pipeline_mode = #tpu.pipeline_mode<synchronous>, transform_indices = @transform_6, window_bounds = array<i64: 32>}, {pipeline_mode = #tpu.pipeline_mode<synchronous>, transform_indices = @transform_7, window_bounds = array<i64: 32, 16>}, {pipeline_mode = #tpu.pipeline_mode<synchronous>, transform_indices = @transform_8, window_bounds = array<i64: 16>}, {pipeline_mode = #tpu.pipeline_mode<synchronous>, transform_indices = @transform_9, window_bounds = array<i64: 16, 8>}, {pipeline_mode = #tpu.pipeline_mode<synchronous>, transform_indices = @transform_10, window_bounds = array<i64: 8>}, {pipeline_mode = #tpu.pipeline_mode<synchronous>, transform_indices = @transform_11, window_bounds = array<i64: 32>}, {pipeline_mode = #tpu.pipeline_mode<synchronous>, transform_indices = @transform_12, window_bounds = array<i64: 8>}, {pipeline_mode = #tpu.pipeline_mode<synchronous>, transform_indices = @transform_13, window_bounds = array<i64: 1>}, {transform_indices = @transform_14, window_bounds = array<i64: 2048>}]} {
    %get3A = arith.constant 0 : index
    %get3A_0 = arith.constant 0 : index
    %get3A_1 = vector.load %arg1[%get3A, %get3A_0] : memref<2048x32xf32, #tpu.memory_space<vmem>>, vector<2048x32xf32>
    %get3A_2 = arith.constant 0 : index
    %get3A_3 = arith.constant 0 : index
    %get3A_4 = vector.load %arg2[%get3A_2, %get3A_3] : memref<2048x32xf32, #tpu.memory_space<vmem>>, vector<2048x32xf32>
    %mul3A = arith.mulf %get3A_1, %get3A_4 : vector<2048x32xf32>
    %get3A_5 = arith.constant 0 : index
    %get3A_6 = arith.constant 0 : index
    %get3A_7 = vector.load %arg3[%get3A_5, %get3A_6] : memref<2048x32xf32, #tpu.memory_space<vmem>>, vector<2048x32xf32>
    %get3A_8 = arith.constant 0 : index
    %get3A_9 = arith.constant 0 : index
    %get3A_10 = vector.load %arg5[%get3A_8, %get3A_9] : memref<32x32xf32, #tpu.memory_space<vmem>>, vector<32x32xf32>
    %dot_general3A = arith.constant dense<0.000000e+00> : vector<2048x32xf32>
    %dot_general3A_11 = tpu.matmul %get3A_7, %get3A_10, %dot_general3A {dimension_numbers = #tpu.dot_dimension_numbers<[1], [0], [0], [1], [0, 0, 1, 1], [], []>, transpose_lhs_hint = false} : vector<2048x32xf32>, vector<32x32xf32>, vector<2048x32xf32> -> vector<2048x32xf32>
    %get3A_12 = arith.constant 0 : index
    %get3A_13 = arith.constant 0 : index
    %get3A_14 = vector.load %arg4[%get3A_12, %get3A_13] : memref<2048x32xf32, #tpu.memory_space<vmem>>, vector<2048x32xf32>
    %get3A_15 = arith.constant 0 : index
    %get3A_16 = arith.constant 0 : index
    %get3A_17 = vector.load %arg6[%get3A_15, %get3A_16] : memref<32x32xf32, #tpu.memory_space<vmem>>, vector<32x32xf32>
    %dot_general3A_18 = arith.constant dense<0.000000e+00> : vector<2048x32xf32>
    %dot_general3A_19 = tpu.matmul %get3A_14, %get3A_17, %dot_general3A_18 {dimension_numbers = #tpu.dot_dimension_numbers<[1], [0], [0], [1], [0, 0, 1, 1], [], []>, transpose_lhs_hint = false} : vector<2048x32xf32>, vector<32x32xf32>, vector<2048x32xf32> -> vector<2048x32xf32>
    %add3A = arith.addf %dot_general3A_11, %dot_general3A_19 : vector<2048x32xf32>
    %get3A_20 = arith.constant 0 : index
    %get3A_21 = vector.load %arg7[%get3A_20] : memref<32xf32, #tpu.memory_space<vmem>>, vector<32xf32>
    %broadcast_in_dim3A = vector.shape_cast %get3A_21 : vector<32xf32> to vector<1x32xf32>
    %add3A_22 = vector.broadcast %broadcast_in_dim3A : vector<1x32xf32> to vector<2048x32xf32>
    %add3A_23 = arith.addf %add3A, %add3A_22 : vector<2048x32xf32>
    %max3A = arith.constant 0.000000e+00 : f32
    %max3A_24 = vector.broadcast %max3A : f32 to vector<2048x32xf32>
    %max3A_25 = arith.maximumf %add3A_23, %max3A_24 : vector<2048x32xf32>
    %get3A_26 = arith.constant 0 : index
    %get3A_27 = arith.constant 0 : index
    %get3A_28 = vector.load %arg8[%get3A_26, %get3A_27] : memref<32x16xf32, #tpu.memory_space<vmem>>, vector<32x16xf32>
    %dot_general3A_29 = arith.constant dense<0.000000e+00> : vector<2048x16xf32>
    %dot_general3A_30 = tpu.matmul %max3A_25, %get3A_28, %dot_general3A_29 {dimension_numbers = #tpu.dot_dimension_numbers<[1], [0], [0], [1], [0, 0, 1, 1], [], []>, transpose_lhs_hint = false} : vector<2048x32xf32>, vector<32x16xf32>, vector<2048x16xf32> -> vector<2048x16xf32>
    %get3A_31 = arith.constant 0 : index
    %get3A_32 = vector.load %arg9[%get3A_31] : memref<16xf32, #tpu.memory_space<vmem>>, vector<16xf32>
    %broadcast_in_dim3A_33 = vector.shape_cast %get3A_32 : vector<16xf32> to vector<1x16xf32>
    %add3A_34 = vector.broadcast %broadcast_in_dim3A_33 : vector<1x16xf32> to vector<2048x16xf32>
    %add3A_35 = arith.addf %dot_general3A_30, %add3A_34 : vector<2048x16xf32>
    %max3A_36 = arith.constant 0.000000e+00 : f32
    %max3A_37 = vector.broadcast %max3A_36 : f32 to vector<2048x16xf32>
    %max3A_38 = arith.maximumf %add3A_35, %max3A_37 : vector<2048x16xf32>
    %get3A_39 = arith.constant 0 : index
    %get3A_40 = arith.constant 0 : index
    %get3A_41 = vector.load %arg10[%get3A_39, %get3A_40] : memref<16x8xf32, #tpu.memory_space<vmem>>, vector<16x8xf32>
    %dot_general3A_42 = arith.constant dense<0.000000e+00> : vector<2048x8xf32>
    %dot_general3A_43 = tpu.matmul %max3A_38, %get3A_41, %dot_general3A_42 {dimension_numbers = #tpu.dot_dimension_numbers<[1], [0], [0], [1], [0, 0, 1, 1], [], []>, transpose_lhs_hint = false} : vector<2048x16xf32>, vector<16x8xf32>, vector<2048x8xf32> -> vector<2048x8xf32>
    %get3A_44 = arith.constant 0 : index
    %get3A_45 = vector.load %arg11[%get3A_44] : memref<8xf32, #tpu.memory_space<vmem>>, vector<8xf32>
    %broadcast_in_dim3A_46 = vector.shape_cast %get3A_45 : vector<8xf32> to vector<1x8xf32>
    %add3A_47 = vector.broadcast %broadcast_in_dim3A_46 : vector<1x8xf32> to vector<2048x8xf32>
    %add3A_48 = arith.addf %dot_general3A_43, %add3A_47 : vector<2048x8xf32>
    %max3A_49 = arith.constant 0.000000e+00 : f32
    %max3A_50 = vector.broadcast %max3A_49 : f32 to vector<2048x8xf32>
    %max3A_51 = arith.maximumf %add3A_48, %max3A_50 : vector<2048x8xf32>
    %get3A_52 = arith.constant 0 : index
    %get3A_53 = vector.load %arg12[%get3A_52] : memref<32xf32, #tpu.memory_space<vmem>>, vector<32xf32>
    %broadcast_in_dim3A_54 = vector.shape_cast %get3A_53 : vector<32xf32> to vector<1x32xf32>
    %mul3A_55 = vector.broadcast %broadcast_in_dim3A_54 : vector<1x32xf32> to vector<2048x32xf32>
    %mul3A_56 = arith.mulf %mul3A, %mul3A_55 : vector<2048x32xf32>
    %reduce_sum3A = arith.constant dense<0.000000e+00> : vector<2048xf32>
    %reduce_sum3A_57 = vector.multi_reduction <add>, %mul3A_56, %reduce_sum3A [1] : vector<2048x32xf32> to vector<2048xf32>
    %get3A_58 = arith.constant 0 : index
    %get3A_59 = vector.load %arg13[%get3A_58] : memref<8xf32, #tpu.memory_space<vmem>>, vector<8xf32>
    %broadcast_in_dim3A_60 = vector.shape_cast %get3A_59 : vector<8xf32> to vector<1x8xf32>
    %mul3A_61 = vector.broadcast %broadcast_in_dim3A_60 : vector<1x8xf32> to vector<2048x8xf32>
    %mul3A_62 = arith.mulf %max3A_51, %mul3A_61 : vector<2048x8xf32>
    %reduce_sum3A_63 = arith.constant dense<0.000000e+00> : vector<2048xf32>
    %reduce_sum3A_64 = vector.multi_reduction <add>, %mul3A_62, %reduce_sum3A_63 [1] : vector<2048x8xf32> to vector<2048xf32>
    %add3A_65 = arith.addf %reduce_sum3A_57, %reduce_sum3A_64 : vector<2048xf32>
    %get3A_66 = arith.constant 0 : index
    %get3A_67 = vector.load %arg14[%get3A_66] : memref<1xf32, #tpu.memory_space<vmem>>, vector<1xf32>
    %add3A_68 = vector.broadcast %get3A_67 : vector<1xf32> to vector<2048xf32>
    %add3A_69 = arith.addf %add3A_65, %add3A_68 : vector<2048xf32>
    %neg3A = arith.constant 0.000000e+00 : f32
    %neg3A_70 = vector.broadcast %neg3A : f32 to vector<2048xf32>
    %neg3A_71 = arith.subf %neg3A_70, %add3A_69 : vector<2048xf32>
    %exp3A = math.exp %neg3A_71 : vector<2048xf32>
    %add3A_72 = arith.constant 1.000000e+00 : f32
    %add3A_73 = vector.broadcast %add3A_72 : f32 to vector<2048xf32>
    %add3A_74 = arith.addf %add3A_73, %exp3A : vector<2048xf32>
    %div3A = arith.constant 1.000000e+00 : f32
    %div3A_75 = vector.broadcast %div3A : f32 to vector<2048xf32>
    %div3A_76 = arith.divf %div3A_75, %add3A_74 : vector<2048xf32>
    %swap3A = arith.constant 0 : index
    %swap3A_77 = vector.load %arg15[%swap3A] : memref<2048xf32, #tpu.memory_space<vmem>>, vector<2048xf32>
    tpu.vector_store %arg15[%swap3A], %div3A_76 {strides = array<i32>} : memref<2048xf32, #tpu.memory_space<vmem>>, vector<2048xf32>,
    return
  }
  func.func @transform_0(%arg0: i32) -> (i32, i32) {
    %c0_i32 = arith.constant 0 : i32
    %c0_i32_0 = arith.constant 0 : i32
    return %arg0, %c0_i32 : i32, i32
  }
  func.func @transform_1(%arg0: i32) -> (i32, i32) {
    %c0_i32 = arith.constant 0 : i32
    %c0_i32_0 = arith.constant 0 : i32
    return %arg0, %c0_i32 : i32, i32
  }
  func.func @transform_2(%arg0: i32) -> (i32, i32) {
    %c0_i32 = arith.constant 0 : i32
    %c0_i32_0 = arith.constant 0 : i32
    return %arg0, %c0_i32 : i32, i32
  }
  func.func @transform_3(%arg0: i32) -> (i32, i32) {
    %c0_i32 = arith.constant 0 : i32
    %c0_i32_0 = arith.constant 0 : i32
    return %arg0, %c0_i32 : i32, i32
  }
  func.func @transform_4(%arg0: i32) -> (i32, i32) {
    %c0_i32 = arith.constant 0 : i32
    %c0_i32_0 = arith.constant 0 : i32
    %c0_i32_1 = arith.constant 0 : i32
    return %c0_i32, %c0_i32_0 : i32, i32
  }
  func.func @transform_5(%arg0: i32) -> (i32, i32) {
    %c0_i32 = arith.constant 0 : i32
    %c0_i32_0 = arith.constant 0 : i32
    %c0_i32_1 = arith.constant 0 : i32
    return %c0_i32, %c0_i32_0 : i32, i32
  }
  func.func @transform_6(%arg0: i32) -> i32 {
    %c0_i32 = arith.constant 0 : i32
    %c0_i32_0 = arith.constant 0 : i32
    return %c0_i32 : i32
  }
  func.func @transform_7(%arg0: i32) -> (i32, i32) {
    %c0_i32 = arith.constant 0 : i32
    %c0_i32_0 = arith.constant 0 : i32
    %c0_i32_1 = arith.constant 0 : i32
    return %c0_i32, %c0_i32_0 : i32, i32
  }
  func.func @transform_8(%arg0: i32) -> i32 {
    %c0_i32 = arith.constant 0 : i32
    %c0_i32_0 = arith.constant 0 : i32
    return %c0_i32 : i32
  }
  func.func @transform_9(%arg0: i32) -> (i32, i32) {
    %c0_i32 = arith.constant 0 : i32
    %c0_i32_0 = arith.constant 0 : i32
    %c0_i32_1 = arith.constant 0 : i32
    return %c0_i32, %c0_i32_0 : i32, i32
  }
  func.func @transform_10(%arg0: i32) -> i32 {
    %c0_i32 = arith.constant 0 : i32
    %c0_i32_0 = arith.constant 0 : i32
    return %c0_i32 : i32
  }
  func.func @transform_11(%arg0: i32) -> i32 {
    %c0_i32 = arith.constant 0 : i32
    %c0_i32_0 = arith.constant 0 : i32
    return %c0_i32 : i32
  }
  func.func @transform_12(%arg0: i32) -> i32 {
    %c0_i32 = arith.constant 0 : i32
    %c0_i32_0 = arith.constant 0 : i32
    return %c0_i32 : i32
  }
  func.func @transform_13(%arg0: i32) -> i32 {
    %c0_i32 = arith.constant 0 : i32
    %c0_i32_0 = arith.constant 0 : i32
    return %c0_i32 : i32
  }
  func.func @transform_14(%arg0: i32) -> i32 {
    %c0_i32 = arith.constant 0 : i32
    return %arg0 : i32
  }
}

</mosaic_0001>

<sc_bundles>
// kernel: kernel.4.cloned.1.call-start
scs
__scs_entry_jumppad:
0x0: {  	(pc) =	sbr.rel $0x88, $3  }
0x1: {  	(tag) =	ssettag $0x0;
	lr =	simm.s32 $0x1  }
0x2: {  	[smem:$0x3F93] =	sst lr;
	_ =	strace $0xD0000000  }
0x3: {  	_ = 	snop  }
0x4: {  	_ = 	snop  }
0x5: {  	_ = 	snop  }
0x6: {  	_ = 	snop  }
0x7: {  	_ = 	snop  }
__scs_overlays_trampoline_lowered:
0x8: {  	[smem:$0x3FA2] =	sst s0  }
0x9: {  	[smem:$0x3FA3] =	sst s1  }
0xa: {  	[smem:$0x3FA4] =	sst s2  }
0xb: {  	[smem:$0x3FA5] =	sst s3  }
0xc: {  	[smem:$0x3FA6] =	sst s4  }
0xd: {  	[smem:$0x3FA7] =	sst s5  }
0xe: {  	[smem:$0x3FA8] =	sst s6  }
0xf: {  	[smem:$0x3FA9] =	sst s7  }
0x10: {  	[smem:$0x3FAA] =	sst s8  }
0x11: {  	[smem:$0x3FAB] =	sst s9;
	s0 =	simm.s32 @!p0 $0x0  }
0x12: {  	s1 =	sld [smem:$0x3F91];
	s0 =	simm.s32 @p0 $0x1  }
0x13: {  	[smem:$0x3FAC] =	sst s0;
	s0 =	simm.s32 @!p1 $0x0  }
0x14: {  	s2 =	sld [smem:$0x3F90];
	s0 =	simm.s32 @p1 $0x1  }
0x15: {  	[smem:$0x3FAD] =	sst s0;
	s0 =	simm.s32 @!p2 $0x0  }
0x16: {  	s3 =	sld [smem:$0x3FDB];
	s0 =	simm.s32 @p2 $0x1  }
0x17: {  	s4 =	simm.s32 $0x1BF5;
	[smem:$0x3FAF] =	sst s0  }
0x18: {  	s0 =	sld [smem:$0x3F92];
	_ =	swait.ge [sflag:s4], $0x0  }
0x19: {  	s7 =	sld [smem:$0x3F93]  }
0x1a: {  	s8 =	sadd.s32 $0xFFFFE003, lr  }
0x1b: {  	s9 =	sadd.s32 $0xFFFFFEF7, lr;
	s5 =	simm.s32 $0xFFFFFFFF;
	p2 =	slt.u32 s8, $0xFFFFF086  }
0x1c: {  	p1 =	slt.u32 s9, $0xF7A;
	s5 =	simm.s32 @!p2 $0x0  }
0x1d: {  	s5 =	simm.s32 @p1 $0x1;
	p0 =	seq.s32 s7, s2  }
0x1e: {  	s7 =	smul.u32 @!p0 $0xF7A, s2;
	p2 =	seq.s32 @!p0 s5, $0x0  }
0x1f: {  	s9 =	smul.u32 $0xF7A, s1;
	s8 =	simm.s32 @!p0 $0x1BF5;
	p2 =	por !p2, p0  }
0x20: {  	[sflag:s8] =	ssyncset.s32 @!p0 $0xFFFFF086;
	s6 =	sadd.s32 @!p0 s3, s7;
	s7 =	simm.s32 @!p0 $0x108  }
0x21: {  	s3 =	sadd.s32 s3, s9;
	s6 =	sadd.s32 @!p0 $0x88, s6;
	s7 =	simm.s32 @p2 $0x1082  }
0x22: {  	[simem:s7], [sflag:s8] =	dma.local @!p0 [hbm:s6], $0xF7A  }
0x23: {  	s9 =	sor.u32 $0xD0000000, s2;
	s6 =	simm.s32 $0x108;
	_ =	swait.ge @!p0 [sflag:s8], $0x0  }
0x24: {  	s3 =	sadd.s32 $0x88, s3;
	s6 =	simm.s32 @!p1 $0x1082;
	[sflag:s4] =	ssyncset.s32 $0xFFFFF086  }
0x25: {  	[simem:s6], [sflag:s4] =	dma.local [hbm:s3], $0xF7A  }
0x26: {  	[smem:$0x3F93] =	sst s1;
	(tag) =	ssettag s2;
	_ =	strace s9  }
0x27: {  	s1 =	sld [smem:$0x3FA3]  }
0x28: {  	s2 =	sld [smem:$0x3FA4]  }
0x29: {  	s4 =	sld [smem:$0x3FA6]  }
0x2a: {  	p0 =	seq.s32 s5, $0x0;
	s5 =	sld [smem:$0x3FA7]  }
0x2b: {  	s6 =	sld [smem:$0x3FA8]  }
0x2c: {  	s7 =	sld [smem:$0x3FA9]  }
0x2d: {  	s3 =	simm.s32 $0x108;
	s8 =	sld [smem:$0x3FAA]  }
0x2e: {  	s3 =	simm.s32 @!p0 $0x1082;
	s9 =	sld [smem:$0x3FAB]  }
0x2f: {  	lr =	sadd.s32 s0, s3;
	s0 =	sld [smem:$0x3FA2]  }
0x30: {  	s3 =	sld [smem:$0x3FA5]  }
0x31: {  	[smem:$0x3FAE] =	sst s10  }
0x32: {  	s10 =	sld [smem:$0x3FAC];
	_ =	sdelay $0x3  }
0x33: {  	p0 =	seq.s32 s10, $0x1;
	s10 =	sld [smem:$0x3FAE];
	_ =	sdelay $0x3  }
0x34: {  	[smem:$0x3FAE] =	sst s10  }
0x35: {  	s10 =	sld [smem:$0x3FAD];
	_ =	sdelay $0x3  }
0x36: {  	p1 =	seq.s32 s10, $0x1;
	s10 =	sld [smem:$0x3FAE];
	_ =	sdelay $0x3  }
0x37: {  	[smem:$0x3FAE] =	sst s10  }
0x38: {  	s10 =	sld [smem:$0x3FAF]  }
0x39: {  	_ = 	snop;
	(pc) =	sbr.ind lr, $3  }
0x3a: {  	_ = 	snop  }
0x3b: {  	_ = 	snop  }
0x3c: {  	p2 =	seq.s32 s10, $0x1;
	s10 =	sld [smem:$0x3FAE]  }
0x3d: {  	_ =	shalt  }
0x3e: {  	_ =	shalt  }
0x3f: {  	_ =	shalt  }
0x40: {  	_ =	shalt  }
0x41: {  	_ =	shalt  }
0x42: {  	_ =	shalt  }
0x43: {  	_ =	shalt  }
0x44: {  	_ =	shalt  }
0x45: {  	_ =	shalt  }
0x46: {  	_ =	shalt  }
0x47: {  	_ =	shalt  }
0x48: {  	_ =	shalt  }
0x49: {  	_ =	shalt  }
0x4a: {  	_ =	shalt  }
0x4b: {  	_ =	shalt  }
0x4c: {  	_ =	shalt  }
0x4d: {  	_ =	shalt  }
0x4e: {  	_ =	shalt  }
0x4f: {  	_ =	shalt  }
0x50: {  	_ =	shalt  }
0x51: {  	_ =	shalt  }
0x52: {  	_ =	shalt  }
0x53: {  	_ =	shalt  }
0x54: {  	_ =	shalt  }
0x55: {  	_ =	shalt  }
0x56: {  	_ =	shalt  }
0x57: {  	_ =	shalt  }
0x58: {  	_ =	shalt  }
0x59: {  	_ =	shalt  }
0x5a: {  	_ =	shalt  }
0x5b: {  	_ =	shalt  }
0x5c: {  	_ =	shalt  }
0x5d: {  	_ =	shalt  }
0x5e: {  	_ =	shalt  }
0x5f: {  	_ =	shalt  }
0x60: {  	_ =	shalt  }
0x61: {  	_ =	shalt  }
0x62: {  	_ =	shalt  }
0x63: {  	_ =	shalt  }
0x64: {  	_ =	shalt  }
0x65: {  	_ =	shalt  }
0x66: {  	_ =	shalt  }
0x67: {  	_ =	shalt  }
0x68: {  	_ =	shalt  }
0x69: {  	_ =	shalt  }
0x6a: {  	_ =	shalt  }
0x6b: {  	_ =	shalt  }
0x6c: {  	_ =	shalt  }
0x6d: {  	_ =	shalt  }
0x6e: {  	_ =	shalt  }
0x6f: {  	_ =	shalt  }
0x70: {  	_ =	shalt  }
0x71: {  	_ =	shalt  }
0x72: {  	_ =	shalt  }
0x73: {  	_ =	shalt  }
0x74: {  	_ =	shalt  }
0x75: {  	_ =	shalt  }
0x76: {  	_ =	shalt  }
0x77: {  	_ =	shalt  }
0x78: {  	_ =	shalt  }
0x79: {  	_ =	shalt  }
0x7a: {  	_ =	shalt  }
0x7b: {  	_ =	shalt  }
0x7c: {  	_ =	shalt  }
0x7d: {  	_ =	shalt  }
0x7e: {  	_ =	shalt  }
0x7f: {  	_ =	shalt  }
0x80: {  	_ =	shalt  }
0x81: {  	_ =	shalt  }
0x82: {  	_ =	shalt  }
0x83: {  	_ =	shalt  }
0x84: {  	_ =	shalt  }
0x85: {  	_ =	shalt  }
0x86: {  	_ =	shalt  }
0x87: {  	_ =	shalt  }
.Lfunc_end0:
.L_simem_size_0:
called_computation_lowered:
.L_overlay_start_0:
0x88: {  	s2 =	sld [smem:$0x3FD9]  }
0x89: {  	s3 =	sld [smem:$0x3FFE];
	_ =	sdelay $0x1  }
0x8a: {  	s1 =	srdreg.scid  }
0x8b: {  	s0 =	sand.u32 $0x1, s1  }
0x8c: {  	s17 =	sshll.u32 s0, $0xA;
	s2 =	sadd.s32 s3, s2  }
0x8d: {  	s2 =	sadd.s32 s2, s17  }
0x8e: {  	[smem:$0x3FBA] =	sst s2  }
0x8f: {  	_ = 	snop  }
0x90: {  	s2 =	sld [smem:$0x3FC7]  }
0x91: {  	s18 =	sld [smem:$0x3FC6]  }
0x92: {  	s4 =	sld [smem:$0x3FC5]  }
0x93: {  	s5 =	sld [smem:$0x3FC4]  }
0x94: {  	s6 =	sld [smem:$0x3FD0];
	(tm) =	ssettm $0x1  }
0x95: {  	s7 =	sld [smem:$0x3FFB];
	_ =	sdelay $0x3  }
0x96: {  	_ =	strace s7  }
0x97: {  	s7 =	sld [smem:$0x3FFC];
	_ =	sdelay $0x3  }
0x98: {  	_ =	strace s7  }
0x99: {  	s7 =	sld [smem:$0x3FFD];
	_ =	sdelay $0x3  }
0x9a: {  	_ =	strace s7  }
0x9b: {  	_ =	strace $0x8FFFFFFF  }
0x9c: {  	s19 =	sld [smem:$0x3FDB];
	_ =	sdelay $0x1  }
0x9d: {  	s8 =	simm.s32 $_scs_section_size  }
0x9e: {  	s9 =	simm.s32 $_size__tile_overlayer_lowered;
	s10 =	simm.s32 $_tile_overlayer_lowered  }
0x9f: {  	s22 =	simm.s32 $0x1BFF;
	s21 =	sshll.u32 s10, $0x1;
	s7 =	sadd.s32 s8, s19  }
0xa0: {  	s11 =	simm.s32 $0x0;
	s20 =	sshll.u32 s9, $0x1;
	s9 =	sadd.s32 s21, s7  }
0xa1: {  	[timem:s11], [sflag:s22] =	dma.local [hbm:s9], s20  }
0xa2: {  	_ =	swait.ge [sflag:s22], s20  }
0xa3: {  	s8 =	ssub.s32 $0x0, s20;
	[sflag:s22] =	ssyncset.done $0x0  }
0xa4: {  	[sflag:s22] =	ssyncadd.s32 s8;
	_ =	sdelay $0x1  }
0xa5: {  	s23 =	simm.s32 $0x1B8B  }
0xa6: {  	_ =	swait.ge [sflag:s23], $0x1  }
0xa7: {  	[sflag:s23] =	ssyncset.done $0x0  }
0xa8: {  	s25 =	simm.s32 $0x1B8E;
	s24 =	sld [smem:$0x3FFE];
	[sflag:s23] =	ssyncadd.s32 $0xFFFFFFFF  }
0xa9: {  	s26 =	simm.s32 $execute0_lowered;
	[smem:$0x3FD2] =	sst s25  }
0xaa: {  	s9 =	sshll.u32 s26, $0x1;
	_ =	strace $0x80000046;
	[dreg:$0x1] =	wrdreg $0xFFFFFFFF  }
0xab: {  	s28 =	simm.s32 $_size_execute0_lowered;
	s7 =	sadd.s32 s7, s9;
	[dreg:$0x0] =	wrdreg $0x0  }
0xac: {  	s9 =	sshll.u32 s28, $0x1;
	[dreg:$0x2] =	wrdreg s7  }
0xad: {  	[dreg:$0x3] =	wrdreg s9  }
0xae: {  	[dreg:$0x4] =	wrdreg $0xC0  }
0xaf: {  	_ =	task [dreg:s11], $0x5FFFF  }
0xb0: {  	[dreg:$0x1] =	wrdreg $0xFFFFFFFF  }
0xb1: {  	[dreg:$0x0] =	wrdreg $0x60  }
0xb2: {  	[dreg:$0x2] =	wrdreg s24  }
0xb3: {  	[dreg:$0x3] =	wrdreg s6  }
0xb4: {  	[dreg:$0x4] =	wrdreg s2  }
0xb5: {  	[dreg:$0x5] =	wrdreg s18  }
0xb6: {  	[dreg:$0x6] =	wrdreg s4  }
0xb7: {  	[dreg:$0x7] =	wrdreg s5  }
0xb8: {  	[dreg:$0x8] =	wrdreg $0x9  }
0xb9: {  	_ =	task.clear_ibuf [dreg:s11], $0x9FFFF;
	_ =	strace $0x90000046  }
0xba: {  	s29 =	simm.s32 $0x9;
	_ =	strace $0x80000048  }
0xbb: {  	_ =	swait.ge [sflag:s29], $0x1  }
0xbc: {  	[sflag:s29] =	ssyncadd.s32 $0xFFFFFFFF  }
0xbd: {  	_ =	strace $0x90000048  }
0xbe: {  	_ =	sfence  }
0xbf: {  	s30 =	sld [smem:$0x0];
	_ =	sdelay $0x2  }
0xc0: {  	s31 =	sshll.u32 s1, $0xD;
	s1 =	sshrl.u32 s1, $0x2  }
0xc1: {  	s3 =	sand.u32 $0x4000, s31;
	s1 =	sadd.s32 s1, s30  }
0xc2: {  	s0 =	sor.u32 s3, s0;
	s1 =	sshll.u32 s1, $0x11  }
0xc3: {  	s0 =	sor.u32 s1, s0  }
0xc4: {  	s0 =	sadd.s32 $0x8F2B, s0  }
0xc5: {  	[sflag:s0] =	ssyncadd.remote.s32 $0x1  }
0xc6: {  	_ =	sfence.sel $0xFFFF  }
0xc7: {  	[dreg:$0x0] =	wrdreg $0xFFFFFFFF;
	(pc) =	sbr.abs _section_cstart, $3  }
0xc8: {  	[dreg:$0x1] =	wrdreg $0xFFFFFFFF  }
0xc9: {  	_ =	task.clear_ibuf [dreg:s11], $0x2FFFF;
	_ =	strace $0x9FFFFFFF  }
0xca: {  	(tm) =	ssettm $0x7FFFFFFF  }
0xcb: {  	_ =	shalt  }
tec
execute0_lowered:
.L_overlay_start_1:
0x0: {  	(tag) =	ssettag $0x1  }
0x1: {  	s0 =	rddreg [dreg:$0x0]  }
0x2: {  	s5 =	rddreg [dreg:$0x1]  }
0x3: {  	s2 =	rddreg [dreg:$0x2]  }
0x4: {  	s3 =	rddreg [dreg:$0x4];
	s6 =	simm.s32 $0x0  }
0x5: {  	s18 =	srdreg.scid;
	s7 =	stileid.u32;
	s15 =	simm.s32 $0x400  }
0x6: {  	s17 =	simm.s32 $0x7A1400;
	s13 =	simm.s32 $0x3800;
	s28 =	simm.s32 $0x9800  }
0x7: {  	s29 =	simm.s32 $0xA800;
	s30 =	simm.s32 $0xB800;
	s16 =	simm.s32 $0x1  }
0x8: {  	s10 =	simm.s32 $0x0;
	s31 =	simm.s32 $0xB800;
	[smem:$0x7FF] =	sst s6  }
0x9: {  	s6 =	sand.u32 $0x1, s18;
	s7 =	sshll.u32 s7, $0x1;
	s8 =	sadd.s32 $0x3800, s0  }
0xa: {  	s19 =	sadd.s32 $0x13800, s0;
	_ =	strace $0x80000047;
	[dreg:$0x7] =	wrdreg s8  }
0xb: {  	s20 =	sadd.s32 $0x23800, s0;
	s21 =	sadd.s32 $0x33800, s0;
	[dreg:$0x8] =	wrdreg s19  }
0xc: {  	s18 =	simm.s32 $0x4800;
	s7 =	sor.u32 s6, s7;
	[dreg:$0x9] =	wrdreg s20  }
0xd: {  	s6 =	ssub.s32 $0x2, s6;
	[dreg:$0xa] =	wrdreg s21;
	s19 =	simm.s32 $0x5800  }
0xe: {  	s20 =	simm.s32 $0x6800;
	s8 =	simm.s32 $0x3;
	s9 =	sshll.u32 s7, $0x6  }
0xf: {  	s22 =	sshrl.u32 s6, $0x1;
	s0 =	sadd.s32 s9, s0;
	s25 =	sadd.s32 s5, s9  }
0x10: {  	s21 =	sshll.u32 s7, $0xB;
	s23 =	sadd.s32 $0x2800, s0;
	[dreg:$0xe] =	wrdreg s25  }
0x11: {  	s7 =	simm.s32 $0x2;
	s24 =	sadd.s32 $0x3000, s0;
	[dreg:$0xb] =	wrdreg s23  }
0x12: {  	v0 =	vlaneseq.u32;
	s6 =	ssub.s32 s6, s22;
	s0 =	sadd.s32 $0x2000, s0;
	[dreg:$0xc] =	wrdreg s24  }
0x13: {  	vm0 =	vmmov $0x1;
	v1 =	vmul.u32 $0x80, v0;
	s22 =	simm.s32 $0x800;
	s26 =	smax.u32 s6, $0x1;
	[dreg:$0xd] =	wrdreg s0  }
0x14: {  	vm1 =	vcmask $0x308;
	vm2 =	vcmask $0x70C;
	vm3 =	vcmask $0xB10;
	s9 =	simm.s32 $0x4;
	s25 =	simm.s32 $0x7800;
	[dreg:$0xf] =	wrdreg s26  }
0x15: {  	vm4 =	vcmask $0xF14;
	vm5 =	vcmask $0x1318;
	v2 =	vor.u32 $0x800, v1;
	s23 =	simm.s32 $0x1800;
	s24 =	simm.s32 $0x2800;
	s26 =	simm.s32 $0x8800  }
.LBB2_1:
0x16: {  	[dreg:$0x10] =	wrdreg s10  }
0x17: {  	s6 =	simm.s32 $0x0;
	s4 =	rddreg [dreg:$0xb];
	s11 =	simm.s32 $0x5  }
0x18: {  	[tilespmem:s6], [sflag:$0x5] =	stream.linear.gather [hbm4b:s4+s6], $0x200, $0x38;
	[tilespmem:$0x12800] =	vst v63  }
0x19: {  	_ =	swait.ge [sflag:s11], $0x200  }
0x1a: {  	[sflag:s11] =	ssyncset.done $0x0  }
0x1b: {  	s12 =	simm.s32 $0x200;
	s5 =	rddreg [dreg:$0xc];
	[sflag:s11] =	ssyncadd.s32 $0xFFFFFE00  }
0x1c: {  	[tilespmem:s12], [sflag:$0x5] =	stream.linear.gather [hbm4b:s5+s6], $0x200, $0x38;
	[tilespmem:$0x12800] =	vst v63  }
0x1d: {  	_ =	swait.ge [sflag:s11], $0x200  }
0x1e: {  	[sflag:s11] =	ssyncset.done $0x0  }
0x1f: {  	s14 =	rddreg [dreg:$0xd];
	[sflag:s11] =	ssyncadd.s32 $0xFFFFFE00  }
0x20: {  	[tilespmem:s15], [sflag:$0x5] =	stream.linear.gather [hbm4b:s14+s6], $0x200, $0x38;
	[tilespmem:$0x12800] =	vst v63  }
0x21: {  	_ =	swait.ge [sflag:s11], $0x200  }
0x22: {  	[sflag:s11] =	ssyncset.done $0x0  }
0x23: {  	s1 =	simm.s32 $0x600;
	s0 =	rddreg [dreg:$0xe];
	[sflag:s11] =	ssyncadd.s32 $0xFFFFFE00  }
0x24: {  	[tilespmem:s1], [sflag:$0x5] =	stream.linear.gather [hbm4b:s0+s6], $0x200, $0x38;
	[tilespmem:$0x12800] =	vst v63  }
0x25: {  	_ =	swait.ge [sflag:s11], $0x200  }
0x26: {  	[sflag:s11] =	ssyncset.done $0x0  }
0x27: {  	[sflag:s11] =	ssyncadd.s32 $0xFFFFFE00  }
0x28: {  	v3 =	vld [tilespmem:$0x0];
	_ =	sdelay $0x4  }
0x29: {  	v3 =	vnsel vm0, $0x0, v3  }
0x2a: {  	(xrf0) =	vadd.scan.msk.s32 $0xffff, v3;
	_ =	sdelay $0x5  }
0x2b: {  	v3, _, _ =	vpop (xrf0)  }
0x2c: {  	(v2sf) =	vpush v3, $0xF;
	_ =	sdelay $0xe  }
0x2d: {  	s4 =	spop (v2sf)  }
0x2e: {  	s6 =	sshll.u32 s4, $0x7  }
0x2f: {  	s6 =	sand.u32 $0x1FFFFF80, s6  }
0x30: {  	s5 =	sadd.s32 s2, s6  }
0x31: {  	[tilespmem:s22], [sflag:$0x1] =	stream.strided.gather [hbm4b:s5+s15], $0x1000, s17, s15, $0x38;
	[tilespmem:$0x12800] =	vst v63  }
0x32: {  	s6 =	sadd.s32 s3, s6  }
0x33: {  	[tilespmem:s23], [sflag:$0x1] =	stream.strided.gather [hbm4b:s6+s15], $0x1000, s17, s15, $0x38;
	[tilespmem:$0x12800] =	vst v63  }
0x34: {  	v3 =	vld [tilespmem:$0x0];
	_ =	sdelay $0x4  }
0x35: {  	v3 =	vsel vm1, $0x0, v3  }
0x36: {  	(xrf0) =	vadd.scan.msk.s32 $0xffff, v3;
	_ =	sdelay $0x5  }
0x37: {  	v3, _, _ =	vpop (xrf0)  }
0x38: {  	(v2sf) =	vpush v3, $0xF;
	_ =	sdelay $0xe  }
0x39: {  	s11 =	spop (v2sf)  }
0x3a: {  	s6 =	sshll.u32 s11, $0x7  }
0x3b: {  	s6 =	sand.u32 $0x1FFFFF80, s6  }
0x3c: {  	s12 =	sadd.s32 s2, s6  }
0x3d: {  	[tilespmem:s24], [sflag:$0x1] =	stream.strided.gather [hbm4b:s12+s15], $0x1000, s17, s15, $0x38;
	[tilespmem:$0x12800] =	vst v63  }
0x3e: {  	s6 =	sadd.s32 s3, s6  }
0x3f: {  	[tilespmem:s13], [sflag:$0x1] =	stream.strided.gather [hbm4b:s6+s15], $0x1000, s17, s15, $0x38;
	[tilespmem:$0x12800] =	vst v63  }
0x40: {  	v3 =	vld [tilespmem:$0x0];
	_ =	sdelay $0x4  }
0x41: {  	v3 =	vsel vm2, $0x0, v3  }
0x42: {  	(xrf0) =	vadd.scan.msk.s32 $0xffff, v3;
	_ =	sdelay $0x5  }
0x43: {  	v3, _, _ =	vpop (xrf0)  }
0x44: {  	(v2sf) =	vpush v3, $0xF;
	_ =	sdelay $0xe  }
0x45: {  	s13 =	spop (v2sf)  }
0x46: {  	s6 =	sshll.u32 s13, $0x7  }
0x47: {  	s6 =	sand.u32 $0x1FFFFF80, s6  }
0x48: {  	s14 =	sadd.s32 s2, s6  }
0x49: {  	[tilespmem:s18], [sflag:$0x2] =	stream.strided.gather [hbm4b:s14+s15], $0x1000, s17, s15, $0x38;
	[tilespmem:$0x12800] =	vst v63  }
0x4a: {  	s6 =	sadd.s32 s3, s6  }
0x4b: {  	[tilespmem:s19], [sflag:$0x2] =	stream.strided.gather [hbm4b:s6+s15], $0x1000, s17, s15, $0x38;
	[tilespmem:$0x12800] =	vst v63  }
0x4c: {  	v3 =	vld [tilespmem:$0x0];
	_ =	sdelay $0x4  }
0x4d: {  	v3 =	vsel vm3, $0x0, v3  }
0x4e: {  	(xrf0) =	vadd.scan.msk.s32 $0xffff, v3;
	_ =	sdelay $0x5  }
0x4f: {  	v3, _, _ =	vpop (xrf0)  }
0x50: {  	(v2sf) =	vpush v3, $0xF;
	_ =	sdelay $0xe  }
0x51: {  	s18 =	spop (v2sf)  }
0x52: {  	s6 =	sshll.u32 s18, $0x7  }
0x53: {  	s6 =	sand.u32 $0x1FFFFF80, s6  }
0x54: {  	s19 =	sadd.s32 s2, s6  }
0x55: {  	[tilespmem:s20], [sflag:$0x2] =	stream.strided.gather [hbm4b:s19+s15], $0x1000, s17, s15, $0x38;
	[tilespmem:$0x12800] =	vst v63  }
0x56: {  	s6 =	sadd.s32 s3, s6  }
0x57: {  	[tilespmem:s25], [sflag:$0x2] =	stream.strided.gather [hbm4b:s6+s15], $0x1000, s17, s15, $0x38;
	[tilespmem:$0x12800] =	vst v63  }
0x58: {  	v3 =	vld [tilespmem:$0x0];
	_ =	sdelay $0x4  }
0x59: {  	v3 =	vsel vm4, $0x0, v3  }
0x5a: {  	(xrf0) =	vadd.scan.msk.s32 $0xffff, v3;
	_ =	sdelay $0x5  }
0x5b: {  	v3, _, _ =	vpop (xrf0)  }
0x5c: {  	(v2sf) =	vpush v3, $0xF;
	_ =	sdelay $0xe  }
0x5d: {  	s20 =	spop (v2sf)  }
0x5e: {  	s6 =	sshll.u32 s20, $0x7  }
0x5f: {  	s6 =	sand.u32 $0x1FFFFF80, s6  }
0x60: {  	s25 =	sadd.s32 s2, s6  }
0x61: {  	[tilespmem:s26], [sflag:$0x3] =	stream.strided.gather [hbm4b:s25+s15], $0x1000, s17, s15, $0x38;
	[tilespmem:$0x12800] =	vst v63  }
0x62: {  	s6 =	sadd.s32 s3, s6  }
0x63: {  	[tilespmem:s28], [sflag:$0x3] =	stream.strided.gather [hbm4b:s6+s15], $0x1000, s17, s15, $0x38;
	[tilespmem:$0x12800] =	vst v63  }
0x64: {  	v3 =	vld [tilespmem:$0x0];
	_ =	sdelay $0x4  }
0x65: {  	v3 =	vsel vm5, $0x0, v3  }
0x66: {  	(xrf0) =	vadd.scan.msk.s32 $0xffff, v3;
	_ =	sdelay $0x5  }
0x67: {  	v3, _, _ =	vpop (xrf0)  }
0x68: {  	(v2sf) =	vpush v3, $0xF;
	_ =	sdelay $0xe  }
0x69: {  	s26 =	spop (v2sf)  }
0x6a: {  	s6 =	sshll.u32 s26, $0x7  }
0x6b: {  	s6 =	sand.u32 $0x1FFFFF80, s6  }
0x6c: {  	s28 =	sadd.s32 s2, s6  }
0x6d: {  	[tilespmem:s29], [sflag:$0x3] =	stream.strided.gather [hbm4b:s28+s15], $0x1000, s17, s15, $0x38;
	[tilespmem:$0x12800] =	vst v63  }
0x6e: {  	s10 =	simm.s32 $0x0;
	s6 =	sadd.s32 s3, s6  }
0x6f: {  	[tilespmem:s30], [sflag:$0x3] =	stream.strided.gather [hbm4b:s6+s15], $0x1000, s17, s15, $0x38;
	[tilespmem:$0x12800] =	vst v63  }
0x70: {  	s12 =	simm.s32 $0xC;
	s13 =	simm.s32 $0x0;
	s6 =	simm.s32 $0x3  }
.LBB2_2:
0x71: {  	s11 =	sand.u32 $0x7C0, s13  }
0x72: {  	s11 =	sshrl.u32 s11, $0x2  }
0x73: {  	v3 =	vld [tilespmem:s11+$0x0]  }
0x74: {  	s18 =	sadd.s32 $0xFFFFFFFA, s12  }
0x75: {  	s18 =	sand.u32 $0xE, s18  }
0x76: {  	v4 =	vmov s18  }
0x77: {  	vm6 =	veq.s32 v4, v0  }
0x78: {  	v3 =	vnsel vm6, $0x0, v3  }
0x79: {  	(xrf0) =	vadd.scan.msk.s32 $0xffff, v3;
	_ =	sdelay $0x5  }
0x7a: {  	v3, _, _ =	vpop (xrf0)  }
0x7b: {  	(v2sf) =	vpush v3, $0xF;
	_ =	sdelay $0xe  }
0x7c: {  	s19 =	spop (v2sf)  }
0x7d: {  	s19 =	sshll.u32 s19, $0x7  }
0x7e: {  	s0 =	simm.s32 $0x400;
	s19 =	sand.u32 $0x1FFFFF80, s19  }
0x7f: {  	s15 =	simm.s32 $0xC800;
	s1 =	simm.s32 $0x7A1400;
	s20 =	sadd.s32 s2, s19  }
0x80: {  	[tilespmem:s15], [sflag:$0x4] =	stream.strided.gather [hbm4b:s20+s0], $0x1000, s1, s0, $0x38;
	[tilespmem:$0x12800] =	vst v63  }
0x81: {  	s17 =	simm.s32 $0xD800;
	s19 =	sadd.s32 s3, s19  }
0x82: {  	[tilespmem:s17], [sflag:$0x4] =	stream.strided.gather [hbm4b:s19+s0], $0x1000, s1, s0, $0x38;
	[tilespmem:$0x12800] =	vst v63  }
0x83: {  	v3 =	vld [tilespmem:s11+$0x0];
	_ =	sdelay $0x1  }
0x84: {  	s18 =	sor.u32 $0x1, s18  }
0x85: {  	v44 =	vmov s18  }
0x86: {  	vm7 =	veq.s32 v44, v0  }
0x87: {  	v3 =	vnsel vm7, $0x0, v3  }
0x88: {  	(xrf0) =	vadd.scan.msk.s32 $0xffff, v3;
	_ =	sdelay $0x5  }
0x89: {  	v3, _, _ =	vpop (xrf0)  }
0x8a: {  	(v2sf) =	vpush v3, $0xF;
	_ =	sdelay $0xe  }
0x8b: {  	s5 =	spop (v2sf)  }
0x8c: {  	s18 =	sshll.u32 s5, $0x7  }
0x8d: {  	s18 =	sand.u32 $0x1FFFFF80, s18  }
0x8e: {  	s26 =	simm.s32 $0xE800;
	s14 =	sadd.s32 s2, s18  }
0x8f: {  	[tilespmem:s26], [sflag:$0x4] =	stream.strided.gather [hbm4b:s14+s0], $0x1000, s1, s0, $0x38;
	[tilespmem:$0x12800] =	vst v63  }
0x90: {  	s4 =	simm.s32 $0xF800;
	s18 =	sadd.s32 s3, s18  }
0x91: {  	[tilespmem:s4], [sflag:$0x4] =	stream.strided.gather [hbm4b:s18+s0], $0x1000, s1, s0, $0x38;
	[tilespmem:$0x12800] =	vst v63  }
0x92: {  	_ =	swait.ge [sflag:s16], $0x1000  }
0x93: {  	[sflag:s16] =	ssyncset.done $0x0  }
0x94: {  	[sflag:s16] =	ssyncadd.s32 $0xFFFFF000  }
0x95: {  	_ =	swait.ge [sflag:s16], $0x1000  }
0x96: {  	[sflag:s16] =	ssyncset.done $0x0  }
0x97: {  	[sflag:s16] =	ssyncadd.s32 $0xFFFFF000  }
0x98: {  	_ =	swait.ge [sflag:s16], $0x1000  }
0x99: {  	[sflag:s16] =	ssyncset.done $0x0  }
0x9a: {  	[sflag:s16] =	ssyncadd.s32 $0xFFFFF000  }
0x9b: {  	_ =	swait.ge [sflag:s16], $0x1000  }
0x9c: {  	[sflag:s16] =	ssyncset.done $0x0  }
0x9d: {  	[sflag:s16] =	ssyncadd.s32 $0xFFFFF000  }
0x9e: {  	v3 =	vld [tilespmem:s11+$0x200]  }
0x9f: {  	s19 =	sadd.s32 $0xFFFFFFF4, s12  }
0xa0: {  	s18 =	sand.u32 $0x8, s19  }
0xa1: {  	v45 =	vmov s18  }
0xa2: {  	vm7 =	veq.s32 v45, v0  }
0xa3: {  	v3 =	vnsel vm7, $0x0, v3  }
0xa4: {  	(xrf0) =	vadd.scan.msk.s32 $0xffff, v3;
	_ =	sdelay $0x5  }
0xa5: {  	v3, _, _ =	vpop (xrf0)  }
0xa6: {  	v3 =	vbroadcast v3, $0xF;
	_ =	sdelay $0x1  }
0xa7: {  	v46 =	vadd.s32 v1, v3;
	_ =	sdelay $0x4  }
0xa8: {  	v5 =	vld.idx.msk [tilespmem:v46+s22+$0x0], $0xffff  }
0xa9: {  	v3 =	vadd.s32 v2, v3;
	_ =	sdelay $0x2  }
0xaa: {  	s20 =	sand.u32 $0xF00, s10  }
0xab: {  	[tilespmem:s20+$0x10800] =	vst v5  }
0xac: {  	v5 =	vld.idx.msk [tilespmem:v3+s22+$0x0], $0xffff;
	_ =	sdelay $0x4  }
0xad: {  	[tilespmem:s20+$0x10810] =	vst v5  }
0xae: {  	v4 =	vld.idx.msk [tilespmem:v46+s23+$0x0], $0xffff;
	_ =	sdelay $0x4  }
0xaf: {  	[tilespmem:s20+$0x11800] =	vst v4  }
0xb0: {  	v3 =	vld.idx.msk [tilespmem:v3+s23+$0x0], $0xffff;
	_ =	sdelay $0x4  }
0xb1: {  	[tilespmem:s20+$0x11810] =	vst v3  }
0xb2: {  	v3 =	vld [tilespmem:s11+$0x200]  }
0xb3: {  	s25 =	sadd.s32 $0xFFFFFFF5, s12  }
0xb4: {  	s18 =	sand.u32 $0x9, s25  }
0xb5: {  	v47 =	vmov s18  }
0xb6: {  	vm7 =	veq.s32 v47, v0  }
0xb7: {  	v3 =	vnsel vm7, $0x0, v3  }
0xb8: {  	(xrf0) =	vadd.scan.msk.s32 $0xffff, v3;
	_ =	sdelay $0x5  }
0xb9: {  	v3, _, _ =	vpop (xrf0)  }
0xba: {  	v3 =	vbroadcast v3, $0xF;
	_ =	sdelay $0x1  }
0xbb: {  	v48 =	vadd.s32 v1, v3;
	_ =	sdelay $0x4  }
0xbc: {  	v5 =	vld.idx.msk [tilespmem:v48+s24+$0x0], $0xffff  }
0xbd: {  	v3 =	vadd.s32 v2, v3;
	_ =	sdelay $0x1  }
0xbe: {  	s0 =	sadd.s32 $0x20, s10  }
0xbf: {  	s1 =	sand.u32 $0xF20, s0  }
0xc0: {  	[tilespmem:s1+$0x10800] =	vst v5  }
0xc1: {  	v5 =	vld.idx.msk [tilespmem:v3+s24+$0x0], $0xffff;
	_ =	sdelay $0x3  }
0xc2: {  	s18 =	sand.u32 $0xF00, s0  }
0xc3: {  	s5 =	simm.s32 $0x3800;
	[tilespmem:s18+$0x10830] =	vst v5  }
0xc4: {  	v4 =	vld.idx.msk [tilespmem:v48+s5+$0x0], $0xffff;
	_ =	sdelay $0x4  }
0xc5: {  	[tilespmem:s1+$0x11800] =	vst v4  }
0xc6: {  	v3 =	vld.idx.msk [tilespmem:v3+s5+$0x0], $0xffff;
	_ =	sdelay $0x1  }
0xc7: {  	p0 =	seq.s32 s12, $0x204  }
0xc8: {  	s19 =	sadd.s32 @!p0 $0x20, s13  }
0xc9: {  	s19 =	sand.u32 @!p0 $0xFC0, s19  }
0xca: {  	s20 =	sshrl.u32 @!p0 s19, $0x2;
	[tilespmem:s18+$0x11830] =	vst v3  }
0xcb: {  	v4 =	vld @!p0 [tilespmem:s20+$0x0]  }
0xcc: {  	s18 =	sadd.s32 @!p0 $0xFFFFFFFC, s12  }
0xcd: {  	s25 =	smov.u32 s21;
	s21 =	sand.u32 @!p0 $0x8, s18  }
0xce: {  	v3 =	vlaneseq.u32 @!p0;
	v5 =	vmov @!p0 s21  }
0xcf: {  	vm7 =	veq.s32 @!p0 v5, v3  }
0xd0: {  	v4 =	vnsel @!p0 vm7, $0x0, v4  }
0xd1: {  	(xrf0) =	vadd.scan.msk.s32 @!p0 $0xffff, v4;
	_ =	sdelay $0x5  }
0xd2: {  	v4, _, _ =	vpop @!p0 (xrf0)  }
0xd3: {  	(v2sf) =	vpush @!p0 v4, $0xF;
	_ =	sdelay $0xe  }
0xd4: {  	s18 =	spop @!p0 (v2sf)  }
0xd5: {  	s18 =	sshll.u32 @!p0 s18, $0x7  }
0xd6: {  	s19 =	simm.s32 @!p0 $0x7A1400;
	s22 =	sand.u32 @!p0 $0x1FFFFF80, s18  }
0xd7: {  	s24 =	simm.s32 @!p0 $0x800;
	s18 =	simm.s32 @!p0 $0x400;
	s23 =	sadd.s32 @!p0 s2, s22  }
0xd8: {  	[tilespmem:s24], [sflag:$0x1] =	stream.strided.gather @!p0 [hbm4b:s23+s18], $0x1000, s19, s18, $0x38;
	[tilespmem:$0x12800] =	vst v63  }
0xd9: {  	s22 =	sadd.s32 @!p0 s3, s22;
	s23 =	simm.s32 @!p0 $0x1800  }
0xda: {  	[tilespmem:s23], [sflag:$0x1] =	stream.strided.gather @!p0 [hbm4b:s22+s18], $0x1000, s19, s18, $0x38;
	[tilespmem:$0x12800] =	vst v63  }
0xdb: {  	v4 =	vld @!p0 [tilespmem:s20+$0x0];
	_ =	sdelay $0x1  }
0xdc: {  	s20 =	sor.u32 @!p0 $0x1, s21  }
0xdd: {  	v5 =	vmov @!p0 s20  }
0xde: {  	vm7 =	veq.s32 @!p0 v5, v3  }
0xdf: {  	v4 =	vnsel @!p0 vm7, $0x0, v4  }
0xe0: {  	(xrf0) =	vadd.scan.msk.s32 @!p0 $0xffff, v4;
	_ =	sdelay $0x5  }
0xe1: {  	v4, _, _ =	vpop @!p0 (xrf0)  }
0xe2: {  	(v2sf) =	vpush @!p0 v4, $0xF;
	_ =	sdelay $0xe  }
0xe3: {  	s20 =	spop @!p0 (v2sf)  }
0xe4: {  	s20 =	sshll.u32 @!p0 s20, $0x7  }
0xe5: {  	s20 =	sand.u32 @!p0 $0x1FFFFF80, s20  }
0xe6: {  	s22 =	simm.s32 @!p0 $0x2800;
	s21 =	sadd.s32 @!p0 s2, s20  }
0xe7: {  	[tilespmem:s22], [sflag:$0x1] =	stream.strided.gather @!p0 [hbm4b:s21+s18], $0x1000, s19, s18, $0x38;
	[tilespmem:$0x12800] =	vst v63  }
0xe8: {  	s20 =	sadd.s32 @!p0 s3, s20;
	s21 =	simm.s32 @!p0 $0x3800  }
0xe9: {  	[tilespmem:s21], [sflag:$0x1] =	stream.strided.gather @!p0 [hbm4b:s20+s18], $0x1000, s19, s18, $0x38;
	[tilespmem:$0x12800] =	vst v63  }
0xea: {  	_ =	swait.ge [sflag:s7], $0x1000  }
0xeb: {  	[sflag:s7] =	ssyncset.done $0x0  }
0xec: {  	[sflag:s7] =	ssyncadd.s32 $0xFFFFF000  }
0xed: {  	_ =	swait.ge [sflag:s7], $0x1000  }
0xee: {  	[sflag:s7] =	ssyncset.done $0x0  }
0xef: {  	[sflag:s7] =	ssyncadd.s32 $0xFFFFF000  }
0xf0: {  	_ =	swait.ge [sflag:s7], $0x1000  }
0xf1: {  	[sflag:s7] =	ssyncset.done $0x0  }
0xf2: {  	[sflag:s7] =	ssyncadd.s32 $0xFFFFF000  }
0xf3: {  	_ =	swait.ge [sflag:s7], $0x1000  }
0xf4: {  	[sflag:s7] =	ssyncset.done $0x0  }
0xf5: {  	[sflag:s7] =	ssyncadd.s32 $0xFFFFF000  }
0xf6: {  	v49 =	vld [tilespmem:s11+$0x200]  }
0xf7: {  	s14 =	sadd.s32 $0xFFFFFFF6, s12  }
0xf8: {  	s20 =	sand.u32 $0xA, s14  }
0xf9: {  	v50 =	vmov s20  }
0xfa: {  	vm7 =	veq.s32 v50, v0  }
0xfb: {  	v4 =	vnsel vm7, $0x0, v49  }
0xfc: {  	(xrf0) =	vadd.scan.msk.s32 $0xffff, v4;
	_ =	sdelay $0x5  }
0xfd: {  	v4, _, _ =	vpop (xrf0)  }
0xfe: {  	v4 =	vbroadcast v4, $0xF;
	_ =	sdelay $0x1  }
0xff: {  	v51 =	vadd.s32 v1, v4;
	_ =	sdelay $0x3  }
0x100: {  	s20 =	simm.s32 $0x4800  }
0x101: {  	v6 =	vld.idx.msk [tilespmem:v51+s20+$0x0], $0xffff  }
0x102: {  	v4 =	vadd.s32 v2, v4;
	_ =	sdelay $0x1  }
0x103: {  	s21 =	sadd.s32 $0x40, s10  }
0x104: {  	s23 =	sand.u32 $0xF40, s21  }
0x105: {  	[tilespmem:s23+$0x10800] =	vst v6  }
0x106: {  	v6 =	vld.idx.msk [tilespmem:v4+s20+$0x0], $0xffff;
	_ =	sdelay $0x3  }
0x107: {  	s20 =	sand.u32 $0xF00, s21  }
0x108: {  	s24 =	simm.s32 $0x5800;
	[tilespmem:s20+$0x10850] =	vst v6  }
0x109: {  	v5 =	vld.idx.msk [tilespmem:v51+s24+$0x0], $0xffff;
	_ =	sdelay $0x4  }
0x10a: {  	[tilespmem:s23+$0x11800] =	vst v5  }
0x10b: {  	v4 =	vld.idx.msk [tilespmem:v4+s24+$0x0], $0xffff;
	_ =	sdelay $0x4  }
0x10c: {  	[tilespmem:s20+$0x11850] =	vst v4  }
0x10d: {  	v4 =	vld [tilespmem:s11+$0x200]  }
0x10e: {  	s0 =	sadd.s32 $0xFFFFFFF7, s12  }
0x10f: {  	s20 =	sand.u32 $0xB, s0  }
0x110: {  	v52 =	vmov s20  }
0x111: {  	vm7 =	veq.s32 v52, v0  }
0x112: {  	v4 =	vnsel vm7, $0x0, v4  }
0x113: {  	(xrf0) =	vadd.scan.msk.s32 $0xffff, v4;
	_ =	sdelay $0x5  }
0x114: {  	v4, _, _ =	vpop (xrf0)  }
0x115: {  	v4 =	vbroadcast v4, $0xF;
	_ =	sdelay $0x1  }
0x116: {  	v53 =	vadd.s32 v1, v4;
	_ =	sdelay $0x3  }
0x117: {  	s1 =	simm.s32 $0x6800  }
0x118: {  	v6 =	vld.idx.msk [tilespmem:v53+s1+$0x0], $0xffff  }
0x119: {  	v4 =	vadd.s32 v2, v4;
	_ =	sdelay $0x1  }
0x11a: {  	s5 =	sadd.s32 $0x60, s10  }
0x11b: {  	s14 =	sand.u32 $0xF60, s5  }
0x11c: {  	[tilespmem:s14+$0x10800] =	vst v6  }
0x11d: {  	v6 =	vld.idx.msk [tilespmem:v4+s1+$0x0], $0xffff;
	_ =	sdelay $0x3  }
0x11e: {  	s20 =	sand.u32 $0xF00, s5  }
0x11f: {  	s22 =	simm.s32 $0x7800;
	[tilespmem:s20+$0x10870] =	vst v6  }
0x120: {  	v5 =	vld.idx.msk [tilespmem:v53+s22+$0x0], $0xffff;
	_ =	sdelay $0x4  }
0x121: {  	[tilespmem:s14+$0x11800] =	vst v5  }
0x122: {  	v4 =	vld.idx.msk [tilespmem:v4+s22+$0x0], $0xffff;
	_ =	sdelay $0x2  }
0x123: {  	s21 =	sadd.s32 @!p0 $0x28, s13  }
0x124: {  	s21 =	sand.u32 @!p0 $0xFC0, s21  }
0x125: {  	[tilespmem:s20+$0x11870] =	vst v4;
	s20 =	sshrl.u32 @!p0 s21, $0x2  }
0x126: {  	v4 =	vld @!p0 [tilespmem:s20+$0x0]  }
0x127: {  	s21 =	sadd.s32 @!p0 $0xFFFFFFFE, s12  }
0x128: {  	s21 =	sand.u32 @!p0 $0xA, s21  }
0x129: {  	v5 =	vmov @!p0 s21  }
0x12a: {  	vm7 =	veq.s32 @!p0 v5, v3  }
0x12b: {  	v4 =	vnsel @!p0 vm7, $0x0, v4  }
0x12c: {  	(xrf0) =	vadd.scan.msk.s32 @!p0 $0xffff, v4;
	_ =	sdelay $0x5  }
0x12d: {  	v4, _, _ =	vpop @!p0 (xrf0)  }
0x12e: {  	(v2sf) =	vpush @!p0 v4, $0xF;
	_ =	sdelay $0xe  }
0x12f: {  	s22 =	spop @!p0 (v2sf)  }
0x130: {  	s22 =	sshll.u32 @!p0 s22, $0x7  }
0x131: {  	s22 =	sand.u32 @!p0 $0x1FFFFF80, s22  }
0x132: {  	s24 =	simm.s32 @!p0 $0x4800;
	s23 =	sadd.s32 @!p0 s2, s22  }
0x133: {  	[tilespmem:s24], [sflag:$0x2] =	stream.strided.gather @!p0 [hbm4b:s23+s18], $0x1000, s19, s18, $0x38;
	[tilespmem:$0x12800] =	vst v63  }
0x134: {  	s22 =	sadd.s32 @!p0 s3, s22;
	s23 =	simm.s32 @!p0 $0x5800  }
0x135: {  	[tilespmem:s23], [sflag:$0x2] =	stream.strided.gather @!p0 [hbm4b:s22+s18], $0x1000, s19, s18, $0x38;
	[tilespmem:$0x12800] =	vst v63  }
0x136: {  	v4 =	vld @!p0 [tilespmem:s20+$0x0];
	_ =	sdelay $0x1  }
0x137: {  	s20 =	sor.u32 @!p0 $0x1, s21  }
0x138: {  	v5 =	vmov @!p0 s20  }
0x139: {  	vm7 =	veq.s32 @!p0 v5, v3  }
0x13a: {  	v4 =	vnsel @!p0 vm7, $0x0, v4  }
0x13b: {  	(xrf0) =	vadd.scan.msk.s32 @!p0 $0xffff, v4;
	_ =	sdelay $0x5  }
0x13c: {  	v4, _, _ =	vpop @!p0 (xrf0)  }
0x13d: {  	(v2sf) =	vpush @!p0 v4, $0xF;
	_ =	sdelay $0xe  }
0x13e: {  	s20 =	spop @!p0 (v2sf)  }
0x13f: {  	s20 =	sshll.u32 @!p0 s20, $0x7  }
0x140: {  	s20 =	sand.u32 @!p0 $0x1FFFFF80, s20  }
0x141: {  	s22 =	simm.s32 @!p0 $0x6800;
	s21 =	sadd.s32 @!p0 s2, s20  }
0x142: {  	[tilespmem:s22], [sflag:$0x2] =	stream.strided.gather @!p0 [hbm4b:s21+s18], $0x1000, s19, s18, $0x38;
	[tilespmem:$0x12800] =	vst v63  }
0x143: {  	s20 =	sadd.s32 @!p0 s3, s20;
	s21 =	simm.s32 @!p0 $0x7800  }
0x144: {  	[tilespmem:s21], [sflag:$0x2] =	stream.strided.gather @!p0 [hbm4b:s20+s18], $0x1000, s19, s18, $0x38;
	[tilespmem:$0x12800] =	vst v63  }
0x145: {  	_ =	swait.ge [sflag:s8], $0x1000  }
0x146: {  	[sflag:s8] =	ssyncset.done $0x0  }
0x147: {  	[sflag:s8] =	ssyncadd.s32 $0xFFFFF000  }
0x148: {  	_ =	swait.ge [sflag:s8], $0x1000  }
0x149: {  	[sflag:s8] =	ssyncset.done $0x0  }
0x14a: {  	[sflag:s8] =	ssyncadd.s32 $0xFFFFF000  }
0x14b: {  	_ =	swait.ge [sflag:s8], $0x1000  }
0x14c: {  	[sflag:s8] =	ssyncset.done $0x0  }
0x14d: {  	[sflag:s8] =	ssyncadd.s32 $0xFFFFF000  }
0x14e: {  	_ =	swait.ge [sflag:s8], $0x1000  }
0x14f: {  	[sflag:s8] =	ssyncset.done $0x0  }
0x150: {  	[sflag:s8] =	ssyncadd.s32 $0xFFFFF000  }
0x151: {  	v54 =	vld [tilespmem:s11+$0x200]  }
0x152: {  	s23 =	sadd.s32 $0xFFFFFFF8, s12  }
0x153: {  	s20 =	sand.u32 $0xC, s23  }
0x154: {  	v55 =	vmov s20  }
0x155: {  	vm7 =	veq.s32 v55, v0  }
0x156: {  	v4 =	vnsel vm7, $0x0, v54  }
0x157: {  	(xrf0) =	vadd.scan.msk.s32 $0xffff, v4;
	_ =	sdelay $0x5  }
0x158: {  	v4, _, _ =	vpop (xrf0)  }
0x159: {  	v4 =	vbroadcast v4, $0xF;
	_ =	sdelay $0x1  }
0x15a: {  	v56 =	vadd.s32 v1, v4;
	_ =	sdelay $0x3  }
0x15b: {  	s24 =	simm.s32 $0x8800  }
0x15c: {  	v57 =	vld.idx.msk [tilespmem:v56+s24+$0x0], $0xffff  }
0x15d: {  	v4 =	vadd.s32 v2, v4;
	_ =	sdelay $0x1  }
0x15e: {  	s5 =	sadd.s32 $0x80, s10  }
0x15f: {  	s20 =	sand.u32 $0xF80, s5  }
0x160: {  	[tilespmem:s20+$0x10800] =	vst v57  }
0x161: {  	v6 =	vld.idx.msk [tilespmem:v4+s24+$0x0], $0xffff;
	_ =	sdelay $0x4  }
0x162: {  	s14 =	simm.s32 $0x9800;
	[tilespmem:s20+$0x10810] =	vst v6  }
0x163: {  	v5 =	vld.idx.msk [tilespmem:v56+s14+$0x0], $0xffff;
	_ =	sdelay $0x4  }
0x164: {  	[tilespmem:s20+$0x11800] =	vst v5  }
0x165: {  	v4 =	vld.idx.msk [tilespmem:v4+s14+$0x0], $0xffff;
	_ =	sdelay $0x4  }
0x166: {  	[tilespmem:s20+$0x11810] =	vst v4  }
0x167: {  	v4 =	vld [tilespmem:s11+$0x200]  }
0x168: {  	s14 =	sadd.s32 $0xFFFFFFF9, s12  }
0x169: {  	s20 =	sand.u32 $0xD, s14  }
0x16a: {  	v58 =	vmov s20  }
0x16b: {  	vm7 =	veq.s32 v58, v0  }
0x16c: {  	v4 =	vnsel vm7, $0x0, v4  }
0x16d: {  	(xrf0) =	vadd.scan.msk.s32 $0xffff, v4;
	_ =	sdelay $0x5  }
0x16e: {  	v4, _, _ =	vpop (xrf0)  }
0x16f: {  	v4 =	vbroadcast v4, $0xF;
	_ =	sdelay $0x1  }
0x170: {  	v59 =	vadd.s32 v1, v4;
	_ =	sdelay $0x3  }
0x171: {  	s20 =	simm.s32 $0xA800  }
0x172: {  	v6 =	vld.idx.msk [tilespmem:v59+s20+$0x0], $0xffff  }
0x173: {  	v4 =	vadd.s32 v2, v4;
	_ =	sdelay $0x1  }
0x174: {  	s21 =	sadd.s32 $0xA0, s10  }
0x175: {  	s23 =	sand.u32 $0xFA0, s21  }
0x176: {  	[tilespmem:s23+$0x10800] =	vst v6  }
0x177: {  	v6 =	vld.idx.msk [tilespmem:v4+s20+$0x0], $0xffff;
	_ =	sdelay $0x3  }
0x178: {  	s20 =	sand.u32 $0xF80, s21  }
0x179: {  	s24 =	simm.s32 $0xB800;
	[tilespmem:s20+$0x10830] =	vst v6  }
0x17a: {  	v5 =	vld.idx.msk [tilespmem:v59+s24+$0x0], $0xffff;
	_ =	sdelay $0x4  }
0x17b: {  	[tilespmem:s23+$0x11800] =	vst v5  }
0x17c: {  	v4 =	vld.idx.msk [tilespmem:v4+s24+$0x0], $0xffff;
	_ =	sdelay $0x2  }
0x17d: {  	s21 =	sadd.s32 @!p0 $0x30, s13  }
0x17e: {  	s21 =	sand.u32 @!p0 $0xFC0, s21  }
0x17f: {  	[tilespmem:s20+$0x11830] =	vst v4;
	s20 =	sshrl.u32 @!p0 s21, $0x2  }
0x180: {  	v4 =	vld @!p0 [tilespmem:s20+$0x0];
	_ =	sdelay $0x1  }
0x181: {  	s21 =	sand.u32 @!p0 $0xC, s12  }
0x182: {  	v5 =	vmov @!p0 s21  }
0x183: {  	vm7 =	veq.s32 @!p0 v5, v3  }
0x184: {  	v4 =	vnsel @!p0 vm7, $0x0, v4  }
0x185: {  	(xrf0) =	vadd.scan.msk.s32 @!p0 $0xffff, v4;
	_ =	sdelay $0x5  }
0x186: {  	v4, _, _ =	vpop @!p0 (xrf0)  }
0x187: {  	(v2sf) =	vpush @!p0 v4, $0xF;
	_ =	sdelay $0xe  }
0x188: {  	s22 =	spop @!p0 (v2sf)  }
0x189: {  	s22 =	sshll.u32 @!p0 s22, $0x7  }
0x18a: {  	s22 =	sand.u32 @!p0 $0x1FFFFF80, s22  }
0x18b: {  	s24 =	simm.s32 @!p0 $0x8800;
	s23 =	sadd.s32 @!p0 s2, s22  }
0x18c: {  	[tilespmem:s24], [sflag:$0x3] =	stream.strided.gather @!p0 [hbm4b:s23+s18], $0x1000, s19, s18, $0x38;
	[tilespmem:$0x12800] =	vst v63  }
0x18d: {  	s22 =	sadd.s32 @!p0 s3, s22;
	s23 =	simm.s32 @!p0 $0x9800  }
0x18e: {  	[tilespmem:s23], [sflag:$0x3] =	stream.strided.gather @!p0 [hbm4b:s22+s18], $0x1000, s19, s18, $0x38;
	[tilespmem:$0x12800] =	vst v63  }
0x18f: {  	v4 =	vld @!p0 [tilespmem:s20+$0x0];
	_ =	sdelay $0x1  }
0x190: {  	s20 =	sor.u32 @!p0 $0x1, s21  }
0x191: {  	v5 =	vmov @!p0 s20  }
0x192: {  	vm7 =	veq.s32 @!p0 v5, v3  }
0x193: {  	v3 =	vnsel @!p0 vm7, $0x0, v4  }
0x194: {  	(xrf0) =	vadd.scan.msk.s32 @!p0 $0xffff, v3;
	_ =	sdelay $0x5  }
0x195: {  	v3, _, _ =	vpop @!p0 (xrf0)  }
0x196: {  	(v2sf) =	vpush @!p0 v3, $0xF;
	_ =	sdelay $0xe  }
0x197: {  	s20 =	spop @!p0 (v2sf)  }
0x198: {  	s20 =	sshll.u32 @!p0 s20, $0x7  }
0x199: {  	s20 =	sand.u32 @!p0 $0x1FFFFF80, s20  }
0x19a: {  	s22 =	simm.s32 @!p0 $0xA800;
	s21 =	sadd.s32 @!p0 s2, s20  }
0x19b: {  	[tilespmem:s22], [sflag:$0x3] =	stream.strided.gather @!p0 [hbm4b:s21+s18], $0x1000, s19, s18, $0x38;
	[tilespmem:$0x12800] =	vst v63  }
0x19c: {  	s20 =	sadd.s32 @!p0 s3, s20;
	s21 =	simm.s32 @!p0 $0xB800  }
0x19d: {  	[tilespmem:s21], [sflag:$0x3] =	stream.strided.gather @!p0 [hbm4b:s20+s18], $0x1000, s19, s18, $0x38;
	[tilespmem:$0x12800] =	vst v63  }
0x19e: {  	_ =	swait.ge [sflag:s9], $0x1000  }
0x19f: {  	[sflag:s9] =	ssyncset.done $0x0  }
0x1a0: {  	[sflag:s9] =	ssyncadd.s32 $0xFFFFF000  }
0x1a1: {  	_ =	swait.ge [sflag:s9], $0x1000  }
0x1a2: {  	[sflag:s9] =	ssyncset.done $0x0  }
0x1a3: {  	[sflag:s9] =	ssyncadd.s32 $0xFFFFF000  }
0x1a4: {  	_ =	swait.ge [sflag:s9], $0x1000  }
0x1a5: {  	[sflag:s9] =	ssyncset.done $0x0  }
0x1a6: {  	[sflag:s9] =	ssyncadd.s32 $0xFFFFF000  }
0x1a7: {  	_ =	swait.ge [sflag:s9], $0x1000  }
0x1a8: {  	[sflag:s9] =	ssyncset.done $0x0  }
0x1a9: {  	[sflag:s9] =	ssyncadd.s32 $0xFFFFF000  }
0x1aa: {  	v3 =	vld [tilespmem:s11+$0x200];
	_ =	sdelay $0x4  }
0x1ab: {  	v3 =	vnsel vm6, $0x0, v3  }
0x1ac: {  	(xrf0) =	vadd.scan.msk.s32 $0xffff, v3;
	_ =	sdelay $0x5  }
0x1ad: {  	v3, _, _ =	vpop (xrf0)  }
0x1ae: {  	v3 =	vbroadcast v3, $0xF;
	_ =	sdelay $0x1  }
0x1af: {  	v60 =	vadd.s32 v1, v3;
	_ =	sdelay $0x4  }
0x1b0: {  	v61 =	vld.idx.msk [tilespmem:v60+s15+$0x0], $0xffff  }
0x1b1: {  	v3 =	vadd.s32 v2, v3;
	_ =	sdelay $0x1  }
0x1b2: {  	s19 =	sadd.s32 $0xC0, s10  }
0x1b3: {  	s20 =	sand.u32 $0xFC0, s19  }
0x1b4: {  	[tilespmem:s20+$0x10800] =	vst v61  }
0x1b5: {  	v5 =	vld.idx.msk [tilespmem:v3+s15+$0x0], $0xffff;
	_ =	sdelay $0x3  }
0x1b6: {  	s18 =	sand.u32 $0xF80, s19  }
0x1b7: {  	[tilespmem:s18+$0x10850] =	vst v5  }
0x1b8: {  	v4 =	vld.idx.msk [tilespmem:v60+s17+$0x0], $0xffff;
	_ =	sdelay $0x4  }
0x1b9: {  	[tilespmem:s20+$0x11800] =	vst v4  }
0x1ba: {  	v3 =	vld.idx.msk [tilespmem:v3+s17+$0x0], $0xffff;
	_ =	sdelay $0x4  }
0x1bb: {  	[tilespmem:s18+$0x11850] =	vst v3  }
0x1bc: {  	v3 =	vld [tilespmem:s11+$0x200]  }
0x1bd: {  	s18 =	sadd.s32 $0xFFFFFFFB, s12  }
0x1be: {  	s11 =	sand.u32 $0xF, s18  }
0x1bf: {  	v62 =	vmov s11  }
0x1c0: {  	vm6 =	veq.s32 v62, v0  }
0x1c1: {  	v3 =	vnsel vm6, $0x0, v3  }
0x1c2: {  	(xrf0) =	vadd.scan.msk.s32 $0xffff, v3;
	_ =	sdelay $0x5  }
0x1c3: {  	v3, _, _ =	vpop (xrf0)  }
0x1c4: {  	v3 =	vbroadcast v3, $0xF;
	_ =	sdelay $0x1  }
0x1c5: {  	v63 =	vadd.s32 v1, v3;
	_ =	sdelay $0x4  }
0x1c6: {  	v5 =	vld.idx.msk [tilespmem:v63+s26+$0x0], $0xffff  }
0x1c7: {  	v3 =	vadd.s32 v2, v3;
	_ =	sdelay $0x1  }
0x1c8: {  	s19 =	sadd.s32 $0xE0, s10  }
0x1c9: {  	s20 =	sand.u32 $0xFE0, s19  }
0x1ca: {  	[tilespmem:s20+$0x10800] =	vst v5  }
0x1cb: {  	v5 =	vld.idx.msk [tilespmem:v3+s26+$0x0], $0xffff;
	_ =	sdelay $0x3  }
0x1cc: {  	s11 =	sand.u32 $0xF80, s19  }
0x1cd: {  	[tilespmem:s11+$0x10870] =	vst v5  }
0x1ce: {  	v4 =	vld.idx.msk [tilespmem:v63+s4+$0x0], $0xffff;
	_ =	sdelay $0x4  }
0x1cf: {  	[tilespmem:s20+$0x11800] =	vst v4  }
0x1d0: {  	v3 =	vld.idx.msk [tilespmem:v3+s4+$0x0], $0xffff  }
0x1d1: {  	s26 =	sand.u32 $0x3F, s6  }
0x1d2: {  	p0 =	sne.s32 s26, $0x3F  }
0x1d3: {  	s19 =	sand.u32 @!p0 $0x600, s13  }
0x1d4: {  	s18 =	rddreg [dreg:$0x7];
	s19 =	sor.u32 @!p0 s25, s19  }
0x1d5: {  	s20 =	simm.s32 @!p0 $0x10800;
	[tilespmem:s11+$0x11870] =	vst v3;
	s11 =	sadd.s32 @!p0 s18, s19;
	s18 =	simm.s32 @!p0 $0x0  }
0x1d6: {  	[hbm4b:s11+s18] =	stream.linear.scatter @!p0 [tilespmem:s20], [sflag:$0x6], $0x1000, $0x38;
	[tilespmem:$0x12800] =	vst v63  }
0x1d7: {  	s11 =	simm.s32 @!p0 $0x6  }
0x1d8: {  	_ =	swait.ge @!p0 [sflag:s11], $0x1000  }
0x1d9: {  	s20 =	rddreg [dreg:$0x8];
	[sflag:s11] =	ssyncset.done @!p0 $0x0  }
0x1da: {  	[sflag:s11] =	ssyncadd.s32 @!p0 $0xFFFFF000;
	s11 =	sadd.s32 @!p0 s20, s19;
	s19 =	simm.s32 @!p0 $0x11800  }
0x1db: {  	[hbm4b:s11+s18] =	stream.linear.scatter @!p0 [tilespmem:s19], [sflag:$0x5], $0x1000, $0x38;
	[tilespmem:$0x12800] =	vst v63  }
0x1dc: {  	s11 =	simm.s32 @!p0 $0x5  }
0x1dd: {  	_ =	swait.ge @!p0 [sflag:s11], $0x1000  }
0x1de: {  	s12 =	sadd.s32 $0x8, s12;
	[sflag:s11] =	ssyncset.done @!p0 $0x0  }
0x1df: {  	[sflag:s11] =	ssyncadd.s32 @!p0 $0xFFFFF000;
	p0 =	sne.s32 s12, $0x20C  }
.Ltmp0:
0x1e0: {  	s29 =	simm.s32 $0x4800;
	s28 =	simm.s32 $0x5800;
	(pc) =	sbr.rel @p0 .LBB2_2-.Ltmp0, $4  }
0x1e1: {  	s30 =	simm.s32 $0x6800;
	s0 =	simm.s32 $0x9800;
	s1 =	simm.s32 $0x7800  }
0x1e2: {  	s5 =	simm.s32 $0x8800;
	s14 =	simm.s32 $0xA800;
	s24 =	simm.s32 $0x2800  }
0x1e3: {  	s23 =	simm.s32 $0x1800;
	s22 =	simm.s32 $0x800;
	s21 =	smov.u32 s25  }
0x1e4: {  	s10 =	sadd.s32 $0x100, s10;
	s6 =	sadd.s32 $0x4, s6;
	s13 =	sadd.s32 $0x20, s13  }
0x1e5: {  	v3 =	vld [tilespmem:$0x400];
	_ =	sdelay $0x4  }
0x1e6: {  	v3 =	vnsel vm0, $0x0, v3  }
0x1e7: {  	(xrf0) =	vadd.scan.msk.s32 $0xffff, v3;
	_ =	sdelay $0x5  }
0x1e8: {  	v3, _, _ =	vpop (xrf0)  }
0x1e9: {  	(v2sf) =	vpush v3, $0xF;
	_ =	sdelay $0xe  }
0x1ea: {  	s6 =	spop (v2sf)  }
0x1eb: {  	s6 =	sshll.u32 s6, $0x7  }
0x1ec: {  	s2 =	rddreg [dreg:$0x3];
	s11 =	simm.s32 $0x400;
	s6 =	sand.u32 $0x1FFFFF80, s6  }
0x1ed: {  	s12 =	simm.s32 $0x7A1400;
	s4 =	rddreg [dreg:$0x5];
	s10 =	sadd.s32 s2, s6  }
0x1ee: {  	[tilespmem:s22], [sflag:$0x1] =	stream.strided.gather [hbm4b:s10+s11], $0x1000, s12, s11, $0x38;
	[tilespmem:$0x12800] =	vst v63  }
0x1ef: {  	s6 =	sadd.s32 s4, s6  }
0x1f0: {  	[tilespmem:s23], [sflag:$0x1] =	stream.strided.gather [hbm4b:s6+s11], $0x1000, s12, s11, $0x38;
	[tilespmem:$0x12800] =	vst v63  }
0x1f1: {  	v3 =	vld [tilespmem:$0x400];
	_ =	sdelay $0x4  }
0x1f2: {  	v3 =	vsel vm1, $0x0, v3  }
0x1f3: {  	(xrf0) =	vadd.scan.msk.s32 $0xffff, v3;
	_ =	sdelay $0x5  }
0x1f4: {  	v3, _, _ =	vpop (xrf0)  }
0x1f5: {  	(v2sf) =	vpush v3, $0xF;
	_ =	sdelay $0xe  }
0x1f6: {  	s13 =	spop (v2sf)  }
0x1f7: {  	s6 =	sshll.u32 s13, $0x7  }
0x1f8: {  	s6 =	sand.u32 $0x1FFFFF80, s6  }
0x1f9: {  	s15 =	sadd.s32 s2, s6  }
0x1fa: {  	[tilespmem:s24], [sflag:$0x1] =	stream.strided.gather [hbm4b:s15+s11], $0x1000, s12, s11, $0x38;
	[tilespmem:$0x12800] =	vst v63  }
0x1fb: {  	s17 =	simm.s32 $0x3800;
	s6 =	sadd.s32 s4, s6  }
0x1fc: {  	[tilespmem:s17], [sflag:$0x1] =	stream.strided.gather [hbm4b:s6+s11], $0x1000, s12, s11, $0x38;
	[tilespmem:$0x12800] =	vst v63  }
0x1fd: {  	v3 =	vld [tilespmem:$0x400];
	_ =	sdelay $0x4  }
0x1fe: {  	v3 =	vsel vm2, $0x0, v3  }
0x1ff: {  	(xrf0) =	vadd.scan.msk.s32 $0xffff, v3;
	_ =	sdelay $0x5  }
0x200: {  	v3, _, _ =	vpop (xrf0)  }
0x201: {  	(v2sf) =	vpush v3, $0xF;
	_ =	sdelay $0xe  }
0x202: {  	s18 =	spop (v2sf)  }
0x203: {  	s6 =	sshll.u32 s18, $0x7  }
0x204: {  	s6 =	sand.u32 $0x1FFFFF80, s6  }
0x205: {  	s19 =	sadd.s32 s2, s6  }
0x206: {  	[tilespmem:s29], [sflag:$0x2] =	stream.strided.gather [hbm4b:s19+s11], $0x1000, s12, s11, $0x38;
	[tilespmem:$0x12800] =	vst v63  }
0x207: {  	s6 =	sadd.s32 s4, s6  }
0x208: {  	[tilespmem:s28], [sflag:$0x2] =	stream.strided.gather [hbm4b:s6+s11], $0x1000, s12, s11, $0x38;
	[tilespmem:$0x12800] =	vst v63  }
0x209: {  	v3 =	vld [tilespmem:$0x400];
	_ =	sdelay $0x4  }
0x20a: {  	v3 =	vsel vm3, $0x0, v3  }
0x20b: {  	(xrf0) =	vadd.scan.msk.s32 $0xffff, v3;
	_ =	sdelay $0x5  }
0x20c: {  	v3, _, _ =	vpop (xrf0)  }
0x20d: {  	(v2sf) =	vpush v3, $0xF;
	_ =	sdelay $0xe  }
0x20e: {  	s20 =	spop (v2sf)  }
0x20f: {  	s6 =	sshll.u32 s20, $0x7  }
0x210: {  	s6 =	sand.u32 $0x1FFFFF80, s6  }
0x211: {  	s21 =	sadd.s32 s2, s6  }
0x212: {  	[tilespmem:s30], [sflag:$0x2] =	stream.strided.gather [hbm4b:s21+s11], $0x1000, s12, s11, $0x38;
	[tilespmem:$0x12800] =	vst v63  }
0x213: {  	s6 =	sadd.s32 s4, s6  }
0x214: {  	[tilespmem:s1], [sflag:$0x2] =	stream.strided.gather [hbm4b:s6+s11], $0x1000, s12, s11, $0x38;
	[tilespmem:$0x12800] =	vst v63  }
0x215: {  	v3 =	vld [tilespmem:$0x400];
	_ =	sdelay $0x4  }
0x216: {  	v3 =	vsel vm4, $0x0, v3  }
0x217: {  	(xrf0) =	vadd.scan.msk.s32 $0xffff, v3;
	_ =	sdelay $0x5  }
0x218: {  	v3, _, _ =	vpop (xrf0)  }
0x219: {  	(v2sf) =	vpush v3, $0xF;
	_ =	sdelay $0xe  }
0x21a: {  	s26 =	spop (v2sf)  }
0x21b: {  	s6 =	sshll.u32 s26, $0x7  }
0x21c: {  	s6 =	sand.u32 $0x1FFFFF80, s6  }
0x21d: {  	s28 =	sadd.s32 s2, s6  }
0x21e: {  	[tilespmem:s5], [sflag:$0x3] =	stream.strided.gather [hbm4b:s28+s11], $0x1000, s12, s11, $0x38;
	[tilespmem:$0x12800] =	vst v63  }
0x21f: {  	s6 =	sadd.s32 s4, s6  }
0x220: {  	[tilespmem:s0], [sflag:$0x3] =	stream.strided.gather [hbm4b:s6+s11], $0x1000, s12, s11, $0x38;
	[tilespmem:$0x12800] =	vst v63  }
0x221: {  	v3 =	vld [tilespmem:$0x400];
	_ =	sdelay $0x4  }
0x222: {  	v3 =	vsel vm5, $0x0, v3  }
0x223: {  	(xrf0) =	vadd.scan.msk.s32 $0xffff, v3;
	_ =	sdelay $0x5  }
0x224: {  	v3, _, _ =	vpop (xrf0)  }
0x225: {  	(v2sf) =	vpush v3, $0xF;
	_ =	sdelay $0xe  }
0x226: {  	s29 =	spop (v2sf)  }
0x227: {  	s10 =	simm.s32 $0x0;
	s6 =	sshll.u32 s29, $0x7  }
0x228: {  	s13 =	simm.s32 $0x3;
	s15 =	simm.s32 $0x400;
	s6 =	sand.u32 $0x1FFFFF80, s6  }
0x229: {  	s17 =	simm.s32 $0x7A1400;
	s26 =	simm.s32 $0xC800;
	s30 =	sadd.s32 s2, s6  }
0x22a: {  	[tilespmem:s14], [sflag:$0x3] =	stream.strided.gather [hbm4b:s30+s11], $0x1000, s12, s11, $0x38;
	[tilespmem:$0x12800] =	vst v63  }
0x22b: {  	s5 =	simm.s32 $0xE800;
	s0 =	simm.s32 $0xD800;
	s6 =	sadd.s32 s4, s6  }
0x22c: {  	[tilespmem:s31], [sflag:$0x3] =	stream.strided.gather [hbm4b:s6+s11], $0x1000, s12, s11, $0x38;
	[tilespmem:$0x12800] =	vst v63  }
0x22d: {  	s14 =	simm.s32 $0xF800;
	s12 =	simm.s32 $0xC;
	s6 =	simm.s32 $0x0  }
.LBB2_4:
0x22e: {  	s11 =	sand.u32 $0x7C0, s6  }
0x22f: {  	s11 =	sshrl.u32 s11, $0x2  }
0x230: {  	v3 =	vld [tilespmem:s11+$0x400]  }
0x231: {  	s18 =	sadd.s32 $0xFFFFFFFA, s12  }
0x232: {  	s18 =	sand.u32 $0xE, s18  }
0x233: {  	v4 =	vmov s18  }
0x234: {  	vm6 =	veq.s32 v4, v0  }
0x235: {  	v3 =	vnsel vm6, $0x0, v3  }
0x236: {  	(xrf0) =	vadd.scan.msk.s32 $0xffff, v3;
	_ =	sdelay $0x5  }
0x237: {  	v3, _, _ =	vpop (xrf0)  }
0x238: {  	(v2sf) =	vpush v3, $0xF;
	_ =	sdelay $0xe  }
0x239: {  	s19 =	spop (v2sf)  }
0x23a: {  	s19 =	sshll.u32 s19, $0x7  }
0x23b: {  	s19 =	sand.u32 $0x1FFFFF80, s19  }
0x23c: {  	s20 =	sadd.s32 s2, s19  }
0x23d: {  	[tilespmem:s26], [sflag:$0x4] =	stream.strided.gather [hbm4b:s20+s15], $0x1000, s17, s15, $0x38;
	[tilespmem:$0x12800] =	vst v63  }
0x23e: {  	s19 =	sadd.s32 s4, s19  }
0x23f: {  	[tilespmem:s0], [sflag:$0x4] =	stream.strided.gather [hbm4b:s19+s15], $0x1000, s17, s15, $0x38;
	[tilespmem:$0x12800] =	vst v63  }
0x240: {  	v3 =	vld [tilespmem:s11+$0x400];
	_ =	sdelay $0x1  }
0x241: {  	s18 =	sor.u32 $0x1, s18  }
0x242: {  	v44 =	vmov s18  }
0x243: {  	vm7 =	veq.s32 v44, v0  }
0x244: {  	v3 =	vnsel vm7, $0x0, v3  }
0x245: {  	(xrf0) =	vadd.scan.msk.s32 $0xffff, v3;
	_ =	sdelay $0x5  }
0x246: {  	v3, _, _ =	vpop (xrf0)  }
0x247: {  	(v2sf) =	vpush v3, $0xF;
	_ =	sdelay $0xe  }
0x248: {  	s29 =	spop (v2sf)  }
0x249: {  	s18 =	sshll.u32 s29, $0x7  }
0x24a: {  	s18 =	sand.u32 $0x1FFFFF80, s18  }
0x24b: {  	s30 =	sadd.s32 s2, s18  }
0x24c: {  	[tilespmem:s5], [sflag:$0x4] =	stream.strided.gather [hbm4b:s30+s15], $0x1000, s17, s15, $0x38;
	[tilespmem:$0x12800] =	vst v63  }
0x24d: {  	s18 =	sadd.s32 s4, s18  }
0x24e: {  	[tilespmem:s14], [sflag:$0x4] =	stream.strided.gather [hbm4b:s18+s15], $0x1000, s17, s15, $0x38;
	[tilespmem:$0x12800] =	vst v63  }
0x24f: {  	_ =	swait.ge [sflag:s16], $0x1000  }
0x250: {  	[sflag:s16] =	ssyncset.done $0x0  }
0x251: {  	[sflag:s16] =	ssyncadd.s32 $0xFFFFF000  }
0x252: {  	_ =	swait.ge [sflag:s16], $0x1000  }
0x253: {  	[sflag:s16] =	ssyncset.done $0x0  }
0x254: {  	[sflag:s16] =	ssyncadd.s32 $0xFFFFF000  }
0x255: {  	_ =	swait.ge [sflag:s16], $0x1000  }
0x256: {  	[sflag:s16] =	ssyncset.done $0x0  }
0x257: {  	[sflag:s16] =	ssyncadd.s32 $0xFFFFF000  }
0x258: {  	_ =	swait.ge [sflag:s16], $0x1000  }
0x259: {  	[sflag:s16] =	ssyncset.done $0x0  }
0x25a: {  	[sflag:s16] =	ssyncadd.s32 $0xFFFFF000  }
0x25b: {  	v3 =	vld [tilespmem:s11+$0x600]  }
0x25c: {  	s1 =	sadd.s32 $0xFFFFFFF4, s12  }
0x25d: {  	s18 =	sand.u32 $0x8, s1  }
0x25e: {  	v45 =	vmov s18  }
0x25f: {  	vm7 =	veq.s32 v45, v0  }
0x260: {  	v3 =	vnsel vm7, $0x0, v3  }
0x261: {  	(xrf0) =	vadd.scan.msk.s32 $0xffff, v3;
	_ =	sdelay $0x5  }
0x262: {  	v3, _, _ =	vpop (xrf0)  }
0x263: {  	v3 =	vbroadcast v3, $0xF;
	_ =	sdelay $0x1  }
0x264: {  	v46 =	vadd.s32 v1, v3;
	_ =	sdelay $0x4  }
0x265: {  	v5 =	vld.idx.msk [tilespmem:v46+s22+$0x0], $0xffff  }
0x266: {  	v3 =	vadd.s32 v2, v3;
	_ =	sdelay $0x2  }
0x267: {  	s19 =	sand.u32 $0xF00, s10  }
0x268: {  	[tilespmem:s19+$0x10800] =	vst v5  }
0x269: {  	v5 =	vld.idx.msk [tilespmem:v3+s22+$0x0], $0xffff;
	_ =	sdelay $0x4  }
0x26a: {  	[tilespmem:s19+$0x10810] =	vst v5  }
0x26b: {  	v4 =	vld.idx.msk [tilespmem:v46+s23+$0x0], $0xffff;
	_ =	sdelay $0x4  }
0x26c: {  	[tilespmem:s19+$0x11800] =	vst v4  }
0x26d: {  	v3 =	vld.idx.msk [tilespmem:v3+s23+$0x0], $0xffff;
	_ =	sdelay $0x4  }
0x26e: {  	[tilespmem:s19+$0x11810] =	vst v3  }
0x26f: {  	v3 =	vld [tilespmem:s11+$0x600]  }
0x270: {  	s20 =	sadd.s32 $0xFFFFFFF5, s12  }
0x271: {  	s18 =	sand.u32 $0x9, s20  }
0x272: {  	v47 =	vmov s18  }
0x273: {  	vm7 =	veq.s32 v47, v0  }
0x274: {  	v3 =	vnsel vm7, $0x0, v3  }
0x275: {  	(xrf0) =	vadd.scan.msk.s32 $0xffff, v3;
	_ =	sdelay $0x5  }
0x276: {  	v3, _, _ =	vpop (xrf0)  }
0x277: {  	v3 =	vbroadcast v3, $0xF;
	_ =	sdelay $0x1  }
0x278: {  	v48 =	vadd.s32 v1, v3;
	_ =	sdelay $0x4  }
0x279: {  	v5 =	vld.idx.msk [tilespmem:v48+s24+$0x0], $0xffff  }
0x27a: {  	v3 =	vadd.s32 v2, v3;
	_ =	sdelay $0x1  }
0x27b: {  	s21 =	sadd.s32 $0x20, s10  }
0x27c: {  	s22 =	sand.u32 $0xF20, s21  }
0x27d: {  	[tilespmem:s22+$0x10800] =	vst v5  }
0x27e: {  	v5 =	vld.idx.msk [tilespmem:v3+s24+$0x0], $0xffff;
	_ =	sdelay $0x3  }
0x27f: {  	s18 =	sand.u32 $0xF00, s21  }
0x280: {  	s23 =	simm.s32 $0x3800;
	[tilespmem:s18+$0x10830] =	vst v5  }
0x281: {  	v4 =	vld.idx.msk [tilespmem:v48+s23+$0x0], $0xffff;
	_ =	sdelay $0x4  }
0x282: {  	[tilespmem:s22+$0x11800] =	vst v4  }
0x283: {  	v3 =	vld.idx.msk [tilespmem:v3+s23+$0x0], $0xffff;
	_ =	sdelay $0x1  }
0x284: {  	p0 =	seq.s32 s12, $0x204  }
0x285: {  	s19 =	sadd.s32 @!p0 $0x20, s6  }
0x286: {  	s19 =	sand.u32 @!p0 $0xFC0, s19  }
0x287: {  	s20 =	sshrl.u32 @!p0 s19, $0x2;
	[tilespmem:s18+$0x11830] =	vst v3  }
0x288: {  	v4 =	vld @!p0 [tilespmem:s20+$0x400]  }
0x289: {  	s18 =	sadd.s32 @!p0 $0xFFFFFFFC, s12  }
0x28a: {  	s21 =	sand.u32 @!p0 $0x8, s18  }
0x28b: {  	v3 =	vlaneseq.u32 @!p0;
	v5 =	vmov @!p0 s21  }
0x28c: {  	vm7 =	veq.s32 @!p0 v5, v3  }
0x28d: {  	v4 =	vnsel @!p0 vm7, $0x0, v4  }
0x28e: {  	(xrf0) =	vadd.scan.msk.s32 @!p0 $0xffff, v4;
	_ =	sdelay $0x5  }
0x28f: {  	v4, _, _ =	vpop @!p0 (xrf0)  }
0x290: {  	(v2sf) =	vpush @!p0 v4, $0xF;
	_ =	sdelay $0xe  }
0x291: {  	s18 =	spop @!p0 (v2sf)  }
0x292: {  	s18 =	sshll.u32 @!p0 s18, $0x7  }
0x293: {  	s19 =	simm.s32 @!p0 $0x7A1400;
	s22 =	sand.u32 @!p0 $0x1FFFFF80, s18  }
0x294: {  	s24 =	simm.s32 @!p0 $0x800;
	s18 =	simm.s32 @!p0 $0x400;
	s23 =	sadd.s32 @!p0 s2, s22  }
0x295: {  	[tilespmem:s24], [sflag:$0x1] =	stream.strided.gather @!p0 [hbm4b:s23+s18], $0x1000, s19, s18, $0x38;
	[tilespmem:$0x12800] =	vst v63  }
0x296: {  	s22 =	sadd.s32 @!p0 s4, s22;
	s23 =	simm.s32 @!p0 $0x1800  }
0x297: {  	[tilespmem:s23], [sflag:$0x1] =	stream.strided.gather @!p0 [hbm4b:s22+s18], $0x1000, s19, s18, $0x38;
	[tilespmem:$0x12800] =	vst v63  }
0x298: {  	v4 =	vld @!p0 [tilespmem:s20+$0x400];
	_ =	sdelay $0x1  }
0x299: {  	s20 =	sor.u32 @!p0 $0x1, s21  }
0x29a: {  	v5 =	vmov @!p0 s20  }
0x29b: {  	vm7 =	veq.s32 @!p0 v5, v3  }
0x29c: {  	v4 =	vnsel @!p0 vm7, $0x0, v4  }
0x29d: {  	(xrf0) =	vadd.scan.msk.s32 @!p0 $0xffff, v4;
	_ =	sdelay $0x5  }
0x29e: {  	v4, _, _ =	vpop @!p0 (xrf0)  }
0x29f: {  	(v2sf) =	vpush @!p0 v4, $0xF;
	_ =	sdelay $0xe  }
0x2a0: {  	s20 =	spop @!p0 (v2sf)  }
0x2a1: {  	s20 =	sshll.u32 @!p0 s20, $0x7  }
0x2a2: {  	s20 =	sand.u32 @!p0 $0x1FFFFF80, s20  }
0x2a3: {  	s22 =	simm.s32 @!p0 $0x2800;
	s21 =	sadd.s32 @!p0 s2, s20  }
0x2a4: {  	[tilespmem:s22], [sflag:$0x1] =	stream.strided.gather @!p0 [hbm4b:s21+s18], $0x1000, s19, s18, $0x38;
	[tilespmem:$0x12800] =	vst v63  }
0x2a5: {  	s20 =	sadd.s32 @!p0 s4, s20;
	s21 =	simm.s32 @!p0 $0x3800  }
0x2a6: {  	[tilespmem:s21], [sflag:$0x1] =	stream.strided.gather @!p0 [hbm4b:s20+s18], $0x1000, s19, s18, $0x38;
	[tilespmem:$0x12800] =	vst v63  }
0x2a7: {  	_ =	swait.ge [sflag:s7], $0x1000  }
0x2a8: {  	[sflag:s7] =	ssyncset.done $0x0  }
0x2a9: {  	[sflag:s7] =	ssyncadd.s32 $0xFFFFF000  }
0x2aa: {  	_ =	swait.ge [sflag:s7], $0x1000  }
0x2ab: {  	[sflag:s7] =	ssyncset.done $0x0  }
0x2ac: {  	[sflag:s7] =	ssyncadd.s32 $0xFFFFF000  }
0x2ad: {  	_ =	swait.ge [sflag:s7], $0x1000  }
0x2ae: {  	[sflag:s7] =	ssyncset.done $0x0  }
0x2af: {  	[sflag:s7] =	ssyncadd.s32 $0xFFFFF000  }
0x2b0: {  	_ =	swait.ge [sflag:s7], $0x1000  }
0x2b1: {  	[sflag:s7] =	ssyncset.done $0x0  }
0x2b2: {  	[sflag:s7] =	ssyncadd.s32 $0xFFFFF000  }
0x2b3: {  	v49 =	vld [tilespmem:s11+$0x600]  }
0x2b4: {  	s24 =	sadd.s32 $0xFFFFFFF6, s12  }
0x2b5: {  	s20 =	sand.u32 $0xA, s24  }
0x2b6: {  	v50 =	vmov s20  }
0x2b7: {  	vm7 =	veq.s32 v50, v0  }
0x2b8: {  	v4 =	vnsel vm7, $0x0, v49  }
0x2b9: {  	(xrf0) =	vadd.scan.msk.s32 $0xffff, v4;
	_ =	sdelay $0x5  }
0x2ba: {  	v4, _, _ =	vpop (xrf0)  }
0x2bb: {  	v4 =	vbroadcast v4, $0xF;
	_ =	sdelay $0x1  }
0x2bc: {  	v51 =	vadd.s32 v1, v4;
	_ =	sdelay $0x3  }
0x2bd: {  	s28 =	simm.s32 $0x4800  }
0x2be: {  	v6 =	vld.idx.msk [tilespmem:v51+s28+$0x0], $0xffff  }
0x2bf: {  	v4 =	vadd.s32 v2, v4;
	_ =	sdelay $0x1  }
0x2c0: {  	s29 =	sadd.s32 $0x40, s10  }
0x2c1: {  	s30 =	sand.u32 $0xF40, s29  }
0x2c2: {  	[tilespmem:s30+$0x10800] =	vst v6  }
0x2c3: {  	v6 =	vld.idx.msk [tilespmem:v4+s28+$0x0], $0xffff;
	_ =	sdelay $0x3  }
0x2c4: {  	s20 =	sand.u32 $0xF00, s29  }
0x2c5: {  	s1 =	simm.s32 $0x5800;
	[tilespmem:s20+$0x10850] =	vst v6  }
0x2c6: {  	v5 =	vld.idx.msk [tilespmem:v51+s1+$0x0], $0xffff;
	_ =	sdelay $0x4  }
0x2c7: {  	[tilespmem:s30+$0x11800] =	vst v5  }
0x2c8: {  	v4 =	vld.idx.msk [tilespmem:v4+s1+$0x0], $0xffff;
	_ =	sdelay $0x4  }
0x2c9: {  	[tilespmem:s20+$0x11850] =	vst v4  }
0x2ca: {  	v4 =	vld [tilespmem:s11+$0x600]  }
0x2cb: {  	s23 =	sadd.s32 $0xFFFFFFF7, s12  }
0x2cc: {  	s20 =	sand.u32 $0xB, s23  }
0x2cd: {  	v52 =	vmov s20  }
0x2ce: {  	vm7 =	veq.s32 v52, v0  }
0x2cf: {  	v4 =	vnsel vm7, $0x0, v4  }
0x2d0: {  	(xrf0) =	vadd.scan.msk.s32 $0xffff, v4;
	_ =	sdelay $0x5  }
0x2d1: {  	v4, _, _ =	vpop (xrf0)  }
0x2d2: {  	v4 =	vbroadcast v4, $0xF;
	_ =	sdelay $0x1  }
0x2d3: {  	v53 =	vadd.s32 v1, v4;
	_ =	sdelay $0x3  }
0x2d4: {  	s24 =	simm.s32 $0x6800  }
0x2d5: {  	v6 =	vld.idx.msk [tilespmem:v53+s24+$0x0], $0xffff  }
0x2d6: {  	v4 =	vadd.s32 v2, v4;
	_ =	sdelay $0x1  }
0x2d7: {  	s28 =	sadd.s32 $0x60, s10  }
0x2d8: {  	s29 =	sand.u32 $0xF60, s28  }
0x2d9: {  	[tilespmem:s29+$0x10800] =	vst v6  }
0x2da: {  	v6 =	vld.idx.msk [tilespmem:v4+s24+$0x0], $0xffff;
	_ =	sdelay $0x3  }
0x2db: {  	s20 =	sand.u32 $0xF00, s28  }
0x2dc: {  	s1 =	simm.s32 $0x7800;
	[tilespmem:s20+$0x10870] =	vst v6  }
0x2dd: {  	v5 =	vld.idx.msk [tilespmem:v53+s1+$0x0], $0xffff;
	_ =	sdelay $0x4  }
0x2de: {  	[tilespmem:s29+$0x11800] =	vst v5  }
0x2df: {  	v4 =	vld.idx.msk [tilespmem:v4+s1+$0x0], $0xffff;
	_ =	sdelay $0x2  }
0x2e0: {  	s21 =	sadd.s32 @!p0 $0x28, s6  }
0x2e1: {  	s21 =	sand.u32 @!p0 $0xFC0, s21  }
0x2e2: {  	[tilespmem:s20+$0x11870] =	vst v4;
	s20 =	sshrl.u32 @!p0 s21, $0x2  }
0x2e3: {  	v4 =	vld @!p0 [tilespmem:s20+$0x400]  }
0x2e4: {  	s21 =	sadd.s32 @!p0 $0xFFFFFFFE, s12  }
0x2e5: {  	s21 =	sand.u32 @!p0 $0xA, s21  }
0x2e6: {  	v5 =	vmov @!p0 s21  }
0x2e7: {  	vm7 =	veq.s32 @!p0 v5, v3  }
0x2e8: {  	v4 =	vnsel @!p0 vm7, $0x0, v4  }
0x2e9: {  	(xrf0) =	vadd.scan.msk.s32 @!p0 $0xffff, v4;
	_ =	sdelay $0x5  }
0x2ea: {  	v4, _, _ =	vpop @!p0 (xrf0)  }
0x2eb: {  	(v2sf) =	vpush @!p0 v4, $0xF;
	_ =	sdelay $0xe  }
0x2ec: {  	s22 =	spop @!p0 (v2sf)  }
0x2ed: {  	s22 =	sshll.u32 @!p0 s22, $0x7  }
0x2ee: {  	s22 =	sand.u32 @!p0 $0x1FFFFF80, s22  }
0x2ef: {  	s24 =	simm.s32 @!p0 $0x4800;
	s23 =	sadd.s32 @!p0 s2, s22  }
0x2f0: {  	[tilespmem:s24], [sflag:$0x2] =	stream.strided.gather @!p0 [hbm4b:s23+s18], $0x1000, s19, s18, $0x38;
	[tilespmem:$0x12800] =	vst v63  }
0x2f1: {  	s22 =	sadd.s32 @!p0 s4, s22;
	s23 =	simm.s32 @!p0 $0x5800  }
0x2f2: {  	[tilespmem:s23], [sflag:$0x2] =	stream.strided.gather @!p0 [hbm4b:s22+s18], $0x1000, s19, s18, $0x38;
	[tilespmem:$0x12800] =	vst v63  }
0x2f3: {  	v4 =	vld @!p0 [tilespmem:s20+$0x400];
	_ =	sdelay $0x1  }
0x2f4: {  	s20 =	sor.u32 @!p0 $0x1, s21  }
0x2f5: {  	v5 =	vmov @!p0 s20  }
0x2f6: {  	vm7 =	veq.s32 @!p0 v5, v3  }
0x2f7: {  	v4 =	vnsel @!p0 vm7, $0x0, v4  }
0x2f8: {  	(xrf0) =	vadd.scan.msk.s32 @!p0 $0xffff, v4;
	_ =	sdelay $0x5  }
0x2f9: {  	v4, _, _ =	vpop @!p0 (xrf0)  }
0x2fa: {  	(v2sf) =	vpush @!p0 v4, $0xF;
	_ =	sdelay $0xe  }
0x2fb: {  	s20 =	spop @!p0 (v2sf)  }
0x2fc: {  	s20 =	sshll.u32 @!p0 s20, $0x7  }
0x2fd: {  	s20 =	sand.u32 @!p0 $0x1FFFFF80, s20  }
0x2fe: {  	s22 =	simm.s32 @!p0 $0x6800;
	s21 =	sadd.s32 @!p0 s2, s20  }
0x2ff: {  	[tilespmem:s22], [sflag:$0x2] =	stream.strided.gather @!p0 [hbm4b:s21+s18], $0x1000, s19, s18, $0x38;
	[tilespmem:$0x12800] =	vst v63  }
0x300: {  	s20 =	sadd.s32 @!p0 s4, s20;
	s21 =	simm.s32 @!p0 $0x7800  }
0x301: {  	[tilespmem:s21], [sflag:$0x2] =	stream.strided.gather @!p0 [hbm4b:s20+s18], $0x1000, s19, s18, $0x38;
	[tilespmem:$0x12800] =	vst v63  }
0x302: {  	_ =	swait.ge [sflag:s8], $0x1000  }
0x303: {  	[sflag:s8] =	ssyncset.done $0x0  }
0x304: {  	[sflag:s8] =	ssyncadd.s32 $0xFFFFF000  }
0x305: {  	_ =	swait.ge [sflag:s8], $0x1000  }
0x306: {  	[sflag:s8] =	ssyncset.done $0x0  }
0x307: {  	[sflag:s8] =	ssyncadd.s32 $0xFFFFF000  }
0x308: {  	_ =	swait.ge [sflag:s8], $0x1000  }
0x309: {  	[sflag:s8] =	ssyncset.done $0x0  }
0x30a: {  	[sflag:s8] =	ssyncadd.s32 $0xFFFFF000  }
0x30b: {  	_ =	swait.ge [sflag:s8], $0x1000  }
0x30c: {  	[sflag:s8] =	ssyncset.done $0x0  }
0x30d: {  	[sflag:s8] =	ssyncadd.s32 $0xFFFFF000  }
0x30e: {  	v54 =	vld [tilespmem:s11+$0x600]  }
0x30f: {  	s30 =	sadd.s32 $0xFFFFFFF8, s12  }
0x310: {  	s20 =	sand.u32 $0xC, s30  }
0x311: {  	v55 =	vmov s20  }
0x312: {  	vm7 =	veq.s32 v55, v0  }
0x313: {  	v4 =	vnsel vm7, $0x0, v54  }
0x314: {  	(xrf0) =	vadd.scan.msk.s32 $0xffff, v4;
	_ =	sdelay $0x5  }
0x315: {  	v4, _, _ =	vpop (xrf0)  }
0x316: {  	v4 =	vbroadcast v4, $0xF;
	_ =	sdelay $0x1  }
0x317: {  	v56 =	vadd.s32 v1, v4;
	_ =	sdelay $0x3  }
0x318: {  	s1 =	simm.s32 $0x8800  }
0x319: {  	v57 =	vld.idx.msk [tilespmem:v56+s1+$0x0], $0xffff  }
0x31a: {  	v4 =	vadd.s32 v2, v4;
	_ =	sdelay $0x1  }
0x31b: {  	s22 =	sadd.s32 $0x80, s10  }
0x31c: {  	s20 =	sand.u32 $0xF80, s22  }
0x31d: {  	[tilespmem:s20+$0x10800] =	vst v57  }
0x31e: {  	v6 =	vld.idx.msk [tilespmem:v4+s1+$0x0], $0xffff;
	_ =	sdelay $0x4  }
0x31f: {  	s23 =	simm.s32 $0x9800;
	[tilespmem:s20+$0x10810] =	vst v6  }
0x320: {  	v5 =	vld.idx.msk [tilespmem:v56+s23+$0x0], $0xffff;
	_ =	sdelay $0x4  }
0x321: {  	[tilespmem:s20+$0x11800] =	vst v5  }
0x322: {  	v4 =	vld.idx.msk [tilespmem:v4+s23+$0x0], $0xffff;
	_ =	sdelay $0x4  }
0x323: {  	[tilespmem:s20+$0x11810] =	vst v4  }
0x324: {  	v4 =	vld [tilespmem:s11+$0x600]  }
0x325: {  	s24 =	sadd.s32 $0xFFFFFFF9, s12  }
0x326: {  	s20 =	sand.u32 $0xD, s24  }
0x327: {  	v58 =	vmov s20  }
0x328: {  	vm7 =	veq.s32 v58, v0  }
0x329: {  	v4 =	vnsel vm7, $0x0, v4  }
0x32a: {  	(xrf0) =	vadd.scan.msk.s32 $0xffff, v4;
	_ =	sdelay $0x5  }
0x32b: {  	v4, _, _ =	vpop (xrf0)  }
0x32c: {  	v4 =	vbroadcast v4, $0xF;
	_ =	sdelay $0x1  }
0x32d: {  	v59 =	vadd.s32 v1, v4;
	_ =	sdelay $0x3  }
0x32e: {  	s28 =	simm.s32 $0xA800  }
0x32f: {  	v6 =	vld.idx.msk [tilespmem:v59+s28+$0x0], $0xffff  }
0x330: {  	v4 =	vadd.s32 v2, v4;
	_ =	sdelay $0x1  }
0x331: {  	s29 =	sadd.s32 $0xA0, s10  }
0x332: {  	s30 =	sand.u32 $0xFA0, s29  }
0x333: {  	[tilespmem:s30+$0x10800] =	vst v6  }
0x334: {  	v6 =	vld.idx.msk [tilespmem:v4+s28+$0x0], $0xffff;
	_ =	sdelay $0x3  }
0x335: {  	s20 =	sand.u32 $0xF80, s29  }
0x336: {  	s1 =	simm.s32 $0xB800;
	[tilespmem:s20+$0x10830] =	vst v6  }
0x337: {  	v5 =	vld.idx.msk [tilespmem:v59+s1+$0x0], $0xffff;
	_ =	sdelay $0x4  }
0x338: {  	[tilespmem:s30+$0x11800] =	vst v5  }
0x339: {  	v4 =	vld.idx.msk [tilespmem:v4+s1+$0x0], $0xffff;
	_ =	sdelay $0x2  }
0x33a: {  	s21 =	sadd.s32 @!p0 $0x30, s6  }
0x33b: {  	s21 =	sand.u32 @!p0 $0xFC0, s21  }
0x33c: {  	[tilespmem:s20+$0x11830] =	vst v4;
	s20 =	sshrl.u32 @!p0 s21, $0x2  }
0x33d: {  	v4 =	vld @!p0 [tilespmem:s20+$0x400];
	_ =	sdelay $0x1  }
0x33e: {  	s21 =	sand.u32 @!p0 $0xC, s12  }
0x33f: {  	v5 =	vmov @!p0 s21  }
0x340: {  	vm7 =	veq.s32 @!p0 v5, v3  }
0x341: {  	v4 =	vnsel @!p0 vm7, $0x0, v4  }
0x342: {  	(xrf0) =	vadd.scan.msk.s32 @!p0 $0xffff, v4;
	_ =	sdelay $0x5  }
0x343: {  	v4, _, _ =	vpop @!p0 (xrf0)  }
0x344: {  	(v2sf) =	vpush @!p0 v4, $0xF;
	_ =	sdelay $0xe  }
0x345: {  	s22 =	spop @!p0 (v2sf)  }
0x346: {  	s22 =	sshll.u32 @!p0 s22, $0x7  }
0x347: {  	s22 =	sand.u32 @!p0 $0x1FFFFF80, s22  }
0x348: {  	s24 =	simm.s32 @!p0 $0x8800;
	s23 =	sadd.s32 @!p0 s2, s22  }
0x349: {  	[tilespmem:s24], [sflag:$0x3] =	stream.strided.gather @!p0 [hbm4b:s23+s18], $0x1000, s19, s18, $0x38;
	[tilespmem:$0x12800] =	vst v63  }
0x34a: {  	s22 =	sadd.s32 @!p0 s4, s22;
	s23 =	simm.s32 @!p0 $0x9800  }
0x34b: {  	[tilespmem:s23], [sflag:$0x3] =	stream.strided.gather @!p0 [hbm4b:s22+s18], $0x1000, s19, s18, $0x38;
	[tilespmem:$0x12800] =	vst v63  }
0x34c: {  	v4 =	vld @!p0 [tilespmem:s20+$0x400];
	_ =	sdelay $0x1  }
0x34d: {  	s20 =	sor.u32 @!p0 $0x1, s21  }
0x34e: {  	v5 =	vmov @!p0 s20  }
0x34f: {  	vm7 =	veq.s32 @!p0 v5, v3  }
0x350: {  	v3 =	vnsel @!p0 vm7, $0x0, v4  }
0x351: {  	(xrf0) =	vadd.scan.msk.s32 @!p0 $0xffff, v3;
	_ =	sdelay $0x5  }
0x352: {  	v3, _, _ =	vpop @!p0 (xrf0)  }
0x353: {  	(v2sf) =	vpush @!p0 v3, $0xF;
	_ =	sdelay $0xe  }
0x354: {  	s20 =	spop @!p0 (v2sf)  }
0x355: {  	s20 =	sshll.u32 @!p0 s20, $0x7  }
0x356: {  	s20 =	sand.u32 @!p0 $0x1FFFFF80, s20  }
0x357: {  	s22 =	simm.s32 @!p0 $0xA800;
	s21 =	sadd.s32 @!p0 s2, s20  }
0x358: {  	[tilespmem:s22], [sflag:$0x3] =	stream.strided.gather @!p0 [hbm4b:s21+s18], $0x1000, s19, s18, $0x38;
	[tilespmem:$0x12800] =	vst v63  }
0x359: {  	s20 =	sadd.s32 @!p0 s4, s20;
	s21 =	simm.s32 @!p0 $0xB800  }
0x35a: {  	[tilespmem:s21], [sflag:$0x3] =	stream.strided.gather @!p0 [hbm4b:s20+s18], $0x1000, s19, s18, $0x38;
	[tilespmem:$0x12800] =	vst v63  }
0x35b: {  	_ =	swait.ge [sflag:s9], $0x1000  }
0x35c: {  	[sflag:s9] =	ssyncset.done $0x0  }
0x35d: {  	[sflag:s9] =	ssyncadd.s32 $0xFFFFF000  }
0x35e: {  	_ =	swait.ge [sflag:s9], $0x1000  }
0x35f: {  	[sflag:s9] =	ssyncset.done $0x0  }
0x360: {  	[sflag:s9] =	ssyncadd.s32 $0xFFFFF000  }
0x361: {  	_ =	swait.ge [sflag:s9], $0x1000  }
0x362: {  	[sflag:s9] =	ssyncset.done $0x0  }
0x363: {  	[sflag:s9] =	ssyncadd.s32 $0xFFFFF000  }
0x364: {  	_ =	swait.ge [sflag:s9], $0x1000  }
0x365: {  	[sflag:s9] =	ssyncset.done $0x0  }
0x366: {  	[sflag:s9] =	ssyncadd.s32 $0xFFFFF000  }
0x367: {  	v3 =	vld [tilespmem:s11+$0x600];
	_ =	sdelay $0x4  }
0x368: {  	v3 =	vnsel vm6, $0x0, v3  }
0x369: {  	(xrf0) =	vadd.scan.msk.s32 $0xffff, v3;
	_ =	sdelay $0x5  }
0x36a: {  	v3, _, _ =	vpop (xrf0)  }
0x36b: {  	v3 =	vbroadcast v3, $0xF;
	_ =	sdelay $0x1  }
0x36c: {  	v60 =	vadd.s32 v1, v3;
	_ =	sdelay $0x4  }
0x36d: {  	v61 =	vld.idx.msk [tilespmem:v60+s26+$0x0], $0xffff  }
0x36e: {  	v3 =	vadd.s32 v2, v3;
	_ =	sdelay $0x1  }
0x36f: {  	s19 =	sadd.s32 $0xC0, s10  }
0x370: {  	s20 =	sand.u32 $0xFC0, s19  }
0x371: {  	[tilespmem:s20+$0x10800] =	vst v61  }
0x372: {  	v5 =	vld.idx.msk [tilespmem:v3+s26+$0x0], $0xffff;
	_ =	sdelay $0x3  }
0x373: {  	s18 =	sand.u32 $0xF80, s19  }
0x374: {  	[tilespmem:s18+$0x10850] =	vst v5  }
0x375: {  	v4 =	vld.idx.msk [tilespmem:v60+s0+$0x0], $0xffff;
	_ =	sdelay $0x4  }
0x376: {  	[tilespmem:s20+$0x11800] =	vst v4  }
0x377: {  	v3 =	vld.idx.msk [tilespmem:v3+s0+$0x0], $0xffff;
	_ =	sdelay $0x4  }
0x378: {  	[tilespmem:s18+$0x11850] =	vst v3  }
0x379: {  	v3 =	vld [tilespmem:s11+$0x600]  }
0x37a: {  	s21 =	sadd.s32 $0xFFFFFFFB, s12  }
0x37b: {  	s11 =	sand.u32 $0xF, s21  }
0x37c: {  	v62 =	vmov s11  }
0x37d: {  	vm6 =	veq.s32 v62, v0  }
0x37e: {  	v3 =	vnsel vm6, $0x0, v3  }
0x37f: {  	(xrf0) =	vadd.scan.msk.s32 $0xffff, v3;
	_ =	sdelay $0x5  }
0x380: {  	v3, _, _ =	vpop (xrf0)  }
0x381: {  	v3 =	vbroadcast v3, $0xF;
	_ =	sdelay $0x1  }
0x382: {  	v63 =	vadd.s32 v1, v3;
	_ =	sdelay $0x4  }
0x383: {  	v5 =	vld.idx.msk [tilespmem:v63+s5+$0x0], $0xffff  }
0x384: {  	v3 =	vadd.s32 v2, v3;
	_ =	sdelay $0x1  }
0x385: {  	s28 =	sadd.s32 $0xE0, s10  }
0x386: {  	s29 =	sand.u32 $0xFE0, s28  }
0x387: {  	[tilespmem:s29+$0x10800] =	vst v5  }
0x388: {  	v5 =	vld.idx.msk [tilespmem:v3+s5+$0x0], $0xffff;
	_ =	sdelay $0x3  }
0x389: {  	s11 =	sand.u32 $0xF80, s28  }
0x38a: {  	[tilespmem:s11+$0x10870] =	vst v5  }
0x38b: {  	v4 =	vld.idx.msk [tilespmem:v63+s14+$0x0], $0xffff;
	_ =	sdelay $0x4  }
0x38c: {  	[tilespmem:s29+$0x11800] =	vst v4  }
0x38d: {  	v3 =	vld.idx.msk [tilespmem:v3+s14+$0x0], $0xffff  }
0x38e: {  	s30 =	sand.u32 $0x3F, s13  }
0x38f: {  	p0 =	sne.s32 s30, $0x3F  }
0x390: {  	s19 =	sand.u32 @!p0 $0x600, s6  }
0x391: {  	s19 =	sor.u32 @!p0 s25, s19;
	s18 =	rddreg [dreg:$0x9]  }
0x392: {  	s20 =	simm.s32 @!p0 $0x10800;
	[tilespmem:s11+$0x11870] =	vst v3;
	s11 =	sadd.s32 @!p0 s18, s19;
	s18 =	simm.s32 @!p0 $0x0  }
0x393: {  	[hbm4b:s11+s18] =	stream.linear.scatter @!p0 [tilespmem:s20], [sflag:$0x6], $0x1000, $0x38;
	[tilespmem:$0x12800] =	vst v63  }
0x394: {  	s11 =	simm.s32 @!p0 $0x6  }
0x395: {  	_ =	swait.ge @!p0 [sflag:s11], $0x1000  }
0x396: {  	s20 =	rddreg [dreg:$0xa];
	[sflag:s11] =	ssyncset.done @!p0 $0x0  }
0x397: {  	[sflag:s11] =	ssyncadd.s32 @!p0 $0xFFFFF000;
	s11 =	sadd.s32 @!p0 s20, s19;
	s19 =	simm.s32 @!p0 $0x11800  }
0x398: {  	[hbm4b:s11+s18] =	stream.linear.scatter @!p0 [tilespmem:s19], [sflag:$0x5], $0x1000, $0x38;
	[tilespmem:$0x12800] =	vst v63  }
0x399: {  	s11 =	simm.s32 @!p0 $0x5  }
0x39a: {  	_ =	swait.ge @!p0 [sflag:s11], $0x1000  }
0x39b: {  	s12 =	sadd.s32 $0x8, s12;
	[sflag:s11] =	ssyncset.done @!p0 $0x0  }
0x39c: {  	[sflag:s11] =	ssyncadd.s32 @!p0 $0xFFFFF000;
	p0 =	sne.s32 s12, $0x20C  }
.Ltmp1:
0x39d: {  	_ = 	snop;
	(pc) =	sbr.rel @p0 .LBB2_4-.Ltmp1, $3  }
0x39e: {  	_ =	sdelay $0x1  }
0x39f: {  	s13 =	sadd.s32 $0x4, s13;
	s24 =	simm.s32 $0x2800;
	s23 =	simm.s32 $0x1800  }
0x3a0: {  	s22 =	simm.s32 $0x800;
	s10 =	sadd.s32 $0x100, s10;
	s6 =	sadd.s32 $0x20, s6  }
0x3a1: {  	s10 =	rddreg [dreg:$0x10]  }
0x3a2: {  	s6 =	rddreg [dreg:$0xf];
	s10 =	sadd.s32 $0x1, s10  }
0x3a3: {  	p0 =	sne.s32 s10, s6  }
.Ltmp2:
0x3a4: {  	_ = 	snop;
	(pc) =	sbr.rel @p0 .LBB2_1-.Ltmp2, $4  }
0x3a5: {  	s21 =	smov.u32 s25;
	s13 =	simm.s32 $0x3800  }
0x3a6: {  	s18 =	simm.s32 $0x4800;
	s19 =	simm.s32 $0x5800;
	s20 =	simm.s32 $0x6800  }
0x3a7: {  	s25 =	simm.s32 $0x7800;
	s26 =	simm.s32 $0x8800;
	s28 =	simm.s32 $0x9800  }
0x3a8: {  	s29 =	simm.s32 $0xA800;
	s30 =	simm.s32 $0xB800;
	s2 =	rddreg [dreg:$0x2]  }
0x3a9: {  	_ =	sfence.sel $0x180000  }
0x3aa: {  	[bflag:$0x0] =	sbarrier.arrive $0xFFFF  }
0x3ab: {  	_ =	strace $0x90000047  }
0x3ac: {  	s0 =	stileid.u32;
	[bflag:$0x2] =	sbarrier.arrive $0xFFFF  }
0x3ad: {  	p0 =	sne.s32 s0, $0x0;
	s0 =	rddreg [dreg:$0x6]  }
0x3ae: {  	s0 =	sadd.s32 @!p0 $0x100000, s0  }
0x3af: {  	[sflag:s0] =	ssyncadd.tile.s32 @!p0 $0x1;
	_ =	shalt  }
.Lfunc_end2:
_tile_overlayer_lowered:
.L_overlay_start_2:
0x3b0: {  	(tag) =	ssettag $0x2  }
0x3b1: {  	s0 =	rddreg [dreg:$0x0];
	s2 =	stileid.u32  }
0x3b2: {  	s1 =	rddreg [dreg:$0x1];
	p0 =	sne.s32 s2, $0x0  }
0x3b3: {  	s3 =	rddreg [dreg:$0x2];
	[bflag:$0x3] =	sbarrier.arrive $0xFFFF;
	s2 =	simm.s32 @!p0 $0x1C05  }
0x3b4: {  	[timem:s3], [sflag:s2] =	dma.local @!p0 [hbm:s0], s1  }
0x3b5: {  	s0 =	simm.s32 @!p0 $0x5  }
0x3b6: {  	_ =	swait.ge @!p0 [sflag:s0], s1  }
0x3b7: {  	s1 =	ssub.s32 @!p0 $0x0, s1;
	[sflag:s0] =	ssyncset.done @!p0 $0x0  }
0x3b8: {  	[sflag:s0] =	ssyncadd.s32 @!p0 s1  }
0x3b9: {  	[bflag:$0x3] =	sbarrier.arrive $0xFFFF  }
0x3ba: {  	_ =	shalt  }

</sc_bundles>
